<compile_context>
chip_gen: v7x
topology: tpu7x:2x2x1
jax: 0.10.2.dev20260603
libtpu: 0.0.44.dev20260713+nightly
codegen_flags: <defaults>
</compile_context>

<pallas_src>
import jax
import jax.numpy as jnp
from jax.experimental import pallas as pl
from jax.experimental.pallas import tpu as pltpu

NT = 128
CUT2 = 0.7 * 0.7
MAXD = 0.02
MAXV = 0.1

f32 = jnp.float32


def _dot(a, b):
    return jax.lax.dot_general(a, b, (((a.ndim - 1,), (0,)), ((), ())),
                               preferred_element_type=f32)


def _init_kernel(types_ref, feat_ref, embw_ref, vmw_ref, bias_ref, h0_ref):
    t = types_ref[...]
    nat = embw_ref.shape[0]
    onehot = (t == jax.lax.broadcasted_iota(jnp.int32, (NT, nat), 1)).astype(f32)
    h0 = _dot(onehot, embw_ref[...]) + _dot(feat_ref[...], vmw_ref[...])
    h0_ref[...] = h0 + bias_ref[0:1, :]


def _proj_kernel(h_ref, w1a_ref, w1b_ref, b1_ref, p1_ref, p2_ref):
    h = h_ref[...]
    p1_ref[...] = _dot(h, w1a_ref[...]) + b1_ref[0:1, :]
    p2_ref[...] = _dot(h, w1b_ref[...])


def _head_kernel(h_ref, hw_ref, hb_ref, out_ref):
    z = jnp.tanh(_dot(h_ref[...], hw_ref[...]) + hb_ref[0:1, :])
    out_ref[...] = z * hb_ref[1:2, :]


def _layer_kernel(cts_ref, ctn_ref,
                  x0r_ref, xr_ref, hr_ref, p1r_ref, br_ref,
                  xt0_ref, xt_ref, p2_ref, b3_ref,
                  w2_ref, cw1_ref, cw2_ref, nw1_ref, nw2_ref, vec_ref,
                  xout_ref, xtout_ref, hout_ref):
    r = pl.program_id(0)
    cstart = cts_ref[r]
    cnum = ctn_ref[r]
    x0i = x0r_ref[...]
    xi = xr_ref[...]
    hi = hr_ref[...]
    p1 = p1r_ref[...]
    bi = br_ref[...]
    wd = vec_ref[0:1, :]
    b2 = vec_ref[1:2, :]
    cb1 = vec_ref[2:3, :]
    cb2 = vec_ref[3:4, :]
    nb1 = vec_ref[4:5, :]
    nb2 = vec_ref[5:6, :]
    lng = vec_ref[6:7, :]
    lnb = vec_ref[7:8, :]
    w2 = w2_ref[...].astype(jnp.bfloat16)
    cw1 = cw1_ref[...].astype(jnp.bfloat16)
    cw2 = cw2_ref[...].astype(jnp.bfloat16)
    p1b = p1.astype(jnp.bfloat16)
    b2b = b2.astype(jnp.bfloat16)
    cb1b = cb1.astype(jnp.bfloat16)
    wdb = wd.astype(jnp.bfloat16)

    row_ids = r * NT + jax.lax.broadcasted_iota(jnp.int32, (NT, 1), 0)

    def body(c, carry):
        agg, s, t, cnt = carry
        ct = cstart + c
        xt0j = xt0_ref[ct]
        xtj = xt_ref[ct]
        p2j = p2_ref[ct]
        bj = b3_ref[ct]

        d0 = jnp.zeros((NT, NT), f32)
        d2 = jnp.zeros((NT, NT), f32)
        for d in range(3):
            f0 = x0i[:, d:d + 1] - xt0j[d:d + 1, :]
            d0 = d0 + f0 * f0
            f1 = xi[:, d:d + 1] - xtj[d:d + 1, :]
            d2 = d2 + f1 * f1
        col_ids = ct * NT + jax.lax.broadcasted_iota(jnp.int32, (1, NT), 1)
        mask = (d0 <= CUT2) & (bi == bj) & (row_ids != col_ids)
        mf = mask.astype(f32)

        bf = jnp.bfloat16
        d2b = d2.astype(bf)
        e3 = (p1b[:, None, :] + p2j.astype(bf)[None, :, :]
              + d2b[:, :, None] * wdb[None, :, :])
        ef1 = jax.nn.silu(e3).reshape(NT * NT, 128)
        ef2 = jax.nn.silu(_dot(ef1, w2).astype(bf) + b2b)
        cg1 = jax.nn.silu(_dot(ef2, cw1).astype(bf) + cb1b)
        g8 = _dot(cg1, cw2)
        gate = g8.reshape(NT, NT, 8).sum(axis=2) + cb2
        gm = gate * mf
        ef23 = ef2.reshape(NT, NT, 128)
        mf3 = mf.reshape(NT, 1, NT).astype(jnp.bfloat16)
        aggc = jax.lax.dot_general(
            mf3, ef23, (((2,), (1,)), ((0,), (0,))),
            preferred_element_type=f32)
        agg = agg + aggc.reshape(NT, 128)
        s = s + gm.sum(axis=1, keepdims=True)
        t = t + jax.lax.dot_general(gm, xtj, (((1,), (1,)), ((), ())),
                                    preferred_element_type=f32)
        cnt = cnt + mf.sum(axis=1, keepdims=True)
        return agg, s, t, cnt

    agg0 = (jnp.zeros((NT, 128), f32), jnp.zeros((NT, 1), f32),
            jnp.zeros((NT, 8), f32), jnp.zeros((NT, 1), f32))
    agg, s, t, cnt = jax.lax.fori_loop(0, cnum, body, agg0)

    cntc = jnp.maximum(cnt, 1.0)
    xn = xi + (xi * s - t) / cntc
    aggm = agg / cntc
    node_in = jnp.concatenate([hi, aggm], axis=1)
    d1 = jax.nn.silu(_dot(node_in, nw1_ref[...]) + nb1)
    hn = hi + _dot(d1, nw2_ref[...]) + nb2
    mu = jnp.mean(hn, axis=1, keepdims=True)
    var = jnp.mean((hn - mu) ** 2, axis=1, keepdims=True)
    hln = (hn - mu) * jax.lax.rsqrt(var + 1e-5) * lng + lnb
    hout_ref[...] = jax.nn.silu(hln)
    xout_ref[...] = xn
    xtout_ref[0] = xn.T


def _row_spec(w):
    return pl.BlockSpec((NT, w), lambda r, *_: (r, 0))


def _full_spec(shape):
    n = len(shape)
    return pl.BlockSpec(shape, lambda r, *_, _n=n: (0,) * _n)


def kernel(x_t, v_t, atom_types, masses, batch, params):
    N = x_t.shape[0]
    NG = 20
    i32 = jnp.int32
    nrt = N // NT + NG + 1
    NP = nrt * NT
    p = params

    b = batch.astype(i32)
    gidx = jnp.arange(NG, dtype=i32)
    gstart = jnp.searchsorted(b, gidx, side='left').astype(i32)
    gend = jnp.searchsorted(b, gidx, side='right').astype(i32)
    sizes = gend - gstart
    tcnt = (sizes + NT - 1) // NT
    prows = tcnt * NT
    pstart = (jnp.cumsum(prows) - prows).astype(i32)
    total_tiles = jnp.sum(tcnt)
    newpos = pstart[b] + (jnp.arange(N, dtype=i32) - gstart[b])

    arp = jnp.arange(NP, dtype=i32)
    gp = jnp.clip(jnp.searchsorted(pstart, arp, side='right').astype(i32) - 1,
                  0, NG - 1)
    off = arp - pstart[gp]
    oldidx = jnp.where(off < sizes[gp], gstart[gp] + off, N)

    xe = jnp.concatenate([x_t.astype(f32), jnp.zeros((1, 3), f32)])[oldidx]
    x0 = jnp.concatenate([xe, jnp.zeros((NP, 5), f32)], axis=1)
    ve = jnp.concatenate([v_t.astype(f32), jnp.zeros((1, 3), f32)])[oldidx]
    me = jnp.concatenate([masses.astype(f32), jnp.zeros((1,), f32)])[oldidx]
    feat = jnp.concatenate([ve, me[:, None], jnp.zeros((NP, 4), f32)], axis=1)
    types = jnp.concatenate([atom_types.astype(i32),
                             jnp.full((1,), -1, i32)])[oldidx][:, None]
    bcol = jnp.concatenate([b, jnp.full((1,), -1, i32)])[oldidx]
    brow = bcol.reshape(NP, 1)
    b3 = bcol.reshape(nrt, 1, NT)

    ar = jnp.arange(nrt, dtype=i32)
    tstartg = pstart // NT
    tg = jnp.clip(jnp.searchsorted(tstartg, ar, side='right').astype(i32) - 1,
                  0, NG - 1)
    ct_start = tstartg[tg]
    ct_num = jnp.where(ar < total_tiles, tcnt[tg], 0).astype(i32)

    nW = p['node_W'].astype(f32)
    embw = jnp.zeros((104, 128), f32).at[:100].set(p['atom_emb'].astype(f32) @ nW[:64])
    vmw = jnp.zeros((8, 128), f32).at[:3].set(p['vel_W'].astype(f32) @ nW[64:128]) \
                                  .at[3].set((p['mass_W'].astype(f32) @ nW[128:192])[0])
    ibias = (p['node_b'] + p['vel_b'] @ nW[64:128] + p['mass_b'] @ nW[128:192]).astype(f32)
    ibias8 = jnp.zeros((8, 128), f32).at[0].set(ibias)

    h = pl.pallas_call(
        _init_kernel, grid=(nrt,),
        in_specs=[_row_spec(1), _row_spec(8), _full_spec((104, 128)),
                  _full_spec((8, 128)), _full_spec((8, 128))],
        out_specs=_row_spec(128),
        out_shape=jax.ShapeDtypeStruct((NP, 128), f32),
    )(types, feat, embw, vmw, ibias8)

    x = x0
    xt3 = x0.reshape(nrt, NT, 8).transpose(0, 2, 1)
    x03 = xt3

    for lp in p['layers']:
        w1 = lp['edge_W1'].astype(f32)
        w1a, w1b, wdv = w1[:128], w1[128:256], w1[256]
        b1r = jnp.zeros((8, 128), f32).at[0].set(lp['edge_b1'].astype(f32))
        p1, p2 = pl.pallas_call(
            _proj_kernel, grid=(nrt,),
            in_specs=[_row_spec(128), _full_spec((128, 128)),
                      _full_spec((128, 128)), _full_spec((8, 128))],
            out_specs=[_row_spec(128), _row_spec(128)],
            out_shape=[jax.ShapeDtypeStruct((NP, 128), f32)] * 2,
            )(h, w1a, w1b, b1r)
        p23 = p2.reshape(nrt, NT, 128)

        cw2p = jnp.zeros((128, 8), f32).at[:, 0].set(lp['coord_W2'].astype(f32)[:, 0])
        vecs = jnp.stack([
            wdv, lp['edge_b2'], lp['coord_b1'],
            jnp.full((128,), lp['coord_b2'][0]),
            lp['node_b1'], lp['node_b2'], lp['ln_g'], lp['ln_b'],
        ]).astype(f32)

        grid_spec = pltpu.PrefetchScalarGridSpec(
            num_scalar_prefetch=2,
            grid=(nrt,),
            in_specs=[
                _row_spec(8), _row_spec(8), _row_spec(128), _row_spec(128),
                _row_spec(1),
                _full_spec((nrt, 8, NT)), _full_spec((nrt, 8, NT)),
                _full_spec((nrt, NT, 128)), _full_spec((nrt, 1, NT)),
                _full_spec((128, 128)), _full_spec((128, 128)),
                _full_spec((128, 8)), _full_spec((256, 128)),
                _full_spec((128, 128)), _full_spec((8, 128)),
            ],
            out_specs=[
                _row_spec(8),
                pl.BlockSpec((1, 8, NT), lambda r, *_: (r, 0, 0)),
                _row_spec(128),
            ],
        )
        x, xt3, h = pl.pallas_call(
            _layer_kernel, grid_spec=grid_spec,
            out_shape=[jax.ShapeDtypeStruct((NP, 8), f32),
                       jax.ShapeDtypeStruct((nrt, 8, NT), f32),
                       jax.ShapeDtypeStruct((NP, 128), f32)],
            compiler_params=pltpu.CompilerParams(
                dimension_semantics=("arbitrary",)),
            )(ct_start, ct_num, x0, x, h, p1, brow, x03, xt3, p23, b3,
          lp['edge_W2'].astype(f32), lp['coord_W1'].astype(f32), cw2p,
          lp['node_W1'].astype(f32), lp['node_W2'].astype(f32), vecs)

    hw = jnp.zeros((128, 16), f32).at[:, 0:3].set(p['head_pos_W'].astype(f32)) \
                                  .at[:, 8:11].set(p['head_vel_W'].astype(f32))
    hb = jnp.zeros((8, 16), f32).at[0, 0:3].set(p['head_pos_b'].astype(f32)) \
                                .at[0, 8:11].set(p['head_vel_b'].astype(f32)) \
                                .at[1, 0:8].set(MAXD).at[1, 8:16].set(MAXV)
    out = pl.pallas_call(
        _head_kernel, grid=(nrt,),
        in_specs=[_row_spec(128), _full_spec((128, 16)), _full_spec((8, 16))],
        out_specs=_row_spec(16),
        out_shape=jax.ShapeDtypeStruct((NP, 16), f32),
    )(h, hw, hb)
    return {'delta_pos': out[newpos, 0:3], 'delta_vel': out[newpos, 8:11]}

# --- scband reference (transcript-rebuilt; emitter-appended) ---
"""Pipeline reference for scband-equivariant-kstep-model-8684423872622 (READ-ONLY COPY).

The authoritative reference and input builder live on the scoring server;
editing this copy changes nothing except your own understanding.
"""

import jax, jax.numpy as jnp
import numpy as np

HIDDEN = 128
EMB = 64
NATOM = 100
NLAYERS = 4
CUTOFF = 0.7
MAXD = 0.02
MAXV = 0.1


def _dense_radius_graph(pos, batch, cutoff):
    pos_np = np.asarray(pos)
    batch_np = np.asarray(batch)
    cutoff_sq = cutoff * cutoff
    edges = []
    for b in np.unique(batch_np):
        idx = np.nonzero(batch_np == b)[0]
        coords = pos_np[idx]
        if coords.size == 0:
            continue
        diff = coords[:, None, :] - coords[None, :, :]
        dist2 = (diff ** 2).sum(-1)
        adj = (dist2 <= cutoff_sq) & (~np.eye(len(idx), dtype=bool))
        e = np.nonzero(adj)
        if e[0].size > 0:
            edges.append(np.stack([idx[e[0]], idx[e[1]]], 0))
    if edges:
        return jnp.asarray(np.concatenate(edges, axis=1))
    return jnp.zeros((2, 0), dtype=jnp.int32)


def _radius_mask(pos, batch):
    n = pos.shape[0]
    c = 50 if n % 50 == 0 else 1
    cutoff_sq = CUTOFF * CUTOFF
    idx = jnp.arange(n)

    def row_block(args):
        p_c, b_c, i_c = args
        diff = p_c[:, None, :] - pos[None, :, :]
        dist2 = (diff ** 2).sum(-1)
        return (dist2 <= cutoff_sq) & (b_c[:, None] == batch[None, :]) & (i_c[:, None] != idx[None, :])

    m = jax.lax.map(row_block, (pos.reshape(n // c, c, pos.shape[1]),
                                batch.reshape(n // c, c),
                                idx.reshape(n // c, c)))
    return m.reshape(n, n)


def _scatter_mean(src, index, dim_size):
    out = jnp.zeros((dim_size,) + src.shape[1:], src.dtype).at[index].add(src)
    counts = jnp.zeros((dim_size, 1), src.dtype).at[index].add(jnp.ones((src.shape[0], 1), src.dtype))
    counts = jnp.clip(counts, 1.0, None)
    return out / counts


def _layer_norm(x, g, b):
    mu = x.mean(-1, keepdims=True)
    var = ((x - mu) ** 2).mean(-1, keepdims=True)
    return (x - mu) / jnp.sqrt(var + 1e-5) * g + b


def _egnn_layer(x, h, mask, p):
    n = x.shape[0]
    hd = h.shape[1]
    c = 50 if n % 50 == 0 else 1

    def row_block(args):
        x_c, h_c, m_c = args
        rel = x_c[:, None, :] - x[None, :, :]
        dist2 = jnp.sum(rel ** 2, -1, keepdims=True)
        hi = jnp.broadcast_to(h_c[:, None, :], (x_c.shape[0], n, hd))
        hj = jnp.broadcast_to(h[None, :, :], (x_c.shape[0], n, hd))
        edge_input = jnp.concatenate([hi, hj, dist2], -1)
        edge_feat = jax.nn.silu(edge_input @ p['edge_W1'] + p['edge_b1'])
        edge_feat = jax.nn.silu(edge_feat @ p['edge_W2'] + p['edge_b2'])
        coord_gate = jax.nn.silu(edge_feat @ p['coord_W1'] + p['coord_b1']) @ p['coord_W2'] + p['coord_b2']
        coord_update = rel * coord_gate
        mf = m_c[:, :, None].astype(x.dtype)
        cnt = jnp.clip(jnp.sum(mf, 1), 1.0, None)
        coord_mean = jnp.sum(coord_update * mf, 1) / cnt
        agg_c = jnp.sum(edge_feat * mf, 1) / cnt
        return coord_mean, agg_c

    coord_mean, agg = jax.lax.map(row_block, (x.reshape(n // c, c, x.shape[1]),
                                              h.reshape(n // c, c, hd),
                                              mask.reshape(n // c, c, n)))
    x = x + coord_mean.reshape(n, x.shape[1])
    agg = agg.reshape(n, hd)
    node_input = jnp.concatenate([h, agg], -1)
    delta_h = jax.nn.silu(node_input @ p['node_W1'] + p['node_b1']) @ p['node_W2'] + p['node_b2']
    h = _layer_norm(h + delta_h, p['ln_g'], p['ln_b'])
    h = jax.nn.silu(h)
    return x, h


def _forward(x_t, v_t, masses, atom_types, mask, params):
    h = jnp.concatenate([
        params['atom_emb'][atom_types],
        v_t @ params['vel_W'] + params['vel_b'],
        masses[:, None] @ params['mass_W'] + params['mass_b'],
    ], -1)
    h = h @ params['node_W'] + params['node_b']
    x = x_t
    for p in params['layers']:
        x, h = _egnn_layer(x, h, mask, p)
    delta_pos = jnp.tanh(h @ params['head_pos_W'] + params['head_pos_b']) * MAXD
    delta_vel = jnp.tanh(h @ params['head_vel_W'] + params['head_vel_b']) * MAXV
    return {'delta_pos': delta_pos, 'delta_vel': delta_vel}


def setup_inputs(seed: int = 0) -> dict:
    key = jax.random.key(seed)
    ks = jax.random.split(key, 16)
    N = 10000
    NG = 20
    x_t = jax.random.normal(ks[0], (N, 3), dtype=jnp.float32)
    v_t = jax.random.normal(ks[1], (N, 3), dtype=jnp.float32)
    atom_types = jax.random.randint(ks[2], (N,), 0, NATOM)
    masses = jax.random.uniform(ks[3], (N,), dtype=jnp.float32)
    batch = jnp.sort(jax.random.randint(ks[4], (N,), 0, NG))

    def lin(k, i, o):
        return jax.random.normal(k, (i, o), dtype=jnp.float32) * 0.05

    params = {
        'atom_emb': jax.random.normal(ks[5], (NATOM, EMB), dtype=jnp.float32) * 0.05,
        'vel_W': lin(ks[6], 3, EMB), 'vel_b': jnp.zeros(EMB),
        'mass_W': lin(ks[7], 1, EMB), 'mass_b': jnp.zeros(EMB),
        'node_W': lin(ks[8], 3 * EMB, HIDDEN), 'node_b': jnp.zeros(HIDDEN),
        'head_pos_W': lin(ks[9], HIDDEN, 3), 'head_pos_b': jnp.zeros(3),
        'head_vel_W': lin(ks[10], HIDDEN, 3), 'head_vel_b': jnp.zeros(3),
        'layers': [],
    }
    for li in range(NLAYERS):
        kk = jax.random.split(jax.random.fold_in(key, 100 + li), 6)
        params['layers'].append({
            'edge_W1': lin(kk[0], 2 * HIDDEN + 1, HIDDEN), 'edge_b1': jnp.zeros(HIDDEN),
            'edge_W2': lin(kk[1], HIDDEN, HIDDEN), 'edge_b2': jnp.zeros(HIDDEN),
            'coord_W1': lin(kk[2], HIDDEN, HIDDEN), 'coord_b1': jnp.zeros(HIDDEN),
            'coord_W2': lin(kk[3], HIDDEN, 1), 'coord_b2': jnp.zeros(1),
            'node_W1': lin(kk[4], 2 * HIDDEN, HIDDEN), 'node_b1': jnp.zeros(HIDDEN),
            'node_W2': lin(kk[5], HIDDEN, HIDDEN), 'node_b2': jnp.zeros(HIDDEN),
            'ln_g': jnp.ones(HIDDEN), 'ln_b': jnp.zeros(HIDDEN),
        })
    return {'x_t': x_t, 'v_t': v_t, 'atom_types': atom_types, 'masses': masses, 'batch': batch, 'params': params}


def reference(x_t, v_t, atom_types, masses, batch, params):
    mask = _radius_mask(x_t, batch)
    return _forward(x_t, v_t, masses, atom_types, mask, params)

if __name__ == "__main__":
    import jax
    _d = setup_inputs()
    print(jax.jit(kernel)(*tuple(_d.values())))

</pallas_src>

<mosaic_0001>
module attributes {stable_mosaic.version = 14 : i64} {
  func.func @_init_kernel(%arg0: i32, %arg1: memref<128x1xi32, #tpu.memory_space<vmem>>, %arg2: memref<128x8xf32, #tpu.memory_space<vmem>>, %arg3: memref<104x128xf32, #tpu.memory_space<vmem>>, %arg4: memref<8x128xf32, #tpu.memory_space<vmem>>, %arg5: memref<8x128xf32, #tpu.memory_space<vmem>>, %arg6: memref<128x128xf32, #tpu.memory_space<vmem>>) attributes {dimension_semantics = [#tpu.dimension_semantics<arbitrary>], iteration_bounds = array<i64: 99>, scalar_prefetch = 0 : i64, scratch_operands = 0 : i64, tpu.core_type = #tpu.core_type<tc>, window_params = [{transform_indices = @transform_0, window_bounds = array<i64: 128, 1>}, {transform_indices = @transform_1, window_bounds = array<i64: 128, 8>}, {pipeline_mode = #tpu.pipeline_mode<synchronous>, transform_indices = @transform_2, window_bounds = array<i64: 104, 128>}, {pipeline_mode = #tpu.pipeline_mode<synchronous>, transform_indices = @transform_3, window_bounds = array<i64: 8, 128>}, {pipeline_mode = #tpu.pipeline_mode<synchronous>, transform_indices = @transform_4, window_bounds = array<i64: 8, 128>}, {transform_indices = @transform_5, window_bounds = array<i64: 128, 128>}]} {
    %get3A = arith.constant 0 : index
    %get3A_0 = arith.constant 0 : index
    %get3A_1 = vector.load %arg1[%get3A, %get3A_0] : memref<128x1xi32, #tpu.memory_space<vmem>>, vector<128x1xi32>
    %iota3A = tpu.iota {dimensions = array<i32: 1>} : vector<128x104xi32>
    %eq3A = vector.broadcast %get3A_1 : vector<128x1xi32> to vector<128x104xi32>
    %eq3A_2 = arith.cmpi eq, %eq3A, %iota3A : vector<128x104xi32>
    %convert_element_type3A = arith.extui %eq3A_2 : vector<128x104xi1> to vector<128x104xi32>
    %convert_element_type3A_3 = arith.sitofp %convert_element_type3A : vector<128x104xi32> to vector<128x104xf32>
    %get3A_4 = arith.constant 0 : index
    %get3A_5 = arith.constant 0 : index
    %get3A_6 = vector.load %arg3[%get3A_4, %get3A_5] : memref<104x128xf32, #tpu.memory_space<vmem>>, vector<104x128xf32>
    %dot_general3A = arith.constant dense<0.000000e+00> : vector<128x128xf32>
    %dot_general3A_7 = tpu.matmul %convert_element_type3A_3, %get3A_6, %dot_general3A {dimension_numbers = #tpu.dot_dimension_numbers<[1], [0], [0], [1], [0, 0, 1, 1], [], []>, transpose_lhs_hint = false} : vector<128x104xf32>, vector<104x128xf32>, vector<128x128xf32> -> vector<128x128xf32>
    %get3A_8 = arith.constant 0 : index
    %get3A_9 = arith.constant 0 : index
    %get3A_10 = vector.load %arg2[%get3A_8, %get3A_9] : memref<128x8xf32, #tpu.memory_space<vmem>>, vector<128x8xf32>
    %get3A_11 = arith.constant 0 : index
    %get3A_12 = arith.constant 0 : index
    %get3A_13 = vector.load %arg4[%get3A_11, %get3A_12] : memref<8x128xf32, #tpu.memory_space<vmem>>, vector<8x128xf32>
    %dot_general3A_14 = arith.constant dense<0.000000e+00> : vector<128x128xf32>
    %dot_general3A_15 = tpu.matmul %get3A_10, %get3A_13, %dot_general3A_14 {dimension_numbers = #tpu.dot_dimension_numbers<[1], [0], [0], [1], [0, 0, 1, 1], [], []>, transpose_lhs_hint = false} : vector<128x8xf32>, vector<8x128xf32>, vector<128x128xf32> -> vector<128x128xf32>
    %add3A = arith.addf %dot_general3A_7, %dot_general3A_15 : vector<128x128xf32>
    %get3A_16 = arith.constant 0 : index
    %get3A_17 = arith.constant 0 : index
    %get3A_18 = vector.load %arg5[%get3A_16, %get3A_17] : memref<8x128xf32, #tpu.memory_space<vmem>>, vector<1x128xf32>
    %add3A_19 = vector.broadcast %get3A_18 : vector<1x128xf32> to vector<128x128xf32>
    %add3A_20 = arith.addf %add3A, %add3A_19 : vector<128x128xf32>
    %swap3A = arith.constant 0 : index
    %swap3A_21 = arith.constant 0 : index
    %swap3A_22 = vector.load %arg6[%swap3A, %swap3A_21] : memref<128x128xf32, #tpu.memory_space<vmem>>, vector<128x128xf32>
    tpu.vector_store %arg6[%swap3A, %swap3A_21], %add3A_20 {strides = array<i32>} : memref<128x128xf32, #tpu.memory_space<vmem>>, vector<128x128xf32>,
    return
  }
  func.func @transform_0(%arg0: i32) -> (i32, i32) {
    %c0_i32 = arith.constant 0 : i32
    %c0_i32_0 = arith.constant 0 : i32
    return %arg0, %c0_i32 : i32, i32
  }
  func.func @transform_1(%arg0: i32) -> (i32, i32) {
    %c0_i32 = arith.constant 0 : i32
    %c0_i32_0 = arith.constant 0 : i32
    return %arg0, %c0_i32 : i32, i32
  }
  func.func @transform_2(%arg0: i32) -> (i32, i32) {
    %c0_i32 = arith.constant 0 : i32
    %c0_i32_0 = arith.constant 0 : i32
    %c0_i32_1 = arith.constant 0 : i32
    return %c0_i32, %c0_i32_0 : i32, i32
  }
  func.func @transform_3(%arg0: i32) -> (i32, i32) {
    %c0_i32 = arith.constant 0 : i32
    %c0_i32_0 = arith.constant 0 : i32
    %c0_i32_1 = arith.constant 0 : i32
    return %c0_i32, %c0_i32_0 : i32, i32
  }
  func.func @transform_4(%arg0: i32) -> (i32, i32) {
    %c0_i32 = arith.constant 0 : i32
    %c0_i32_0 = arith.constant 0 : i32
    %c0_i32_1 = arith.constant 0 : i32
    return %c0_i32, %c0_i32_0 : i32, i32
  }
  func.func @transform_5(%arg0: i32) -> (i32, i32) {
    %c0_i32 = arith.constant 0 : i32
    %c0_i32_0 = arith.constant 0 : i32
    return %arg0, %c0_i32 : i32, i32
  }
}

module attributes {stable_mosaic.version = 14 : i64} {
  func.func @_proj_kernel(%arg0: i32, %arg1: memref<128x128xf32, #tpu.memory_space<vmem>>, %arg2: memref<128x128xf32, #tpu.memory_space<vmem>>, %arg3: memref<128x128xf32, #tpu.memory_space<vmem>>, %arg4: memref<8x128xf32, #tpu.memory_space<vmem>>, %arg5: memref<128x128xf32, #tpu.memory_space<vmem>>, %arg6: memref<128x128xf32, #tpu.memory_space<vmem>>) attributes {dimension_semantics = [#tpu.dimension_semantics<arbitrary>], iteration_bounds = array<i64: 99>, scalar_prefetch = 0 : i64, scratch_operands = 0 : i64, tpu.core_type = #tpu.core_type<tc>, window_params = [{transform_indices = @transform_0, window_bounds = array<i64: 128, 128>}, {pipeline_mode = #tpu.pipeline_mode<synchronous>, transform_indices = @transform_1, window_bounds = array<i64: 128, 128>}, {pipeline_mode = #tpu.pipeline_mode<synchronous>, transform_indices = @transform_2, window_bounds = array<i64: 128, 128>}, {pipeline_mode = #tpu.pipeline_mode<synchronous>, transform_indices = @transform_3, window_bounds = array<i64: 8, 128>}, {transform_indices = @transform_4, window_bounds = array<i64: 128, 128>}, {transform_indices = @transform_5, window_bounds = array<i64: 128, 128>}]} {
    %get3A = arith.constant 0 : index
    %get3A_0 = arith.constant 0 : index
    %get3A_1 = vector.load %arg1[%get3A, %get3A_0] : memref<128x128xf32, #tpu.memory_space<vmem>>, vector<128x128xf32>
    %get3A_2 = arith.constant 0 : index
    %get3A_3 = arith.constant 0 : index
    %get3A_4 = vector.load %arg2[%get3A_2, %get3A_3] : memref<128x128xf32, #tpu.memory_space<vmem>>, vector<128x128xf32>
    %dot_general3A = arith.constant dense<0.000000e+00> : vector<128x128xf32>
    %dot_general3A_5 = tpu.matmul %get3A_1, %get3A_4, %dot_general3A {dimension_numbers = #tpu.dot_dimension_numbers<[1], [0], [0], [1], [0, 0, 1, 1], [], []>, transpose_lhs_hint = false} : vector<128x128xf32>, vector<128x128xf32>, vector<128x128xf32> -> vector<128x128xf32>
    %get3A_6 = arith.constant 0 : index
    %get3A_7 = arith.constant 0 : index
    %get3A_8 = vector.load %arg4[%get3A_6, %get3A_7] : memref<8x128xf32, #tpu.memory_space<vmem>>, vector<1x128xf32>
    %add3A = vector.broadcast %get3A_8 : vector<1x128xf32> to vector<128x128xf32>
    %add3A_9 = arith.addf %dot_general3A_5, %add3A : vector<128x128xf32>
    %swap3A = arith.constant 0 : index
    %swap3A_10 = arith.constant 0 : index
    %swap3A_11 = vector.load %arg5[%swap3A, %swap3A_10] : memref<128x128xf32, #tpu.memory_space<vmem>>, vector<128x128xf32>
    tpu.vector_store %arg5[%swap3A, %swap3A_10], %add3A_9 {strides = array<i32>} : memref<128x128xf32, #tpu.memory_space<vmem>>, vector<128x128xf32>,
    %get3A_12 = arith.constant 0 : index
    %get3A_13 = arith.constant 0 : index
    %get3A_14 = vector.load %arg3[%get3A_12, %get3A_13] : memref<128x128xf32, #tpu.memory_space<vmem>>, vector<128x128xf32>
    %dot_general3A_15 = arith.constant dense<0.000000e+00> : vector<128x128xf32>
    %dot_general3A_16 = tpu.matmul %get3A_1, %get3A_14, %dot_general3A_15 {dimension_numbers = #tpu.dot_dimension_numbers<[1], [0], [0], [1], [0, 0, 1, 1], [], []>, transpose_lhs_hint = false} : vector<128x128xf32>, vector<128x128xf32>, vector<128x128xf32> -> vector<128x128xf32>
    %swap3A_17 = arith.constant 0 : index
    %swap3A_18 = arith.constant 0 : index
    %swap3A_19 = vector.load %arg6[%swap3A_17, %swap3A_18] : memref<128x128xf32, #tpu.memory_space<vmem>>, vector<128x128xf32>
    tpu.vector_store %arg6[%swap3A_17, %swap3A_18], %dot_general3A_16 {strides = array<i32>} : memref<128x128xf32, #tpu.memory_space<vmem>>, vector<128x128xf32>,
    return
  }
  func.func @transform_0(%arg0: i32) -> (i32, i32) {
    %c0_i32 = arith.constant 0 : i32
    %c0_i32_0 = arith.constant 0 : i32
    return %arg0, %c0_i32 : i32, i32
  }
  func.func @transform_1(%arg0: i32) -> (i32, i32) {
    %c0_i32 = arith.constant 0 : i32
    %c0_i32_0 = arith.constant 0 : i32
    %c0_i32_1 = arith.constant 0 : i32
    return %c0_i32, %c0_i32_0 : i32, i32
  }
  func.func @transform_2(%arg0: i32) -> (i32, i32) {
    %c0_i32 = arith.constant 0 : i32
    %c0_i32_0 = arith.constant 0 : i32
    %c0_i32_1 = arith.constant 0 : i32
    return %c0_i32, %c0_i32_0 : i32, i32
  }
  func.func @transform_3(%arg0: i32) -> (i32, i32) {
    %c0_i32 = arith.constant 0 : i32
    %c0_i32_0 = arith.constant 0 : i32
    %c0_i32_1 = arith.constant 0 : i32
    return %c0_i32, %c0_i32_0 : i32, i32
  }
  func.func @transform_4(%arg0: i32) -> (i32, i32) {
    %c0_i32 = arith.constant 0 : i32
    %c0_i32_0 = arith.constant 0 : i32
    return %arg0, %c0_i32 : i32, i32
  }
  func.func @transform_5(%arg0: i32) -> (i32, i32) {
    %c0_i32 = arith.constant 0 : i32
    %c0_i32_0 = arith.constant 0 : i32
    return %arg0, %c0_i32 : i32, i32
  }
}

module attributes {stable_mosaic.version = 14 : i64} {
  func.func @_layer_kernel(%arg0: i32, %arg1: memref<99xi32, #tpu.memory_space<smem>>, %arg2: memref<99xi32, #tpu.memory_space<smem>>, %arg3: memref<128x8xf32, #tpu.memory_space<vmem>>, %arg4: memref<128x8xf32, #tpu.memory_space<vmem>>, %arg5: memref<128x128xf32, #tpu.memory_space<vmem>>, %arg6: memref<128x128xf32, #tpu.memory_space<vmem>>, %arg7: memref<128x1xi32, #tpu.memory_space<vmem>>, %arg8: memref<99x8x128xf32, #tpu.memory_space<vmem>>, %arg9: memref<99x8x128xf32, #tpu.memory_space<vmem>>, %arg10: memref<99x128x128xf32, #tpu.memory_space<vmem>>, %arg11: memref<99x1x128xi32, #tpu.memory_space<vmem>>, %arg12: memref<128x128xf32, #tpu.memory_space<vmem>>, %arg13: memref<128x128xf32, #tpu.memory_space<vmem>>, %arg14: memref<128x8xf32, #tpu.memory_space<vmem>>, %arg15: memref<256x128xf32, #tpu.memory_space<vmem>>, %arg16: memref<128x128xf32, #tpu.memory_space<vmem>>, %arg17: memref<8x128xf32, #tpu.memory_space<vmem>>, %arg18: memref<128x8xf32, #tpu.memory_space<vmem>>, %arg19: memref<1x8x128xf32, #tpu.memory_space<vmem>>, %arg20: memref<128x128xf32, #tpu.memory_space<vmem>>) attributes {dimension_semantics = [#tpu.dimension_semantics<arbitrary>], iteration_bounds = array<i64: 99>, scalar_prefetch = 2 : i64, scratch_operands = 0 : i64, tpu.core_type = #tpu.core_type<tc>, window_params = [{transform_indices = @transform_0, window_bounds = array<i64: 128, 8>}, {transform_indices = @transform_1, window_bounds = array<i64: 128, 8>}, {transform_indices = @transform_2, window_bounds = array<i64: 128, 128>}, {transform_indices = @transform_3, window_bounds = array<i64: 128, 128>}, {transform_indices = @transform_4, window_bounds = array<i64: 128, 1>}, {pipeline_mode = #tpu.pipeline_mode<synchronous>, transform_indices = @transform_5, window_bounds = array<i64: 99, 8, 128>}, {pipeline_mode = #tpu.pipeline_mode<synchronous>, transform_indices = @transform_6, window_bounds = array<i64: 99, 8, 128>}, {pipeline_mode = #tpu.pipeline_mode<synchronous>, transform_indices = @transform_7, window_bounds = array<i64: 99, 128, 128>}, {pipeline_mode = #tpu.pipeline_mode<synchronous>, transform_indices = @transform_8, window_bounds = array<i64: 99, 1, 128>}, {pipeline_mode = #tpu.pipeline_mode<synchronous>, transform_indices = @transform_9, window_bounds = array<i64: 128, 128>}, {pipeline_mode = #tpu.pipeline_mode<synchronous>, transform_indices = @transform_10, window_bounds = array<i64: 128, 128>}, {pipeline_mode = #tpu.pipeline_mode<synchronous>, transform_indices = @transform_11, window_bounds = array<i64: 128, 8>}, {pipeline_mode = #tpu.pipeline_mode<synchronous>, transform_indices = @transform_12, window_bounds = array<i64: 256, 128>}, {pipeline_mode = #tpu.pipeline_mode<synchronous>, transform_indices = @transform_13, window_bounds = array<i64: 128, 128>}, {pipeline_mode = #tpu.pipeline_mode<synchronous>, transform_indices = @transform_14, window_bounds = array<i64: 8, 128>}, {transform_indices = @transform_15, window_bounds = array<i64: 128, 8>}, {transform_indices = @transform_16, window_bounds = array<i64: 1, 8, 128>}, {transform_indices = @transform_17, window_bounds = array<i64: 128, 128>}]} {
    %get3A = arith.index_cast %arg0 : i32 to index
    %get3A_0 = memref.load %arg1[%get3A] : memref<99xi32, #tpu.memory_space<smem>>
    %get3A_1 = arith.index_cast %arg0 : i32 to index
    %get3A_2 = memref.load %arg2[%get3A_1] : memref<99xi32, #tpu.memory_space<smem>>
    %get3A_3 = arith.constant 0 : index
    %get3A_4 = arith.constant 0 : index
    %get3A_5 = vector.load %arg3[%get3A_3, %get3A_4] : memref<128x8xf32, #tpu.memory_space<vmem>>, vector<128x8xf32>
    %get3A_6 = arith.constant 0 : index
    %get3A_7 = arith.constant 0 : index
    %get3A_8 = vector.load %arg4[%get3A_6, %get3A_7] : memref<128x8xf32, #tpu.memory_space<vmem>>, vector<128x8xf32>
    %get3A_9 = arith.constant 0 : index
    %get3A_10 = arith.constant 0 : index
    %get3A_11 = vector.load %arg5[%get3A_9, %get3A_10] : memref<128x128xf32, #tpu.memory_space<vmem>>, vector<128x128xf32>
    %get3A_12 = arith.constant 0 : index
    %get3A_13 = arith.constant 0 : index
    %get3A_14 = vector.load %arg6[%get3A_12, %get3A_13] : memref<128x128xf32, #tpu.memory_space<vmem>>, vector<128x128xf32>
    %get3A_15 = arith.constant 0 : index
    %get3A_16 = arith.constant 0 : index
    %get3A_17 = vector.load %arg7[%get3A_15, %get3A_16] : memref<128x1xi32, #tpu.memory_space<vmem>>, vector<128x1xi32>
    %get3A_18 = arith.constant 0 : index
    %get3A_19 = arith.constant 0 : index
    %get3A_20 = vector.load %arg17[%get3A_18, %get3A_19] : memref<8x128xf32, #tpu.memory_space<vmem>>, vector<1x128xf32>
    %get3A_21 = arith.constant 1 : index
    %get3A_22 = arith.constant 0 : index
    %get3A_23 = vector.load %arg17[%get3A_21, %get3A_22] : memref<8x128xf32, #tpu.memory_space<vmem>>, vector<1x128xf32>
    %get3A_24 = arith.constant 2 : index
    %get3A_25 = arith.constant 0 : index
    %get3A_26 = vector.load %arg17[%get3A_24, %get3A_25] : memref<8x128xf32, #tpu.memory_space<vmem>>, vector<1x128xf32>
    %get3A_27 = arith.constant 3 : index
    %get3A_28 = arith.constant 0 : index
    %get3A_29 = vector.load %arg17[%get3A_27, %get3A_28] : memref<8x128xf32, #tpu.memory_space<vmem>>, vector<1x128xf32>
    %get3A_30 = arith.constant 4 : index
    %get3A_31 = arith.constant 0 : index
    %get3A_32 = vector.load %arg17[%get3A_30, %get3A_31] : memref<8x128xf32, #tpu.memory_space<vmem>>, vector<1x128xf32>
    %get3A_33 = arith.constant 5 : index
    %get3A_34 = arith.constant 0 : index
    %get3A_35 = vector.load %arg17[%get3A_33, %get3A_34] : memref<8x128xf32, #tpu.memory_space<vmem>>, vector<1x128xf32>
    %get3A_36 = arith.constant 6 : index
    %get3A_37 = arith.constant 0 : index
    %get3A_38 = vector.load %arg17[%get3A_36, %get3A_37] : memref<8x128xf32, #tpu.memory_space<vmem>>, vector<1x128xf32>
    %get3A_39 = arith.constant 7 : index
    %get3A_40 = arith.constant 0 : index
    %get3A_41 = vector.load %arg17[%get3A_39, %get3A_40] : memref<8x128xf32, #tpu.memory_space<vmem>>, vector<1x128xf32>
    %get3A_42 = arith.constant 0 : index
    %get3A_43 = arith.constant 0 : index
    %get3A_44 = vector.load %arg12[%get3A_42, %get3A_43] : memref<128x128xf32, #tpu.memory_space<vmem>>, vector<128x128xf32>
    %convert_element_type3A = arith.truncf %get3A_44 : vector<128x128xf32> to vector<128x128xbf16>
    %get3A_45 = arith.constant 0 : index
    %get3A_46 = arith.constant 0 : index
    %get3A_47 = vector.load %arg13[%get3A_45, %get3A_46] : memref<128x128xf32, #tpu.memory_space<vmem>>, vector<128x128xf32>
    %convert_element_type3A_48 = arith.truncf %get3A_47 : vector<128x128xf32> to vector<128x128xbf16>
    %get3A_49 = arith.constant 0 : index
    %get3A_50 = arith.constant 0 : index
    %get3A_51 = vector.load %arg14[%get3A_49, %get3A_50] : memref<128x8xf32, #tpu.memory_space<vmem>>, vector<128x8xf32>
    %convert_element_type3A_52 = arith.truncf %get3A_51 : vector<128x8xf32> to vector<128x8xbf16>
    %convert_element_type3A_53 = arith.truncf %get3A_14 : vector<128x128xf32> to vector<128x128xbf16>
    %convert_element_type3A_54 = arith.truncf %get3A_23 : vector<1x128xf32> to vector<1x128xbf16>
    %convert_element_type3A_55 = arith.truncf %get3A_26 : vector<1x128xf32> to vector<1x128xbf16>
    %convert_element_type3A_56 = arith.truncf %get3A_20 : vector<1x128xf32> to vector<1x128xbf16>
    %mul3A = arith.constant 128 : i32
    %mul3A_57 = arith.muli %arg0, %mul3A : i32
    %iota3A = tpu.iota {dimensions = array<i32: 0>} : vector<128x1xi32>
    %add3A = vector.broadcast %mul3A_57 : i32 to vector<128x1xi32>
    %add3A_58 = arith.addi %add3A, %iota3A : vector<128x1xi32>
    %broadcast_in_dim3A = arith.constant 0.000000e+00 : f32
    %broadcast_in_dim3A_59 = vector.broadcast %broadcast_in_dim3A : f32 to vector<128x128xf32>
    %broadcast_in_dim3A_60 = arith.constant 0.000000e+00 : f32
    %broadcast_in_dim3A_61 = vector.broadcast %broadcast_in_dim3A_60 : f32 to vector<128x1xf32>
    %broadcast_in_dim3A_62 = arith.constant 0.000000e+00 : f32
    %broadcast_in_dim3A_63 = vector.broadcast %broadcast_in_dim3A_62 : f32 to vector<128x8xf32>
    %broadcast_in_dim3A_64 = arith.constant 0.000000e+00 : f32
    %broadcast_in_dim3A_65 = vector.broadcast %broadcast_in_dim3A_64 : f32 to vector<128x1xf32>
    %while3A = arith.constant 0 : i32
    %while3A_66 = arith.subi %get3A_2, %while3A : i32
    %while3A_67 = arith.addi %while3A, %while3A_66 : i32
    %while3A_68 = arith.constant 1 : i32
    %while3A_69 = arith.divsi %while3A_66, %while3A_68 : i32
    %while3A_70 = arith.muli %while3A_69, %while3A_68 : i32
    %while3A_71 = arith.addi %while3A, %while3A_70 : i32
    %while3A_72 = arith.constant 1 : i32
    %while3A_73:4 = scf.for %while3A_146 = %while3A to %while3A_71 step %while3A_72 iter_args(%while3A_147 = %broadcast_in_dim3A_59, %while3A_148 = %broadcast_in_dim3A_61, %while3A_149 = %broadcast_in_dim3A_63, %while3A_150 = %broadcast_in_dim3A_65) -> (vector<128x128xf32>, vector<128x1xf32>, vector<128x8xf32>, vector<128x1xf32>)  : i32 {
      %add3A_151 = arith.addi %get3A_0, %while3A_146 : i32
      %get3A_152 = arith.index_cast %add3A_151 : i32 to index
      %get3A_153 = arith.constant 0 : index
      %get3A_154 = arith.constant 0 : index
      %get3A_155 = vector.load %arg8[%get3A_152, %get3A_153, %get3A_154] : memref<99x8x128xf32, #tpu.memory_space<vmem>>, vector<1x8x128xf32>
      %get3A_156 = vector.shape_cast %get3A_155 : vector<1x8x128xf32> to vector<8x128xf32>
      %get3A_157 = arith.index_cast %add3A_151 : i32 to index
      %get3A_158 = arith.constant 0 : index
      %get3A_159 = arith.constant 0 : index
      %get3A_160 = vector.load %arg9[%get3A_157, %get3A_158, %get3A_159] : memref<99x8x128xf32, #tpu.memory_space<vmem>>, vector<1x8x128xf32>
      %get3A_161 = vector.shape_cast %get3A_160 : vector<1x8x128xf32> to vector<8x128xf32>
      %get3A_162 = arith.index_cast %add3A_151 : i32 to index
      %get3A_163 = arith.constant 0 : index
      %get3A_164 = arith.constant 0 : index
      %get3A_165 = vector.load %arg10[%get3A_162, %get3A_163, %get3A_164] : memref<99x128x128xf32, #tpu.memory_space<vmem>>, vector<1x128x128xf32>
      %get3A_166 = vector.shape_cast %get3A_165 : vector<1x128x128xf32> to vector<128x128xf32>
      %get3A_167 = arith.index_cast %add3A_151 : i32 to index
      %get3A_168 = arith.constant 0 : index
      %get3A_169 = arith.constant 0 : index
      %get3A_170 = vector.load %arg11[%get3A_167, %get3A_168, %get3A_169] : memref<99x1x128xi32, #tpu.memory_space<vmem>>, vector<1x1x128xi32>
      %get3A_171 = vector.shape_cast %get3A_170 : vector<1x1x128xi32> to vector<1x128xi32>
      %broadcast_in_dim3A_172 = arith.constant 0.000000e+00 : f32
      %broadcast_in_dim3A_173 = vector.broadcast %broadcast_in_dim3A_172 : f32 to vector<128x128xf32>
      %broadcast_in_dim3A_174 = arith.constant 0.000000e+00 : f32
      %broadcast_in_dim3A_175 = vector.broadcast %broadcast_in_dim3A_174 : f32 to vector<128x128xf32>
      %slice3A = vector.extract_strided_slice %get3A_5 {offsets = [0, 0], sizes = [128, 1], strides = [1, 1]} : vector<128x8xf32> to vector<128x1xf32>
      %slice3A_176 = vector.extract_strided_slice %get3A_156 {offsets = [0, 0], sizes = [1, 128], strides = [1, 1]} : vector<8x128xf32> to vector<1x128xf32>
      %sub3A_177 = vector.broadcast %slice3A : vector<128x1xf32> to vector<128x128xf32>
      %sub3A_178 = vector.broadcast %slice3A_176 : vector<1x128xf32> to vector<128x128xf32>
      %sub3A_179 = arith.subf %sub3A_177, %sub3A_178 : vector<128x128xf32>
      %mul3A_180 = arith.mulf %sub3A_179, %sub3A_179 : vector<128x128xf32>
      %add3A_181 = arith.addf %broadcast_in_dim3A_173, %mul3A_180 : vector<128x128xf32>
      %slice3A_182 = vector.extract_strided_slice %get3A_8 {offsets = [0, 0], sizes = [128, 1], strides = [1, 1]} : vector<128x8xf32> to vector<128x1xf32>
      %slice3A_183 = vector.extract_strided_slice %get3A_161 {offsets = [0, 0], sizes = [1, 128], strides = [1, 1]} : vector<8x128xf32> to vector<1x128xf32>
      %sub3A_184 = vector.broadcast %slice3A_182 : vector<128x1xf32> to vector<128x128xf32>
      %sub3A_185 = vector.broadcast %slice3A_183 : vector<1x128xf32> to vector<128x128xf32>
      %sub3A_186 = arith.subf %sub3A_184, %sub3A_185 : vector<128x128xf32>
      %mul3A_187 = arith.mulf %sub3A_186, %sub3A_186 : vector<128x128xf32>
      %add3A_188 = arith.addf %broadcast_in_dim3A_175, %mul3A_187 : vector<128x128xf32>
      %slice3A_189 = vector.extract_strided_slice %get3A_5 {offsets = [0, 1], sizes = [128, 1], strides = [1, 1]} : vector<128x8xf32> to vector<128x1xf32>
      %slice3A_190 = vector.extract_strided_slice %get3A_156 {offsets = [1, 0], sizes = [1, 128], strides = [1, 1]} : vector<8x128xf32> to vector<1x128xf32>
      %sub3A_191 = vector.broadcast %slice3A_189 : vector<128x1xf32> to vector<128x128xf32>
      %sub3A_192 = vector.broadcast %slice3A_190 : vector<1x128xf32> to vector<128x128xf32>
      %sub3A_193 = arith.subf %sub3A_191, %sub3A_192 : vector<128x128xf32>
      %mul3A_194 = arith.mulf %sub3A_193, %sub3A_193 : vector<128x128xf32>
      %add3A_195 = arith.addf %add3A_181, %mul3A_194 : vector<128x128xf32>
      %slice3A_196 = vector.extract_strided_slice %get3A_8 {offsets = [0, 1], sizes = [128, 1], strides = [1, 1]} : vector<128x8xf32> to vector<128x1xf32>
      %slice3A_197 = vector.extract_strided_slice %get3A_161 {offsets = [1, 0], sizes = [1, 128], strides = [1, 1]} : vector<8x128xf32> to vector<1x128xf32>
      %sub3A_198 = vector.broadcast %slice3A_196 : vector<128x1xf32> to vector<128x128xf32>
      %sub3A_199 = vector.broadcast %slice3A_197 : vector<1x128xf32> to vector<128x128xf32>
      %sub3A_200 = arith.subf %sub3A_198, %sub3A_199 : vector<128x128xf32>
      %mul3A_201 = arith.mulf %sub3A_200, %sub3A_200 : vector<128x128xf32>
      %add3A_202 = arith.addf %add3A_188, %mul3A_201 : vector<128x128xf32>
      %slice3A_203 = vector.extract_strided_slice %get3A_5 {offsets = [0, 2], sizes = [128, 1], strides = [1, 1]} : vector<128x8xf32> to vector<128x1xf32>
      %slice3A_204 = vector.extract_strided_slice %get3A_156 {offsets = [2, 0], sizes = [1, 128], strides = [1, 1]} : vector<8x128xf32> to vector<1x128xf32>
      %sub3A_205 = vector.broadcast %slice3A_203 : vector<128x1xf32> to vector<128x128xf32>
      %sub3A_206 = vector.broadcast %slice3A_204 : vector<1x128xf32> to vector<128x128xf32>
      %sub3A_207 = arith.subf %sub3A_205, %sub3A_206 : vector<128x128xf32>
      %mul3A_208 = arith.mulf %sub3A_207, %sub3A_207 : vector<128x128xf32>
      %add3A_209 = arith.addf %add3A_195, %mul3A_208 : vector<128x128xf32>
      %slice3A_210 = vector.extract_strided_slice %get3A_8 {offsets = [0, 2], sizes = [128, 1], strides = [1, 1]} : vector<128x8xf32> to vector<128x1xf32>
      %slice3A_211 = vector.extract_strided_slice %get3A_161 {offsets = [2, 0], sizes = [1, 128], strides = [1, 1]} : vector<8x128xf32> to vector<1x128xf32>
      %sub3A_212 = vector.broadcast %slice3A_210 : vector<128x1xf32> to vector<128x128xf32>
      %sub3A_213 = vector.broadcast %slice3A_211 : vector<1x128xf32> to vector<128x128xf32>
      %sub3A_214 = arith.subf %sub3A_212, %sub3A_213 : vector<128x128xf32>
      %mul3A_215 = arith.mulf %sub3A_214, %sub3A_214 : vector<128x128xf32>
      %add3A_216 = arith.addf %add3A_202, %mul3A_215 : vector<128x128xf32>
      %mul3A_217 = arith.constant 128 : i32
      %mul3A_218 = arith.muli %add3A_151, %mul3A_217 : i32
      %iota3A_219 = tpu.iota {dimensions = array<i32: 1>} : vector<1x128xi32>
      %add3A_220 = vector.broadcast %mul3A_218 : i32 to vector<1x128xi32>
      %add3A_221 = arith.addi %add3A_220, %iota3A_219 : vector<1x128xi32>
      %le3A = arith.constant 4.900000e-01 : f32
      %le3A_222 = vector.broadcast %le3A : f32 to vector<128x128xf32>
      %le3A_223 = arith.cmpf ole, %add3A_209, %le3A_222 : vector<128x128xf32>
      %eq3A = vector.broadcast %get3A_17 : vector<128x1xi32> to vector<128x128xi32>
      %eq3A_224 = vector.broadcast %get3A_171 : vector<1x128xi32> to vector<128x128xi32>
      %eq3A_225 = arith.cmpi eq, %eq3A, %eq3A_224 : vector<128x128xi32>
      %and3A = arith.andi %le3A_223, %eq3A_225 : vector<128x128xi1>
      %ne3A = vector.broadcast %add3A_58 : vector<128x1xi32> to vector<128x128xi32>
      %ne3A_226 = vector.broadcast %add3A_221 : vector<1x128xi32> to vector<128x128xi32>
      %ne3A_227 = arith.cmpi ne, %ne3A, %ne3A_226 : vector<128x128xi32>
      %and3A_228 = arith.andi %and3A, %ne3A_227 : vector<128x128xi1>
      %convert_element_type3A_229 = arith.extui %and3A_228 : vector<128x128xi1> to vector<128x128xi32>
      %convert_element_type3A_230 = arith.sitofp %convert_element_type3A_229 : vector<128x128xi32> to vector<128x128xf32>
      %convert_element_type3A_231 = arith.truncf %add3A_216 : vector<128x128xf32> to vector<128x128xbf16>
      %broadcast_in_dim3A_232 = vector.shape_cast %convert_element_type3A_53 : vector<128x128xbf16> to vector<128x1x128xbf16>
      %convert_element_type3A_233 = arith.truncf %get3A_166 : vector<128x128xf32> to vector<128x128xbf16>
      %broadcast_in_dim3A_234 = vector.shape_cast %convert_element_type3A_233 : vector<128x128xbf16> to vector<1x128x128xbf16>
      %add3A_235 = vector.broadcast %broadcast_in_dim3A_232 : vector<128x1x128xbf16> to vector<128x128x128xbf16>
      %add3A_236 = vector.broadcast %broadcast_in_dim3A_234 : vector<1x128x128xbf16> to vector<128x128x128xbf16>
      %add3A_237 = arith.addf %add3A_235, %add3A_236 : vector<128x128x128xbf16>
      %broadcast_in_dim3A_238 = vector.shape_cast %convert_element_type3A_231 : vector<128x128xbf16> to vector<128x128x1xbf16>
      %broadcast_in_dim3A_239 = vector.shape_cast %convert_element_type3A_56 : vector<1x128xbf16> to vector<1x1x128xbf16>
      %mul3A_240 = vector.broadcast %broadcast_in_dim3A_238 : vector<128x128x1xbf16> to vector<128x128x128xbf16>
      %mul3A_241 = vector.broadcast %broadcast_in_dim3A_239 : vector<1x1x128xbf16> to vector<128x128x128xbf16>
      %mul3A_242 = arith.mulf %mul3A_240, %mul3A_241 : vector<128x128x128xbf16>
      %add3A_243 = arith.addf %add3A_237, %mul3A_242 : vector<128x128x128xbf16>
      %logistic3A_244 = arith.negf %add3A_243 : vector<128x128x128xbf16>
      %logistic3A_245 = math.exp %logistic3A_244 : vector<128x128x128xbf16>
      %logistic3A_246 = arith.constant 1.000000e+00 : bf16
      %logistic3A_247 = vector.broadcast %logistic3A_246 : bf16 to vector<128x128x128xbf16>
      %logistic3A_248 = arith.addf %logistic3A_247, %logistic3A_245 : vector<128x128x128xbf16>
      %logistic3A_249 = arith.divf %logistic3A_247, %logistic3A_248 : vector<128x128x128xbf16>
      %mul3A_250 = arith.mulf %add3A_243, %logistic3A_249 : vector<128x128x128xbf16>
      %reshape3A = vector.shape_cast %mul3A_250 : vector<128x128x128xbf16> to vector<16384x128xbf16>
      %dot_general3A_251 = arith.constant dense<0.000000e+00> : vector<16384x128xf32>
      %dot_general3A_252 = tpu.matmul %reshape3A, %convert_element_type3A, %dot_general3A_251 {dimension_numbers = #tpu.dot_dimension_numbers<[1], [0], [0], [1], [0, 0, 1, 1], [], []>, transpose_lhs_hint = false} : vector<16384x128xbf16>, vector<128x128xbf16>, vector<16384x128xf32> -> vector<16384x128xf32>
      %convert_element_type3A_253 = arith.truncf %dot_general3A_252 : vector<16384x128xf32> to vector<16384x128xbf16>
      %add3A_254 = vector.broadcast %convert_element_type3A_54 : vector<1x128xbf16> to vector<16384x128xbf16>
      %add3A_255 = arith.addf %convert_element_type3A_253, %add3A_254 : vector<16384x128xbf16>
      %logistic3A_256 = arith.negf %add3A_255 : vector<16384x128xbf16>
      %logistic3A_257 = math.exp %logistic3A_256 : vector<16384x128xbf16>
      %logistic3A_258 = arith.constant 1.000000e+00 : bf16
      %logistic3A_259 = vector.broadcast %logistic3A_258 : bf16 to vector<16384x128xbf16>
      %logistic3A_260 = arith.addf %logistic3A_259, %logistic3A_257 : vector<16384x128xbf16>
      %logistic3A_261 = arith.divf %logistic3A_259, %logistic3A_260 : vector<16384x128xbf16>
      %mul3A_262 = arith.mulf %add3A_255, %logistic3A_261 : vector<16384x128xbf16>
      %dot_general3A_263 = arith.constant dense<0.000000e+00> : vector<16384x128xf32>
      %dot_general3A_264 = tpu.matmul %mul3A_262, %convert_element_type3A_48, %dot_general3A_263 {dimension_numbers = #tpu.dot_dimension_numbers<[1], [0], [0], [1], [0, 0, 1, 1], [], []>, transpose_lhs_hint = false} : vector<16384x128xbf16>, vector<128x128xbf16>, vector<16384x128xf32> -> vector<16384x128xf32>
      %convert_element_type3A_265 = arith.truncf %dot_general3A_264 : vector<16384x128xf32> to vector<16384x128xbf16>
      %add3A_266 = vector.broadcast %convert_element_type3A_55 : vector<1x128xbf16> to vector<16384x128xbf16>
      %add3A_267 = arith.addf %convert_element_type3A_265, %add3A_266 : vector<16384x128xbf16>
      %logistic3A_268 = arith.negf %add3A_267 : vector<16384x128xbf16>
      %logistic3A_269 = math.exp %logistic3A_268 : vector<16384x128xbf16>
      %logistic3A_270 = arith.constant 1.000000e+00 : bf16
      %logistic3A_271 = vector.broadcast %logistic3A_270 : bf16 to vector<16384x128xbf16>
      %logistic3A_272 = arith.addf %logistic3A_271, %logistic3A_269 : vector<16384x128xbf16>
      %logistic3A_273 = arith.divf %logistic3A_271, %logistic3A_272 : vector<16384x128xbf16>
      %mul3A_274 = arith.mulf %add3A_267, %logistic3A_273 : vector<16384x128xbf16>
      %dot_general3A_275 = arith.constant dense<0.000000e+00> : vector<16384x8xf32>
      %dot_general3A_276 = tpu.matmul %mul3A_274, %convert_element_type3A_52, %dot_general3A_275 {dimension_numbers = #tpu.dot_dimension_numbers<[1], [0], [0], [1], [0, 0, 1, 1], [], []>, transpose_lhs_hint = false} : vector<16384x128xbf16>, vector<128x8xbf16>, vector<16384x8xf32> -> vector<16384x8xf32>
      %reshape3A_277 = vector.shape_cast %dot_general3A_276 : vector<16384x8xf32> to vector<128x128x8xf32>
      %reduce_sum3A_278 = arith.constant dense<0.000000e+00> : vector<128x128xf32>
      %reduce_sum3A_279 = vector.multi_reduction <add>, %reshape3A_277, %reduce_sum3A_278 [2] : vector<128x128x8xf32> to vector<128x128xf32>
      %add3A_280 = vector.broadcast %get3A_29 : vector<1x128xf32> to vector<128x128xf32>
      %add3A_281 = arith.addf %reduce_sum3A_279, %add3A_280 : vector<128x128xf32>
      %mul3A_282 = arith.mulf %add3A_281, %convert_element_type3A_230 : vector<128x128xf32>
      %reshape3A_283 = vector.shape_cast %mul3A_262 : vector<16384x128xbf16> to vector<128x128x128xbf16>
      %reshape3A_284 = vector.shape_cast %convert_element_type3A_230 : vector<128x128xf32> to vector<128x1x128xf32>
      %convert_element_type3A_285 = arith.truncf %reshape3A_284 : vector<128x1x128xf32> to vector<128x1x128xbf16>
      %dot_general3A_286 = arith.constant dense<0.000000e+00> : vector<128x1x128xf32>
      %dot_general3A_287 = tpu.matmul %convert_element_type3A_285, %reshape3A_283, %dot_general3A_286 {dimension_numbers = #tpu.dot_dimension_numbers<[2], [1], [1], [2], [0, 0, 0, 1, 1, 2], [0], [0]>, transpose_lhs_hint = false} : vector<128x1x128xbf16>, vector<128x128x128xbf16>, vector<128x1x128xf32> -> vector<128x1x128xf32>
      %reshape3A_288 = vector.shape_cast %dot_general3A_287 : vector<128x1x128xf32> to vector<128x128xf32>
      %add3A_289 = arith.addf %while3A_147, %reshape3A_288 : vector<128x128xf32>
      %reduce_sum3A_290 = arith.constant dense<0.000000e+00> : vector<128xf32>
      %reduce_sum3A_291 = vector.multi_reduction <add>, %mul3A_282, %reduce_sum3A_290 [1] : vector<128x128xf32> to vector<128xf32>
      %broadcast_in_dim3A_292 = vector.shape_cast %reduce_sum3A_291 : vector<128xf32> to vector<128x1xf32>
      %add3A_293 = arith.addf %while3A_148, %broadcast_in_dim3A_292 : vector<128x1xf32>
      %dot_general3A_294 = arith.constant dense<0.000000e+00> : vector<128x8xf32>
      %dot_general3A_295 = tpu.matmul %mul3A_282, %get3A_161, %dot_general3A_294 {dimension_numbers = #tpu.dot_dimension_numbers<[1], [1], [0], [0], [0, 0, 1, 0], [], []>, transpose_lhs_hint = false} : vector<128x128xf32>, vector<8x128xf32>, vector<128x8xf32> -> vector<128x8xf32>
      %add3A_296 = arith.addf %while3A_149, %dot_general3A_295 : vector<128x8xf32>
      %reduce_sum3A_297 = arith.constant dense<0.000000e+00> : vector<128xf32>
      %reduce_sum3A_298 = vector.multi_reduction <add>, %convert_element_type3A_230, %reduce_sum3A_297 [1] : vector<128x128xf32> to vector<128xf32>
      %broadcast_in_dim3A_299 = vector.shape_cast %reduce_sum3A_298 : vector<128xf32> to vector<128x1xf32>
      %add3A_300 = arith.addf %while3A_150, %broadcast_in_dim3A_299 : vector<128x1xf32>
      scf.yield %add3A_289, %add3A_293, %add3A_296, %add3A_300 : vector<128x128xf32>, vector<128x1xf32>, vector<128x8xf32>, vector<128x1xf32>
    }
    %while3A_74 = arith.constant 1 : i32
    %while3A_75:4 = scf.for %while3A_146 = %while3A_71 to %while3A_67 step %while3A_74 iter_args(%while3A_147 = %while3A_73#0, %while3A_148 = %while3A_73#1, %while3A_149 = %while3A_73#2, %while3A_150 = %while3A_73#3) -> (vector<128x128xf32>, vector<128x1xf32>, vector<128x8xf32>, vector<128x1xf32>)  : i32 {
      %add3A_151 = arith.addi %get3A_0, %while3A_146 : i32
      %get3A_152 = arith.index_cast %add3A_151 : i32 to index
      %get3A_153 = arith.constant 0 : index
      %get3A_154 = arith.constant 0 : index
      %get3A_155 = vector.load %arg8[%get3A_152, %get3A_153, %get3A_154] : memref<99x8x128xf32, #tpu.memory_space<vmem>>, vector<1x8x128xf32>
      %get3A_156 = vector.shape_cast %get3A_155 : vector<1x8x128xf32> to vector<8x128xf32>
      %get3A_157 = arith.index_cast %add3A_151 : i32 to index
      %get3A_158 = arith.constant 0 : index
      %get3A_159 = arith.constant 0 : index
      %get3A_160 = vector.load %arg9[%get3A_157, %get3A_158, %get3A_159] : memref<99x8x128xf32, #tpu.memory_space<vmem>>, vector<1x8x128xf32>
      %get3A_161 = vector.shape_cast %get3A_160 : vector<1x8x128xf32> to vector<8x128xf32>
      %get3A_162 = arith.index_cast %add3A_151 : i32 to index
      %get3A_163 = arith.constant 0 : index
      %get3A_164 = arith.constant 0 : index
      %get3A_165 = vector.load %arg10[%get3A_162, %get3A_163, %get3A_164] : memref<99x128x128xf32, #tpu.memory_space<vmem>>, vector<1x128x128xf32>
      %get3A_166 = vector.shape_cast %get3A_165 : vector<1x128x128xf32> to vector<128x128xf32>
      %get3A_167 = arith.index_cast %add3A_151 : i32 to index
      %get3A_168 = arith.constant 0 : index
      %get3A_169 = arith.constant 0 : index
      %get3A_170 = vector.load %arg11[%get3A_167, %get3A_168, %get3A_169] : memref<99x1x128xi32, #tpu.memory_space<vmem>>, vector<1x1x128xi32>
      %get3A_171 = vector.shape_cast %get3A_170 : vector<1x1x128xi32> to vector<1x128xi32>
      %broadcast_in_dim3A_172 = arith.constant 0.000000e+00 : f32
      %broadcast_in_dim3A_173 = vector.broadcast %broadcast_in_dim3A_172 : f32 to vector<128x128xf32>
      %broadcast_in_dim3A_174 = arith.constant 0.000000e+00 : f32
      %broadcast_in_dim3A_175 = vector.broadcast %broadcast_in_dim3A_174 : f32 to vector<128x128xf32>
      %slice3A = vector.extract_strided_slice %get3A_5 {offsets = [0, 0], sizes = [128, 1], strides = [1, 1]} : vector<128x8xf32> to vector<128x1xf32>
      %slice3A_176 = vector.extract_strided_slice %get3A_156 {offsets = [0, 0], sizes = [1, 128], strides = [1, 1]} : vector<8x128xf32> to vector<1x128xf32>
      %sub3A_177 = vector.broadcast %slice3A : vector<128x1xf32> to vector<128x128xf32>
      %sub3A_178 = vector.broadcast %slice3A_176 : vector<1x128xf32> to vector<128x128xf32>
      %sub3A_179 = arith.subf %sub3A_177, %sub3A_178 : vector<128x128xf32>
      %mul3A_180 = arith.mulf %sub3A_179, %sub3A_179 : vector<128x128xf32>
      %add3A_181 = arith.addf %broadcast_in_dim3A_173, %mul3A_180 : vector<128x128xf32>
      %slice3A_182 = vector.extract_strided_slice %get3A_8 {offsets = [0, 0], sizes = [128, 1], strides = [1, 1]} : vector<128x8xf32> to vector<128x1xf32>
      %slice3A_183 = vector.extract_strided_slice %get3A_161 {offsets = [0, 0], sizes = [1, 128], strides = [1, 1]} : vector<8x128xf32> to vector<1x128xf32>
      %sub3A_184 = vector.broadcast %slice3A_182 : vector<128x1xf32> to vector<128x128xf32>
      %sub3A_185 = vector.broadcast %slice3A_183 : vector<1x128xf32> to vector<128x128xf32>
      %sub3A_186 = arith.subf %sub3A_184, %sub3A_185 : vector<128x128xf32>
      %mul3A_187 = arith.mulf %sub3A_186, %sub3A_186 : vector<128x128xf32>
      %add3A_188 = arith.addf %broadcast_in_dim3A_175, %mul3A_187 : vector<128x128xf32>
      %slice3A_189 = vector.extract_strided_slice %get3A_5 {offsets = [0, 1], sizes = [128, 1], strides = [1, 1]} : vector<128x8xf32> to vector<128x1xf32>
      %slice3A_190 = vector.extract_strided_slice %get3A_156 {offsets = [1, 0], sizes = [1, 128], strides = [1, 1]} : vector<8x128xf32> to vector<1x128xf32>
      %sub3A_191 = vector.broadcast %slice3A_189 : vector<128x1xf32> to vector<128x128xf32>
      %sub3A_192 = vector.broadcast %slice3A_190 : vector<1x128xf32> to vector<128x128xf32>
      %sub3A_193 = arith.subf %sub3A_191, %sub3A_192 : vector<128x128xf32>
      %mul3A_194 = arith.mulf %sub3A_193, %sub3A_193 : vector<128x128xf32>
      %add3A_195 = arith.addf %add3A_181, %mul3A_194 : vector<128x128xf32>
      %slice3A_196 = vector.extract_strided_slice %get3A_8 {offsets = [0, 1], sizes = [128, 1], strides = [1, 1]} : vector<128x8xf32> to vector<128x1xf32>
      %slice3A_197 = vector.extract_strided_slice %get3A_161 {offsets = [1, 0], sizes = [1, 128], strides = [1, 1]} : vector<8x128xf32> to vector<1x128xf32>
      %sub3A_198 = vector.broadcast %slice3A_196 : vector<128x1xf32> to vector<128x128xf32>
      %sub3A_199 = vector.broadcast %slice3A_197 : vector<1x128xf32> to vector<128x128xf32>
      %sub3A_200 = arith.subf %sub3A_198, %sub3A_199 : vector<128x128xf32>
      %mul3A_201 = arith.mulf %sub3A_200, %sub3A_200 : vector<128x128xf32>
      %add3A_202 = arith.addf %add3A_188, %mul3A_201 : vector<128x128xf32>
      %slice3A_203 = vector.extract_strided_slice %get3A_5 {offsets = [0, 2], sizes = [128, 1], strides = [1, 1]} : vector<128x8xf32> to vector<128x1xf32>
      %slice3A_204 = vector.extract_strided_slice %get3A_156 {offsets = [2, 0], sizes = [1, 128], strides = [1, 1]} : vector<8x128xf32> to vector<1x128xf32>
      %sub3A_205 = vector.broadcast %slice3A_203 : vector<128x1xf32> to vector<128x128xf32>
      %sub3A_206 = vector.broadcast %slice3A_204 : vector<1x128xf32> to vector<128x128xf32>
      %sub3A_207 = arith.subf %sub3A_205, %sub3A_206 : vector<128x128xf32>
      %mul3A_208 = arith.mulf %sub3A_207, %sub3A_207 : vector<128x128xf32>
      %add3A_209 = arith.addf %add3A_195, %mul3A_208 : vector<128x128xf32>
      %slice3A_210 = vector.extract_strided_slice %get3A_8 {offsets = [0, 2], sizes = [128, 1], strides = [1, 1]} : vector<128x8xf32> to vector<128x1xf32>
      %slice3A_211 = vector.extract_strided_slice %get3A_161 {offsets = [2, 0], sizes = [1, 128], strides = [1, 1]} : vector<8x128xf32> to vector<1x128xf32>
      %sub3A_212 = vector.broadcast %slice3A_210 : vector<128x1xf32> to vector<128x128xf32>
      %sub3A_213 = vector.broadcast %slice3A_211 : vector<1x128xf32> to vector<128x128xf32>
      %sub3A_214 = arith.subf %sub3A_212, %sub3A_213 : vector<128x128xf32>
      %mul3A_215 = arith.mulf %sub3A_214, %sub3A_214 : vector<128x128xf32>
      %add3A_216 = arith.addf %add3A_202, %mul3A_215 : vector<128x128xf32>
      %mul3A_217 = arith.constant 128 : i32
      %mul3A_218 = arith.muli %add3A_151, %mul3A_217 : i32
      %iota3A_219 = tpu.iota {dimensions = array<i32: 1>} : vector<1x128xi32>
      %add3A_220 = vector.broadcast %mul3A_218 : i32 to vector<1x128xi32>
      %add3A_221 = arith.addi %add3A_220, %iota3A_219 : vector<1x128xi32>
      %le3A = arith.constant 4.900000e-01 : f32
      %le3A_222 = vector.broadcast %le3A : f32 to vector<128x128xf32>
      %le3A_223 = arith.cmpf ole, %add3A_209, %le3A_222 : vector<128x128xf32>
      %eq3A = vector.broadcast %get3A_17 : vector<128x1xi32> to vector<128x128xi32>
      %eq3A_224 = vector.broadcast %get3A_171 : vector<1x128xi32> to vector<128x128xi32>
      %eq3A_225 = arith.cmpi eq, %eq3A, %eq3A_224 : vector<128x128xi32>
      %and3A = arith.andi %le3A_223, %eq3A_225 : vector<128x128xi1>
      %ne3A = vector.broadcast %add3A_58 : vector<128x1xi32> to vector<128x128xi32>
      %ne3A_226 = vector.broadcast %add3A_221 : vector<1x128xi32> to vector<128x128xi32>
      %ne3A_227 = arith.cmpi ne, %ne3A, %ne3A_226 : vector<128x128xi32>
      %and3A_228 = arith.andi %and3A, %ne3A_227 : vector<128x128xi1>
      %convert_element_type3A_229 = arith.extui %and3A_228 : vector<128x128xi1> to vector<128x128xi32>
      %convert_element_type3A_230 = arith.sitofp %convert_element_type3A_229 : vector<128x128xi32> to vector<128x128xf32>
      %convert_element_type3A_231 = arith.truncf %add3A_216 : vector<128x128xf32> to vector<128x128xbf16>
      %broadcast_in_dim3A_232 = vector.shape_cast %convert_element_type3A_53 : vector<128x128xbf16> to vector<128x1x128xbf16>
      %convert_element_type3A_233 = arith.truncf %get3A_166 : vector<128x128xf32> to vector<128x128xbf16>
      %broadcast_in_dim3A_234 = vector.shape_cast %convert_element_type3A_233 : vector<128x128xbf16> to vector<1x128x128xbf16>
      %add3A_235 = vector.broadcast %broadcast_in_dim3A_232 : vector<128x1x128xbf16> to vector<128x128x128xbf16>
      %add3A_236 = vector.broadcast %broadcast_in_dim3A_234 : vector<1x128x128xbf16> to vector<128x128x128xbf16>
      %add3A_237 = arith.addf %add3A_235, %add3A_236 : vector<128x128x128xbf16>
      %broadcast_in_dim3A_238 = vector.shape_cast %convert_element_type3A_231 : vector<128x128xbf16> to vector<128x128x1xbf16>
      %broadcast_in_dim3A_239 = vector.shape_cast %convert_element_type3A_56 : vector<1x128xbf16> to vector<1x1x128xbf16>
      %mul3A_240 = vector.broadcast %broadcast_in_dim3A_238 : vector<128x128x1xbf16> to vector<128x128x128xbf16>
      %mul3A_241 = vector.broadcast %broadcast_in_dim3A_239 : vector<1x1x128xbf16> to vector<128x128x128xbf16>
      %mul3A_242 = arith.mulf %mul3A_240, %mul3A_241 : vector<128x128x128xbf16>
      %add3A_243 = arith.addf %add3A_237, %mul3A_242 : vector<128x128x128xbf16>
      %logistic3A_244 = arith.negf %add3A_243 : vector<128x128x128xbf16>
      %logistic3A_245 = math.exp %logistic3A_244 : vector<128x128x128xbf16>
      %logistic3A_246 = arith.constant 1.000000e+00 : bf16
      %logistic3A_247 = vector.broadcast %logistic3A_246 : bf16 to vector<128x128x128xbf16>
      %logistic3A_248 = arith.addf %logistic3A_247, %logistic3A_245 : vector<128x128x128xbf16>
      %logistic3A_249 = arith.divf %logistic3A_247, %logistic3A_248 : vector<128x128x128xbf16>
      %mul3A_250 = arith.mulf %add3A_243, %logistic3A_249 : vector<128x128x128xbf16>
      %reshape3A = vector.shape_cast %mul3A_250 : vector<128x128x128xbf16> to vector<16384x128xbf16>
      %dot_general3A_251 = arith.constant dense<0.000000e+00> : vector<16384x128xf32>
      %dot_general3A_252 = tpu.matmul %reshape3A, %convert_element_type3A, %dot_general3A_251 {dimension_numbers = #tpu.dot_dimension_numbers<[1], [0], [0], [1], [0, 0, 1, 1], [], []>, transpose_lhs_hint = false} : vector<16384x128xbf16>, vector<128x128xbf16>, vector<16384x128xf32> -> vector<16384x128xf32>
      %convert_element_type3A_253 = arith.truncf %dot_general3A_252 : vector<16384x128xf32> to vector<16384x128xbf16>
      %add3A_254 = vector.broadcast %convert_element_type3A_54 : vector<1x128xbf16> to vector<16384x128xbf16>
      %add3A_255 = arith.addf %convert_element_type3A_253, %add3A_254 : vector<16384x128xbf16>
      %logistic3A_256 = arith.negf %add3A_255 : vector<16384x128xbf16>
      %logistic3A_257 = math.exp %logistic3A_256 : vector<16384x128xbf16>
      %logistic3A_258 = arith.constant 1.000000e+00 : bf16
      %logistic3A_259 = vector.broadcast %logistic3A_258 : bf16 to vector<16384x128xbf16>
      %logistic3A_260 = arith.addf %logistic3A_259, %logistic3A_257 : vector<16384x128xbf16>
      %logistic3A_261 = arith.divf %logistic3A_259, %logistic3A_260 : vector<16384x128xbf16>
      %mul3A_262 = arith.mulf %add3A_255, %logistic3A_261 : vector<16384x128xbf16>
      %dot_general3A_263 = arith.constant dense<0.000000e+00> : vector<16384x128xf32>
      %dot_general3A_264 = tpu.matmul %mul3A_262, %convert_element_type3A_48, %dot_general3A_263 {dimension_numbers = #tpu.dot_dimension_numbers<[1], [0], [0], [1], [0, 0, 1, 1], [], []>, transpose_lhs_hint = false} : vector<16384x128xbf16>, vector<128x128xbf16>, vector<16384x128xf32> -> vector<16384x128xf32>
      %convert_element_type3A_265 = arith.truncf %dot_general3A_264 : vector<16384x128xf32> to vector<16384x128xbf16>
      %add3A_266 = vector.broadcast %convert_element_type3A_55 : vector<1x128xbf16> to vector<16384x128xbf16>
      %add3A_267 = arith.addf %convert_element_type3A_265, %add3A_266 : vector<16384x128xbf16>
      %logistic3A_268 = arith.negf %add3A_267 : vector<16384x128xbf16>
      %logistic3A_269 = math.exp %logistic3A_268 : vector<16384x128xbf16>
      %logistic3A_270 = arith.constant 1.000000e+00 : bf16
      %logistic3A_271 = vector.broadcast %logistic3A_270 : bf16 to vector<16384x128xbf16>
      %logistic3A_272 = arith.addf %logistic3A_271, %logistic3A_269 : vector<16384x128xbf16>
      %logistic3A_273 = arith.divf %logistic3A_271, %logistic3A_272 : vector<16384x128xbf16>
      %mul3A_274 = arith.mulf %add3A_267, %logistic3A_273 : vector<16384x128xbf16>
      %dot_general3A_275 = arith.constant dense<0.000000e+00> : vector<16384x8xf32>
      %dot_general3A_276 = tpu.matmul %mul3A_274, %convert_element_type3A_52, %dot_general3A_275 {dimension_numbers = #tpu.dot_dimension_numbers<[1], [0], [0], [1], [0, 0, 1, 1], [], []>, transpose_lhs_hint = false} : vector<16384x128xbf16>, vector<128x8xbf16>, vector<16384x8xf32> -> vector<16384x8xf32>
      %reshape3A_277 = vector.shape_cast %dot_general3A_276 : vector<16384x8xf32> to vector<128x128x8xf32>
      %reduce_sum3A_278 = arith.constant dense<0.000000e+00> : vector<128x128xf32>
      %reduce_sum3A_279 = vector.multi_reduction <add>, %reshape3A_277, %reduce_sum3A_278 [2] : vector<128x128x8xf32> to vector<128x128xf32>
      %add3A_280 = vector.broadcast %get3A_29 : vector<1x128xf32> to vector<128x128xf32>
      %add3A_281 = arith.addf %reduce_sum3A_279, %add3A_280 : vector<128x128xf32>
      %mul3A_282 = arith.mulf %add3A_281, %convert_element_type3A_230 : vector<128x128xf32>
      %reshape3A_283 = vector.shape_cast %mul3A_262 : vector<16384x128xbf16> to vector<128x128x128xbf16>
      %reshape3A_284 = vector.shape_cast %convert_element_type3A_230 : vector<128x128xf32> to vector<128x1x128xf32>
      %convert_element_type3A_285 = arith.truncf %reshape3A_284 : vector<128x1x128xf32> to vector<128x1x128xbf16>
      %dot_general3A_286 = arith.constant dense<0.000000e+00> : vector<128x1x128xf32>
      %dot_general3A_287 = tpu.matmul %convert_element_type3A_285, %reshape3A_283, %dot_general3A_286 {dimension_numbers = #tpu.dot_dimension_numbers<[2], [1], [1], [2], [0, 0, 0, 1, 1, 2], [0], [0]>, transpose_lhs_hint = false} : vector<128x1x128xbf16>, vector<128x128x128xbf16>, vector<128x1x128xf32> -> vector<128x1x128xf32>
      %reshape3A_288 = vector.shape_cast %dot_general3A_287 : vector<128x1x128xf32> to vector<128x128xf32>
      %add3A_289 = arith.addf %while3A_147, %reshape3A_288 : vector<128x128xf32>
      %reduce_sum3A_290 = arith.constant dense<0.000000e+00> : vector<128xf32>
      %reduce_sum3A_291 = vector.multi_reduction <add>, %mul3A_282, %reduce_sum3A_290 [1] : vector<128x128xf32> to vector<128xf32>
      %broadcast_in_dim3A_292 = vector.shape_cast %reduce_sum3A_291 : vector<128xf32> to vector<128x1xf32>
      %add3A_293 = arith.addf %while3A_148, %broadcast_in_dim3A_292 : vector<128x1xf32>
      %dot_general3A_294 = arith.constant dense<0.000000e+00> : vector<128x8xf32>
      %dot_general3A_295 = tpu.matmul %mul3A_282, %get3A_161, %dot_general3A_294 {dimension_numbers = #tpu.dot_dimension_numbers<[1], [1], [0], [0], [0, 0, 1, 0], [], []>, transpose_lhs_hint = false} : vector<128x128xf32>, vector<8x128xf32>, vector<128x8xf32> -> vector<128x8xf32>
      %add3A_296 = arith.addf %while3A_149, %dot_general3A_295 : vector<128x8xf32>
      %reduce_sum3A_297 = arith.constant dense<0.000000e+00> : vector<128xf32>
      %reduce_sum3A_298 = vector.multi_reduction <add>, %convert_element_type3A_230, %reduce_sum3A_297 [1] : vector<128x128xf32> to vector<128xf32>
      %broadcast_in_dim3A_299 = vector.shape_cast %reduce_sum3A_298 : vector<128xf32> to vector<128x1xf32>
      %add3A_300 = arith.addf %while3A_150, %broadcast_in_dim3A_299 : vector<128x1xf32>
      scf.yield %add3A_289, %add3A_293, %add3A_296, %add3A_300 : vector<128x128xf32>, vector<128x1xf32>, vector<128x8xf32>, vector<128x1xf32>
    }
    %max3A = arith.constant 1.000000e+00 : f32
    %max3A_76 = vector.broadcast %max3A : f32 to vector<128x1xf32>
    %max3A_77 = arith.maximumf %while3A_75#3, %max3A_76 : vector<128x1xf32>
    %mul3A_78 = vector.broadcast %while3A_75#1 : vector<128x1xf32> to vector<128x8xf32>
    %mul3A_79 = arith.mulf %get3A_8, %mul3A_78 : vector<128x8xf32>
    %sub3A = arith.subf %mul3A_79, %while3A_75#2 : vector<128x8xf32>
    %div3A = vector.broadcast %max3A_77 : vector<128x1xf32> to vector<128x8xf32>
    %div3A_80 = arith.divf %sub3A, %div3A : vector<128x8xf32>
    %add3A_81 = arith.addf %get3A_8, %div3A_80 : vector<128x8xf32>
    %div3A_82 = vector.broadcast %max3A_77 : vector<128x1xf32> to vector<128x128xf32>
    %div3A_83 = arith.divf %while3A_75#0, %div3A_82 : vector<128x128xf32>
    %concatenate3A = tpu.concatenate %get3A_11, %div3A_83 in 1 : vector<128x128xf32>, vector<128x128xf32> -> vector<128x256xf32>
    %get3A_84 = arith.constant 0 : index
    %get3A_85 = arith.constant 0 : index
    %get3A_86 = vector.load %arg15[%get3A_84, %get3A_85] : memref<256x128xf32, #tpu.memory_space<vmem>>, vector<256x128xf32>
    %dot_general3A = arith.constant dense<0.000000e+00> : vector<128x128xf32>
    %dot_general3A_87 = tpu.matmul %concatenate3A, %get3A_86, %dot_general3A {dimension_numbers = #tpu.dot_dimension_numbers<[1], [0], [0], [1], [0, 0, 1, 1], [], []>, transpose_lhs_hint = false} : vector<128x256xf32>, vector<256x128xf32>, vector<128x128xf32> -> vector<128x128xf32>
    %add3A_88 = vector.broadcast %get3A_32 : vector<1x128xf32> to vector<128x128xf32>
    %add3A_89 = arith.addf %dot_general3A_87, %add3A_88 : vector<128x128xf32>
    %logistic3A = arith.negf %add3A_89 : vector<128x128xf32>
    %logistic3A_90 = math.exp %logistic3A : vector<128x128xf32>
    %logistic3A_91 = arith.constant 1.000000e+00 : f32
    %logistic3A_92 = vector.broadcast %logistic3A_91 : f32 to vector<128x128xf32>
    %logistic3A_93 = arith.addf %logistic3A_92, %logistic3A_90 : vector<128x128xf32>
    %logistic3A_94 = arith.divf %logistic3A_92, %logistic3A_93 : vector<128x128xf32>
    %mul3A_95 = arith.mulf %add3A_89, %logistic3A_94 : vector<128x128xf32>
    %get3A_96 = arith.constant 0 : index
    %get3A_97 = arith.constant 0 : index
    %get3A_98 = vector.load %arg16[%get3A_96, %get3A_97] : memref<128x128xf32, #tpu.memory_space<vmem>>, vector<128x128xf32>
    %dot_general3A_99 = arith.constant dense<0.000000e+00> : vector<128x128xf32>
    %dot_general3A_100 = tpu.matmul %mul3A_95, %get3A_98, %dot_general3A_99 {dimension_numbers = #tpu.dot_dimension_numbers<[1], [0], [0], [1], [0, 0, 1, 1], [], []>, transpose_lhs_hint = false} : vector<128x128xf32>, vector<128x128xf32>, vector<128x128xf32> -> vector<128x128xf32>
    %add3A_101 = arith.addf %get3A_11, %dot_general3A_100 : vector<128x128xf32>
    %add3A_102 = vector.broadcast %get3A_35 : vector<1x128xf32> to vector<128x128xf32>
    %add3A_103 = arith.addf %add3A_101, %add3A_102 : vector<128x128xf32>
    %reduce_sum3A = arith.constant dense<0.000000e+00> : vector<128xf32>
    %reduce_sum3A_104 = vector.multi_reduction <add>, %add3A_103, %reduce_sum3A [1] : vector<128x128xf32> to vector<128xf32>
    %broadcast_in_dim3A_105 = vector.shape_cast %reduce_sum3A_104 : vector<128xf32> to vector<128x1xf32>
    %div3A_106 = arith.constant 1.280000e+02 : f32
    %div3A_107 = vector.broadcast %div3A_106 : f32 to vector<128x1xf32>
    %div3A_108 = arith.divf %broadcast_in_dim3A_105, %div3A_107 : vector<128x1xf32>
    %sub3A_109 = vector.broadcast %div3A_108 : vector<128x1xf32> to vector<128x128xf32>
    %sub3A_110 = arith.subf %add3A_103, %sub3A_109 : vector<128x128xf32>
    %integer_pow3A = arith.mulf %sub3A_110, %sub3A_110 : vector<128x128xf32>
    %reduce_sum3A_111 = arith.constant dense<0.000000e+00> : vector<128xf32>
    %reduce_sum3A_112 = vector.multi_reduction <add>, %integer_pow3A, %reduce_sum3A_111 [1] : vector<128x128xf32> to vector<128xf32>
    %broadcast_in_dim3A_113 = vector.shape_cast %reduce_sum3A_112 : vector<128xf32> to vector<128x1xf32>
    %div3A_114 = arith.constant 1.280000e+02 : f32
    %div3A_115 = vector.broadcast %div3A_114 : f32 to vector<128x1xf32>
    %div3A_116 = arith.divf %broadcast_in_dim3A_113, %div3A_115 : vector<128x1xf32>
    %sub3A_117 = vector.broadcast %div3A_108 : vector<128x1xf32> to vector<128x128xf32>
    %sub3A_118 = arith.subf %add3A_103, %sub3A_117 : vector<128x128xf32>
    %add3A_119 = arith.constant 9.99999974E-6 : f32
    %add3A_120 = vector.broadcast %add3A_119 : f32 to vector<128x1xf32>
    %add3A_121 = arith.addf %div3A_116, %add3A_120 : vector<128x1xf32>
    %rsqrt3A = math.rsqrt %add3A_121 : vector<128x1xf32>
    %mul3A_122 = vector.broadcast %rsqrt3A : vector<128x1xf32> to vector<128x128xf32>
    %mul3A_123 = arith.mulf %sub3A_118, %mul3A_122 : vector<128x128xf32>
    %mul3A_124 = vector.broadcast %get3A_38 : vector<1x128xf32> to vector<128x128xf32>
    %mul3A_125 = arith.mulf %mul3A_123, %mul3A_124 : vector<128x128xf32>
    %add3A_126 = vector.broadcast %get3A_41 : vector<1x128xf32> to vector<128x128xf32>
    %add3A_127 = arith.addf %mul3A_125, %add3A_126 : vector<128x128xf32>
    %logistic3A_128 = arith.negf %add3A_127 : vector<128x128xf32>
    %logistic3A_129 = math.exp %logistic3A_128 : vector<128x128xf32>
    %logistic3A_130 = arith.constant 1.000000e+00 : f32
    %logistic3A_131 = vector.broadcast %logistic3A_130 : f32 to vector<128x128xf32>
    %logistic3A_132 = arith.addf %logistic3A_131, %logistic3A_129 : vector<128x128xf32>
    %logistic3A_133 = arith.divf %logistic3A_131, %logistic3A_132 : vector<128x128xf32>
    %mul3A_134 = arith.mulf %add3A_127, %logistic3A_133 : vector<128x128xf32>
    %swap3A = arith.constant 0 : index
    %swap3A_135 = arith.constant 0 : index
    %swap3A_136 = vector.load %arg20[%swap3A, %swap3A_135] : memref<128x128xf32, #tpu.memory_space<vmem>>, vector<128x128xf32>
    tpu.vector_store %arg20[%swap3A, %swap3A_135], %mul3A_134 {strides = array<i32>} : memref<128x128xf32, #tpu.memory_space<vmem>>, vector<128x128xf32>,
    %swap3A_137 = arith.constant 0 : index
    %swap3A_138 = arith.constant 0 : index
    %swap3A_139 = vector.load %arg18[%swap3A_137, %swap3A_138] : memref<128x8xf32, #tpu.memory_space<vmem>>, vector<128x8xf32>
    tpu.vector_store %arg18[%swap3A_137, %swap3A_138], %add3A_81 {strides = array<i32>} : memref<128x8xf32, #tpu.memory_space<vmem>>, vector<128x8xf32>,
    %transpose3A = tpu.transpose %add3A_81, [1, 0] : vector<128x8xf32> -> vector<8x128xf32>
    %swap3A_140 = arith.constant 0 : index
    %swap3A_141 = arith.constant 0 : index
    %swap3A_142 = arith.constant 0 : index
    %swap3A_143 = vector.load %arg19[%swap3A_140, %swap3A_141, %swap3A_142] : memref<1x8x128xf32, #tpu.memory_space<vmem>>, vector<1x8x128xf32>
    %swap3A_144 = vector.shape_cast %swap3A_143 : vector<1x8x128xf32> to vector<8x128xf32>
    %swap3A_145 = vector.shape_cast %transpose3A : vector<8x128xf32> to vector<1x8x128xf32>
    tpu.vector_store %arg19[%swap3A_140, %swap3A_141, %swap3A_142], %swap3A_145 {strides = array<i32>} : memref<1x8x128xf32, #tpu.memory_space<vmem>>, vector<1x8x128xf32>,
    return
  }
  func.func @transform_0(%arg0: i32, %arg1: memref<99xi32, #tpu.memory_space<smem>>, %arg2: memref<99xi32, #tpu.memory_space<smem>>) -> (i32, i32) {
    %c0_i32 = arith.constant 0 : i32
    %c0_i32_0 = arith.constant 0 : i32
    return %arg0, %c0_i32 : i32, i32
  }
  func.func @transform_1(%arg0: i32, %arg1: memref<99xi32, #tpu.memory_space<smem>>, %arg2: memref<99xi32, #tpu.memory_space<smem>>) -> (i32, i32) {
    %c0_i32 = arith.constant 0 : i32
    %c0_i32_0 = arith.constant 0 : i32
    return %arg0, %c0_i32 : i32, i32
  }
  func.func @transform_2(%arg0: i32, %arg1: memref<99xi32, #tpu.memory_space<smem>>, %arg2: memref<99xi32, #tpu.memory_space<smem>>) -> (i32, i32) {
    %c0_i32 = arith.constant 0 : i32
    %c0_i32_0 = arith.constant 0 : i32
    return %arg0, %c0_i32 : i32, i32
  }
  func.func @transform_3(%arg0: i32, %arg1: memref<99xi32, #tpu.memory_space<smem>>, %arg2: memref<99xi32, #tpu.memory_space<smem>>) -> (i32, i32) {
    %c0_i32 = arith.constant 0 : i32
    %c0_i32_0 = arith.constant 0 : i32
    return %arg0, %c0_i32 : i32, i32
  }
  func.func @transform_4(%arg0: i32, %arg1: memref<99xi32, #tpu.memory_space<smem>>, %arg2: memref<99xi32, #tpu.memory_space<smem>>) -> (i32, i32) {
    %c0_i32 = arith.constant 0 : i32
    %c0_i32_0 = arith.constant 0 : i32
    return %arg0, %c0_i32 : i32, i32
  }
  func.func @transform_5(%arg0: i32, %arg1: memref<99xi32, #tpu.memory_space<smem>>, %arg2: memref<99xi32, #tpu.memory_space<smem>>) -> (i32, i32, i32) {
    %c0_i32 = arith.constant 0 : i32
    %c0_i32_0 = arith.constant 0 : i32
    %c0_i32_1 = arith.constant 0 : i32
    %c0_i32_2 = arith.constant 0 : i32
    return %c0_i32, %c0_i32_0, %c0_i32_1 : i32, i32, i32
  }
  func.func @transform_6(%arg0: i32, %arg1: memref<99xi32, #tpu.memory_space<smem>>, %arg2: memref<99xi32, #tpu.memory_space<smem>>) -> (i32, i32, i32) {
    %c0_i32 = arith.constant 0 : i32
    %c0_i32_0 = arith.constant 0 : i32
    %c0_i32_1 = arith.constant 0 : i32
    %c0_i32_2 = arith.constant 0 : i32
    return %c0_i32, %c0_i32_0, %c0_i32_1 : i32, i32, i32
  }
  func.func @transform_7(%arg0: i32, %arg1: memref<99xi32, #tpu.memory_space<smem>>, %arg2: memref<99xi32, #tpu.memory_space<smem>>) -> (i32, i32, i32) {
    %c0_i32 = arith.constant 0 : i32
    %c0_i32_0 = arith.constant 0 : i32
    %c0_i32_1 = arith.constant 0 : i32
    %c0_i32_2 = arith.constant 0 : i32
    return %c0_i32, %c0_i32_0, %c0_i32_1 : i32, i32, i32
  }
  func.func @transform_8(%arg0: i32, %arg1: memref<99xi32, #tpu.memory_space<smem>>, %arg2: memref<99xi32, #tpu.memory_space<smem>>) -> (i32, i32, i32) {
    %c0_i32 = arith.constant 0 : i32
    %c0_i32_0 = arith.constant 0 : i32
    %c0_i32_1 = arith.constant 0 : i32
    %c0_i32_2 = arith.constant 0 : i32
    return %c0_i32, %c0_i32_0, %c0_i32_1 : i32, i32, i32
  }
  func.func @transform_9(%arg0: i32, %arg1: memref<99xi32, #tpu.memory_space<smem>>, %arg2: memref<99xi32, #tpu.memory_space<smem>>) -> (i32, i32) {
    %c0_i32 = arith.constant 0 : i32
    %c0_i32_0 = arith.constant 0 : i32
    %c0_i32_1 = arith.constant 0 : i32
    return %c0_i32, %c0_i32_0 : i32, i32
  }
  func.func @transform_10(%arg0: i32, %arg1: memref<99xi32, #tpu.memory_space<smem>>, %arg2: memref<99xi32, #tpu.memory_space<smem>>) -> (i32, i32) {
    %c0_i32 = arith.constant 0 : i32
    %c0_i32_0 = arith.constant 0 : i32
    %c0_i32_1 = arith.constant 0 : i32
    return %c0_i32, %c0_i32_0 : i32, i32
  }
  func.func @transform_11(%arg0: i32, %arg1: memref<99xi32, #tpu.memory_space<smem>>, %arg2: memref<99xi32, #tpu.memory_space<smem>>) -> (i32, i32) {
    %c0_i32 = arith.constant 0 : i32
    %c0_i32_0 = arith.constant 0 : i32
    %c0_i32_1 = arith.constant 0 : i32
    return %c0_i32, %c0_i32_0 : i32, i32
  }
  func.func @transform_12(%arg0: i32, %arg1: memref<99xi32, #tpu.memory_space<smem>>, %arg2: memref<99xi32, #tpu.memory_space<smem>>) -> (i32, i32) {
    %c0_i32 = arith.constant 0 : i32
    %c0_i32_0 = arith.constant 0 : i32
    %c0_i32_1 = arith.constant 0 : i32
    return %c0_i32, %c0_i32_0 : i32, i32
  }
  func.func @transform_13(%arg0: i32, %arg1: memref<99xi32, #tpu.memory_space<smem>>, %arg2: memref<99xi32, #tpu.memory_space<smem>>) -> (i32, i32) {
    %c0_i32 = arith.constant 0 : i32
    %c0_i32_0 = arith.constant 0 : i32
    %c0_i32_1 = arith.constant 0 : i32
    return %c0_i32, %c0_i32_0 : i32, i32
  }
  func.func @transform_14(%arg0: i32, %arg1: memref<99xi32, #tpu.memory_space<smem>>, %arg2: memref<99xi32, #tpu.memory_space<smem>>) -> (i32, i32) {
    %c0_i32 = arith.constant 0 : i32
    %c0_i32_0 = arith.constant 0 : i32
    %c0_i32_1 = arith.constant 0 : i32
    return %c0_i32, %c0_i32_0 : i32, i32
  }
  func.func @transform_15(%arg0: i32, %arg1: memref<99xi32, #tpu.memory_space<smem>>, %arg2: memref<99xi32, #tpu.memory_space<smem>>) -> (i32, i32) {
    %c0_i32 = arith.constant 0 : i32
    %c0_i32_0 = arith.constant 0 : i32
    return %arg0, %c0_i32 : i32, i32
  }
  func.func @transform_16(%arg0: i32, %arg1: memref<99xi32, #tpu.memory_space<smem>>, %arg2: memref<99xi32, #tpu.memory_space<smem>>) -> (i32, i32, i32) {
    %c0_i32 = arith.constant 0 : i32
    %c0_i32_0 = arith.constant 0 : i32
    %c0_i32_1 = arith.constant 0 : i32
    return %arg0, %c0_i32, %c0_i32_0 : i32, i32, i32
  }
  func.func @transform_17(%arg0: i32, %arg1: memref<99xi32, #tpu.memory_space<smem>>, %arg2: memref<99xi32, #tpu.memory_space<smem>>) -> (i32, i32) {
    %c0_i32 = arith.constant 0 : i32
    %c0_i32_0 = arith.constant 0 : i32
    return %arg0, %c0_i32 : i32, i32
  }
}

module attributes {stable_mosaic.version = 14 : i64} {
  func.func @_layer_kernel(%arg0: i32, %arg1: memref<99xi32, #tpu.memory_space<smem>>, %arg2: memref<99xi32, #tpu.memory_space<smem>>, %arg3: memref<128x8xf32, #tpu.memory_space<vmem>>, %arg4: memref<128x8xf32, #tpu.memory_space<vmem>>, %arg5: memref<128x128xf32, #tpu.memory_space<vmem>>, %arg6: memref<128x128xf32, #tpu.memory_space<vmem>>, %arg7: memref<128x1xi32, #tpu.memory_space<vmem>>, %arg8: memref<99x8x128xf32, #tpu.memory_space<vmem>>, %arg9: memref<99x8x128xf32, #tpu.memory_space<vmem>>, %arg10: memref<99x128x128xf32, #tpu.memory_space<vmem>>, %arg11: memref<99x1x128xi32, #tpu.memory_space<vmem>>, %arg12: memref<128x128xf32, #tpu.memory_space<vmem>>, %arg13: memref<128x128xf32, #tpu.memory_space<vmem>>, %arg14: memref<128x8xf32, #tpu.memory_space<vmem>>, %arg15: memref<256x128xf32, #tpu.memory_space<vmem>>, %arg16: memref<128x128xf32, #tpu.memory_space<vmem>>, %arg17: memref<8x128xf32, #tpu.memory_space<vmem>>, %arg18: memref<128x8xf32, #tpu.memory_space<vmem>>, %arg19: memref<1x8x128xf32, #tpu.memory_space<vmem>>, %arg20: memref<128x128xf32, #tpu.memory_space<vmem>>) attributes {dimension_semantics = [#tpu.dimension_semantics<arbitrary>], iteration_bounds = array<i64: 99>, scalar_prefetch = 2 : i64, scratch_operands = 0 : i64, tpu.core_type = #tpu.core_type<tc>, window_params = [{transform_indices = @transform_0, window_bounds = array<i64: 128, 8>}, {transform_indices = @transform_1, window_bounds = array<i64: 128, 8>}, {transform_indices = @transform_2, window_bounds = array<i64: 128, 128>}, {transform_indices = @transform_3, window_bounds = array<i64: 128, 128>}, {transform_indices = @transform_4, window_bounds = array<i64: 128, 1>}, {pipeline_mode = #tpu.pipeline_mode<synchronous>, transform_indices = @transform_5, window_bounds = array<i64: 99, 8, 128>}, {pipeline_mode = #tpu.pipeline_mode<synchronous>, transform_indices = @transform_6, window_bounds = array<i64: 99, 8, 128>}, {pipeline_mode = #tpu.pipeline_mode<synchronous>, transform_indices = @transform_7, window_bounds = array<i64: 99, 128, 128>}, {pipeline_mode = #tpu.pipeline_mode<synchronous>, transform_indices = @transform_8, window_bounds = array<i64: 99, 1, 128>}, {pipeline_mode = #tpu.pipeline_mode<synchronous>, transform_indices = @transform_9, window_bounds = array<i64: 128, 128>}, {pipeline_mode = #tpu.pipeline_mode<synchronous>, transform_indices = @transform_10, window_bounds = array<i64: 128, 128>}, {pipeline_mode = #tpu.pipeline_mode<synchronous>, transform_indices = @transform_11, window_bounds = array<i64: 128, 8>}, {pipeline_mode = #tpu.pipeline_mode<synchronous>, transform_indices = @transform_12, window_bounds = array<i64: 256, 128>}, {pipeline_mode = #tpu.pipeline_mode<synchronous>, transform_indices = @transform_13, window_bounds = array<i64: 128, 128>}, {pipeline_mode = #tpu.pipeline_mode<synchronous>, transform_indices = @transform_14, window_bounds = array<i64: 8, 128>}, {transform_indices = @transform_15, window_bounds = array<i64: 128, 8>}, {transform_indices = @transform_16, window_bounds = array<i64: 1, 8, 128>}, {transform_indices = @transform_17, window_bounds = array<i64: 128, 128>}]} {
    %get3A = arith.index_cast %arg0 : i32 to index
    %get3A_0 = memref.load %arg1[%get3A] : memref<99xi32, #tpu.memory_space<smem>>
    %get3A_1 = arith.index_cast %arg0 : i32 to index
    %get3A_2 = memref.load %arg2[%get3A_1] : memref<99xi32, #tpu.memory_space<smem>>
    %get3A_3 = arith.constant 0 : index
    %get3A_4 = arith.constant 0 : index
    %get3A_5 = vector.load %arg3[%get3A_3, %get3A_4] : memref<128x8xf32, #tpu.memory_space<vmem>>, vector<128x8xf32>
    %get3A_6 = arith.constant 0 : index
    %get3A_7 = arith.constant 0 : index
    %get3A_8 = vector.load %arg4[%get3A_6, %get3A_7] : memref<128x8xf32, #tpu.memory_space<vmem>>, vector<128x8xf32>
    %get3A_9 = arith.constant 0 : index
    %get3A_10 = arith.constant 0 : index
    %get3A_11 = vector.load %arg5[%get3A_9, %get3A_10] : memref<128x128xf32, #tpu.memory_space<vmem>>, vector<128x128xf32>
    %get3A_12 = arith.constant 0 : index
    %get3A_13 = arith.constant 0 : index
    %get3A_14 = vector.load %arg6[%get3A_12, %get3A_13] : memref<128x128xf32, #tpu.memory_space<vmem>>, vector<128x128xf32>
    %get3A_15 = arith.constant 0 : index
    %get3A_16 = arith.constant 0 : index
    %get3A_17 = vector.load %arg7[%get3A_15, %get3A_16] : memref<128x1xi32, #tpu.memory_space<vmem>>, vector<128x1xi32>
    %get3A_18 = arith.constant 0 : index
    %get3A_19 = arith.constant 0 : index
    %get3A_20 = vector.load %arg17[%get3A_18, %get3A_19] : memref<8x128xf32, #tpu.memory_space<vmem>>, vector<1x128xf32>
    %get3A_21 = arith.constant 1 : index
    %get3A_22 = arith.constant 0 : index
    %get3A_23 = vector.load %arg17[%get3A_21, %get3A_22] : memref<8x128xf32, #tpu.memory_space<vmem>>, vector<1x128xf32>
    %get3A_24 = arith.constant 2 : index
    %get3A_25 = arith.constant 0 : index
    %get3A_26 = vector.load %arg17[%get3A_24, %get3A_25] : memref<8x128xf32, #tpu.memory_space<vmem>>, vector<1x128xf32>
    %get3A_27 = arith.constant 3 : index
    %get3A_28 = arith.constant 0 : index
    %get3A_29 = vector.load %arg17[%get3A_27, %get3A_28] : memref<8x128xf32, #tpu.memory_space<vmem>>, vector<1x128xf32>
    %get3A_30 = arith.constant 4 : index
    %get3A_31 = arith.constant 0 : index
    %get3A_32 = vector.load %arg17[%get3A_30, %get3A_31] : memref<8x128xf32, #tpu.memory_space<vmem>>, vector<1x128xf32>
    %get3A_33 = arith.constant 5 : index
    %get3A_34 = arith.constant 0 : index
    %get3A_35 = vector.load %arg17[%get3A_33, %get3A_34] : memref<8x128xf32, #tpu.memory_space<vmem>>, vector<1x128xf32>
    %get3A_36 = arith.constant 6 : index
    %get3A_37 = arith.constant 0 : index
    %get3A_38 = vector.load %arg17[%get3A_36, %get3A_37] : memref<8x128xf32, #tpu.memory_space<vmem>>, vector<1x128xf32>
    %get3A_39 = arith.constant 7 : index
    %get3A_40 = arith.constant 0 : index
    %get3A_41 = vector.load %arg17[%get3A_39, %get3A_40] : memref<8x128xf32, #tpu.memory_space<vmem>>, vector<1x128xf32>
    %get3A_42 = arith.constant 0 : index
    %get3A_43 = arith.constant 0 : index
    %get3A_44 = vector.load %arg12[%get3A_42, %get3A_43] : memref<128x128xf32, #tpu.memory_space<vmem>>, vector<128x128xf32>
    %convert_element_type3A = arith.truncf %get3A_44 : vector<128x128xf32> to vector<128x128xbf16>
    %get3A_45 = arith.constant 0 : index
    %get3A_46 = arith.constant 0 : index
    %get3A_47 = vector.load %arg13[%get3A_45, %get3A_46] : memref<128x128xf32, #tpu.memory_space<vmem>>, vector<128x128xf32>
    %convert_element_type3A_48 = arith.truncf %get3A_47 : vector<128x128xf32> to vector<128x128xbf16>
    %get3A_49 = arith.constant 0 : index
    %get3A_50 = arith.constant 0 : index
    %get3A_51 = vector.load %arg14[%get3A_49, %get3A_50] : memref<128x8xf32, #tpu.memory_space<vmem>>, vector<128x8xf32>
    %convert_element_type3A_52 = arith.truncf %get3A_51 : vector<128x8xf32> to vector<128x8xbf16>
    %convert_element_type3A_53 = arith.truncf %get3A_14 : vector<128x128xf32> to vector<128x128xbf16>
    %convert_element_type3A_54 = arith.truncf %get3A_23 : vector<1x128xf32> to vector<1x128xbf16>
    %convert_element_type3A_55 = arith.truncf %get3A_26 : vector<1x128xf32> to vector<1x128xbf16>
    %convert_element_type3A_56 = arith.truncf %get3A_20 : vector<1x128xf32> to vector<1x128xbf16>
    %mul3A = arith.constant 128 : i32
    %mul3A_57 = arith.muli %arg0, %mul3A : i32
    %iota3A = tpu.iota {dimensions = array<i32: 0>} : vector<128x1xi32>
    %add3A = vector.broadcast %mul3A_57 : i32 to vector<128x1xi32>
    %add3A_58 = arith.addi %add3A, %iota3A : vector<128x1xi32>
    %broadcast_in_dim3A = arith.constant 0.000000e+00 : f32
    %broadcast_in_dim3A_59 = vector.broadcast %broadcast_in_dim3A : f32 to vector<128x128xf32>
    %broadcast_in_dim3A_60 = arith.constant 0.000000e+00 : f32
    %broadcast_in_dim3A_61 = vector.broadcast %broadcast_in_dim3A_60 : f32 to vector<128x1xf32>
    %broadcast_in_dim3A_62 = arith.constant 0.000000e+00 : f32
    %broadcast_in_dim3A_63 = vector.broadcast %broadcast_in_dim3A_62 : f32 to vector<128x8xf32>
    %broadcast_in_dim3A_64 = arith.constant 0.000000e+00 : f32
    %broadcast_in_dim3A_65 = vector.broadcast %broadcast_in_dim3A_64 : f32 to vector<128x1xf32>
    %while3A = arith.constant 0 : i32
    %while3A_66 = arith.subi %get3A_2, %while3A : i32
    %while3A_67 = arith.addi %while3A, %while3A_66 : i32
    %while3A_68 = arith.constant 1 : i32
    %while3A_69 = arith.divsi %while3A_66, %while3A_68 : i32
    %while3A_70 = arith.muli %while3A_69, %while3A_68 : i32
    %while3A_71 = arith.addi %while3A, %while3A_70 : i32
    %while3A_72 = arith.constant 1 : i32
    %while3A_73:4 = scf.for %while3A_146 = %while3A to %while3A_71 step %while3A_72 iter_args(%while3A_147 = %broadcast_in_dim3A_59, %while3A_148 = %broadcast_in_dim3A_61, %while3A_149 = %broadcast_in_dim3A_63, %while3A_150 = %broadcast_in_dim3A_65) -> (vector<128x128xf32>, vector<128x1xf32>, vector<128x8xf32>, vector<128x1xf32>)  : i32 {
      %add3A_151 = arith.addi %get3A_0, %while3A_146 : i32
      %get3A_152 = arith.index_cast %add3A_151 : i32 to index
      %get3A_153 = arith.constant 0 : index
      %get3A_154 = arith.constant 0 : index
      %get3A_155 = vector.load %arg8[%get3A_152, %get3A_153, %get3A_154] : memref<99x8x128xf32, #tpu.memory_space<vmem>>, vector<1x8x128xf32>
      %get3A_156 = vector.shape_cast %get3A_155 : vector<1x8x128xf32> to vector<8x128xf32>
      %get3A_157 = arith.index_cast %add3A_151 : i32 to index
      %get3A_158 = arith.constant 0 : index
      %get3A_159 = arith.constant 0 : index
      %get3A_160 = vector.load %arg9[%get3A_157, %get3A_158, %get3A_159] : memref<99x8x128xf32, #tpu.memory_space<vmem>>, vector<1x8x128xf32>
      %get3A_161 = vector.shape_cast %get3A_160 : vector<1x8x128xf32> to vector<8x128xf32>
      %get3A_162 = arith.index_cast %add3A_151 : i32 to index
      %get3A_163 = arith.constant 0 : index
      %get3A_164 = arith.constant 0 : index
      %get3A_165 = vector.load %arg10[%get3A_162, %get3A_163, %get3A_164] : memref<99x128x128xf32, #tpu.memory_space<vmem>>, vector<1x128x128xf32>
      %get3A_166 = vector.shape_cast %get3A_165 : vector<1x128x128xf32> to vector<128x128xf32>
      %get3A_167 = arith.index_cast %add3A_151 : i32 to index
      %get3A_168 = arith.constant 0 : index
      %get3A_169 = arith.constant 0 : index
      %get3A_170 = vector.load %arg11[%get3A_167, %get3A_168, %get3A_169] : memref<99x1x128xi32, #tpu.memory_space<vmem>>, vector<1x1x128xi32>
      %get3A_171 = vector.shape_cast %get3A_170 : vector<1x1x128xi32> to vector<1x128xi32>
      %broadcast_in_dim3A_172 = arith.constant 0.000000e+00 : f32
      %broadcast_in_dim3A_173 = vector.broadcast %broadcast_in_dim3A_172 : f32 to vector<128x128xf32>
      %broadcast_in_dim3A_174 = arith.constant 0.000000e+00 : f32
      %broadcast_in_dim3A_175 = vector.broadcast %broadcast_in_dim3A_174 : f32 to vector<128x128xf32>
      %slice3A = vector.extract_strided_slice %get3A_5 {offsets = [0, 0], sizes = [128, 1], strides = [1, 1]} : vector<128x8xf32> to vector<128x1xf32>
      %slice3A_176 = vector.extract_strided_slice %get3A_156 {offsets = [0, 0], sizes = [1, 128], strides = [1, 1]} : vector<8x128xf32> to vector<1x128xf32>
      %sub3A_177 = vector.broadcast %slice3A : vector<128x1xf32> to vector<128x128xf32>
      %sub3A_178 = vector.broadcast %slice3A_176 : vector<1x128xf32> to vector<128x128xf32>
      %sub3A_179 = arith.subf %sub3A_177, %sub3A_178 : vector<128x128xf32>
      %mul3A_180 = arith.mulf %sub3A_179, %sub3A_179 : vector<128x128xf32>
      %add3A_181 = arith.addf %broadcast_in_dim3A_173, %mul3A_180 : vector<128x128xf32>
      %slice3A_182 = vector.extract_strided_slice %get3A_8 {offsets = [0, 0], sizes = [128, 1], strides = [1, 1]} : vector<128x8xf32> to vector<128x1xf32>
      %slice3A_183 = vector.extract_strided_slice %get3A_161 {offsets = [0, 0], sizes = [1, 128], strides = [1, 1]} : vector<8x128xf32> to vector<1x128xf32>
      %sub3A_184 = vector.broadcast %slice3A_182 : vector<128x1xf32> to vector<128x128xf32>
      %sub3A_185 = vector.broadcast %slice3A_183 : vector<1x128xf32> to vector<128x128xf32>
      %sub3A_186 = arith.subf %sub3A_184, %sub3A_185 : vector<128x128xf32>
      %mul3A_187 = arith.mulf %sub3A_186, %sub3A_186 : vector<128x128xf32>
      %add3A_188 = arith.addf %broadcast_in_dim3A_175, %mul3A_187 : vector<128x128xf32>
      %slice3A_189 = vector.extract_strided_slice %get3A_5 {offsets = [0, 1], sizes = [128, 1], strides = [1, 1]} : vector<128x8xf32> to vector<128x1xf32>
      %slice3A_190 = vector.extract_strided_slice %get3A_156 {offsets = [1, 0], sizes = [1, 128], strides = [1, 1]} : vector<8x128xf32> to vector<1x128xf32>
      %sub3A_191 = vector.broadcast %slice3A_189 : vector<128x1xf32> to vector<128x128xf32>
      %sub3A_192 = vector.broadcast %slice3A_190 : vector<1x128xf32> to vector<128x128xf32>
      %sub3A_193 = arith.subf %sub3A_191, %sub3A_192 : vector<128x128xf32>
      %mul3A_194 = arith.mulf %sub3A_193, %sub3A_193 : vector<128x128xf32>
      %add3A_195 = arith.addf %add3A_181, %mul3A_194 : vector<128x128xf32>
      %slice3A_196 = vector.extract_strided_slice %get3A_8 {offsets = [0, 1], sizes = [128, 1], strides = [1, 1]} : vector<128x8xf32> to vector<128x1xf32>
      %slice3A_197 = vector.extract_strided_slice %get3A_161 {offsets = [1, 0], sizes = [1, 128], strides = [1, 1]} : vector<8x128xf32> to vector<1x128xf32>
      %sub3A_198 = vector.broadcast %slice3A_196 : vector<128x1xf32> to vector<128x128xf32>
      %sub3A_199 = vector.broadcast %slice3A_197 : vector<1x128xf32> to vector<128x128xf32>
      %sub3A_200 = arith.subf %sub3A_198, %sub3A_199 : vector<128x128xf32>
      %mul3A_201 = arith.mulf %sub3A_200, %sub3A_200 : vector<128x128xf32>
      %add3A_202 = arith.addf %add3A_188, %mul3A_201 : vector<128x128xf32>
      %slice3A_203 = vector.extract_strided_slice %get3A_5 {offsets = [0, 2], sizes = [128, 1], strides = [1, 1]} : vector<128x8xf32> to vector<128x1xf32>
      %slice3A_204 = vector.extract_strided_slice %get3A_156 {offsets = [2, 0], sizes = [1, 128], strides = [1, 1]} : vector<8x128xf32> to vector<1x128xf32>
      %sub3A_205 = vector.broadcast %slice3A_203 : vector<128x1xf32> to vector<128x128xf32>
      %sub3A_206 = vector.broadcast %slice3A_204 : vector<1x128xf32> to vector<128x128xf32>
      %sub3A_207 = arith.subf %sub3A_205, %sub3A_206 : vector<128x128xf32>
      %mul3A_208 = arith.mulf %sub3A_207, %sub3A_207 : vector<128x128xf32>
      %add3A_209 = arith.addf %add3A_195, %mul3A_208 : vector<128x128xf32>
      %slice3A_210 = vector.extract_strided_slice %get3A_8 {offsets = [0, 2], sizes = [128, 1], strides = [1, 1]} : vector<128x8xf32> to vector<128x1xf32>
      %slice3A_211 = vector.extract_strided_slice %get3A_161 {offsets = [2, 0], sizes = [1, 128], strides = [1, 1]} : vector<8x128xf32> to vector<1x128xf32>
      %sub3A_212 = vector.broadcast %slice3A_210 : vector<128x1xf32> to vector<128x128xf32>
      %sub3A_213 = vector.broadcast %slice3A_211 : vector<1x128xf32> to vector<128x128xf32>
      %sub3A_214 = arith.subf %sub3A_212, %sub3A_213 : vector<128x128xf32>
      %mul3A_215 = arith.mulf %sub3A_214, %sub3A_214 : vector<128x128xf32>
      %add3A_216 = arith.addf %add3A_202, %mul3A_215 : vector<128x128xf32>
      %mul3A_217 = arith.constant 128 : i32
      %mul3A_218 = arith.muli %add3A_151, %mul3A_217 : i32
      %iota3A_219 = tpu.iota {dimensions = array<i32: 1>} : vector<1x128xi32>
      %add3A_220 = vector.broadcast %mul3A_218 : i32 to vector<1x128xi32>
      %add3A_221 = arith.addi %add3A_220, %iota3A_219 : vector<1x128xi32>
      %le3A = arith.constant 4.900000e-01 : f32
      %le3A_222 = vector.broadcast %le3A : f32 to vector<128x128xf32>
      %le3A_223 = arith.cmpf ole, %add3A_209, %le3A_222 : vector<128x128xf32>
      %eq3A = vector.broadcast %get3A_17 : vector<128x1xi32> to vector<128x128xi32>
      %eq3A_224 = vector.broadcast %get3A_171 : vector<1x128xi32> to vector<128x128xi32>
      %eq3A_225 = arith.cmpi eq, %eq3A, %eq3A_224 : vector<128x128xi32>
      %and3A = arith.andi %le3A_223, %eq3A_225 : vector<128x128xi1>
      %ne3A = vector.broadcast %add3A_58 : vector<128x1xi32> to vector<128x128xi32>
      %ne3A_226 = vector.broadcast %add3A_221 : vector<1x128xi32> to vector<128x128xi32>
      %ne3A_227 = arith.cmpi ne, %ne3A, %ne3A_226 : vector<128x128xi32>
      %and3A_228 = arith.andi %and3A, %ne3A_227 : vector<128x128xi1>
      %convert_element_type3A_229 = arith.extui %and3A_228 : vector<128x128xi1> to vector<128x128xi32>
      %convert_element_type3A_230 = arith.sitofp %convert_element_type3A_229 : vector<128x128xi32> to vector<128x128xf32>
      %convert_element_type3A_231 = arith.truncf %add3A_216 : vector<128x128xf32> to vector<128x128xbf16>
      %broadcast_in_dim3A_232 = vector.shape_cast %convert_element_type3A_53 : vector<128x128xbf16> to vector<128x1x128xbf16>
      %convert_element_type3A_233 = arith.truncf %get3A_166 : vector<128x128xf32> to vector<128x128xbf16>
      %broadcast_in_dim3A_234 = vector.shape_cast %convert_element_type3A_233 : vector<128x128xbf16> to vector<1x128x128xbf16>
      %add3A_235 = vector.broadcast %broadcast_in_dim3A_232 : vector<128x1x128xbf16> to vector<128x128x128xbf16>
      %add3A_236 = vector.broadcast %broadcast_in_dim3A_234 : vector<1x128x128xbf16> to vector<128x128x128xbf16>
      %add3A_237 = arith.addf %add3A_235, %add3A_236 : vector<128x128x128xbf16>
      %broadcast_in_dim3A_238 = vector.shape_cast %convert_element_type3A_231 : vector<128x128xbf16> to vector<128x128x1xbf16>
      %broadcast_in_dim3A_239 = vector.shape_cast %convert_element_type3A_56 : vector<1x128xbf16> to vector<1x1x128xbf16>
      %mul3A_240 = vector.broadcast %broadcast_in_dim3A_238 : vector<128x128x1xbf16> to vector<128x128x128xbf16>
      %mul3A_241 = vector.broadcast %broadcast_in_dim3A_239 : vector<1x1x128xbf16> to vector<128x128x128xbf16>
      %mul3A_242 = arith.mulf %mul3A_240, %mul3A_241 : vector<128x128x128xbf16>
      %add3A_243 = arith.addf %add3A_237, %mul3A_242 : vector<128x128x128xbf16>
      %logistic3A_244 = arith.negf %add3A_243 : vector<128x128x128xbf16>
      %logistic3A_245 = math.exp %logistic3A_244 : vector<128x128x128xbf16>
      %logistic3A_246 = arith.constant 1.000000e+00 : bf16
      %logistic3A_247 = vector.broadcast %logistic3A_246 : bf16 to vector<128x128x128xbf16>
      %logistic3A_248 = arith.addf %logistic3A_247, %logistic3A_245 : vector<128x128x128xbf16>
      %logistic3A_249 = arith.divf %logistic3A_247, %logistic3A_248 : vector<128x128x128xbf16>
      %mul3A_250 = arith.mulf %add3A_243, %logistic3A_249 : vector<128x128x128xbf16>
      %reshape3A = vector.shape_cast %mul3A_250 : vector<128x128x128xbf16> to vector<16384x128xbf16>
      %dot_general3A_251 = arith.constant dense<0.000000e+00> : vector<16384x128xf32>
      %dot_general3A_252 = tpu.matmul %reshape3A, %convert_element_type3A, %dot_general3A_251 {dimension_numbers = #tpu.dot_dimension_numbers<[1], [0], [0], [1], [0, 0, 1, 1], [], []>, transpose_lhs_hint = false} : vector<16384x128xbf16>, vector<128x128xbf16>, vector<16384x128xf32> -> vector<16384x128xf32>
      %convert_element_type3A_253 = arith.truncf %dot_general3A_252 : vector<16384x128xf32> to vector<16384x128xbf16>
      %add3A_254 = vector.broadcast %convert_element_type3A_54 : vector<1x128xbf16> to vector<16384x128xbf16>
      %add3A_255 = arith.addf %convert_element_type3A_253, %add3A_254 : vector<16384x128xbf16>
      %logistic3A_256 = arith.negf %add3A_255 : vector<16384x128xbf16>
      %logistic3A_257 = math.exp %logistic3A_256 : vector<16384x128xbf16>
      %logistic3A_258 = arith.constant 1.000000e+00 : bf16
      %logistic3A_259 = vector.broadcast %logistic3A_258 : bf16 to vector<16384x128xbf16>
      %logistic3A_260 = arith.addf %logistic3A_259, %logistic3A_257 : vector<16384x128xbf16>
      %logistic3A_261 = arith.divf %logistic3A_259, %logistic3A_260 : vector<16384x128xbf16>
      %mul3A_262 = arith.mulf %add3A_255, %logistic3A_261 : vector<16384x128xbf16>
      %dot_general3A_263 = arith.constant dense<0.000000e+00> : vector<16384x128xf32>
      %dot_general3A_264 = tpu.matmul %mul3A_262, %convert_element_type3A_48, %dot_general3A_263 {dimension_numbers = #tpu.dot_dimension_numbers<[1], [0], [0], [1], [0, 0, 1, 1], [], []>, transpose_lhs_hint = false} : vector<16384x128xbf16>, vector<128x128xbf16>, vector<16384x128xf32> -> vector<16384x128xf32>
      %convert_element_type3A_265 = arith.truncf %dot_general3A_264 : vector<16384x128xf32> to vector<16384x128xbf16>
      %add3A_266 = vector.broadcast %convert_element_type3A_55 : vector<1x128xbf16> to vector<16384x128xbf16>
      %add3A_267 = arith.addf %convert_element_type3A_265, %add3A_266 : vector<16384x128xbf16>
      %logistic3A_268 = arith.negf %add3A_267 : vector<16384x128xbf16>
      %logistic3A_269 = math.exp %logistic3A_268 : vector<16384x128xbf16>
      %logistic3A_270 = arith.constant 1.000000e+00 : bf16
      %logistic3A_271 = vector.broadcast %logistic3A_270 : bf16 to vector<16384x128xbf16>
      %logistic3A_272 = arith.addf %logistic3A_271, %logistic3A_269 : vector<16384x128xbf16>
      %logistic3A_273 = arith.divf %logistic3A_271, %logistic3A_272 : vector<16384x128xbf16>
      %mul3A_274 = arith.mulf %add3A_267, %logistic3A_273 : vector<16384x128xbf16>
      %dot_general3A_275 = arith.constant dense<0.000000e+00> : vector<16384x8xf32>
      %dot_general3A_276 = tpu.matmul %mul3A_274, %convert_element_type3A_52, %dot_general3A_275 {dimension_numbers = #tpu.dot_dimension_numbers<[1], [0], [0], [1], [0, 0, 1, 1], [], []>, transpose_lhs_hint = false} : vector<16384x128xbf16>, vector<128x8xbf16>, vector<16384x8xf32> -> vector<16384x8xf32>
      %reshape3A_277 = vector.shape_cast %dot_general3A_276 : vector<16384x8xf32> to vector<128x128x8xf32>
      %reduce_sum3A_278 = arith.constant dense<0.000000e+00> : vector<128x128xf32>
      %reduce_sum3A_279 = vector.multi_reduction <add>, %reshape3A_277, %reduce_sum3A_278 [2] : vector<128x128x8xf32> to vector<128x128xf32>
      %add3A_280 = vector.broadcast %get3A_29 : vector<1x128xf32> to vector<128x128xf32>
      %add3A_281 = arith.addf %reduce_sum3A_279, %add3A_280 : vector<128x128xf32>
      %mul3A_282 = arith.mulf %add3A_281, %convert_element_type3A_230 : vector<128x128xf32>
      %reshape3A_283 = vector.shape_cast %mul3A_262 : vector<16384x128xbf16> to vector<128x128x128xbf16>
      %reshape3A_284 = vector.shape_cast %convert_element_type3A_230 : vector<128x128xf32> to vector<128x1x128xf32>
      %convert_element_type3A_285 = arith.truncf %reshape3A_284 : vector<128x1x128xf32> to vector<128x1x128xbf16>
      %dot_general3A_286 = arith.constant dense<0.000000e+00> : vector<128x1x128xf32>
      %dot_general3A_287 = tpu.matmul %convert_element_type3A_285, %reshape3A_283, %dot_general3A_286 {dimension_numbers = #tpu.dot_dimension_numbers<[2], [1], [1], [2], [0, 0, 0, 1, 1, 2], [0], [0]>, transpose_lhs_hint = false} : vector<128x1x128xbf16>, vector<128x128x128xbf16>, vector<128x1x128xf32> -> vector<128x1x128xf32>
      %reshape3A_288 = vector.shape_cast %dot_general3A_287 : vector<128x1x128xf32> to vector<128x128xf32>
      %add3A_289 = arith.addf %while3A_147, %reshape3A_288 : vector<128x128xf32>
      %reduce_sum3A_290 = arith.constant dense<0.000000e+00> : vector<128xf32>
      %reduce_sum3A_291 = vector.multi_reduction <add>, %mul3A_282, %reduce_sum3A_290 [1] : vector<128x128xf32> to vector<128xf32>
      %broadcast_in_dim3A_292 = vector.shape_cast %reduce_sum3A_291 : vector<128xf32> to vector<128x1xf32>
      %add3A_293 = arith.addf %while3A_148, %broadcast_in_dim3A_292 : vector<128x1xf32>
      %dot_general3A_294 = arith.constant dense<0.000000e+00> : vector<128x8xf32>
      %dot_general3A_295 = tpu.matmul %mul3A_282, %get3A_161, %dot_general3A_294 {dimension_numbers = #tpu.dot_dimension_numbers<[1], [1], [0], [0], [0, 0, 1, 0], [], []>, transpose_lhs_hint = false} : vector<128x128xf32>, vector<8x128xf32>, vector<128x8xf32> -> vector<128x8xf32>
      %add3A_296 = arith.addf %while3A_149, %dot_general3A_295 : vector<128x8xf32>
      %reduce_sum3A_297 = arith.constant dense<0.000000e+00> : vector<128xf32>
      %reduce_sum3A_298 = vector.multi_reduction <add>, %convert_element_type3A_230, %reduce_sum3A_297 [1] : vector<128x128xf32> to vector<128xf32>
      %broadcast_in_dim3A_299 = vector.shape_cast %reduce_sum3A_298 : vector<128xf32> to vector<128x1xf32>
      %add3A_300 = arith.addf %while3A_150, %broadcast_in_dim3A_299 : vector<128x1xf32>
      scf.yield %add3A_289, %add3A_293, %add3A_296, %add3A_300 : vector<128x128xf32>, vector<128x1xf32>, vector<128x8xf32>, vector<128x1xf32>
    }
    %while3A_74 = arith.constant 1 : i32
    %while3A_75:4 = scf.for %while3A_146 = %while3A_71 to %while3A_67 step %while3A_74 iter_args(%while3A_147 = %while3A_73#0, %while3A_148 = %while3A_73#1, %while3A_149 = %while3A_73#2, %while3A_150 = %while3A_73#3) -> (vector<128x128xf32>, vector<128x1xf32>, vector<128x8xf32>, vector<128x1xf32>)  : i32 {
      %add3A_151 = arith.addi %get3A_0, %while3A_146 : i32
      %get3A_152 = arith.index_cast %add3A_151 : i32 to index
      %get3A_153 = arith.constant 0 : index
      %get3A_154 = arith.constant 0 : index
      %get3A_155 = vector.load %arg8[%get3A_152, %get3A_153, %get3A_154] : memref<99x8x128xf32, #tpu.memory_space<vmem>>, vector<1x8x128xf32>
      %get3A_156 = vector.shape_cast %get3A_155 : vector<1x8x128xf32> to vector<8x128xf32>
      %get3A_157 = arith.index_cast %add3A_151 : i32 to index
      %get3A_158 = arith.constant 0 : index
      %get3A_159 = arith.constant 0 : index
      %get3A_160 = vector.load %arg9[%get3A_157, %get3A_158, %get3A_159] : memref<99x8x128xf32, #tpu.memory_space<vmem>>, vector<1x8x128xf32>
      %get3A_161 = vector.shape_cast %get3A_160 : vector<1x8x128xf32> to vector<8x128xf32>
      %get3A_162 = arith.index_cast %add3A_151 : i32 to index
      %get3A_163 = arith.constant 0 : index
      %get3A_164 = arith.constant 0 : index
      %get3A_165 = vector.load %arg10[%get3A_162, %get3A_163, %get3A_164] : memref<99x128x128xf32, #tpu.memory_space<vmem>>, vector<1x128x128xf32>
      %get3A_166 = vector.shape_cast %get3A_165 : vector<1x128x128xf32> to vector<128x128xf32>
      %get3A_167 = arith.index_cast %add3A_151 : i32 to index
      %get3A_168 = arith.constant 0 : index
      %get3A_169 = arith.constant 0 : index
      %get3A_170 = vector.load %arg11[%get3A_167, %get3A_168, %get3A_169] : memref<99x1x128xi32, #tpu.memory_space<vmem>>, vector<1x1x128xi32>
      %get3A_171 = vector.shape_cast %get3A_170 : vector<1x1x128xi32> to vector<1x128xi32>
      %broadcast_in_dim3A_172 = arith.constant 0.000000e+00 : f32
      %broadcast_in_dim3A_173 = vector.broadcast %broadcast_in_dim3A_172 : f32 to vector<128x128xf32>
      %broadcast_in_dim3A_174 = arith.constant 0.000000e+00 : f32
      %broadcast_in_dim3A_175 = vector.broadcast %broadcast_in_dim3A_174 : f32 to vector<128x128xf32>
      %slice3A = vector.extract_strided_slice %get3A_5 {offsets = [0, 0], sizes = [128, 1], strides = [1, 1]} : vector<128x8xf32> to vector<128x1xf32>
      %slice3A_176 = vector.extract_strided_slice %get3A_156 {offsets = [0, 0], sizes = [1, 128], strides = [1, 1]} : vector<8x128xf32> to vector<1x128xf32>
      %sub3A_177 = vector.broadcast %slice3A : vector<128x1xf32> to vector<128x128xf32>
      %sub3A_178 = vector.broadcast %slice3A_176 : vector<1x128xf32> to vector<128x128xf32>
      %sub3A_179 = arith.subf %sub3A_177, %sub3A_178 : vector<128x128xf32>
      %mul3A_180 = arith.mulf %sub3A_179, %sub3A_179 : vector<128x128xf32>
      %add3A_181 = arith.addf %broadcast_in_dim3A_173, %mul3A_180 : vector<128x128xf32>
      %slice3A_182 = vector.extract_strided_slice %get3A_8 {offsets = [0, 0], sizes = [128, 1], strides = [1, 1]} : vector<128x8xf32> to vector<128x1xf32>
      %slice3A_183 = vector.extract_strided_slice %get3A_161 {offsets = [0, 0], sizes = [1, 128], strides = [1, 1]} : vector<8x128xf32> to vector<1x128xf32>
      %sub3A_184 = vector.broadcast %slice3A_182 : vector<128x1xf32> to vector<128x128xf32>
      %sub3A_185 = vector.broadcast %slice3A_183 : vector<1x128xf32> to vector<128x128xf32>
      %sub3A_186 = arith.subf %sub3A_184, %sub3A_185 : vector<128x128xf32>
      %mul3A_187 = arith.mulf %sub3A_186, %sub3A_186 : vector<128x128xf32>
      %add3A_188 = arith.addf %broadcast_in_dim3A_175, %mul3A_187 : vector<128x128xf32>
      %slice3A_189 = vector.extract_strided_slice %get3A_5 {offsets = [0, 1], sizes = [128, 1], strides = [1, 1]} : vector<128x8xf32> to vector<128x1xf32>
      %slice3A_190 = vector.extract_strided_slice %get3A_156 {offsets = [1, 0], sizes = [1, 128], strides = [1, 1]} : vector<8x128xf32> to vector<1x128xf32>
      %sub3A_191 = vector.broadcast %slice3A_189 : vector<128x1xf32> to vector<128x128xf32>
      %sub3A_192 = vector.broadcast %slice3A_190 : vector<1x128xf32> to vector<128x128xf32>
      %sub3A_193 = arith.subf %sub3A_191, %sub3A_192 : vector<128x128xf32>
      %mul3A_194 = arith.mulf %sub3A_193, %sub3A_193 : vector<128x128xf32>
      %add3A_195 = arith.addf %add3A_181, %mul3A_194 : vector<128x128xf32>
      %slice3A_196 = vector.extract_strided_slice %get3A_8 {offsets = [0, 1], sizes = [128, 1], strides = [1, 1]} : vector<128x8xf32> to vector<128x1xf32>
      %slice3A_197 = vector.extract_strided_slice %get3A_161 {offsets = [1, 0], sizes = [1, 128], strides = [1, 1]} : vector<8x128xf32> to vector<1x128xf32>
      %sub3A_198 = vector.broadcast %slice3A_196 : vector<128x1xf32> to vector<128x128xf32>
      %sub3A_199 = vector.broadcast %slice3A_197 : vector<1x128xf32> to vector<128x128xf32>
      %sub3A_200 = arith.subf %sub3A_198, %sub3A_199 : vector<128x128xf32>
      %mul3A_201 = arith.mulf %sub3A_200, %sub3A_200 : vector<128x128xf32>
      %add3A_202 = arith.addf %add3A_188, %mul3A_201 : vector<128x128xf32>
      %slice3A_203 = vector.extract_strided_slice %get3A_5 {offsets = [0, 2], sizes = [128, 1], strides = [1, 1]} : vector<128x8xf32> to vector<128x1xf32>
      %slice3A_204 = vector.extract_strided_slice %get3A_156 {offsets = [2, 0], sizes = [1, 128], strides = [1, 1]} : vector<8x128xf32> to vector<1x128xf32>
      %sub3A_205 = vector.broadcast %slice3A_203 : vector<128x1xf32> to vector<128x128xf32>
      %sub3A_206 = vector.broadcast %slice3A_204 : vector<1x128xf32> to vector<128x128xf32>
      %sub3A_207 = arith.subf %sub3A_205, %sub3A_206 : vector<128x128xf32>
      %mul3A_208 = arith.mulf %sub3A_207, %sub3A_207 : vector<128x128xf32>
      %add3A_209 = arith.addf %add3A_195, %mul3A_208 : vector<128x128xf32>
      %slice3A_210 = vector.extract_strided_slice %get3A_8 {offsets = [0, 2], sizes = [128, 1], strides = [1, 1]} : vector<128x8xf32> to vector<128x1xf32>
      %slice3A_211 = vector.extract_strided_slice %get3A_161 {offsets = [2, 0], sizes = [1, 128], strides = [1, 1]} : vector<8x128xf32> to vector<1x128xf32>
      %sub3A_212 = vector.broadcast %slice3A_210 : vector<128x1xf32> to vector<128x128xf32>
      %sub3A_213 = vector.broadcast %slice3A_211 : vector<1x128xf32> to vector<128x128xf32>
      %sub3A_214 = arith.subf %sub3A_212, %sub3A_213 : vector<128x128xf32>
      %mul3A_215 = arith.mulf %sub3A_214, %sub3A_214 : vector<128x128xf32>
      %add3A_216 = arith.addf %add3A_202, %mul3A_215 : vector<128x128xf32>
      %mul3A_217 = arith.constant 128 : i32
      %mul3A_218 = arith.muli %add3A_151, %mul3A_217 : i32
      %iota3A_219 = tpu.iota {dimensions = array<i32: 1>} : vector<1x128xi32>
      %add3A_220 = vector.broadcast %mul3A_218 : i32 to vector<1x128xi32>
      %add3A_221 = arith.addi %add3A_220, %iota3A_219 : vector<1x128xi32>
      %le3A = arith.constant 4.900000e-01 : f32
      %le3A_222 = vector.broadcast %le3A : f32 to vector<128x128xf32>
      %le3A_223 = arith.cmpf ole, %add3A_209, %le3A_222 : vector<128x128xf32>
      %eq3A = vector.broadcast %get3A_17 : vector<128x1xi32> to vector<128x128xi32>
      %eq3A_224 = vector.broadcast %get3A_171 : vector<1x128xi32> to vector<128x128xi32>
      %eq3A_225 = arith.cmpi eq, %eq3A, %eq3A_224 : vector<128x128xi32>
      %and3A = arith.andi %le3A_223, %eq3A_225 : vector<128x128xi1>
      %ne3A = vector.broadcast %add3A_58 : vector<128x1xi32> to vector<128x128xi32>
      %ne3A_226 = vector.broadcast %add3A_221 : vector<1x128xi32> to vector<128x128xi32>
      %ne3A_227 = arith.cmpi ne, %ne3A, %ne3A_226 : vector<128x128xi32>
      %and3A_228 = arith.andi %and3A, %ne3A_227 : vector<128x128xi1>
      %convert_element_type3A_229 = arith.extui %and3A_228 : vector<128x128xi1> to vector<128x128xi32>
      %convert_element_type3A_230 = arith.sitofp %convert_element_type3A_229 : vector<128x128xi32> to vector<128x128xf32>
      %convert_element_type3A_231 = arith.truncf %add3A_216 : vector<128x128xf32> to vector<128x128xbf16>
      %broadcast_in_dim3A_232 = vector.shape_cast %convert_element_type3A_53 : vector<128x128xbf16> to vector<128x1x128xbf16>
      %convert_element_type3A_233 = arith.truncf %get3A_166 : vector<128x128xf32> to vector<128x128xbf16>
      %broadcast_in_dim3A_234 = vector.shape_cast %convert_element_type3A_233 : vector<128x128xbf16> to vector<1x128x128xbf16>
      %add3A_235 = vector.broadcast %broadcast_in_dim3A_232 : vector<128x1x128xbf16> to vector<128x128x128xbf16>
      %add3A_236 = vector.broadcast %broadcast_in_dim3A_234 : vector<1x128x128xbf16> to vector<128x128x128xbf16>
      %add3A_237 = arith.addf %add3A_235, %add3A_236 : vector<128x128x128xbf16>
      %broadcast_in_dim3A_238 = vector.shape_cast %convert_element_type3A_231 : vector<128x128xbf16> to vector<128x128x1xbf16>
      %broadcast_in_dim3A_239 = vector.shape_cast %convert_element_type3A_56 : vector<1x128xbf16> to vector<1x1x128xbf16>
      %mul3A_240 = vector.broadcast %broadcast_in_dim3A_238 : vector<128x128x1xbf16> to vector<128x128x128xbf16>
      %mul3A_241 = vector.broadcast %broadcast_in_dim3A_239 : vector<1x1x128xbf16> to vector<128x128x128xbf16>
      %mul3A_242 = arith.mulf %mul3A_240, %mul3A_241 : vector<128x128x128xbf16>
      %add3A_243 = arith.addf %add3A_237, %mul3A_242 : vector<128x128x128xbf16>
      %logistic3A_244 = arith.negf %add3A_243 : vector<128x128x128xbf16>
      %logistic3A_245 = math.exp %logistic3A_244 : vector<128x128x128xbf16>
      %logistic3A_246 = arith.constant 1.000000e+00 : bf16
      %logistic3A_247 = vector.broadcast %logistic3A_246 : bf16 to vector<128x128x128xbf16>
      %logistic3A_248 = arith.addf %logistic3A_247, %logistic3A_245 : vector<128x128x128xbf16>
      %logistic3A_249 = arith.divf %logistic3A_247, %logistic3A_248 : vector<128x128x128xbf16>
      %mul3A_250 = arith.mulf %add3A_243, %logistic3A_249 : vector<128x128x128xbf16>
      %reshape3A = vector.shape_cast %mul3A_250 : vector<128x128x128xbf16> to vector<16384x128xbf16>
      %dot_general3A_251 = arith.constant dense<0.000000e+00> : vector<16384x128xf32>
      %dot_general3A_252 = tpu.matmul %reshape3A, %convert_element_type3A, %dot_general3A_251 {dimension_numbers = #tpu.dot_dimension_numbers<[1], [0], [0], [1], [0, 0, 1, 1], [], []>, transpose_lhs_hint = false} : vector<16384x128xbf16>, vector<128x128xbf16>, vector<16384x128xf32> -> vector<16384x128xf32>
      %convert_element_type3A_253 = arith.truncf %dot_general3A_252 : vector<16384x128xf32> to vector<16384x128xbf16>
      %add3A_254 = vector.broadcast %convert_element_type3A_54 : vector<1x128xbf16> to vector<16384x128xbf16>
      %add3A_255 = arith.addf %convert_element_type3A_253, %add3A_254 : vector<16384x128xbf16>
      %logistic3A_256 = arith.negf %add3A_255 : vector<16384x128xbf16>
      %logistic3A_257 = math.exp %logistic3A_256 : vector<16384x128xbf16>
      %logistic3A_258 = arith.constant 1.000000e+00 : bf16
      %logistic3A_259 = vector.broadcast %logistic3A_258 : bf16 to vector<16384x128xbf16>
      %logistic3A_260 = arith.addf %logistic3A_259, %logistic3A_257 : vector<16384x128xbf16>
      %logistic3A_261 = arith.divf %logistic3A_259, %logistic3A_260 : vector<16384x128xbf16>
      %mul3A_262 = arith.mulf %add3A_255, %logistic3A_261 : vector<16384x128xbf16>
      %dot_general3A_263 = arith.constant dense<0.000000e+00> : vector<16384x128xf32>
      %dot_general3A_264 = tpu.matmul %mul3A_262, %convert_element_type3A_48, %dot_general3A_263 {dimension_numbers = #tpu.dot_dimension_numbers<[1], [0], [0], [1], [0, 0, 1, 1], [], []>, transpose_lhs_hint = false} : vector<16384x128xbf16>, vector<128x128xbf16>, vector<16384x128xf32> -> vector<16384x128xf32>
      %convert_element_type3A_265 = arith.truncf %dot_general3A_264 : vector<16384x128xf32> to vector<16384x128xbf16>
      %add3A_266 = vector.broadcast %convert_element_type3A_55 : vector<1x128xbf16> to vector<16384x128xbf16>
      %add3A_267 = arith.addf %convert_element_type3A_265, %add3A_266 : vector<16384x128xbf16>
      %logistic3A_268 = arith.negf %add3A_267 : vector<16384x128xbf16>
      %logistic3A_269 = math.exp %logistic3A_268 : vector<16384x128xbf16>
      %logistic3A_270 = arith.constant 1.000000e+00 : bf16
      %logistic3A_271 = vector.broadcast %logistic3A_270 : bf16 to vector<16384x128xbf16>
      %logistic3A_272 = arith.addf %logistic3A_271, %logistic3A_269 : vector<16384x128xbf16>
      %logistic3A_273 = arith.divf %logistic3A_271, %logistic3A_272 : vector<16384x128xbf16>
      %mul3A_274 = arith.mulf %add3A_267, %logistic3A_273 : vector<16384x128xbf16>
      %dot_general3A_275 = arith.constant dense<0.000000e+00> : vector<16384x8xf32>
      %dot_general3A_276 = tpu.matmul %mul3A_274, %convert_element_type3A_52, %dot_general3A_275 {dimension_numbers = #tpu.dot_dimension_numbers<[1], [0], [0], [1], [0, 0, 1, 1], [], []>, transpose_lhs_hint = false} : vector<16384x128xbf16>, vector<128x8xbf16>, vector<16384x8xf32> -> vector<16384x8xf32>
      %reshape3A_277 = vector.shape_cast %dot_general3A_276 : vector<16384x8xf32> to vector<128x128x8xf32>
      %reduce_sum3A_278 = arith.constant dense<0.000000e+00> : vector<128x128xf32>
      %reduce_sum3A_279 = vector.multi_reduction <add>, %reshape3A_277, %reduce_sum3A_278 [2] : vector<128x128x8xf32> to vector<128x128xf32>
      %add3A_280 = vector.broadcast %get3A_29 : vector<1x128xf32> to vector<128x128xf32>
      %add3A_281 = arith.addf %reduce_sum3A_279, %add3A_280 : vector<128x128xf32>
      %mul3A_282 = arith.mulf %add3A_281, %convert_element_type3A_230 : vector<128x128xf32>
      %reshape3A_283 = vector.shape_cast %mul3A_262 : vector<16384x128xbf16> to vector<128x128x128xbf16>
      %reshape3A_284 = vector.shape_cast %convert_element_type3A_230 : vector<128x128xf32> to vector<128x1x128xf32>
      %convert_element_type3A_285 = arith.truncf %reshape3A_284 : vector<128x1x128xf32> to vector<128x1x128xbf16>
      %dot_general3A_286 = arith.constant dense<0.000000e+00> : vector<128x1x128xf32>
      %dot_general3A_287 = tpu.matmul %convert_element_type3A_285, %reshape3A_283, %dot_general3A_286 {dimension_numbers = #tpu.dot_dimension_numbers<[2], [1], [1], [2], [0, 0, 0, 1, 1, 2], [0], [0]>, transpose_lhs_hint = false} : vector<128x1x128xbf16>, vector<128x128x128xbf16>, vector<128x1x128xf32> -> vector<128x1x128xf32>
      %reshape3A_288 = vector.shape_cast %dot_general3A_287 : vector<128x1x128xf32> to vector<128x128xf32>
      %add3A_289 = arith.addf %while3A_147, %reshape3A_288 : vector<128x128xf32>
      %reduce_sum3A_290 = arith.constant dense<0.000000e+00> : vector<128xf32>
      %reduce_sum3A_291 = vector.multi_reduction <add>, %mul3A_282, %reduce_sum3A_290 [1] : vector<128x128xf32> to vector<128xf32>
      %broadcast_in_dim3A_292 = vector.shape_cast %reduce_sum3A_291 : vector<128xf32> to vector<128x1xf32>
      %add3A_293 = arith.addf %while3A_148, %broadcast_in_dim3A_292 : vector<128x1xf32>
      %dot_general3A_294 = arith.constant dense<0.000000e+00> : vector<128x8xf32>
      %dot_general3A_295 = tpu.matmul %mul3A_282, %get3A_161, %dot_general3A_294 {dimension_numbers = #tpu.dot_dimension_numbers<[1], [1], [0], [0], [0, 0, 1, 0], [], []>, transpose_lhs_hint = false} : vector<128x128xf32>, vector<8x128xf32>, vector<128x8xf32> -> vector<128x8xf32>
      %add3A_296 = arith.addf %while3A_149, %dot_general3A_295 : vector<128x8xf32>
      %reduce_sum3A_297 = arith.constant dense<0.000000e+00> : vector<128xf32>
      %reduce_sum3A_298 = vector.multi_reduction <add>, %convert_element_type3A_230, %reduce_sum3A_297 [1] : vector<128x128xf32> to vector<128xf32>
      %broadcast_in_dim3A_299 = vector.shape_cast %reduce_sum3A_298 : vector<128xf32> to vector<128x1xf32>
      %add3A_300 = arith.addf %while3A_150, %broadcast_in_dim3A_299 : vector<128x1xf32>
      scf.yield %add3A_289, %add3A_293, %add3A_296, %add3A_300 : vector<128x128xf32>, vector<128x1xf32>, vector<128x8xf32>, vector<128x1xf32>
    }
    %max3A = arith.constant 1.000000e+00 : f32
    %max3A_76 = vector.broadcast %max3A : f32 to vector<128x1xf32>
    %max3A_77 = arith.maximumf %while3A_75#3, %max3A_76 : vector<128x1xf32>
    %mul3A_78 = vector.broadcast %while3A_75#1 : vector<128x1xf32> to vector<128x8xf32>
    %mul3A_79 = arith.mulf %get3A_8, %mul3A_78 : vector<128x8xf32>
    %sub3A = arith.subf %mul3A_79, %while3A_75#2 : vector<128x8xf32>
    %div3A = vector.broadcast %max3A_77 : vector<128x1xf32> to vector<128x8xf32>
    %div3A_80 = arith.divf %sub3A, %div3A : vector<128x8xf32>
    %add3A_81 = arith.addf %get3A_8, %div3A_80 : vector<128x8xf32>
    %div3A_82 = vector.broadcast %max3A_77 : vector<128x1xf32> to vector<128x128xf32>
    %div3A_83 = arith.divf %while3A_75#0, %div3A_82 : vector<128x128xf32>
    %concatenate3A = tpu.concatenate %get3A_11, %div3A_83 in 1 : vector<128x128xf32>, vector<128x128xf32> -> vector<128x256xf32>
    %get3A_84 = arith.constant 0 : index
    %get3A_85 = arith.constant 0 : index
    %get3A_86 = vector.load %arg15[%get3A_84, %get3A_85] : memref<256x128xf32, #tpu.memory_space<vmem>>, vector<256x128xf32>
    %dot_general3A = arith.constant dense<0.000000e+00> : vector<128x128xf32>
    %dot_general3A_87 = tpu.matmul %concatenate3A, %get3A_86, %dot_general3A {dimension_numbers = #tpu.dot_dimension_numbers<[1], [0], [0], [1], [0, 0, 1, 1], [], []>, transpose_lhs_hint = false} : vector<128x256xf32>, vector<256x128xf32>, vector<128x128xf32> -> vector<128x128xf32>
    %add3A_88 = vector.broadcast %get3A_32 : vector<1x128xf32> to vector<128x128xf32>
    %add3A_89 = arith.addf %dot_general3A_87, %add3A_88 : vector<128x128xf32>
    %logistic3A = arith.negf %add3A_89 : vector<128x128xf32>
    %logistic3A_90 = math.exp %logistic3A : vector<128x128xf32>
    %logistic3A_91 = arith.constant 1.000000e+00 : f32
    %logistic3A_92 = vector.broadcast %logistic3A_91 : f32 to vector<128x128xf32>
    %logistic3A_93 = arith.addf %logistic3A_92, %logistic3A_90 : vector<128x128xf32>
    %logistic3A_94 = arith.divf %logistic3A_92, %logistic3A_93 : vector<128x128xf32>
    %mul3A_95 = arith.mulf %add3A_89, %logistic3A_94 : vector<128x128xf32>
    %get3A_96 = arith.constant 0 : index
    %get3A_97 = arith.constant 0 : index
    %get3A_98 = vector.load %arg16[%get3A_96, %get3A_97] : memref<128x128xf32, #tpu.memory_space<vmem>>, vector<128x128xf32>
    %dot_general3A_99 = arith.constant dense<0.000000e+00> : vector<128x128xf32>
    %dot_general3A_100 = tpu.matmul %mul3A_95, %get3A_98, %dot_general3A_99 {dimension_numbers = #tpu.dot_dimension_numbers<[1], [0], [0], [1], [0, 0, 1, 1], [], []>, transpose_lhs_hint = false} : vector<128x128xf32>, vector<128x128xf32>, vector<128x128xf32> -> vector<128x128xf32>
    %add3A_101 = arith.addf %get3A_11, %dot_general3A_100 : vector<128x128xf32>
    %add3A_102 = vector.broadcast %get3A_35 : vector<1x128xf32> to vector<128x128xf32>
    %add3A_103 = arith.addf %add3A_101, %add3A_102 : vector<128x128xf32>
    %reduce_sum3A = arith.constant dense<0.000000e+00> : vector<128xf32>
    %reduce_sum3A_104 = vector.multi_reduction <add>, %add3A_103, %reduce_sum3A [1] : vector<128x128xf32> to vector<128xf32>
    %broadcast_in_dim3A_105 = vector.shape_cast %reduce_sum3A_104 : vector<128xf32> to vector<128x1xf32>
    %div3A_106 = arith.constant 1.280000e+02 : f32
    %div3A_107 = vector.broadcast %div3A_106 : f32 to vector<128x1xf32>
    %div3A_108 = arith.divf %broadcast_in_dim3A_105, %div3A_107 : vector<128x1xf32>
    %sub3A_109 = vector.broadcast %div3A_108 : vector<128x1xf32> to vector<128x128xf32>
    %sub3A_110 = arith.subf %add3A_103, %sub3A_109 : vector<128x128xf32>
    %integer_pow3A = arith.mulf %sub3A_110, %sub3A_110 : vector<128x128xf32>
    %reduce_sum3A_111 = arith.constant dense<0.000000e+00> : vector<128xf32>
    %reduce_sum3A_112 = vector.multi_reduction <add>, %integer_pow3A, %reduce_sum3A_111 [1] : vector<128x128xf32> to vector<128xf32>
    %broadcast_in_dim3A_113 = vector.shape_cast %reduce_sum3A_112 : vector<128xf32> to vector<128x1xf32>
    %div3A_114 = arith.constant 1.280000e+02 : f32
    %div3A_115 = vector.broadcast %div3A_114 : f32 to vector<128x1xf32>
    %div3A_116 = arith.divf %broadcast_in_dim3A_113, %div3A_115 : vector<128x1xf32>
    %sub3A_117 = vector.broadcast %div3A_108 : vector<128x1xf32> to vector<128x128xf32>
    %sub3A_118 = arith.subf %add3A_103, %sub3A_117 : vector<128x128xf32>
    %add3A_119 = arith.constant 9.99999974E-6 : f32
    %add3A_120 = vector.broadcast %add3A_119 : f32 to vector<128x1xf32>
    %add3A_121 = arith.addf %div3A_116, %add3A_120 : vector<128x1xf32>
    %rsqrt3A = math.rsqrt %add3A_121 : vector<128x1xf32>
    %mul3A_122 = vector.broadcast %rsqrt3A : vector<128x1xf32> to vector<128x128xf32>
    %mul3A_123 = arith.mulf %sub3A_118, %mul3A_122 : vector<128x128xf32>
    %mul3A_124 = vector.broadcast %get3A_38 : vector<1x128xf32> to vector<128x128xf32>
    %mul3A_125 = arith.mulf %mul3A_123, %mul3A_124 : vector<128x128xf32>
    %add3A_126 = vector.broadcast %get3A_41 : vector<1x128xf32> to vector<128x128xf32>
    %add3A_127 = arith.addf %mul3A_125, %add3A_126 : vector<128x128xf32>
    %logistic3A_128 = arith.negf %add3A_127 : vector<128x128xf32>
    %logistic3A_129 = math.exp %logistic3A_128 : vector<128x128xf32>
    %logistic3A_130 = arith.constant 1.000000e+00 : f32
    %logistic3A_131 = vector.broadcast %logistic3A_130 : f32 to vector<128x128xf32>
    %logistic3A_132 = arith.addf %logistic3A_131, %logistic3A_129 : vector<128x128xf32>
    %logistic3A_133 = arith.divf %logistic3A_131, %logistic3A_132 : vector<128x128xf32>
    %mul3A_134 = arith.mulf %add3A_127, %logistic3A_133 : vector<128x128xf32>
    %swap3A = arith.constant 0 : index
    %swap3A_135 = arith.constant 0 : index
    %swap3A_136 = vector.load %arg20[%swap3A, %swap3A_135] : memref<128x128xf32, #tpu.memory_space<vmem>>, vector<128x128xf32>
    tpu.vector_store %arg20[%swap3A, %swap3A_135], %mul3A_134 {strides = array<i32>} : memref<128x128xf32, #tpu.memory_space<vmem>>, vector<128x128xf32>,
    %swap3A_137 = arith.constant 0 : index
    %swap3A_138 = arith.constant 0 : index
    %swap3A_139 = vector.load %arg18[%swap3A_137, %swap3A_138] : memref<128x8xf32, #tpu.memory_space<vmem>>, vector<128x8xf32>
    tpu.vector_store %arg18[%swap3A_137, %swap3A_138], %add3A_81 {strides = array<i32>} : memref<128x8xf32, #tpu.memory_space<vmem>>, vector<128x8xf32>,
    %transpose3A = tpu.transpose %add3A_81, [1, 0] : vector<128x8xf32> -> vector<8x128xf32>
    %swap3A_140 = arith.constant 0 : index
    %swap3A_141 = arith.constant 0 : index
    %swap3A_142 = arith.constant 0 : index
    %swap3A_143 = vector.load %arg19[%swap3A_140, %swap3A_141, %swap3A_142] : memref<1x8x128xf32, #tpu.memory_space<vmem>>, vector<1x8x128xf32>
    %swap3A_144 = vector.shape_cast %swap3A_143 : vector<1x8x128xf32> to vector<8x128xf32>
    %swap3A_145 = vector.shape_cast %transpose3A : vector<8x128xf32> to vector<1x8x128xf32>
    tpu.vector_store %arg19[%swap3A_140, %swap3A_141, %swap3A_142], %swap3A_145 {strides = array<i32>} : memref<1x8x128xf32, #tpu.memory_space<vmem>>, vector<1x8x128xf32>,
    return
  }
  func.func @transform_0(%arg0: i32, %arg1: memref<99xi32, #tpu.memory_space<smem>>, %arg2: memref<99xi32, #tpu.memory_space<smem>>) -> (i32, i32) {
    %c0_i32 = arith.constant 0 : i32
    %c0_i32_0 = arith.constant 0 : i32
    return %arg0, %c0_i32 : i32, i32
  }
  func.func @transform_1(%arg0: i32, %arg1: memref<99xi32, #tpu.memory_space<smem>>, %arg2: memref<99xi32, #tpu.memory_space<smem>>) -> (i32, i32) {
    %c0_i32 = arith.constant 0 : i32
    %c0_i32_0 = arith.constant 0 : i32
    return %arg0, %c0_i32 : i32, i32
  }
  func.func @transform_2(%arg0: i32, %arg1: memref<99xi32, #tpu.memory_space<smem>>, %arg2: memref<99xi32, #tpu.memory_space<smem>>) -> (i32, i32) {
    %c0_i32 = arith.constant 0 : i32
    %c0_i32_0 = arith.constant 0 : i32
    return %arg0, %c0_i32 : i32, i32
  }
  func.func @transform_3(%arg0: i32, %arg1: memref<99xi32, #tpu.memory_space<smem>>, %arg2: memref<99xi32, #tpu.memory_space<smem>>) -> (i32, i32) {
    %c0_i32 = arith.constant 0 : i32
    %c0_i32_0 = arith.constant 0 : i32
    return %arg0, %c0_i32 : i32, i32
  }
  func.func @transform_4(%arg0: i32, %arg1: memref<99xi32, #tpu.memory_space<smem>>, %arg2: memref<99xi32, #tpu.memory_space<smem>>) -> (i32, i32) {
    %c0_i32 = arith.constant 0 : i32
    %c0_i32_0 = arith.constant 0 : i32
    return %arg0, %c0_i32 : i32, i32
  }
  func.func @transform_5(%arg0: i32, %arg1: memref<99xi32, #tpu.memory_space<smem>>, %arg2: memref<99xi32, #tpu.memory_space<smem>>) -> (i32, i32, i32) {
    %c0_i32 = arith.constant 0 : i32
    %c0_i32_0 = arith.constant 0 : i32
    %c0_i32_1 = arith.constant 0 : i32
    %c0_i32_2 = arith.constant 0 : i32
    return %c0_i32, %c0_i32_0, %c0_i32_1 : i32, i32, i32
  }
  func.func @transform_6(%arg0: i32, %arg1: memref<99xi32, #tpu.memory_space<smem>>, %arg2: memref<99xi32, #tpu.memory_space<smem>>) -> (i32, i32, i32) {
    %c0_i32 = arith.constant 0 : i32
    %c0_i32_0 = arith.constant 0 : i32
    %c0_i32_1 = arith.constant 0 : i32
    %c0_i32_2 = arith.constant 0 : i32
    return %c0_i32, %c0_i32_0, %c0_i32_1 : i32, i32, i32
  }
  func.func @transform_7(%arg0: i32, %arg1: memref<99xi32, #tpu.memory_space<smem>>, %arg2: memref<99xi32, #tpu.memory_space<smem>>) -> (i32, i32, i32) {
    %c0_i32 = arith.constant 0 : i32
    %c0_i32_0 = arith.constant 0 : i32
    %c0_i32_1 = arith.constant 0 : i32
    %c0_i32_2 = arith.constant 0 : i32
    return %c0_i32, %c0_i32_0, %c0_i32_1 : i32, i32, i32
  }
  func.func @transform_8(%arg0: i32, %arg1: memref<99xi32, #tpu.memory_space<smem>>, %arg2: memref<99xi32, #tpu.memory_space<smem>>) -> (i32, i32, i32) {
    %c0_i32 = arith.constant 0 : i32
    %c0_i32_0 = arith.constant 0 : i32
    %c0_i32_1 = arith.constant 0 : i32
    %c0_i32_2 = arith.constant 0 : i32
    return %c0_i32, %c0_i32_0, %c0_i32_1 : i32, i32, i32
  }
  func.func @transform_9(%arg0: i32, %arg1: memref<99xi32, #tpu.memory_space<smem>>, %arg2: memref<99xi32, #tpu.memory_space<smem>>) -> (i32, i32) {
    %c0_i32 = arith.constant 0 : i32
    %c0_i32_0 = arith.constant 0 : i32
    %c0_i32_1 = arith.constant 0 : i32
    return %c0_i32, %c0_i32_0 : i32, i32
  }
  func.func @transform_10(%arg0: i32, %arg1: memref<99xi32, #tpu.memory_space<smem>>, %arg2: memref<99xi32, #tpu.memory_space<smem>>) -> (i32, i32) {
    %c0_i32 = arith.constant 0 : i32
    %c0_i32_0 = arith.constant 0 : i32
    %c0_i32_1 = arith.constant 0 : i32
    return %c0_i32, %c0_i32_0 : i32, i32
  }
  func.func @transform_11(%arg0: i32, %arg1: memref<99xi32, #tpu.memory_space<smem>>, %arg2: memref<99xi32, #tpu.memory_space<smem>>) -> (i32, i32) {
    %c0_i32 = arith.constant 0 : i32
    %c0_i32_0 = arith.constant 0 : i32
    %c0_i32_1 = arith.constant 0 : i32
    return %c0_i32, %c0_i32_0 : i32, i32
  }
  func.func @transform_12(%arg0: i32, %arg1: memref<99xi32, #tpu.memory_space<smem>>, %arg2: memref<99xi32, #tpu.memory_space<smem>>) -> (i32, i32) {
    %c0_i32 = arith.constant 0 : i32
    %c0_i32_0 = arith.constant 0 : i32
    %c0_i32_1 = arith.constant 0 : i32
    return %c0_i32, %c0_i32_0 : i32, i32
  }
  func.func @transform_13(%arg0: i32, %arg1: memref<99xi32, #tpu.memory_space<smem>>, %arg2: memref<99xi32, #tpu.memory_space<smem>>) -> (i32, i32) {
    %c0_i32 = arith.constant 0 : i32
    %c0_i32_0 = arith.constant 0 : i32
    %c0_i32_1 = arith.constant 0 : i32
    return %c0_i32, %c0_i32_0 : i32, i32
  }
  func.func @transform_14(%arg0: i32, %arg1: memref<99xi32, #tpu.memory_space<smem>>, %arg2: memref<99xi32, #tpu.memory_space<smem>>) -> (i32, i32) {
    %c0_i32 = arith.constant 0 : i32
    %c0_i32_0 = arith.constant 0 : i32
    %c0_i32_1 = arith.constant 0 : i32
    return %c0_i32, %c0_i32_0 : i32, i32
  }
  func.func @transform_15(%arg0: i32, %arg1: memref<99xi32, #tpu.memory_space<smem>>, %arg2: memref<99xi32, #tpu.memory_space<smem>>) -> (i32, i32) {
    %c0_i32 = arith.constant 0 : i32
    %c0_i32_0 = arith.constant 0 : i32
    return %arg0, %c0_i32 : i32, i32
  }
  func.func @transform_16(%arg0: i32, %arg1: memref<99xi32, #tpu.memory_space<smem>>, %arg2: memref<99xi32, #tpu.memory_space<smem>>) -> (i32, i32, i32) {
    %c0_i32 = arith.constant 0 : i32
    %c0_i32_0 = arith.constant 0 : i32
    %c0_i32_1 = arith.constant 0 : i32
    return %arg0, %c0_i32, %c0_i32_0 : i32, i32, i32
  }
  func.func @transform_17(%arg0: i32, %arg1: memref<99xi32, #tpu.memory_space<smem>>, %arg2: memref<99xi32, #tpu.memory_space<smem>>) -> (i32, i32) {
    %c0_i32 = arith.constant 0 : i32
    %c0_i32_0 = arith.constant 0 : i32
    return %arg0, %c0_i32 : i32, i32
  }
}

module attributes {stable_mosaic.version = 14 : i64} {
  func.func @_layer_kernel(%arg0: i32, %arg1: memref<99xi32, #tpu.memory_space<smem>>, %arg2: memref<99xi32, #tpu.memory_space<smem>>, %arg3: memref<128x8xf32, #tpu.memory_space<vmem>>, %arg4: memref<128x8xf32, #tpu.memory_space<vmem>>, %arg5: memref<128x128xf32, #tpu.memory_space<vmem>>, %arg6: memref<128x128xf32, #tpu.memory_space<vmem>>, %arg7: memref<128x1xi32, #tpu.memory_space<vmem>>, %arg8: memref<99x8x128xf32, #tpu.memory_space<vmem>>, %arg9: memref<99x8x128xf32, #tpu.memory_space<vmem>>, %arg10: memref<99x128x128xf32, #tpu.memory_space<vmem>>, %arg11: memref<99x1x128xi32, #tpu.memory_space<vmem>>, %arg12: memref<128x128xf32, #tpu.memory_space<vmem>>, %arg13: memref<128x128xf32, #tpu.memory_space<vmem>>, %arg14: memref<128x8xf32, #tpu.memory_space<vmem>>, %arg15: memref<256x128xf32, #tpu.memory_space<vmem>>, %arg16: memref<128x128xf32, #tpu.memory_space<vmem>>, %arg17: memref<8x128xf32, #tpu.memory_space<vmem>>, %arg18: memref<128x8xf32, #tpu.memory_space<vmem>>, %arg19: memref<1x8x128xf32, #tpu.memory_space<vmem>>, %arg20: memref<128x128xf32, #tpu.memory_space<vmem>>) attributes {dimension_semantics = [#tpu.dimension_semantics<arbitrary>], iteration_bounds = array<i64: 99>, scalar_prefetch = 2 : i64, scratch_operands = 0 : i64, tpu.core_type = #tpu.core_type<tc>, window_params = [{transform_indices = @transform_0, window_bounds = array<i64: 128, 8>}, {transform_indices = @transform_1, window_bounds = array<i64: 128, 8>}, {transform_indices = @transform_2, window_bounds = array<i64: 128, 128>}, {transform_indices = @transform_3, window_bounds = array<i64: 128, 128>}, {transform_indices = @transform_4, window_bounds = array<i64: 128, 1>}, {pipeline_mode = #tpu.pipeline_mode<synchronous>, transform_indices = @transform_5, window_bounds = array<i64: 99, 8, 128>}, {pipeline_mode = #tpu.pipeline_mode<synchronous>, transform_indices = @transform_6, window_bounds = array<i64: 99, 8, 128>}, {pipeline_mode = #tpu.pipeline_mode<synchronous>, transform_indices = @transform_7, window_bounds = array<i64: 99, 128, 128>}, {pipeline_mode = #tpu.pipeline_mode<synchronous>, transform_indices = @transform_8, window_bounds = array<i64: 99, 1, 128>}, {pipeline_mode = #tpu.pipeline_mode<synchronous>, transform_indices = @transform_9, window_bounds = array<i64: 128, 128>}, {pipeline_mode = #tpu.pipeline_mode<synchronous>, transform_indices = @transform_10, window_bounds = array<i64: 128, 128>}, {pipeline_mode = #tpu.pipeline_mode<synchronous>, transform_indices = @transform_11, window_bounds = array<i64: 128, 8>}, {pipeline_mode = #tpu.pipeline_mode<synchronous>, transform_indices = @transform_12, window_bounds = array<i64: 256, 128>}, {pipeline_mode = #tpu.pipeline_mode<synchronous>, transform_indices = @transform_13, window_bounds = array<i64: 128, 128>}, {pipeline_mode = #tpu.pipeline_mode<synchronous>, transform_indices = @transform_14, window_bounds = array<i64: 8, 128>}, {transform_indices = @transform_15, window_bounds = array<i64: 128, 8>}, {transform_indices = @transform_16, window_bounds = array<i64: 1, 8, 128>}, {transform_indices = @transform_17, window_bounds = array<i64: 128, 128>}]} {
    %get3A = arith.index_cast %arg0 : i32 to index
    %get3A_0 = memref.load %arg1[%get3A] : memref<99xi32, #tpu.memory_space<smem>>
    %get3A_1 = arith.index_cast %arg0 : i32 to index
    %get3A_2 = memref.load %arg2[%get3A_1] : memref<99xi32, #tpu.memory_space<smem>>
    %get3A_3 = arith.constant 0 : index
    %get3A_4 = arith.constant 0 : index
    %get3A_5 = vector.load %arg3[%get3A_3, %get3A_4] : memref<128x8xf32, #tpu.memory_space<vmem>>, vector<128x8xf32>
    %get3A_6 = arith.constant 0 : index
    %get3A_7 = arith.constant 0 : index
    %get3A_8 = vector.load %arg4[%get3A_6, %get3A_7] : memref<128x8xf32, #tpu.memory_space<vmem>>, vector<128x8xf32>
    %get3A_9 = arith.constant 0 : index
    %get3A_10 = arith.constant 0 : index
    %get3A_11 = vector.load %arg5[%get3A_9, %get3A_10] : memref<128x128xf32, #tpu.memory_space<vmem>>, vector<128x128xf32>
    %get3A_12 = arith.constant 0 : index
    %get3A_13 = arith.constant 0 : index
    %get3A_14 = vector.load %arg6[%get3A_12, %get3A_13] : memref<128x128xf32, #tpu.memory_space<vmem>>, vector<128x128xf32>
    %get3A_15 = arith.constant 0 : index
    %get3A_16 = arith.constant 0 : index
    %get3A_17 = vector.load %arg7[%get3A_15, %get3A_16] : memref<128x1xi32, #tpu.memory_space<vmem>>, vector<128x1xi32>
    %get3A_18 = arith.constant 0 : index
    %get3A_19 = arith.constant 0 : index
    %get3A_20 = vector.load %arg17[%get3A_18, %get3A_19] : memref<8x128xf32, #tpu.memory_space<vmem>>, vector<1x128xf32>
    %get3A_21 = arith.constant 1 : index
    %get3A_22 = arith.constant 0 : index
    %get3A_23 = vector.load %arg17[%get3A_21, %get3A_22] : memref<8x128xf32, #tpu.memory_space<vmem>>, vector<1x128xf32>
    %get3A_24 = arith.constant 2 : index
    %get3A_25 = arith.constant 0 : index
    %get3A_26 = vector.load %arg17[%get3A_24, %get3A_25] : memref<8x128xf32, #tpu.memory_space<vmem>>, vector<1x128xf32>
    %get3A_27 = arith.constant 3 : index
    %get3A_28 = arith.constant 0 : index
    %get3A_29 = vector.load %arg17[%get3A_27, %get3A_28] : memref<8x128xf32, #tpu.memory_space<vmem>>, vector<1x128xf32>
    %get3A_30 = arith.constant 4 : index
    %get3A_31 = arith.constant 0 : index
    %get3A_32 = vector.load %arg17[%get3A_30, %get3A_31] : memref<8x128xf32, #tpu.memory_space<vmem>>, vector<1x128xf32>
    %get3A_33 = arith.constant 5 : index
    %get3A_34 = arith.constant 0 : index
    %get3A_35 = vector.load %arg17[%get3A_33, %get3A_34] : memref<8x128xf32, #tpu.memory_space<vmem>>, vector<1x128xf32>
    %get3A_36 = arith.constant 6 : index
    %get3A_37 = arith.constant 0 : index
    %get3A_38 = vector.load %arg17[%get3A_36, %get3A_37] : memref<8x128xf32, #tpu.memory_space<vmem>>, vector<1x128xf32>
    %get3A_39 = arith.constant 7 : index
    %get3A_40 = arith.constant 0 : index
    %get3A_41 = vector.load %arg17[%get3A_39, %get3A_40] : memref<8x128xf32, #tpu.memory_space<vmem>>, vector<1x128xf32>
    %get3A_42 = arith.constant 0 : index
    %get3A_43 = arith.constant 0 : index
    %get3A_44 = vector.load %arg12[%get3A_42, %get3A_43] : memref<128x128xf32, #tpu.memory_space<vmem>>, vector<128x128xf32>
    %convert_element_type3A = arith.truncf %get3A_44 : vector<128x128xf32> to vector<128x128xbf16>
    %get3A_45 = arith.constant 0 : index
    %get3A_46 = arith.constant 0 : index
    %get3A_47 = vector.load %arg13[%get3A_45, %get3A_46] : memref<128x128xf32, #tpu.memory_space<vmem>>, vector<128x128xf32>
    %convert_element_type3A_48 = arith.truncf %get3A_47 : vector<128x128xf32> to vector<128x128xbf16>
    %get3A_49 = arith.constant 0 : index
    %get3A_50 = arith.constant 0 : index
    %get3A_51 = vector.load %arg14[%get3A_49, %get3A_50] : memref<128x8xf32, #tpu.memory_space<vmem>>, vector<128x8xf32>
    %convert_element_type3A_52 = arith.truncf %get3A_51 : vector<128x8xf32> to vector<128x8xbf16>
    %convert_element_type3A_53 = arith.truncf %get3A_14 : vector<128x128xf32> to vector<128x128xbf16>
    %convert_element_type3A_54 = arith.truncf %get3A_23 : vector<1x128xf32> to vector<1x128xbf16>
    %convert_element_type3A_55 = arith.truncf %get3A_26 : vector<1x128xf32> to vector<1x128xbf16>
    %convert_element_type3A_56 = arith.truncf %get3A_20 : vector<1x128xf32> to vector<1x128xbf16>
    %mul3A = arith.constant 128 : i32
    %mul3A_57 = arith.muli %arg0, %mul3A : i32
    %iota3A = tpu.iota {dimensions = array<i32: 0>} : vector<128x1xi32>
    %add3A = vector.broadcast %mul3A_57 : i32 to vector<128x1xi32>
    %add3A_58 = arith.addi %add3A, %iota3A : vector<128x1xi32>
    %broadcast_in_dim3A = arith.constant 0.000000e+00 : f32
    %broadcast_in_dim3A_59 = vector.broadcast %broadcast_in_dim3A : f32 to vector<128x128xf32>
    %broadcast_in_dim3A_60 = arith.constant 0.000000e+00 : f32
    %broadcast_in_dim3A_61 = vector.broadcast %broadcast_in_dim3A_60 : f32 to vector<128x1xf32>
    %broadcast_in_dim3A_62 = arith.constant 0.000000e+00 : f32
    %broadcast_in_dim3A_63 = vector.broadcast %broadcast_in_dim3A_62 : f32 to vector<128x8xf32>
    %broadcast_in_dim3A_64 = arith.constant 0.000000e+00 : f32
    %broadcast_in_dim3A_65 = vector.broadcast %broadcast_in_dim3A_64 : f32 to vector<128x1xf32>
    %while3A = arith.constant 0 : i32
    %while3A_66 = arith.subi %get3A_2, %while3A : i32
    %while3A_67 = arith.addi %while3A, %while3A_66 : i32
    %while3A_68 = arith.constant 1 : i32
    %while3A_69 = arith.divsi %while3A_66, %while3A_68 : i32
    %while3A_70 = arith.muli %while3A_69, %while3A_68 : i32
    %while3A_71 = arith.addi %while3A, %while3A_70 : i32
    %while3A_72 = arith.constant 1 : i32
    %while3A_73:4 = scf.for %while3A_146 = %while3A to %while3A_71 step %while3A_72 iter_args(%while3A_147 = %broadcast_in_dim3A_59, %while3A_148 = %broadcast_in_dim3A_61, %while3A_149 = %broadcast_in_dim3A_63, %while3A_150 = %broadcast_in_dim3A_65) -> (vector<128x128xf32>, vector<128x1xf32>, vector<128x8xf32>, vector<128x1xf32>)  : i32 {
      %add3A_151 = arith.addi %get3A_0, %while3A_146 : i32
      %get3A_152 = arith.index_cast %add3A_151 : i32 to index
      %get3A_153 = arith.constant 0 : index
      %get3A_154 = arith.constant 0 : index
      %get3A_155 = vector.load %arg8[%get3A_152, %get3A_153, %get3A_154] : memref<99x8x128xf32, #tpu.memory_space<vmem>>, vector<1x8x128xf32>
      %get3A_156 = vector.shape_cast %get3A_155 : vector<1x8x128xf32> to vector<8x128xf32>
      %get3A_157 = arith.index_cast %add3A_151 : i32 to index
      %get3A_158 = arith.constant 0 : index
      %get3A_159 = arith.constant 0 : index
      %get3A_160 = vector.load %arg9[%get3A_157, %get3A_158, %get3A_159] : memref<99x8x128xf32, #tpu.memory_space<vmem>>, vector<1x8x128xf32>
      %get3A_161 = vector.shape_cast %get3A_160 : vector<1x8x128xf32> to vector<8x128xf32>
      %get3A_162 = arith.index_cast %add3A_151 : i32 to index
      %get3A_163 = arith.constant 0 : index
      %get3A_164 = arith.constant 0 : index
      %get3A_165 = vector.load %arg10[%get3A_162, %get3A_163, %get3A_164] : memref<99x128x128xf32, #tpu.memory_space<vmem>>, vector<1x128x128xf32>
      %get3A_166 = vector.shape_cast %get3A_165 : vector<1x128x128xf32> to vector<128x128xf32>
      %get3A_167 = arith.index_cast %add3A_151 : i32 to index
      %get3A_168 = arith.constant 0 : index
      %get3A_169 = arith.constant 0 : index
      %get3A_170 = vector.load %arg11[%get3A_167, %get3A_168, %get3A_169] : memref<99x1x128xi32, #tpu.memory_space<vmem>>, vector<1x1x128xi32>
      %get3A_171 = vector.shape_cast %get3A_170 : vector<1x1x128xi32> to vector<1x128xi32>
      %broadcast_in_dim3A_172 = arith.constant 0.000000e+00 : f32
      %broadcast_in_dim3A_173 = vector.broadcast %broadcast_in_dim3A_172 : f32 to vector<128x128xf32>
      %broadcast_in_dim3A_174 = arith.constant 0.000000e+00 : f32
      %broadcast_in_dim3A_175 = vector.broadcast %broadcast_in_dim3A_174 : f32 to vector<128x128xf32>
      %slice3A = vector.extract_strided_slice %get3A_5 {offsets = [0, 0], sizes = [128, 1], strides = [1, 1]} : vector<128x8xf32> to vector<128x1xf32>
      %slice3A_176 = vector.extract_strided_slice %get3A_156 {offsets = [0, 0], sizes = [1, 128], strides = [1, 1]} : vector<8x128xf32> to vector<1x128xf32>
      %sub3A_177 = vector.broadcast %slice3A : vector<128x1xf32> to vector<128x128xf32>
      %sub3A_178 = vector.broadcast %slice3A_176 : vector<1x128xf32> to vector<128x128xf32>
      %sub3A_179 = arith.subf %sub3A_177, %sub3A_178 : vector<128x128xf32>
      %mul3A_180 = arith.mulf %sub3A_179, %sub3A_179 : vector<128x128xf32>
      %add3A_181 = arith.addf %broadcast_in_dim3A_173, %mul3A_180 : vector<128x128xf32>
      %slice3A_182 = vector.extract_strided_slice %get3A_8 {offsets = [0, 0], sizes = [128, 1], strides = [1, 1]} : vector<128x8xf32> to vector<128x1xf32>
      %slice3A_183 = vector.extract_strided_slice %get3A_161 {offsets = [0, 0], sizes = [1, 128], strides = [1, 1]} : vector<8x128xf32> to vector<1x128xf32>
      %sub3A_184 = vector.broadcast %slice3A_182 : vector<128x1xf32> to vector<128x128xf32>
      %sub3A_185 = vector.broadcast %slice3A_183 : vector<1x128xf32> to vector<128x128xf32>
      %sub3A_186 = arith.subf %sub3A_184, %sub3A_185 : vector<128x128xf32>
      %mul3A_187 = arith.mulf %sub3A_186, %sub3A_186 : vector<128x128xf32>
      %add3A_188 = arith.addf %broadcast_in_dim3A_175, %mul3A_187 : vector<128x128xf32>
      %slice3A_189 = vector.extract_strided_slice %get3A_5 {offsets = [0, 1], sizes = [128, 1], strides = [1, 1]} : vector<128x8xf32> to vector<128x1xf32>
      %slice3A_190 = vector.extract_strided_slice %get3A_156 {offsets = [1, 0], sizes = [1, 128], strides = [1, 1]} : vector<8x128xf32> to vector<1x128xf32>
      %sub3A_191 = vector.broadcast %slice3A_189 : vector<128x1xf32> to vector<128x128xf32>
      %sub3A_192 = vector.broadcast %slice3A_190 : vector<1x128xf32> to vector<128x128xf32>
      %sub3A_193 = arith.subf %sub3A_191, %sub3A_192 : vector<128x128xf32>
      %mul3A_194 = arith.mulf %sub3A_193, %sub3A_193 : vector<128x128xf32>
      %add3A_195 = arith.addf %add3A_181, %mul3A_194 : vector<128x128xf32>
      %slice3A_196 = vector.extract_strided_slice %get3A_8 {offsets = [0, 1], sizes = [128, 1], strides = [1, 1]} : vector<128x8xf32> to vector<128x1xf32>
      %slice3A_197 = vector.extract_strided_slice %get3A_161 {offsets = [1, 0], sizes = [1, 128], strides = [1, 1]} : vector<8x128xf32> to vector<1x128xf32>
      %sub3A_198 = vector.broadcast %slice3A_196 : vector<128x1xf32> to vector<128x128xf32>
      %sub3A_199 = vector.broadcast %slice3A_197 : vector<1x128xf32> to vector<128x128xf32>
      %sub3A_200 = arith.subf %sub3A_198, %sub3A_199 : vector<128x128xf32>
      %mul3A_201 = arith.mulf %sub3A_200, %sub3A_200 : vector<128x128xf32>
      %add3A_202 = arith.addf %add3A_188, %mul3A_201 : vector<128x128xf32>
      %slice3A_203 = vector.extract_strided_slice %get3A_5 {offsets = [0, 2], sizes = [128, 1], strides = [1, 1]} : vector<128x8xf32> to vector<128x1xf32>
      %slice3A_204 = vector.extract_strided_slice %get3A_156 {offsets = [2, 0], sizes = [1, 128], strides = [1, 1]} : vector<8x128xf32> to vector<1x128xf32>
      %sub3A_205 = vector.broadcast %slice3A_203 : vector<128x1xf32> to vector<128x128xf32>
      %sub3A_206 = vector.broadcast %slice3A_204 : vector<1x128xf32> to vector<128x128xf32>
      %sub3A_207 = arith.subf %sub3A_205, %sub3A_206 : vector<128x128xf32>
      %mul3A_208 = arith.mulf %sub3A_207, %sub3A_207 : vector<128x128xf32>
      %add3A_209 = arith.addf %add3A_195, %mul3A_208 : vector<128x128xf32>
      %slice3A_210 = vector.extract_strided_slice %get3A_8 {offsets = [0, 2], sizes = [128, 1], strides = [1, 1]} : vector<128x8xf32> to vector<128x1xf32>
      %slice3A_211 = vector.extract_strided_slice %get3A_161 {offsets = [2, 0], sizes = [1, 128], strides = [1, 1]} : vector<8x128xf32> to vector<1x128xf32>
      %sub3A_212 = vector.broadcast %slice3A_210 : vector<128x1xf32> to vector<128x128xf32>
      %sub3A_213 = vector.broadcast %slice3A_211 : vector<1x128xf32> to vector<128x128xf32>
      %sub3A_214 = arith.subf %sub3A_212, %sub3A_213 : vector<128x128xf32>
      %mul3A_215 = arith.mulf %sub3A_214, %sub3A_214 : vector<128x128xf32>
      %add3A_216 = arith.addf %add3A_202, %mul3A_215 : vector<128x128xf32>
      %mul3A_217 = arith.constant 128 : i32
      %mul3A_218 = arith.muli %add3A_151, %mul3A_217 : i32
      %iota3A_219 = tpu.iota {dimensions = array<i32: 1>} : vector<1x128xi32>
      %add3A_220 = vector.broadcast %mul3A_218 : i32 to vector<1x128xi32>
      %add3A_221 = arith.addi %add3A_220, %iota3A_219 : vector<1x128xi32>
      %le3A = arith.constant 4.900000e-01 : f32
      %le3A_222 = vector.broadcast %le3A : f32 to vector<128x128xf32>
      %le3A_223 = arith.cmpf ole, %add3A_209, %le3A_222 : vector<128x128xf32>
      %eq3A = vector.broadcast %get3A_17 : vector<128x1xi32> to vector<128x128xi32>
      %eq3A_224 = vector.broadcast %get3A_171 : vector<1x128xi32> to vector<128x128xi32>
      %eq3A_225 = arith.cmpi eq, %eq3A, %eq3A_224 : vector<128x128xi32>
      %and3A = arith.andi %le3A_223, %eq3A_225 : vector<128x128xi1>
      %ne3A = vector.broadcast %add3A_58 : vector<128x1xi32> to vector<128x128xi32>
      %ne3A_226 = vector.broadcast %add3A_221 : vector<1x128xi32> to vector<128x128xi32>
      %ne3A_227 = arith.cmpi ne, %ne3A, %ne3A_226 : vector<128x128xi32>
      %and3A_228 = arith.andi %and3A, %ne3A_227 : vector<128x128xi1>
      %convert_element_type3A_229 = arith.extui %and3A_228 : vector<128x128xi1> to vector<128x128xi32>
      %convert_element_type3A_230 = arith.sitofp %convert_element_type3A_229 : vector<128x128xi32> to vector<128x128xf32>
      %convert_element_type3A_231 = arith.truncf %add3A_216 : vector<128x128xf32> to vector<128x128xbf16>
      %broadcast_in_dim3A_232 = vector.shape_cast %convert_element_type3A_53 : vector<128x128xbf16> to vector<128x1x128xbf16>
      %convert_element_type3A_233 = arith.truncf %get3A_166 : vector<128x128xf32> to vector<128x128xbf16>
      %broadcast_in_dim3A_234 = vector.shape_cast %convert_element_type3A_233 : vector<128x128xbf16> to vector<1x128x128xbf16>
      %add3A_235 = vector.broadcast %broadcast_in_dim3A_232 : vector<128x1x128xbf16> to vector<128x128x128xbf16>
      %add3A_236 = vector.broadcast %broadcast_in_dim3A_234 : vector<1x128x128xbf16> to vector<128x128x128xbf16>
      %add3A_237 = arith.addf %add3A_235, %add3A_236 : vector<128x128x128xbf16>
      %broadcast_in_dim3A_238 = vector.shape_cast %convert_element_type3A_231 : vector<128x128xbf16> to vector<128x128x1xbf16>
      %broadcast_in_dim3A_239 = vector.shape_cast %convert_element_type3A_56 : vector<1x128xbf16> to vector<1x1x128xbf16>
      %mul3A_240 = vector.broadcast %broadcast_in_dim3A_238 : vector<128x128x1xbf16> to vector<128x128x128xbf16>
      %mul3A_241 = vector.broadcast %broadcast_in_dim3A_239 : vector<1x1x128xbf16> to vector<128x128x128xbf16>
      %mul3A_242 = arith.mulf %mul3A_240, %mul3A_241 : vector<128x128x128xbf16>
      %add3A_243 = arith.addf %add3A_237, %mul3A_242 : vector<128x128x128xbf16>
      %logistic3A_244 = arith.negf %add3A_243 : vector<128x128x128xbf16>
      %logistic3A_245 = math.exp %logistic3A_244 : vector<128x128x128xbf16>
      %logistic3A_246 = arith.constant 1.000000e+00 : bf16
      %logistic3A_247 = vector.broadcast %logistic3A_246 : bf16 to vector<128x128x128xbf16>
      %logistic3A_248 = arith.addf %logistic3A_247, %logistic3A_245 : vector<128x128x128xbf16>
      %logistic3A_249 = arith.divf %logistic3A_247, %logistic3A_248 : vector<128x128x128xbf16>
      %mul3A_250 = arith.mulf %add3A_243, %logistic3A_249 : vector<128x128x128xbf16>
      %reshape3A = vector.shape_cast %mul3A_250 : vector<128x128x128xbf16> to vector<16384x128xbf16>
      %dot_general3A_251 = arith.constant dense<0.000000e+00> : vector<16384x128xf32>
      %dot_general3A_252 = tpu.matmul %reshape3A, %convert_element_type3A, %dot_general3A_251 {dimension_numbers = #tpu.dot_dimension_numbers<[1], [0], [0], [1], [0, 0, 1, 1], [], []>, transpose_lhs_hint = false} : vector<16384x128xbf16>, vector<128x128xbf16>, vector<16384x128xf32> -> vector<16384x128xf32>
      %convert_element_type3A_253 = arith.truncf %dot_general3A_252 : vector<16384x128xf32> to vector<16384x128xbf16>
      %add3A_254 = vector.broadcast %convert_element_type3A_54 : vector<1x128xbf16> to vector<16384x128xbf16>
      %add3A_255 = arith.addf %convert_element_type3A_253, %add3A_254 : vector<16384x128xbf16>
      %logistic3A_256 = arith.negf %add3A_255 : vector<16384x128xbf16>
      %logistic3A_257 = math.exp %logistic3A_256 : vector<16384x128xbf16>
      %logistic3A_258 = arith.constant 1.000000e+00 : bf16
      %logistic3A_259 = vector.broadcast %logistic3A_258 : bf16 to vector<16384x128xbf16>
      %logistic3A_260 = arith.addf %logistic3A_259, %logistic3A_257 : vector<16384x128xbf16>
      %logistic3A_261 = arith.divf %logistic3A_259, %logistic3A_260 : vector<16384x128xbf16>
      %mul3A_262 = arith.mulf %add3A_255, %logistic3A_261 : vector<16384x128xbf16>
      %dot_general3A_263 = arith.constant dense<0.000000e+00> : vector<16384x128xf32>
      %dot_general3A_264 = tpu.matmul %mul3A_262, %convert_element_type3A_48, %dot_general3A_263 {dimension_numbers = #tpu.dot_dimension_numbers<[1], [0], [0], [1], [0, 0, 1, 1], [], []>, transpose_lhs_hint = false} : vector<16384x128xbf16>, vector<128x128xbf16>, vector<16384x128xf32> -> vector<16384x128xf32>
      %convert_element_type3A_265 = arith.truncf %dot_general3A_264 : vector<16384x128xf32> to vector<16384x128xbf16>
      %add3A_266 = vector.broadcast %convert_element_type3A_55 : vector<1x128xbf16> to vector<16384x128xbf16>
      %add3A_267 = arith.addf %convert_element_type3A_265, %add3A_266 : vector<16384x128xbf16>
      %logistic3A_268 = arith.negf %add3A_267 : vector<16384x128xbf16>
      %logistic3A_269 = math.exp %logistic3A_268 : vector<16384x128xbf16>
      %logistic3A_270 = arith.constant 1.000000e+00 : bf16
      %logistic3A_271 = vector.broadcast %logistic3A_270 : bf16 to vector<16384x128xbf16>
      %logistic3A_272 = arith.addf %logistic3A_271, %logistic3A_269 : vector<16384x128xbf16>
      %logistic3A_273 = arith.divf %logistic3A_271, %logistic3A_272 : vector<16384x128xbf16>
      %mul3A_274 = arith.mulf %add3A_267, %logistic3A_273 : vector<16384x128xbf16>
      %dot_general3A_275 = arith.constant dense<0.000000e+00> : vector<16384x8xf32>
      %dot_general3A_276 = tpu.matmul %mul3A_274, %convert_element_type3A_52, %dot_general3A_275 {dimension_numbers = #tpu.dot_dimension_numbers<[1], [0], [0], [1], [0, 0, 1, 1], [], []>, transpose_lhs_hint = false} : vector<16384x128xbf16>, vector<128x8xbf16>, vector<16384x8xf32> -> vector<16384x8xf32>
      %reshape3A_277 = vector.shape_cast %dot_general3A_276 : vector<16384x8xf32> to vector<128x128x8xf32>
      %reduce_sum3A_278 = arith.constant dense<0.000000e+00> : vector<128x128xf32>
      %reduce_sum3A_279 = vector.multi_reduction <add>, %reshape3A_277, %reduce_sum3A_278 [2] : vector<128x128x8xf32> to vector<128x128xf32>
      %add3A_280 = vector.broadcast %get3A_29 : vector<1x128xf32> to vector<128x128xf32>
      %add3A_281 = arith.addf %reduce_sum3A_279, %add3A_280 : vector<128x128xf32>
      %mul3A_282 = arith.mulf %add3A_281, %convert_element_type3A_230 : vector<128x128xf32>
      %reshape3A_283 = vector.shape_cast %mul3A_262 : vector<16384x128xbf16> to vector<128x128x128xbf16>
      %reshape3A_284 = vector.shape_cast %convert_element_type3A_230 : vector<128x128xf32> to vector<128x1x128xf32>
      %convert_element_type3A_285 = arith.truncf %reshape3A_284 : vector<128x1x128xf32> to vector<128x1x128xbf16>
      %dot_general3A_286 = arith.constant dense<0.000000e+00> : vector<128x1x128xf32>
      %dot_general3A_287 = tpu.matmul %convert_element_type3A_285, %reshape3A_283, %dot_general3A_286 {dimension_numbers = #tpu.dot_dimension_numbers<[2], [1], [1], [2], [0, 0, 0, 1, 1, 2], [0], [0]>, transpose_lhs_hint = false} : vector<128x1x128xbf16>, vector<128x128x128xbf16>, vector<128x1x128xf32> -> vector<128x1x128xf32>
      %reshape3A_288 = vector.shape_cast %dot_general3A_287 : vector<128x1x128xf32> to vector<128x128xf32>
      %add3A_289 = arith.addf %while3A_147, %reshape3A_288 : vector<128x128xf32>
      %reduce_sum3A_290 = arith.constant dense<0.000000e+00> : vector<128xf32>
      %reduce_sum3A_291 = vector.multi_reduction <add>, %mul3A_282, %reduce_sum3A_290 [1] : vector<128x128xf32> to vector<128xf32>
      %broadcast_in_dim3A_292 = vector.shape_cast %reduce_sum3A_291 : vector<128xf32> to vector<128x1xf32>
      %add3A_293 = arith.addf %while3A_148, %broadcast_in_dim3A_292 : vector<128x1xf32>
      %dot_general3A_294 = arith.constant dense<0.000000e+00> : vector<128x8xf32>
      %dot_general3A_295 = tpu.matmul %mul3A_282, %get3A_161, %dot_general3A_294 {dimension_numbers = #tpu.dot_dimension_numbers<[1], [1], [0], [0], [0, 0, 1, 0], [], []>, transpose_lhs_hint = false} : vector<128x128xf32>, vector<8x128xf32>, vector<128x8xf32> -> vector<128x8xf32>
      %add3A_296 = arith.addf %while3A_149, %dot_general3A_295 : vector<128x8xf32>
      %reduce_sum3A_297 = arith.constant dense<0.000000e+00> : vector<128xf32>
      %reduce_sum3A_298 = vector.multi_reduction <add>, %convert_element_type3A_230, %reduce_sum3A_297 [1] : vector<128x128xf32> to vector<128xf32>
      %broadcast_in_dim3A_299 = vector.shape_cast %reduce_sum3A_298 : vector<128xf32> to vector<128x1xf32>
      %add3A_300 = arith.addf %while3A_150, %broadcast_in_dim3A_299 : vector<128x1xf32>
      scf.yield %add3A_289, %add3A_293, %add3A_296, %add3A_300 : vector<128x128xf32>, vector<128x1xf32>, vector<128x8xf32>, vector<128x1xf32>
    }
    %while3A_74 = arith.constant 1 : i32
    %while3A_75:4 = scf.for %while3A_146 = %while3A_71 to %while3A_67 step %while3A_74 iter_args(%while3A_147 = %while3A_73#0, %while3A_148 = %while3A_73#1, %while3A_149 = %while3A_73#2, %while3A_150 = %while3A_73#3) -> (vector<128x128xf32>, vector<128x1xf32>, vector<128x8xf32>, vector<128x1xf32>)  : i32 {
      %add3A_151 = arith.addi %get3A_0, %while3A_146 : i32
      %get3A_152 = arith.index_cast %add3A_151 : i32 to index
      %get3A_153 = arith.constant 0 : index
      %get3A_154 = arith.constant 0 : index
      %get3A_155 = vector.load %arg8[%get3A_152, %get3A_153, %get3A_154] : memref<99x8x128xf32, #tpu.memory_space<vmem>>, vector<1x8x128xf32>
      %get3A_156 = vector.shape_cast %get3A_155 : vector<1x8x128xf32> to vector<8x128xf32>
      %get3A_157 = arith.index_cast %add3A_151 : i32 to index
      %get3A_158 = arith.constant 0 : index
      %get3A_159 = arith.constant 0 : index
      %get3A_160 = vector.load %arg9[%get3A_157, %get3A_158, %get3A_159] : memref<99x8x128xf32, #tpu.memory_space<vmem>>, vector<1x8x128xf32>
      %get3A_161 = vector.shape_cast %get3A_160 : vector<1x8x128xf32> to vector<8x128xf32>
      %get3A_162 = arith.index_cast %add3A_151 : i32 to index
      %get3A_163 = arith.constant 0 : index
      %get3A_164 = arith.constant 0 : index
      %get3A_165 = vector.load %arg10[%get3A_162, %get3A_163, %get3A_164] : memref<99x128x128xf32, #tpu.memory_space<vmem>>, vector<1x128x128xf32>
      %get3A_166 = vector.shape_cast %get3A_165 : vector<1x128x128xf32> to vector<128x128xf32>
      %get3A_167 = arith.index_cast %add3A_151 : i32 to index
      %get3A_168 = arith.constant 0 : index
      %get3A_169 = arith.constant 0 : index
      %get3A_170 = vector.load %arg11[%get3A_167, %get3A_168, %get3A_169] : memref<99x1x128xi32, #tpu.memory_space<vmem>>, vector<1x1x128xi32>
      %get3A_171 = vector.shape_cast %get3A_170 : vector<1x1x128xi32> to vector<1x128xi32>
      %broadcast_in_dim3A_172 = arith.constant 0.000000e+00 : f32
      %broadcast_in_dim3A_173 = vector.broadcast %broadcast_in_dim3A_172 : f32 to vector<128x128xf32>
      %broadcast_in_dim3A_174 = arith.constant 0.000000e+00 : f32
      %broadcast_in_dim3A_175 = vector.broadcast %broadcast_in_dim3A_174 : f32 to vector<128x128xf32>
      %slice3A = vector.extract_strided_slice %get3A_5 {offsets = [0, 0], sizes = [128, 1], strides = [1, 1]} : vector<128x8xf32> to vector<128x1xf32>
      %slice3A_176 = vector.extract_strided_slice %get3A_156 {offsets = [0, 0], sizes = [1, 128], strides = [1, 1]} : vector<8x128xf32> to vector<1x128xf32>
      %sub3A_177 = vector.broadcast %slice3A : vector<128x1xf32> to vector<128x128xf32>
      %sub3A_178 = vector.broadcast %slice3A_176 : vector<1x128xf32> to vector<128x128xf32>
      %sub3A_179 = arith.subf %sub3A_177, %sub3A_178 : vector<128x128xf32>
      %mul3A_180 = arith.mulf %sub3A_179, %sub3A_179 : vector<128x128xf32>
      %add3A_181 = arith.addf %broadcast_in_dim3A_173, %mul3A_180 : vector<128x128xf32>
      %slice3A_182 = vector.extract_strided_slice %get3A_8 {offsets = [0, 0], sizes = [128, 1], strides = [1, 1]} : vector<128x8xf32> to vector<128x1xf32>
      %slice3A_183 = vector.extract_strided_slice %get3A_161 {offsets = [0, 0], sizes = [1, 128], strides = [1, 1]} : vector<8x128xf32> to vector<1x128xf32>
      %sub3A_184 = vector.broadcast %slice3A_182 : vector<128x1xf32> to vector<128x128xf32>
      %sub3A_185 = vector.broadcast %slice3A_183 : vector<1x128xf32> to vector<128x128xf32>
      %sub3A_186 = arith.subf %sub3A_184, %sub3A_185 : vector<128x128xf32>
      %mul3A_187 = arith.mulf %sub3A_186, %sub3A_186 : vector<128x128xf32>
      %add3A_188 = arith.addf %broadcast_in_dim3A_175, %mul3A_187 : vector<128x128xf32>
      %slice3A_189 = vector.extract_strided_slice %get3A_5 {offsets = [0, 1], sizes = [128, 1], strides = [1, 1]} : vector<128x8xf32> to vector<128x1xf32>
      %slice3A_190 = vector.extract_strided_slice %get3A_156 {offsets = [1, 0], sizes = [1, 128], strides = [1, 1]} : vector<8x128xf32> to vector<1x128xf32>
      %sub3A_191 = vector.broadcast %slice3A_189 : vector<128x1xf32> to vector<128x128xf32>
      %sub3A_192 = vector.broadcast %slice3A_190 : vector<1x128xf32> to vector<128x128xf32>
      %sub3A_193 = arith.subf %sub3A_191, %sub3A_192 : vector<128x128xf32>
      %mul3A_194 = arith.mulf %sub3A_193, %sub3A_193 : vector<128x128xf32>
      %add3A_195 = arith.addf %add3A_181, %mul3A_194 : vector<128x128xf32>
      %slice3A_196 = vector.extract_strided_slice %get3A_8 {offsets = [0, 1], sizes = [128, 1], strides = [1, 1]} : vector<128x8xf32> to vector<128x1xf32>
      %slice3A_197 = vector.extract_strided_slice %get3A_161 {offsets = [1, 0], sizes = [1, 128], strides = [1, 1]} : vector<8x128xf32> to vector<1x128xf32>
      %sub3A_198 = vector.broadcast %slice3A_196 : vector<128x1xf32> to vector<128x128xf32>
      %sub3A_199 = vector.broadcast %slice3A_197 : vector<1x128xf32> to vector<128x128xf32>
      %sub3A_200 = arith.subf %sub3A_198, %sub3A_199 : vector<128x128xf32>
      %mul3A_201 = arith.mulf %sub3A_200, %sub3A_200 : vector<128x128xf32>
      %add3A_202 = arith.addf %add3A_188, %mul3A_201 : vector<128x128xf32>
      %slice3A_203 = vector.extract_strided_slice %get3A_5 {offsets = [0, 2], sizes = [128, 1], strides = [1, 1]} : vector<128x8xf32> to vector<128x1xf32>
      %slice3A_204 = vector.extract_strided_slice %get3A_156 {offsets = [2, 0], sizes = [1, 128], strides = [1, 1]} : vector<8x128xf32> to vector<1x128xf32>
      %sub3A_205 = vector.broadcast %slice3A_203 : vector<128x1xf32> to vector<128x128xf32>
      %sub3A_206 = vector.broadcast %slice3A_204 : vector<1x128xf32> to vector<128x128xf32>
      %sub3A_207 = arith.subf %sub3A_205, %sub3A_206 : vector<128x128xf32>
      %mul3A_208 = arith.mulf %sub3A_207, %sub3A_207 : vector<128x128xf32>
      %add3A_209 = arith.addf %add3A_195, %mul3A_208 : vector<128x128xf32>
      %slice3A_210 = vector.extract_strided_slice %get3A_8 {offsets = [0, 2], sizes = [128, 1], strides = [1, 1]} : vector<128x8xf32> to vector<128x1xf32>
      %slice3A_211 = vector.extract_strided_slice %get3A_161 {offsets = [2, 0], sizes = [1, 128], strides = [1, 1]} : vector<8x128xf32> to vector<1x128xf32>
      %sub3A_212 = vector.broadcast %slice3A_210 : vector<128x1xf32> to vector<128x128xf32>
      %sub3A_213 = vector.broadcast %slice3A_211 : vector<1x128xf32> to vector<128x128xf32>
      %sub3A_214 = arith.subf %sub3A_212, %sub3A_213 : vector<128x128xf32>
      %mul3A_215 = arith.mulf %sub3A_214, %sub3A_214 : vector<128x128xf32>
      %add3A_216 = arith.addf %add3A_202, %mul3A_215 : vector<128x128xf32>
      %mul3A_217 = arith.constant 128 : i32
      %mul3A_218 = arith.muli %add3A_151, %mul3A_217 : i32
      %iota3A_219 = tpu.iota {dimensions = array<i32: 1>} : vector<1x128xi32>
      %add3A_220 = vector.broadcast %mul3A_218 : i32 to vector<1x128xi32>
      %add3A_221 = arith.addi %add3A_220, %iota3A_219 : vector<1x128xi32>
      %le3A = arith.constant 4.900000e-01 : f32
      %le3A_222 = vector.broadcast %le3A : f32 to vector<128x128xf32>
      %le3A_223 = arith.cmpf ole, %add3A_209, %le3A_222 : vector<128x128xf32>
      %eq3A = vector.broadcast %get3A_17 : vector<128x1xi32> to vector<128x128xi32>
      %eq3A_224 = vector.broadcast %get3A_171 : vector<1x128xi32> to vector<128x128xi32>
      %eq3A_225 = arith.cmpi eq, %eq3A, %eq3A_224 : vector<128x128xi32>
      %and3A = arith.andi %le3A_223, %eq3A_225 : vector<128x128xi1>
      %ne3A = vector.broadcast %add3A_58 : vector<128x1xi32> to vector<128x128xi32>
      %ne3A_226 = vector.broadcast %add3A_221 : vector<1x128xi32> to vector<128x128xi32>
      %ne3A_227 = arith.cmpi ne, %ne3A, %ne3A_226 : vector<128x128xi32>
      %and3A_228 = arith.andi %and3A, %ne3A_227 : vector<128x128xi1>
      %convert_element_type3A_229 = arith.extui %and3A_228 : vector<128x128xi1> to vector<128x128xi32>
      %convert_element_type3A_230 = arith.sitofp %convert_element_type3A_229 : vector<128x128xi32> to vector<128x128xf32>
      %convert_element_type3A_231 = arith.truncf %add3A_216 : vector<128x128xf32> to vector<128x128xbf16>
      %broadcast_in_dim3A_232 = vector.shape_cast %convert_element_type3A_53 : vector<128x128xbf16> to vector<128x1x128xbf16>
      %convert_element_type3A_233 = arith.truncf %get3A_166 : vector<128x128xf32> to vector<128x128xbf16>
      %broadcast_in_dim3A_234 = vector.shape_cast %convert_element_type3A_233 : vector<128x128xbf16> to vector<1x128x128xbf16>
      %add3A_235 = vector.broadcast %broadcast_in_dim3A_232 : vector<128x1x128xbf16> to vector<128x128x128xbf16>
      %add3A_236 = vector.broadcast %broadcast_in_dim3A_234 : vector<1x128x128xbf16> to vector<128x128x128xbf16>
      %add3A_237 = arith.addf %add3A_235, %add3A_236 : vector<128x128x128xbf16>
      %broadcast_in_dim3A_238 = vector.shape_cast %convert_element_type3A_231 : vector<128x128xbf16> to vector<128x128x1xbf16>
      %broadcast_in_dim3A_239 = vector.shape_cast %convert_element_type3A_56 : vector<1x128xbf16> to vector<1x1x128xbf16>
      %mul3A_240 = vector.broadcast %broadcast_in_dim3A_238 : vector<128x128x1xbf16> to vector<128x128x128xbf16>
      %mul3A_241 = vector.broadcast %broadcast_in_dim3A_239 : vector<1x1x128xbf16> to vector<128x128x128xbf16>
      %mul3A_242 = arith.mulf %mul3A_240, %mul3A_241 : vector<128x128x128xbf16>
      %add3A_243 = arith.addf %add3A_237, %mul3A_242 : vector<128x128x128xbf16>
      %logistic3A_244 = arith.negf %add3A_243 : vector<128x128x128xbf16>
      %logistic3A_245 = math.exp %logistic3A_244 : vector<128x128x128xbf16>
      %logistic3A_246 = arith.constant 1.000000e+00 : bf16
      %logistic3A_247 = vector.broadcast %logistic3A_246 : bf16 to vector<128x128x128xbf16>
      %logistic3A_248 = arith.addf %logistic3A_247, %logistic3A_245 : vector<128x128x128xbf16>
      %logistic3A_249 = arith.divf %logistic3A_247, %logistic3A_248 : vector<128x128x128xbf16>
      %mul3A_250 = arith.mulf %add3A_243, %logistic3A_249 : vector<128x128x128xbf16>
      %reshape3A = vector.shape_cast %mul3A_250 : vector<128x128x128xbf16> to vector<16384x128xbf16>
      %dot_general3A_251 = arith.constant dense<0.000000e+00> : vector<16384x128xf32>
      %dot_general3A_252 = tpu.matmul %reshape3A, %convert_element_type3A, %dot_general3A_251 {dimension_numbers = #tpu.dot_dimension_numbers<[1], [0], [0], [1], [0, 0, 1, 1], [], []>, transpose_lhs_hint = false} : vector<16384x128xbf16>, vector<128x128xbf16>, vector<16384x128xf32> -> vector<16384x128xf32>
      %convert_element_type3A_253 = arith.truncf %dot_general3A_252 : vector<16384x128xf32> to vector<16384x128xbf16>
      %add3A_254 = vector.broadcast %convert_element_type3A_54 : vector<1x128xbf16> to vector<16384x128xbf16>
      %add3A_255 = arith.addf %convert_element_type3A_253, %add3A_254 : vector<16384x128xbf16>
      %logistic3A_256 = arith.negf %add3A_255 : vector<16384x128xbf16>
      %logistic3A_257 = math.exp %logistic3A_256 : vector<16384x128xbf16>
      %logistic3A_258 = arith.constant 1.000000e+00 : bf16
      %logistic3A_259 = vector.broadcast %logistic3A_258 : bf16 to vector<16384x128xbf16>
      %logistic3A_260 = arith.addf %logistic3A_259, %logistic3A_257 : vector<16384x128xbf16>
      %logistic3A_261 = arith.divf %logistic3A_259, %logistic3A_260 : vector<16384x128xbf16>
      %mul3A_262 = arith.mulf %add3A_255, %logistic3A_261 : vector<16384x128xbf16>
      %dot_general3A_263 = arith.constant dense<0.000000e+00> : vector<16384x128xf32>
      %dot_general3A_264 = tpu.matmul %mul3A_262, %convert_element_type3A_48, %dot_general3A_263 {dimension_numbers = #tpu.dot_dimension_numbers<[1], [0], [0], [1], [0, 0, 1, 1], [], []>, transpose_lhs_hint = false} : vector<16384x128xbf16>, vector<128x128xbf16>, vector<16384x128xf32> -> vector<16384x128xf32>
      %convert_element_type3A_265 = arith.truncf %dot_general3A_264 : vector<16384x128xf32> to vector<16384x128xbf16>
      %add3A_266 = vector.broadcast %convert_element_type3A_55 : vector<1x128xbf16> to vector<16384x128xbf16>
      %add3A_267 = arith.addf %convert_element_type3A_265, %add3A_266 : vector<16384x128xbf16>
      %logistic3A_268 = arith.negf %add3A_267 : vector<16384x128xbf16>
      %logistic3A_269 = math.exp %logistic3A_268 : vector<16384x128xbf16>
      %logistic3A_270 = arith.constant 1.000000e+00 : bf16
      %logistic3A_271 = vector.broadcast %logistic3A_270 : bf16 to vector<16384x128xbf16>
      %logistic3A_272 = arith.addf %logistic3A_271, %logistic3A_269 : vector<16384x128xbf16>
      %logistic3A_273 = arith.divf %logistic3A_271, %logistic3A_272 : vector<16384x128xbf16>
      %mul3A_274 = arith.mulf %add3A_267, %logistic3A_273 : vector<16384x128xbf16>
      %dot_general3A_275 = arith.constant dense<0.000000e+00> : vector<16384x8xf32>
      %dot_general3A_276 = tpu.matmul %mul3A_274, %convert_element_type3A_52, %dot_general3A_275 {dimension_numbers = #tpu.dot_dimension_numbers<[1], [0], [0], [1], [0, 0, 1, 1], [], []>, transpose_lhs_hint = false} : vector<16384x128xbf16>, vector<128x8xbf16>, vector<16384x8xf32> -> vector<16384x8xf32>
      %reshape3A_277 = vector.shape_cast %dot_general3A_276 : vector<16384x8xf32> to vector<128x128x8xf32>
      %reduce_sum3A_278 = arith.constant dense<0.000000e+00> : vector<128x128xf32>
      %reduce_sum3A_279 = vector.multi_reduction <add>, %reshape3A_277, %reduce_sum3A_278 [2] : vector<128x128x8xf32> to vector<128x128xf32>
      %add3A_280 = vector.broadcast %get3A_29 : vector<1x128xf32> to vector<128x128xf32>
      %add3A_281 = arith.addf %reduce_sum3A_279, %add3A_280 : vector<128x128xf32>
      %mul3A_282 = arith.mulf %add3A_281, %convert_element_type3A_230 : vector<128x128xf32>
      %reshape3A_283 = vector.shape_cast %mul3A_262 : vector<16384x128xbf16> to vector<128x128x128xbf16>
      %reshape3A_284 = vector.shape_cast %convert_element_type3A_230 : vector<128x128xf32> to vector<128x1x128xf32>
      %convert_element_type3A_285 = arith.truncf %reshape3A_284 : vector<128x1x128xf32> to vector<128x1x128xbf16>
      %dot_general3A_286 = arith.constant dense<0.000000e+00> : vector<128x1x128xf32>
      %dot_general3A_287 = tpu.matmul %convert_element_type3A_285, %reshape3A_283, %dot_general3A_286 {dimension_numbers = #tpu.dot_dimension_numbers<[2], [1], [1], [2], [0, 0, 0, 1, 1, 2], [0], [0]>, transpose_lhs_hint = false} : vector<128x1x128xbf16>, vector<128x128x128xbf16>, vector<128x1x128xf32> -> vector<128x1x128xf32>
      %reshape3A_288 = vector.shape_cast %dot_general3A_287 : vector<128x1x128xf32> to vector<128x128xf32>
      %add3A_289 = arith.addf %while3A_147, %reshape3A_288 : vector<128x128xf32>
      %reduce_sum3A_290 = arith.constant dense<0.000000e+00> : vector<128xf32>
      %reduce_sum3A_291 = vector.multi_reduction <add>, %mul3A_282, %reduce_sum3A_290 [1] : vector<128x128xf32> to vector<128xf32>
      %broadcast_in_dim3A_292 = vector.shape_cast %reduce_sum3A_291 : vector<128xf32> to vector<128x1xf32>
      %add3A_293 = arith.addf %while3A_148, %broadcast_in_dim3A_292 : vector<128x1xf32>
      %dot_general3A_294 = arith.constant dense<0.000000e+00> : vector<128x8xf32>
      %dot_general3A_295 = tpu.matmul %mul3A_282, %get3A_161, %dot_general3A_294 {dimension_numbers = #tpu.dot_dimension_numbers<[1], [1], [0], [0], [0, 0, 1, 0], [], []>, transpose_lhs_hint = false} : vector<128x128xf32>, vector<8x128xf32>, vector<128x8xf32> -> vector<128x8xf32>
      %add3A_296 = arith.addf %while3A_149, %dot_general3A_295 : vector<128x8xf32>
      %reduce_sum3A_297 = arith.constant dense<0.000000e+00> : vector<128xf32>
      %reduce_sum3A_298 = vector.multi_reduction <add>, %convert_element_type3A_230, %reduce_sum3A_297 [1] : vector<128x128xf32> to vector<128xf32>
      %broadcast_in_dim3A_299 = vector.shape_cast %reduce_sum3A_298 : vector<128xf32> to vector<128x1xf32>
      %add3A_300 = arith.addf %while3A_150, %broadcast_in_dim3A_299 : vector<128x1xf32>
      scf.yield %add3A_289, %add3A_293, %add3A_296, %add3A_300 : vector<128x128xf32>, vector<128x1xf32>, vector<128x8xf32>, vector<128x1xf32>
    }
    %max3A = arith.constant 1.000000e+00 : f32
    %max3A_76 = vector.broadcast %max3A : f32 to vector<128x1xf32>
    %max3A_77 = arith.maximumf %while3A_75#3, %max3A_76 : vector<128x1xf32>
    %mul3A_78 = vector.broadcast %while3A_75#1 : vector<128x1xf32> to vector<128x8xf32>
    %mul3A_79 = arith.mulf %get3A_8, %mul3A_78 : vector<128x8xf32>
    %sub3A = arith.subf %mul3A_79, %while3A_75#2 : vector<128x8xf32>
    %div3A = vector.broadcast %max3A_77 : vector<128x1xf32> to vector<128x8xf32>
    %div3A_80 = arith.divf %sub3A, %div3A : vector<128x8xf32>
    %add3A_81 = arith.addf %get3A_8, %div3A_80 : vector<128x8xf32>
    %div3A_82 = vector.broadcast %max3A_77 : vector<128x1xf32> to vector<128x128xf32>
    %div3A_83 = arith.divf %while3A_75#0, %div3A_82 : vector<128x128xf32>
    %concatenate3A = tpu.concatenate %get3A_11, %div3A_83 in 1 : vector<128x128xf32>, vector<128x128xf32> -> vector<128x256xf32>
    %get3A_84 = arith.constant 0 : index
    %get3A_85 = arith.constant 0 : index
    %get3A_86 = vector.load %arg15[%get3A_84, %get3A_85] : memref<256x128xf32, #tpu.memory_space<vmem>>, vector<256x128xf32>
    %dot_general3A = arith.constant dense<0.000000e+00> : vector<128x128xf32>
    %dot_general3A_87 = tpu.matmul %concatenate3A, %get3A_86, %dot_general3A {dimension_numbers = #tpu.dot_dimension_numbers<[1], [0], [0], [1], [0, 0, 1, 1], [], []>, transpose_lhs_hint = false} : vector<128x256xf32>, vector<256x128xf32>, vector<128x128xf32> -> vector<128x128xf32>
    %add3A_88 = vector.broadcast %get3A_32 : vector<1x128xf32> to vector<128x128xf32>
    %add3A_89 = arith.addf %dot_general3A_87, %add3A_88 : vector<128x128xf32>
    %logistic3A = arith.negf %add3A_89 : vector<128x128xf32>
    %logistic3A_90 = math.exp %logistic3A : vector<128x128xf32>
    %logistic3A_91 = arith.constant 1.000000e+00 : f32
    %logistic3A_92 = vector.broadcast %logistic3A_91 : f32 to vector<128x128xf32>
    %logistic3A_93 = arith.addf %logistic3A_92, %logistic3A_90 : vector<128x128xf32>
    %logistic3A_94 = arith.divf %logistic3A_92, %logistic3A_93 : vector<128x128xf32>
    %mul3A_95 = arith.mulf %add3A_89, %logistic3A_94 : vector<128x128xf32>
    %get3A_96 = arith.constant 0 : index
    %get3A_97 = arith.constant 0 : index
    %get3A_98 = vector.load %arg16[%get3A_96, %get3A_97] : memref<128x128xf32, #tpu.memory_space<vmem>>, vector<128x128xf32>
    %dot_general3A_99 = arith.constant dense<0.000000e+00> : vector<128x128xf32>
    %dot_general3A_100 = tpu.matmul %mul3A_95, %get3A_98, %dot_general3A_99 {dimension_numbers = #tpu.dot_dimension_numbers<[1], [0], [0], [1], [0, 0, 1, 1], [], []>, transpose_lhs_hint = false} : vector<128x128xf32>, vector<128x128xf32>, vector<128x128xf32> -> vector<128x128xf32>
    %add3A_101 = arith.addf %get3A_11, %dot_general3A_100 : vector<128x128xf32>
    %add3A_102 = vector.broadcast %get3A_35 : vector<1x128xf32> to vector<128x128xf32>
    %add3A_103 = arith.addf %add3A_101, %add3A_102 : vector<128x128xf32>
    %reduce_sum3A = arith.constant dense<0.000000e+00> : vector<128xf32>
    %reduce_sum3A_104 = vector.multi_reduction <add>, %add3A_103, %reduce_sum3A [1] : vector<128x128xf32> to vector<128xf32>
    %broadcast_in_dim3A_105 = vector.shape_cast %reduce_sum3A_104 : vector<128xf32> to vector<128x1xf32>
    %div3A_106 = arith.constant 1.280000e+02 : f32
    %div3A_107 = vector.broadcast %div3A_106 : f32 to vector<128x1xf32>
    %div3A_108 = arith.divf %broadcast_in_dim3A_105, %div3A_107 : vector<128x1xf32>
    %sub3A_109 = vector.broadcast %div3A_108 : vector<128x1xf32> to vector<128x128xf32>
    %sub3A_110 = arith.subf %add3A_103, %sub3A_109 : vector<128x128xf32>
    %integer_pow3A = arith.mulf %sub3A_110, %sub3A_110 : vector<128x128xf32>
    %reduce_sum3A_111 = arith.constant dense<0.000000e+00> : vector<128xf32>
    %reduce_sum3A_112 = vector.multi_reduction <add>, %integer_pow3A, %reduce_sum3A_111 [1] : vector<128x128xf32> to vector<128xf32>
    %broadcast_in_dim3A_113 = vector.shape_cast %reduce_sum3A_112 : vector<128xf32> to vector<128x1xf32>
    %div3A_114 = arith.constant 1.280000e+02 : f32
    %div3A_115 = vector.broadcast %div3A_114 : f32 to vector<128x1xf32>
    %div3A_116 = arith.divf %broadcast_in_dim3A_113, %div3A_115 : vector<128x1xf32>
    %sub3A_117 = vector.broadcast %div3A_108 : vector<128x1xf32> to vector<128x128xf32>
    %sub3A_118 = arith.subf %add3A_103, %sub3A_117 : vector<128x128xf32>
    %add3A_119 = arith.constant 9.99999974E-6 : f32
    %add3A_120 = vector.broadcast %add3A_119 : f32 to vector<128x1xf32>
    %add3A_121 = arith.addf %div3A_116, %add3A_120 : vector<128x1xf32>
    %rsqrt3A = math.rsqrt %add3A_121 : vector<128x1xf32>
    %mul3A_122 = vector.broadcast %rsqrt3A : vector<128x1xf32> to vector<128x128xf32>
    %mul3A_123 = arith.mulf %sub3A_118, %mul3A_122 : vector<128x128xf32>
    %mul3A_124 = vector.broadcast %get3A_38 : vector<1x128xf32> to vector<128x128xf32>
    %mul3A_125 = arith.mulf %mul3A_123, %mul3A_124 : vector<128x128xf32>
    %add3A_126 = vector.broadcast %get3A_41 : vector<1x128xf32> to vector<128x128xf32>
    %add3A_127 = arith.addf %mul3A_125, %add3A_126 : vector<128x128xf32>
    %logistic3A_128 = arith.negf %add3A_127 : vector<128x128xf32>
    %logistic3A_129 = math.exp %logistic3A_128 : vector<128x128xf32>
    %logistic3A_130 = arith.constant 1.000000e+00 : f32
    %logistic3A_131 = vector.broadcast %logistic3A_130 : f32 to vector<128x128xf32>
    %logistic3A_132 = arith.addf %logistic3A_131, %logistic3A_129 : vector<128x128xf32>
    %logistic3A_133 = arith.divf %logistic3A_131, %logistic3A_132 : vector<128x128xf32>
    %mul3A_134 = arith.mulf %add3A_127, %logistic3A_133 : vector<128x128xf32>
    %swap3A = arith.constant 0 : index
    %swap3A_135 = arith.constant 0 : index
    %swap3A_136 = vector.load %arg20[%swap3A, %swap3A_135] : memref<128x128xf32, #tpu.memory_space<vmem>>, vector<128x128xf32>
    tpu.vector_store %arg20[%swap3A, %swap3A_135], %mul3A_134 {strides = array<i32>} : memref<128x128xf32, #tpu.memory_space<vmem>>, vector<128x128xf32>,
    %swap3A_137 = arith.constant 0 : index
    %swap3A_138 = arith.constant 0 : index
    %swap3A_139 = vector.load %arg18[%swap3A_137, %swap3A_138] : memref<128x8xf32, #tpu.memory_space<vmem>>, vector<128x8xf32>
    tpu.vector_store %arg18[%swap3A_137, %swap3A_138], %add3A_81 {strides = array<i32>} : memref<128x8xf32, #tpu.memory_space<vmem>>, vector<128x8xf32>,
    %transpose3A = tpu.transpose %add3A_81, [1, 0] : vector<128x8xf32> -> vector<8x128xf32>
    %swap3A_140 = arith.constant 0 : index
    %swap3A_141 = arith.constant 0 : index
    %swap3A_142 = arith.constant 0 : index
    %swap3A_143 = vector.load %arg19[%swap3A_140, %swap3A_141, %swap3A_142] : memref<1x8x128xf32, #tpu.memory_space<vmem>>, vector<1x8x128xf32>
    %swap3A_144 = vector.shape_cast %swap3A_143 : vector<1x8x128xf32> to vector<8x128xf32>
    %swap3A_145 = vector.shape_cast %transpose3A : vector<8x128xf32> to vector<1x8x128xf32>
    tpu.vector_store %arg19[%swap3A_140, %swap3A_141, %swap3A_142], %swap3A_145 {strides = array<i32>} : memref<1x8x128xf32, #tpu.memory_space<vmem>>, vector<1x8x128xf32>,
    return
  }
  func.func @transform_0(%arg0: i32, %arg1: memref<99xi32, #tpu.memory_space<smem>>, %arg2: memref<99xi32, #tpu.memory_space<smem>>) -> (i32, i32) {
    %c0_i32 = arith.constant 0 : i32
    %c0_i32_0 = arith.constant 0 : i32
    return %arg0, %c0_i32 : i32, i32
  }
  func.func @transform_1(%arg0: i32, %arg1: memref<99xi32, #tpu.memory_space<smem>>, %arg2: memref<99xi32, #tpu.memory_space<smem>>) -> (i32, i32) {
    %c0_i32 = arith.constant 0 : i32
    %c0_i32_0 = arith.constant 0 : i32
    return %arg0, %c0_i32 : i32, i32
  }
  func.func @transform_2(%arg0: i32, %arg1: memref<99xi32, #tpu.memory_space<smem>>, %arg2: memref<99xi32, #tpu.memory_space<smem>>) -> (i32, i32) {
    %c0_i32 = arith.constant 0 : i32
    %c0_i32_0 = arith.constant 0 : i32
    return %arg0, %c0_i32 : i32, i32
  }
  func.func @transform_3(%arg0: i32, %arg1: memref<99xi32, #tpu.memory_space<smem>>, %arg2: memref<99xi32, #tpu.memory_space<smem>>) -> (i32, i32) {
    %c0_i32 = arith.constant 0 : i32
    %c0_i32_0 = arith.constant 0 : i32
    return %arg0, %c0_i32 : i32, i32
  }
  func.func @transform_4(%arg0: i32, %arg1: memref<99xi32, #tpu.memory_space<smem>>, %arg2: memref<99xi32, #tpu.memory_space<smem>>) -> (i32, i32) {
    %c0_i32 = arith.constant 0 : i32
    %c0_i32_0 = arith.constant 0 : i32
    return %arg0, %c0_i32 : i32, i32
  }
  func.func @transform_5(%arg0: i32, %arg1: memref<99xi32, #tpu.memory_space<smem>>, %arg2: memref<99xi32, #tpu.memory_space<smem>>) -> (i32, i32, i32) {
    %c0_i32 = arith.constant 0 : i32
    %c0_i32_0 = arith.constant 0 : i32
    %c0_i32_1 = arith.constant 0 : i32
    %c0_i32_2 = arith.constant 0 : i32
    return %c0_i32, %c0_i32_0, %c0_i32_1 : i32, i32, i32
  }
  func.func @transform_6(%arg0: i32, %arg1: memref<99xi32, #tpu.memory_space<smem>>, %arg2: memref<99xi32, #tpu.memory_space<smem>>) -> (i32, i32, i32) {
    %c0_i32 = arith.constant 0 : i32
    %c0_i32_0 = arith.constant 0 : i32
    %c0_i32_1 = arith.constant 0 : i32
    %c0_i32_2 = arith.constant 0 : i32
    return %c0_i32, %c0_i32_0, %c0_i32_1 : i32, i32, i32
  }
  func.func @transform_7(%arg0: i32, %arg1: memref<99xi32, #tpu.memory_space<smem>>, %arg2: memref<99xi32, #tpu.memory_space<smem>>) -> (i32, i32, i32) {
    %c0_i32 = arith.constant 0 : i32
    %c0_i32_0 = arith.constant 0 : i32
    %c0_i32_1 = arith.constant 0 : i32
    %c0_i32_2 = arith.constant 0 : i32
    return %c0_i32, %c0_i32_0, %c0_i32_1 : i32, i32, i32
  }
  func.func @transform_8(%arg0: i32, %arg1: memref<99xi32, #tpu.memory_space<smem>>, %arg2: memref<99xi32, #tpu.memory_space<smem>>) -> (i32, i32, i32) {
    %c0_i32 = arith.constant 0 : i32
    %c0_i32_0 = arith.constant 0 : i32
    %c0_i32_1 = arith.constant 0 : i32
    %c0_i32_2 = arith.constant 0 : i32
    return %c0_i32, %c0_i32_0, %c0_i32_1 : i32, i32, i32
  }
  func.func @transform_9(%arg0: i32, %arg1: memref<99xi32, #tpu.memory_space<smem>>, %arg2: memref<99xi32, #tpu.memory_space<smem>>) -> (i32, i32) {
    %c0_i32 = arith.constant 0 : i32
    %c0_i32_0 = arith.constant 0 : i32
    %c0_i32_1 = arith.constant 0 : i32
    return %c0_i32, %c0_i32_0 : i32, i32
  }
  func.func @transform_10(%arg0: i32, %arg1: memref<99xi32, #tpu.memory_space<smem>>, %arg2: memref<99xi32, #tpu.memory_space<smem>>) -> (i32, i32) {
    %c0_i32 = arith.constant 0 : i32
    %c0_i32_0 = arith.constant 0 : i32
    %c0_i32_1 = arith.constant 0 : i32
    return %c0_i32, %c0_i32_0 : i32, i32
  }
  func.func @transform_11(%arg0: i32, %arg1: memref<99xi32, #tpu.memory_space<smem>>, %arg2: memref<99xi32, #tpu.memory_space<smem>>) -> (i32, i32) {
    %c0_i32 = arith.constant 0 : i32
    %c0_i32_0 = arith.constant 0 : i32
    %c0_i32_1 = arith.constant 0 : i32
    return %c0_i32, %c0_i32_0 : i32, i32
  }
  func.func @transform_12(%arg0: i32, %arg1: memref<99xi32, #tpu.memory_space<smem>>, %arg2: memref<99xi32, #tpu.memory_space<smem>>) -> (i32, i32) {
    %c0_i32 = arith.constant 0 : i32
    %c0_i32_0 = arith.constant 0 : i32
    %c0_i32_1 = arith.constant 0 : i32
    return %c0_i32, %c0_i32_0 : i32, i32
  }
  func.func @transform_13(%arg0: i32, %arg1: memref<99xi32, #tpu.memory_space<smem>>, %arg2: memref<99xi32, #tpu.memory_space<smem>>) -> (i32, i32) {
    %c0_i32 = arith.constant 0 : i32
    %c0_i32_0 = arith.constant 0 : i32
    %c0_i32_1 = arith.constant 0 : i32
    return %c0_i32, %c0_i32_0 : i32, i32
  }
  func.func @transform_14(%arg0: i32, %arg1: memref<99xi32, #tpu.memory_space<smem>>, %arg2: memref<99xi32, #tpu.memory_space<smem>>) -> (i32, i32) {
    %c0_i32 = arith.constant 0 : i32
    %c0_i32_0 = arith.constant 0 : i32
    %c0_i32_1 = arith.constant 0 : i32
    return %c0_i32, %c0_i32_0 : i32, i32
  }
  func.func @transform_15(%arg0: i32, %arg1: memref<99xi32, #tpu.memory_space<smem>>, %arg2: memref<99xi32, #tpu.memory_space<smem>>) -> (i32, i32) {
    %c0_i32 = arith.constant 0 : i32
    %c0_i32_0 = arith.constant 0 : i32
    return %arg0, %c0_i32 : i32, i32
  }
  func.func @transform_16(%arg0: i32, %arg1: memref<99xi32, #tpu.memory_space<smem>>, %arg2: memref<99xi32, #tpu.memory_space<smem>>) -> (i32, i32, i32) {
    %c0_i32 = arith.constant 0 : i32
    %c0_i32_0 = arith.constant 0 : i32
    %c0_i32_1 = arith.constant 0 : i32
    return %arg0, %c0_i32, %c0_i32_0 : i32, i32, i32
  }
  func.func @transform_17(%arg0: i32, %arg1: memref<99xi32, #tpu.memory_space<smem>>, %arg2: memref<99xi32, #tpu.memory_space<smem>>) -> (i32, i32) {
    %c0_i32 = arith.constant 0 : i32
    %c0_i32_0 = arith.constant 0 : i32
    return %arg0, %c0_i32 : i32, i32
  }
}

module attributes {stable_mosaic.version = 14 : i64} {
  func.func @_head_kernel(%arg0: i32, %arg1: memref<128x128xf32, #tpu.memory_space<vmem>>, %arg2: memref<128x16xf32, #tpu.memory_space<vmem>>, %arg3: memref<8x16xf32, #tpu.memory_space<vmem>>, %arg4: memref<128x16xf32, #tpu.memory_space<vmem>>) attributes {dimension_semantics = [#tpu.dimension_semantics<arbitrary>], iteration_bounds = array<i64: 99>, scalar_prefetch = 0 : i64, scratch_operands = 0 : i64, tpu.core_type = #tpu.core_type<tc>, window_params = [{transform_indices = @transform_0, window_bounds = array<i64: 128, 128>}, {pipeline_mode = #tpu.pipeline_mode<synchronous>, transform_indices = @transform_1, window_bounds = array<i64: 128, 16>}, {pipeline_mode = #tpu.pipeline_mode<synchronous>, transform_indices = @transform_2, window_bounds = array<i64: 8, 16>}, {transform_indices = @transform_3, window_bounds = array<i64: 128, 16>}]} {
    %get3A = arith.constant 0 : index
    %get3A_0 = arith.constant 0 : index
    %get3A_1 = vector.load %arg1[%get3A, %get3A_0] : memref<128x128xf32, #tpu.memory_space<vmem>>, vector<128x128xf32>
    %get3A_2 = arith.constant 0 : index
    %get3A_3 = arith.constant 0 : index
    %get3A_4 = vector.load %arg2[%get3A_2, %get3A_3] : memref<128x16xf32, #tpu.memory_space<vmem>>, vector<128x16xf32>
    %dot_general3A = arith.constant dense<0.000000e+00> : vector<128x16xf32>
    %dot_general3A_5 = tpu.matmul %get3A_1, %get3A_4, %dot_general3A {dimension_numbers = #tpu.dot_dimension_numbers<[1], [0], [0], [1], [0, 0, 1, 1], [], []>, transpose_lhs_hint = false} : vector<128x128xf32>, vector<128x16xf32>, vector<128x16xf32> -> vector<128x16xf32>
    %get3A_6 = arith.constant 0 : index
    %get3A_7 = arith.constant 0 : index
    %get3A_8 = vector.load %arg3[%get3A_6, %get3A_7] : memref<8x16xf32, #tpu.memory_space<vmem>>, vector<1x16xf32>
    %add3A = vector.broadcast %get3A_8 : vector<1x16xf32> to vector<128x16xf32>
    %add3A_9 = arith.addf %dot_general3A_5, %add3A : vector<128x16xf32>
    %tanh3A = math.tanh %add3A_9 : vector<128x16xf32>
    %get3A_10 = arith.constant 1 : index
    %get3A_11 = arith.constant 0 : index
    %get3A_12 = vector.load %arg3[%get3A_10, %get3A_11] : memref<8x16xf32, #tpu.memory_space<vmem>>, vector<1x16xf32>
    %mul3A = vector.broadcast %get3A_12 : vector<1x16xf32> to vector<128x16xf32>
    %mul3A_13 = arith.mulf %tanh3A, %mul3A : vector<128x16xf32>
    %swap3A = arith.constant 0 : index
    %swap3A_14 = arith.constant 0 : index
    %swap3A_15 = vector.load %arg4[%swap3A, %swap3A_14] : memref<128x16xf32, #tpu.memory_space<vmem>>, vector<128x16xf32>
    tpu.vector_store %arg4[%swap3A, %swap3A_14], %mul3A_13 {strides = array<i32>} : memref<128x16xf32, #tpu.memory_space<vmem>>, vector<128x16xf32>,
    return
  }
  func.func @transform_0(%arg0: i32) -> (i32, i32) {
    %c0_i32 = arith.constant 0 : i32
    %c0_i32_0 = arith.constant 0 : i32
    return %arg0, %c0_i32 : i32, i32
  }
  func.func @transform_1(%arg0: i32) -> (i32, i32) {
    %c0_i32 = arith.constant 0 : i32
    %c0_i32_0 = arith.constant 0 : i32
    %c0_i32_1 = arith.constant 0 : i32
    return %c0_i32, %c0_i32_0 : i32, i32
  }
  func.func @transform_2(%arg0: i32) -> (i32, i32) {
    %c0_i32 = arith.constant 0 : i32
    %c0_i32_0 = arith.constant 0 : i32
    %c0_i32_1 = arith.constant 0 : i32
    return %c0_i32, %c0_i32_0 : i32, i32
  }
  func.func @transform_3(%arg0: i32) -> (i32, i32) {
    %c0_i32 = arith.constant 0 : i32
    %c0_i32_0 = arith.constant 0 : i32
    return %arg0, %c0_i32 : i32, i32
  }
}

</mosaic_0001>

<sc_bundles>
// kernel: gather_offload_async_start.10
scs
__scs_entry_jumppad:
0x0: {  	(pc) =	sbr.rel $0x88, $3  }
0x1: {  	(tag) =	ssettag $0x0;
	lr =	simm.s32 $0x1  }
0x2: {  	[smem:$0x3F59] =	sst lr;
	_ =	strace $0xD0000000  }
0x3: {  	_ = 	snop  }
0x4: {  	_ = 	snop  }
0x5: {  	_ = 	snop  }
0x6: {  	_ = 	snop  }
0x7: {  	_ = 	snop  }
__scs_overlays_trampoline_lowered:
0x8: {  	[smem:$0x3F68] =	sst s0  }
0x9: {  	[smem:$0x3F69] =	sst s1  }
0xa: {  	[smem:$0x3F6A] =	sst s2  }
0xb: {  	[smem:$0x3F6B] =	sst s3  }
0xc: {  	[smem:$0x3F6C] =	sst s4  }
0xd: {  	[smem:$0x3F6D] =	sst s5  }
0xe: {  	[smem:$0x3F6E] =	sst s6  }
0xf: {  	[smem:$0x3F6F] =	sst s7  }
0x10: {  	[smem:$0x3F70] =	sst s8  }
0x11: {  	[smem:$0x3F71] =	sst s9;
	s0 =	simm.s32 @!p0 $0x0  }
0x12: {  	s1 =	sld [smem:$0x3F57];
	s0 =	simm.s32 @p0 $0x1  }
0x13: {  	[smem:$0x3F72] =	sst s0;
	s0 =	simm.s32 @!p1 $0x0  }
0x14: {  	s2 =	sld [smem:$0x3F56];
	s0 =	simm.s32 @p1 $0x1  }
0x15: {  	[smem:$0x3F73] =	sst s0;
	s0 =	simm.s32 @!p2 $0x0  }
0x16: {  	s3 =	sld [smem:$0x3FDB];
	s0 =	simm.s32 @p2 $0x1  }
0x17: {  	s4 =	simm.s32 $0x1BF5;
	[smem:$0x3F75] =	sst s0  }
0x18: {  	s0 =	sld [smem:$0x3F58];
	_ =	swait.ge [sflag:s4], $0x0  }
0x19: {  	s7 =	sld [smem:$0x3F59]  }
0x1a: {  	s8 =	sadd.s32 $0xFFFFE003, lr  }
0x1b: {  	s9 =	sadd.s32 $0xFFFFFEF7, lr;
	s5 =	simm.s32 $0xFFFFFFFF;
	p2 =	slt.u32 s8, $0xFFFFF086  }
0x1c: {  	p1 =	slt.u32 s9, $0xF7A;
	s5 =	simm.s32 @!p2 $0x0  }
0x1d: {  	s5 =	simm.s32 @p1 $0x1;
	p0 =	seq.s32 s7, s2  }
0x1e: {  	s7 =	smul.u32 @!p0 $0xF7A, s2;
	p2 =	seq.s32 @!p0 s5, $0x0  }
0x1f: {  	s9 =	smul.u32 $0xF7A, s1;
	s8 =	simm.s32 @!p0 $0x1BF5;
	p2 =	por !p2, p0  }
0x20: {  	[sflag:s8] =	ssyncset.s32 @!p0 $0xFFFFF086;
	s6 =	sadd.s32 @!p0 s3, s7;
	s7 =	simm.s32 @!p0 $0x108  }
0x21: {  	s3 =	sadd.s32 s3, s9;
	s6 =	sadd.s32 @!p0 $0x88, s6;
	s7 =	simm.s32 @p2 $0x1082  }
0x22: {  	[simem:s7], [sflag:s8] =	dma.local @!p0 [hbm:s6], $0xF7A  }
0x23: {  	s9 =	sor.u32 $0xD0000000, s2;
	s6 =	simm.s32 $0x108;
	_ =	swait.ge @!p0 [sflag:s8], $0x0  }
0x24: {  	s3 =	sadd.s32 $0x88, s3;
	s6 =	simm.s32 @!p1 $0x1082;
	[sflag:s4] =	ssyncset.s32 $0xFFFFF086  }
0x25: {  	[simem:s6], [sflag:s4] =	dma.local [hbm:s3], $0xF7A  }
0x26: {  	[smem:$0x3F59] =	sst s1;
	(tag) =	ssettag s2;
	_ =	strace s9  }
0x27: {  	s1 =	sld [smem:$0x3F69]  }
0x28: {  	s2 =	sld [smem:$0x3F6A]  }
0x29: {  	s4 =	sld [smem:$0x3F6C]  }
0x2a: {  	p0 =	seq.s32 s5, $0x0;
	s5 =	sld [smem:$0x3F6D]  }
0x2b: {  	s6 =	sld [smem:$0x3F6E]  }
0x2c: {  	s7 =	sld [smem:$0x3F6F]  }
0x2d: {  	s3 =	simm.s32 $0x108;
	s8 =	sld [smem:$0x3F70]  }
0x2e: {  	s3 =	simm.s32 @!p0 $0x1082;
	s9 =	sld [smem:$0x3F71]  }
0x2f: {  	lr =	sadd.s32 s0, s3;
	s0 =	sld [smem:$0x3F68]  }
0x30: {  	s3 =	sld [smem:$0x3F6B]  }
0x31: {  	[smem:$0x3F74] =	sst s10  }
0x32: {  	s10 =	sld [smem:$0x3F72];
	_ =	sdelay $0x3  }
0x33: {  	p0 =	seq.s32 s10, $0x1;
	s10 =	sld [smem:$0x3F74];
	_ =	sdelay $0x3  }
0x34: {  	[smem:$0x3F74] =	sst s10  }
0x35: {  	s10 =	sld [smem:$0x3F73];
	_ =	sdelay $0x3  }
0x36: {  	p1 =	seq.s32 s10, $0x1;
	s10 =	sld [smem:$0x3F74];
	_ =	sdelay $0x3  }
0x37: {  	[smem:$0x3F74] =	sst s10  }
0x38: {  	s10 =	sld [smem:$0x3F75]  }
0x39: {  	_ = 	snop;
	(pc) =	sbr.ind lr, $3  }
0x3a: {  	_ = 	snop  }
0x3b: {  	_ = 	snop  }
0x3c: {  	p2 =	seq.s32 s10, $0x1;
	s10 =	sld [smem:$0x3F74]  }
0x3d: {  	_ =	shalt  }
0x3e: {  	_ =	shalt  }
0x3f: {  	_ =	shalt  }
0x40: {  	_ =	shalt  }
0x41: {  	_ =	shalt  }
0x42: {  	_ =	shalt  }
0x43: {  	_ =	shalt  }
0x44: {  	_ =	shalt  }
0x45: {  	_ =	shalt  }
0x46: {  	_ =	shalt  }
0x47: {  	_ =	shalt  }
0x48: {  	_ =	shalt  }
0x49: {  	_ =	shalt  }
0x4a: {  	_ =	shalt  }
0x4b: {  	_ =	shalt  }
0x4c: {  	_ =	shalt  }
0x4d: {  	_ =	shalt  }
0x4e: {  	_ =	shalt  }
0x4f: {  	_ =	shalt  }
0x50: {  	_ =	shalt  }
0x51: {  	_ =	shalt  }
0x52: {  	_ =	shalt  }
0x53: {  	_ =	shalt  }
0x54: {  	_ =	shalt  }
0x55: {  	_ =	shalt  }
0x56: {  	_ =	shalt  }
0x57: {  	_ =	shalt  }
0x58: {  	_ =	shalt  }
0x59: {  	_ =	shalt  }
0x5a: {  	_ =	shalt  }
0x5b: {  	_ =	shalt  }
0x5c: {  	_ =	shalt  }
0x5d: {  	_ =	shalt  }
0x5e: {  	_ =	shalt  }
0x5f: {  	_ =	shalt  }
0x60: {  	_ =	shalt  }
0x61: {  	_ =	shalt  }
0x62: {  	_ =	shalt  }
0x63: {  	_ =	shalt  }
0x64: {  	_ =	shalt  }
0x65: {  	_ =	shalt  }
0x66: {  	_ =	shalt  }
0x67: {  	_ =	shalt  }
0x68: {  	_ =	shalt  }
0x69: {  	_ =	shalt  }
0x6a: {  	_ =	shalt  }
0x6b: {  	_ =	shalt  }
0x6c: {  	_ =	shalt  }
0x6d: {  	_ =	shalt  }
0x6e: {  	_ =	shalt  }
0x6f: {  	_ =	shalt  }
0x70: {  	_ =	shalt  }
0x71: {  	_ =	shalt  }
0x72: {  	_ =	shalt  }
0x73: {  	_ =	shalt  }
0x74: {  	_ =	shalt  }
0x75: {  	_ =	shalt  }
0x76: {  	_ =	shalt  }
0x77: {  	_ =	shalt  }
0x78: {  	_ =	shalt  }
0x79: {  	_ =	shalt  }
0x7a: {  	_ =	shalt  }
0x7b: {  	_ =	shalt  }
0x7c: {  	_ =	shalt  }
0x7d: {  	_ =	shalt  }
0x7e: {  	_ =	shalt  }
0x7f: {  	_ =	shalt  }
0x80: {  	_ =	shalt  }
0x81: {  	_ =	shalt  }
0x82: {  	_ =	shalt  }
0x83: {  	_ =	shalt  }
0x84: {  	_ =	shalt  }
0x85: {  	_ =	shalt  }
0x86: {  	_ =	shalt  }
0x87: {  	_ =	shalt  }
.Lfunc_end0:
.L_simem_size_0:
called_computation.10_lowered:
.L_overlay_start_0:
0x88: {  	s0 =	sld [smem:$0x3FD9]  }
0x89: {  	s1 =	sld [smem:$0x3FFE];
	_ =	sdelay $0x3  }
0x8a: {  	s0 =	sadd.s32 s1, s0  }
0x8b: {  	[smem:$0x3F80] =	sst s0  }
0x8c: {  	_ = 	snop  }
0x8d: {  	s0 =	sld [smem:$0x3FD0];
	_ =	sdelay $0x2  }
0x8e: {  	s13 =	simm.s32 $0xE;
	s2 =	simm.s32 $0x10  }
0x8f: {  	[smem:s2], [sflag:s13] =	dma.local [hbm:s0], $0x1  }
0x90: {  	_ =	swait.eq [sflag:s13], $0x1  }
0x91: {  	[sflag:s13] =	ssyncset.done $0x0  }
0x92: {  	[sflag:s13] =	ssyncadd.s32 $0xFFFFFFFF  }
0x93: {  	s14 =	sld [smem:$0x11];
	(tm) =	ssettm $0x1  }
0x94: {  	s15 =	sld [smem:$0x3FFB];
	_ =	sdelay $0x3  }
0x95: {  	_ =	strace s15  }
0x96: {  	s1 =	sld [smem:$0x3FFC];
	_ =	sdelay $0x3  }
0x97: {  	_ =	strace s1  }
0x98: {  	s1 =	sld [smem:$0x3FFD];
	_ =	sdelay $0x3  }
0x99: {  	_ =	strace s1  }
0x9a: {  	_ =	strace $0x8FFFFFFF  }
0x9b: {  	s16 =	sld [smem:$0x3FDB];
	_ =	sdelay $0x1  }
0x9c: {  	s17 =	simm.s32 $_scs_section_size  }
0x9d: {  	s3 =	simm.s32 $_size__tile_overlayer_lowered;
	s4 =	simm.s32 $_tile_overlayer_lowered  }
0x9e: {  	s20 =	simm.s32 $0x1BFF;
	s19 =	sshll.u32 s4, $0x1;
	s1 =	sadd.s32 s17, s16  }
0x9f: {  	s5 =	simm.s32 $0x0;
	s18 =	sshll.u32 s3, $0x1;
	s3 =	sadd.s32 s19, s1  }
0xa0: {  	[timem:s5], [sflag:s20] =	dma.local [hbm:s3], s18  }
0xa1: {  	_ =	swait.ge [sflag:s20], s18  }
0xa2: {  	s2 =	ssub.s32 $0x0, s18;
	[sflag:s20] =	ssyncset.done $0x0  }
0xa3: {  	[sflag:s20] =	ssyncadd.s32 s2;
	_ =	sdelay $0x1  }
0xa4: {  	s21 =	simm.s32 $0x1B8B  }
0xa5: {  	_ =	swait.ge [sflag:s21], $0x1  }
0xa6: {  	[sflag:s21] =	ssyncset.done $0x0  }
0xa7: {  	s23 =	simm.s32 $0x1B8E;
	s22 =	sld [smem:$0x3FFE];
	[sflag:s21] =	ssyncadd.s32 $0xFFFFFFFF  }
0xa8: {  	s24 =	simm.s32 $execute0_lowered;
	[smem:$0x3FD2] =	sst s23  }
0xa9: {  	s3 =	sshll.u32 s24, $0x1;
	_ =	strace $0x80000064;
	[dreg:$0x1] =	wrdreg $0xFFFFFFFF  }
0xaa: {  	s25 =	simm.s32 $_size_execute0_lowered;
	s1 =	sadd.s32 s1, s3;
	[dreg:$0x0] =	wrdreg $0x0  }
0xab: {  	s3 =	sshll.u32 s25, $0x1;
	[dreg:$0x2] =	wrdreg s1  }
0xac: {  	[dreg:$0x3] =	wrdreg s3  }
0xad: {  	[dreg:$0x4] =	wrdreg $0xC0  }
0xae: {  	_ =	task [dreg:s5], $0x5FFFF  }
0xaf: {  	[dreg:$0x1] =	wrdreg $0xFFFFFFFF  }
0xb0: {  	[dreg:$0x0] =	wrdreg $0x60  }
0xb1: {  	[dreg:$0x2] =	wrdreg s22  }
0xb2: {  	[dreg:$0x3] =	wrdreg s14  }
0xb3: {  	[dreg:$0x4] =	wrdreg $0xA  }
0xb4: {  	_ =	task.clear_ibuf [dreg:s5], $0x5FFFF;
	_ =	strace $0x90000064  }
0xb5: {  	s26 =	simm.s32 $0xA;
	_ =	strace $0x80000066  }
0xb6: {  	_ =	swait.ge [sflag:s26], $0x1  }
0xb7: {  	[sflag:s26] =	ssyncadd.s32 $0xFFFFFFFF  }
0xb8: {  	_ =	strace $0x90000066  }
0xb9: {  	_ =	sfence  }
0xba: {  	s28 =	sld [smem:$0x0];
	_ =	sdelay $0x1  }
0xbb: {  	s29 =	srdreg.scid  }
0xbc: {  	s30 =	sshll.u32 s29, $0xD;
	s31 =	sshrl.u32 s29, $0x2  }
0xbd: {  	s2 =	sand.u32 $0x4000, s30;
	s1 =	sand.u32 $0x1, s29;
	s0 =	sadd.s32 s31, s28  }
0xbe: {  	s1 =	sor.u32 s2, s1;
	s0 =	sshll.u32 s0, $0x11  }
0xbf: {  	s0 =	sor.u32 s0, s1  }
0xc0: {  	s0 =	sadd.s32 $0x8F2B, s0  }
0xc1: {  	[sflag:s0] =	ssyncadd.remote.s32 $0x1  }
0xc2: {  	_ =	sfence.sel $0xFFFF  }
0xc3: {  	[dreg:$0x0] =	wrdreg $0xFFFFFFFF;
	(pc) =	sbr.abs _section_cstart, $3  }
0xc4: {  	[dreg:$0x1] =	wrdreg $0xFFFFFFFF  }
0xc5: {  	_ =	task.clear_ibuf [dreg:s5], $0x2FFFF;
	_ =	strace $0x9FFFFFFF  }
0xc6: {  	(tm) =	ssettm $0x7FFFFFFF  }
0xc7: {  	_ =	shalt  }
tec
execute0_lowered:
.L_overlay_start_1:
0x0: {  	(tag) =	ssettag $0x1  }
0x1: {  	s8 =	rddreg [dreg:$0x0]  }
0x2: {  	s2 =	rddreg [dreg:$0x1]  }
0x3: {  	s0 =	rddreg [dreg:$0x2]  }
0x4: {  	_ =	strace $0x80000065;
	s4 =	simm.s32 $0x1;
	s1 =	stileid.u32  }
0x5: {  	s7 =	simm.s32 $0x1;
	s9 =	simm.s32 $0x1;
	s6 =	simm.s32 $0x2  }
0x6: {  	s10 =	simm.s32 $0x3;
	s13 =	simm.s32 $0x0;
	s12 =	simm.s32 $0x0  }
.Ltmp0:
0x7: {  	s3 =	sadd.s32 $0x18C00, s8;
	p0 =	slt.u32 s1, $0xA;
	(pc) =	sbr.rel .LBB2_1-.Ltmp0, $4  }
0x8: {  	[sflag:s4] =	ssyncpa.u1 $0x0;
	s7 =	simm.s32 @!p0 $0x0;
	p0 =	sne.s32 s1, $0x9  }
0x9: {  	s5 =	smul.u32 $0x190, s1;
	[sflag:s6] =	ssyncpa.u1 $0x0;
	s9 =	simm.s32 @!p0 $0x0  }
0xa: {  	s8 =	sadd.s32 $0x16A00, s8;
	[sflag:s10] =	ssyncpa.u1 $0x0;
	s7 =	sadd.s32 s9, s7  }
0xb: {  	vm0 =	vmmov $0xffff;
	s10 =	simm.s32 $0x0;
	s11 =	smov.u32 s5;
	s9 =	sadd.s32 $0x1, s7  }
.LBB2_4:
0xc: {  	v5 =	vshrl.u32 v1, $0xE;
	v6 =	vshll.u32 v1, $0x7  }
0xd: {  	vm1 =	veq.s32 v1, $0x80000000;
	v58 =	vand.u32 $0xF, v5;
	v59 =	vand.u32 $0x1FFF80, v6  }
0xe: {  	v1 =	vsel vm1, $0xFFFFFFFF, v58;
	v5 =	vsel vm1, $0xFFFFFF80, v59  }
0xf: {  	v3 =	vor.u32 v4, v3;
	v60 =	vand.u32 $0xFFFFFC00, v5;
	v61 =	vand.u32 $0xFFFFFC00, v1  }
0x10: {  	v2 =	vor.u32 v2, v3;
	v63 =	vand.u32 $0x380, v5;
	v62 =	vadd.s32 v61, v60  }
0x11: {  	v1 =	vand.u32 $0x7F, v1;
	v3 =	vor.u32 v63, v62  }
0x12: {  	v1 =	vor.u32 v1, v3  }
0x13: {  	[tilespmem:s17], [sflag:$0x1] =	stream.indirect_vreg.gather [hbm4b:s3+s10], $0x1, v0, vm0, $0x4038;
	[tilespmem:$0x640] =	vst v63  }
0x14: {  	(ifvalue) =	ssetifvalue $0x7FFFFFFF  }
0x15: {  	[tilespmem:s15], [sflag:$0x1] =	stream.indirect_vreg.gather [hbm4b:s3+s10], $0x1, v2, vm0, $0x4038;
	[tilespmem:$0x640] =	vst v63  }
0x16: {  	s29 =	sadd.s32 $0x10, s15;
	(ifvalue) =	ssetifvalue $0x7FFFFFFF  }
0x17: {  	[tilespmem:s29], [sflag:$0x1] =	stream.indirect_vreg.gather [hbm4b:s3+s10], $0x1, v1, vm0, $0x4038;
	[tilespmem:$0x640] =	vst v63  }
0x18: {  	_ =	swait.ge [sflag:s4], $0x190  }
0x19: {  	s30 =	sshrl.u32 s13, $0x3;
	[sflag:s4] =	ssyncset.done $0x0  }
0x1a: {  	s31 =	sand.u32 $0x7, s13;
	s15 =	sadd.s32 s2, s30;
	[sflag:s4] =	ssyncadd.s32 $0xFFFFFE70  }
0x1b: {  	[hbm4b:s15+s31] =	stream.linear.scatter [tilespmem:s14], [sflag:$0x3], $0x190, $0x38;
	[tilespmem:$0x640] =	vst v63  }
.LBB2_5:
0x1c: {  	s15 =	sadd.s32 $0x1900, s11  }
0x1d: {  	p1 =	sgt.s32 s15, $0x270F  }
0x1e: {  	s15 =	smov.u32 @p1 s5;
	p1 =	sne.s32 s12, s9  }
.Ltmp1:
0x1f: {  	p0 =	slt.u32 s12, $0x2;
	(pc) =	sbr.rel @!p1 .LBB2_6-.Ltmp1, $4  }
0x20: {  	s14 =	simm.s32 @!p0 $0x3  }
0x21: {  	_ =	swait.ge @!p0 [sflag:s14], $0x190  }
0x22: {  	s16 =	sadd.s32 $0x1, s12;
	s13 =	smov.u32 s11;
	[sflag:s14] =	ssyncset.done @!p0 $0x0  }
0x23: {  	s12 =	smov.u32 s16;
	s11 =	smov.u32 s15;
	[sflag:s14] =	ssyncadd.s32 @!p0 $0xFFFFFE70  }
.LBB2_1:
0x24: {  	p0 =	sge.u32 s12, s7  }
0x25: {  	s14 =	sxor.u32 @!p0 $0x1, s12  }
0x26: {  	s14 =	smul.u32 @!p0 $0x640, s14  }
0x27: {  	s31 =	sadd.s32 $0xFFFFFFFF, s12;
	s15 =	sshrl.u32 @!p0 s11, $0x3  }
0x28: {  	s16 =	sand.u32 @!p0 $0x7, s11;
	s15 =	sadd.s32 @!p0 s8, s15;
	s14 =	sshra.s32 @!p0 s14, $0x2  }
0x29: {  	[tilespmem:s14], [sflag:$0x2] =	stream.linear.gather @!p0 [hbm4b:s15+s16], $0x190, $0x38;
	[tilespmem:$0x640] =	vst v63  }
0x2a: {  	p0 =	sge.u32 s31, s7  }
.Ltmp2:
0x2b: {  	_ = 	snop;
	(pc) =	sbr.rel @p0 .LBB2_5-.Ltmp2, $1  }
0x2c: {  	_ =	sdelay $0x3  }
0x2d: {  	s14 =	sand.u32 $0x1, s12  }
0x2e: {  	_ =	swait.ge [sflag:s6], $0x190;
	p0 =	seq.s32 s14, $0x1;
	s14 =	simm.s32 $0x190  }
0x2f: {  	[sflag:s6] =	ssyncset.done $0x0;
	s14 =	simm.s32 @!p0 $0x0  }
0x30: {  	[sflag:s6] =	ssyncadd.s32 $0xFFFFFE70;
	(ifvalue) =	ssetifvalue $0x7FFFFFFF;
	v0 =	vld.msk [tilespmem:s14+$0x0 ss:$0x1], $0xffff;
	_ =	sdelay $0x4  }
0x31: {  	s15 =	sadd.s32 $0x10, s14;
	v2 =	vshrl.u32 v0, $0xE;
	v3 =	vshll.u32 v0, $0x7  }
0x32: {  	v1 =	vld.msk [tilespmem:s15+$0x0 ss:$0x1], $0xffff;
	vm1 =	veq.s32 v0, $0x80000000;
	v0 =	vand.u32 $0xF, v2;
	v2 =	vand.u32 $0x1FFF80, v3  }
0x33: {  	v0 =	vsel vm1, $0xFFFFFFFF, v0;
	v2 =	vsel vm1, $0xFFFFFF80, v2  }
0x34: {  	v3 =	vand.u32 $0xFFFFFC00, v2;
	v4 =	vand.u32 $0xFFFFFC00, v0  }
0x35: {  	v2 =	vand.u32 $0x380, v2;
	v3 =	vadd.s32 v4, v3  }
0x36: {  	v0 =	vand.u32 $0x7F, v0;
	v2 =	vor.u32 v2, v3  }
0x37: {  	v5 =	vshll.u32 v1, $0x7;
	v4 =	vshrl.u32 v1, $0xE;
	v0 =	vor.u32 v0, v2  }
0x38: {  	vm1 =	veq.s32 v1, $0x80000000;
	v1 =	vand.u32 $0xF, v4;
	v4 =	vand.u32 $0x1FFF80, v5  }
0x39: {  	s14 =	sadd.s32 $0x320, s14;
	s15 =	sadd.s32 $0x10, s15;
	v3 =	vsel vm1, $0xFFFFFFFF, v1;
	v4 =	vsel vm1, $0xFFFFFF80, v4  }
0x3a: {  	s16 =	simm.s32 $0x20;
	s17 =	smov.u32 s14;
	v1 =	vld.msk [tilespmem:s15+$0x0 ss:$0x1], $0xffff;
	v5 =	vand.u32 $0xFFFFFC00, v4;
	v6 =	vand.u32 $0xFFFFFC00, v3  }
0x3b: {  	s18 =	sadd.s32 $0x10, s15;
	(ifvalue) =	ssetifvalue $0x7FFFFFFF;
	s15 =	sadd.s32 $0x10, s14;
	v2 =	vand.u32 $0x7F, v3;
	v4 =	vand.u32 $0x380, v4;
	v3 =	vadd.s32 v6, v5  }
.LBB2_3:
0x3c: {  	[tilespmem:s17], [sflag:$0x1] =	stream.indirect_vreg.gather [hbm4b:s3+s10], $0x1, v0, vm0, $0x4038;
	[tilespmem:$0x640] =	vst v63  }
0x3d: {  	s16 =	sadd.s32 $0x10, s16  }
0x3e: {  	v3 =	vor.u32 v4, v3;
	p0 =	slt.u32 s16, $0x180  }
.Ltmp3:
0x3f: {  	v4 =	vshrl.u32 v1, $0xE;
	v5 =	vshll.u32 v1, $0x7;
	s17 =	smov.u32 s15;
	v0 =	vor.u32 v2, v3;
	v2 =	vmovc v1;
	v1 =	vld.msk [tilespmem:s18+$0x0 ss:$0x1], $0xffff;
	(pc) =	sbr.rel @p0 .LBB2_3-.Ltmp3, $4  }
0x40: {  	v3 =	vand.u32 $0x1FFF80, v5;
	vm1 =	veq.s32 v2, $0x80000000;
	v2 =	vand.u32 $0xF, v4  }
0x41: {  	v4 =	vsel vm1, $0xFFFFFFFF, v2;
	v5 =	vsel vm1, $0xFFFFFF80, v3  }
0x42: {  	v2 =	vand.u32 $0x7F, v4;
	v3 =	vand.u32 $0xFFFFFC00, v5;
	v4 =	vand.u32 $0xFFFFFC00, v4  }
0x43: {  	s15 =	sadd.s32 $0x10, s15;
	s18 =	sadd.s32 $0x10, s18;
	v3 =	vadd.s32 v4, v3;
	v4 =	vand.u32 $0x380, v5;
	(ifvalue) =	ssetifvalue $0x7FFFFFFF  }
.Ltmp4:
0x44: {  	_ = 	snop;
	(pc) =	sbr.rel .LBB2_4-.Ltmp4, $1  }
0x45: {  	_ =	sdelay $0x3  }
.LBB2_6:
0x46: {  	_ =	sfence.sel $0x180000  }
0x47: {  	s2 =	simm.s32 $0x2;
	[bflag:$0x0] =	sbarrier.arrive $0xFFFF  }
0x48: {  	s30 =	simm.s32 $0x3;
	[sflag:s2] =	ssyncpa.u1 $0x1  }
0x49: {  	s31 =	simm.s32 $0x1;
	[sflag:s30] =	ssyncpa.u1 $0x1  }
0x4a: {  	[sflag:s31] =	ssyncpa.u1 $0x1  }
0x4b: {  	p0 =	sne.s32 s1, $0x0;
	_ =	strace $0x90000065  }
0x4c: {  	s0 =	sadd.s32 @!p0 $0x100000, s0;
	[bflag:$0x2] =	sbarrier.arrive $0xFFFF  }
0x4d: {  	[sflag:s0] =	ssyncadd.tile.s32 @!p0 $0x1;
	_ =	shalt  }
.Lfunc_end2:
_tile_overlayer_lowered:
.L_overlay_start_2:
0x4e: {  	(tag) =	ssettag $0x2  }
0x4f: {  	s0 =	rddreg [dreg:$0x0];
	s2 =	stileid.u32  }
0x50: {  	s1 =	rddreg [dreg:$0x1];
	p0 =	sne.s32 s2, $0x0  }
0x51: {  	s3 =	rddreg [dreg:$0x2];
	[bflag:$0x3] =	sbarrier.arrive $0xFFFF;
	s2 =	simm.s32 @!p0 $0x1C01  }
0x52: {  	[timem:s3], [sflag:s2] =	dma.local @!p0 [hbm:s0], s1  }
0x53: {  	s0 =	simm.s32 @!p0 $0x1  }
0x54: {  	_ =	swait.ge @!p0 [sflag:s0], s1  }
0x55: {  	s1 =	ssub.s32 @!p0 $0x0, s1;
	[sflag:s0] =	ssyncset.done @!p0 $0x0  }
0x56: {  	[sflag:s0] =	ssyncadd.s32 @!p0 s1  }
0x57: {  	[bflag:$0x3] =	sbarrier.arrive $0xFFFF  }
0x58: {  	_ =	shalt  }

// kernel: gather_offload_async_start.1
scs
__scs_entry_jumppad:
0x0: {  	(pc) =	sbr.rel $0x88, $3  }
0x1: {  	(tag) =	ssettag $0x0;
	lr =	simm.s32 $0x1  }
0x2: {  	[smem:$0x3F59] =	sst lr;
	_ =	strace $0xD0000000  }
0x3: {  	_ = 	snop  }
0x4: {  	_ = 	snop  }
0x5: {  	_ = 	snop  }
0x6: {  	_ = 	snop  }
0x7: {  	_ = 	snop  }
__scs_overlays_trampoline_lowered:
0x8: {  	[smem:$0x3F68] =	sst s0  }
0x9: {  	[smem:$0x3F69] =	sst s1  }
0xa: {  	[smem:$0x3F6A] =	sst s2  }
0xb: {  	[smem:$0x3F6B] =	sst s3  }
0xc: {  	[smem:$0x3F6C] =	sst s4  }
0xd: {  	[smem:$0x3F6D] =	sst s5  }
0xe: {  	[smem:$0x3F6E] =	sst s6  }
0xf: {  	[smem:$0x3F6F] =	sst s7  }
0x10: {  	[smem:$0x3F70] =	sst s8  }
0x11: {  	[smem:$0x3F71] =	sst s9;
	s0 =	simm.s32 @!p0 $0x0  }
0x12: {  	s1 =	sld [smem:$0x3F57];
	s0 =	simm.s32 @p0 $0x1  }
0x13: {  	[smem:$0x3F72] =	sst s0;
	s0 =	simm.s32 @!p1 $0x0  }
0x14: {  	s2 =	sld [smem:$0x3F56];
	s0 =	simm.s32 @p1 $0x1  }
0x15: {  	[smem:$0x3F73] =	sst s0;
	s0 =	simm.s32 @!p2 $0x0  }
0x16: {  	s3 =	sld [smem:$0x3FDB];
	s0 =	simm.s32 @p2 $0x1  }
0x17: {  	s4 =	simm.s32 $0x1BF5;
	[smem:$0x3F75] =	sst s0  }
0x18: {  	s0 =	sld [smem:$0x3F58];
	_ =	swait.ge [sflag:s4], $0x0  }
0x19: {  	s7 =	sld [smem:$0x3F59]  }
0x1a: {  	s8 =	sadd.s32 $0xFFFFE003, lr  }
0x1b: {  	s9 =	sadd.s32 $0xFFFFFEF7, lr;
	s5 =	simm.s32 $0xFFFFFFFF;
	p2 =	slt.u32 s8, $0xFFFFF086  }
0x1c: {  	p1 =	slt.u32 s9, $0xF7A;
	s5 =	simm.s32 @!p2 $0x0  }
0x1d: {  	s5 =	simm.s32 @p1 $0x1;
	p0 =	seq.s32 s7, s2  }
0x1e: {  	s7 =	smul.u32 @!p0 $0xF7A, s2;
	p2 =	seq.s32 @!p0 s5, $0x0  }
0x1f: {  	s9 =	smul.u32 $0xF7A, s1;
	s8 =	simm.s32 @!p0 $0x1BF5;
	p2 =	por !p2, p0  }
0x20: {  	[sflag:s8] =	ssyncset.s32 @!p0 $0xFFFFF086;
	s6 =	sadd.s32 @!p0 s3, s7;
	s7 =	simm.s32 @!p0 $0x108  }
0x21: {  	s3 =	sadd.s32 s3, s9;
	s6 =	sadd.s32 @!p0 $0x88, s6;
	s7 =	simm.s32 @p2 $0x1082  }
0x22: {  	[simem:s7], [sflag:s8] =	dma.local @!p0 [hbm:s6], $0xF7A  }
0x23: {  	s9 =	sor.u32 $0xD0000000, s2;
	s6 =	simm.s32 $0x108;
	_ =	swait.ge @!p0 [sflag:s8], $0x0  }
0x24: {  	s3 =	sadd.s32 $0x88, s3;
	s6 =	simm.s32 @!p1 $0x1082;
	[sflag:s4] =	ssyncset.s32 $0xFFFFF086  }
0x25: {  	[simem:s6], [sflag:s4] =	dma.local [hbm:s3], $0xF7A  }
0x26: {  	[smem:$0x3F59] =	sst s1;
	(tag) =	ssettag s2;
	_ =	strace s9  }
0x27: {  	s1 =	sld [smem:$0x3F69]  }
0x28: {  	s2 =	sld [smem:$0x3F6A]  }
0x29: {  	s4 =	sld [smem:$0x3F6C]  }
0x2a: {  	p0 =	seq.s32 s5, $0x0;
	s5 =	sld [smem:$0x3F6D]  }
0x2b: {  	s6 =	sld [smem:$0x3F6E]  }
0x2c: {  	s7 =	sld [smem:$0x3F6F]  }
0x2d: {  	s3 =	simm.s32 $0x108;
	s8 =	sld [smem:$0x3F70]  }
0x2e: {  	s3 =	simm.s32 @!p0 $0x1082;
	s9 =	sld [smem:$0x3F71]  }
0x2f: {  	lr =	sadd.s32 s0, s3;
	s0 =	sld [smem:$0x3F68]  }
0x30: {  	s3 =	sld [smem:$0x3F6B]  }
0x31: {  	[smem:$0x3F74] =	sst s10  }
0x32: {  	s10 =	sld [smem:$0x3F72];
	_ =	sdelay $0x3  }
0x33: {  	p0 =	seq.s32 s10, $0x1;
	s10 =	sld [smem:$0x3F74];
	_ =	sdelay $0x3  }
0x34: {  	[smem:$0x3F74] =	sst s10  }
0x35: {  	s10 =	sld [smem:$0x3F73];
	_ =	sdelay $0x3  }
0x36: {  	p1 =	seq.s32 s10, $0x1;
	s10 =	sld [smem:$0x3F74];
	_ =	sdelay $0x3  }
0x37: {  	[smem:$0x3F74] =	sst s10  }
0x38: {  	s10 =	sld [smem:$0x3F75]  }
0x39: {  	_ = 	snop;
	(pc) =	sbr.ind lr, $3  }
0x3a: {  	_ = 	snop  }
0x3b: {  	_ = 	snop  }
0x3c: {  	p2 =	seq.s32 s10, $0x1;
	s10 =	sld [smem:$0x3F74]  }
0x3d: {  	_ =	shalt  }
0x3e: {  	_ =	shalt  }
0x3f: {  	_ =	shalt  }
0x40: {  	_ =	shalt  }
0x41: {  	_ =	shalt  }
0x42: {  	_ =	shalt  }
0x43: {  	_ =	shalt  }
0x44: {  	_ =	shalt  }
0x45: {  	_ =	shalt  }
0x46: {  	_ =	shalt  }
0x47: {  	_ =	shalt  }
0x48: {  	_ =	shalt  }
0x49: {  	_ =	shalt  }
0x4a: {  	_ =	shalt  }
0x4b: {  	_ =	shalt  }
0x4c: {  	_ =	shalt  }
0x4d: {  	_ =	shalt  }
0x4e: {  	_ =	shalt  }
0x4f: {  	_ =	shalt  }
0x50: {  	_ =	shalt  }
0x51: {  	_ =	shalt  }
0x52: {  	_ =	shalt  }
0x53: {  	_ =	shalt  }
0x54: {  	_ =	shalt  }
0x55: {  	_ =	shalt  }
0x56: {  	_ =	shalt  }
0x57: {  	_ =	shalt  }
0x58: {  	_ =	shalt  }
0x59: {  	_ =	shalt  }
0x5a: {  	_ =	shalt  }
0x5b: {  	_ =	shalt  }
0x5c: {  	_ =	shalt  }
0x5d: {  	_ =	shalt  }
0x5e: {  	_ =	shalt  }
0x5f: {  	_ =	shalt  }
0x60: {  	_ =	shalt  }
0x61: {  	_ =	shalt  }
0x62: {  	_ =	shalt  }
0x63: {  	_ =	shalt  }
0x64: {  	_ =	shalt  }
0x65: {  	_ =	shalt  }
0x66: {  	_ =	shalt  }
0x67: {  	_ =	shalt  }
0x68: {  	_ =	shalt  }
0x69: {  	_ =	shalt  }
0x6a: {  	_ =	shalt  }
0x6b: {  	_ =	shalt  }
0x6c: {  	_ =	shalt  }
0x6d: {  	_ =	shalt  }
0x6e: {  	_ =	shalt  }
0x6f: {  	_ =	shalt  }
0x70: {  	_ =	shalt  }
0x71: {  	_ =	shalt  }
0x72: {  	_ =	shalt  }
0x73: {  	_ =	shalt  }
0x74: {  	_ =	shalt  }
0x75: {  	_ =	shalt  }
0x76: {  	_ =	shalt  }
0x77: {  	_ =	shalt  }
0x78: {  	_ =	shalt  }
0x79: {  	_ =	shalt  }
0x7a: {  	_ =	shalt  }
0x7b: {  	_ =	shalt  }
0x7c: {  	_ =	shalt  }
0x7d: {  	_ =	shalt  }
0x7e: {  	_ =	shalt  }
0x7f: {  	_ =	shalt  }
0x80: {  	_ =	shalt  }
0x81: {  	_ =	shalt  }
0x82: {  	_ =	shalt  }
0x83: {  	_ =	shalt  }
0x84: {  	_ =	shalt  }
0x85: {  	_ =	shalt  }
0x86: {  	_ =	shalt  }
0x87: {  	_ =	shalt  }
.Lfunc_end0:
.L_simem_size_0:
called_computation.1_lowered:
.L_overlay_start_0:
0x88: {  	s2 =	sld [smem:$0x3FD9]  }
0x89: {  	s3 =	sld [smem:$0x3FFE];
	_ =	sdelay $0x1  }
0x8a: {  	s1 =	srdreg.scid  }
0x8b: {  	s0 =	sand.u32 $0x1, s1  }
0x8c: {  	s17 =	sshll.u32 s0, $0xA;
	s2 =	sadd.s32 s3, s2  }
0x8d: {  	s2 =	sadd.s32 s2, s17  }
0x8e: {  	[smem:$0x3F80] =	sst s2  }
0x8f: {  	_ = 	snop  }
0x90: {  	(tm) =	ssettm $0x1  }
0x91: {  	s18 =	sld [smem:$0x3FFB];
	_ =	sdelay $0x3  }
0x92: {  	_ =	strace s18  }
0x93: {  	s2 =	sld [smem:$0x3FFC];
	_ =	sdelay $0x3  }
0x94: {  	_ =	strace s2  }
0x95: {  	s2 =	sld [smem:$0x3FFD];
	_ =	sdelay $0x3  }
0x96: {  	_ =	strace s2  }
0x97: {  	_ =	strace $0x8FFFFFFF  }
0x98: {  	s19 =	sld [smem:$0x3FDB];
	_ =	sdelay $0x1  }
0x99: {  	s20 =	simm.s32 $_scs_section_size  }
0x9a: {  	s4 =	simm.s32 $_size__tile_overlayer_lowered;
	s5 =	simm.s32 $_tile_overlayer_lowered  }
0x9b: {  	s6 =	simm.s32 $0x1BFF;
	s21 =	sshll.u32 s5, $0x1;
	s3 =	sadd.s32 s20, s19  }
0x9c: {  	s22 =	simm.s32 $0x0;
	s4 =	sshll.u32 s4, $0x1;
	s5 =	sadd.s32 s21, s3  }
0x9d: {  	[timem:s22], [sflag:s6] =	dma.local [hbm:s5], s4  }
0x9e: {  	_ =	swait.ge [sflag:s6], s4  }
0x9f: {  	s4 =	ssub.s32 $0x0, s4;
	[sflag:s6] =	ssyncset.done $0x0  }
0xa0: {  	[sflag:s6] =	ssyncadd.s32 s4;
	_ =	sdelay $0x1  }
0xa1: {  	s23 =	simm.s32 $0x1B8B  }
0xa2: {  	_ =	swait.ge [sflag:s23], $0x1  }
0xa3: {  	[sflag:s23] =	ssyncset.done $0x0  }
0xa4: {  	[sflag:s23] =	ssyncadd.s32 $0xFFFFFFFF  }
0xa5: {  	s4 =	sld [smem:$0x0]  }
0xa6: {  	s5 =	sand.u32 $0xFFFFFFFE, s1  }
0xa7: {  	p0 =	sne.s32 s1, s5  }
0xa8: {  	s5 =	sshll.u32 @p0 s5, $0xE  }
0xa9: {  	s5 =	sadd.s32 @p0 $0x11B8D, s5;
	s6 =	sshll.u32 @p0 s4, $0x11  }
0xaa: {  	s5 =	sor.u32 @p0 s6, s5  }
0xab: {  	[sflag:s5] =	ssyncadd.remote.s32 @p0 $0x1;
	_ =	sdelay $0x1  }
0xac: {  	s5 =	simm.s32 @p0 $0x1B8D  }
0xad: {  	_ =	swait.eq @p0 [sflag:s5], $0x1  }
0xae: {  	[sflag:s5] =	ssyncadd.s32 @p0 $0xFFFFFFFF  }
0xaf: {  	s6 =	sshll.u32 @!p0 s1, $0xE  }
0xb0: {  	s6 =	sor.u32 @!p0 $0x4000, s6;
	s5 =	simm.s32 @!p0 $0x1B8D  }
0xb1: {  	s4 =	sshll.u32 @!p0 s4, $0x11;
	s6 =	sadd.s32 @!p0 $0x11B8D, s6;
	_ =	swait.eq @!p0 [sflag:s5], $0x1  }
0xb2: {  	s4 =	sor.u32 @!p0 s4, s6;
	[sflag:s5] =	ssyncadd.s32 @!p0 $0xFFFFFFFF  }
0xb3: {  	s25 =	simm.s32 $0x1B8E;
	s24 =	sld [smem:$0x3FFE];
	[sflag:s4] =	ssyncadd.remote.s32 @!p0 $0x1  }
0xb4: {  	s26 =	simm.s32 $execute0_lowered;
	[smem:$0x3FD2] =	sst s25  }
0xb5: {  	s5 =	sshll.u32 s26, $0x1;
	_ =	strace $0x80000052;
	[dreg:$0x1] =	wrdreg $0xFFFFFFFF  }
0xb6: {  	s28 =	simm.s32 $_size_execute0_lowered;
	s3 =	sadd.s32 s3, s5;
	[dreg:$0x0] =	wrdreg $0x0  }
0xb7: {  	s5 =	sshll.u32 s28, $0x1;
	[dreg:$0x2] =	wrdreg s3  }
0xb8: {  	[dreg:$0x3] =	wrdreg s5  }
0xb9: {  	[dreg:$0x4] =	wrdreg $0xC0  }
0xba: {  	_ =	task [dreg:s22], $0x5FFFF  }
0xbb: {  	[dreg:$0x1] =	wrdreg $0xFFFFFFFF  }
0xbc: {  	[dreg:$0x0] =	wrdreg $0x60  }
0xbd: {  	[dreg:$0x2] =	wrdreg s24  }
0xbe: {  	[dreg:$0x3] =	wrdreg $0xA  }
0xbf: {  	_ =	task.clear_ibuf [dreg:s22], $0x4FFFF;
	_ =	strace $0x90000052  }
0xc0: {  	s29 =	simm.s32 $0xA;
	_ =	strace $0x80000054  }
0xc1: {  	_ =	swait.ge [sflag:s29], $0x1  }
0xc2: {  	[sflag:s29] =	ssyncadd.s32 $0xFFFFFFFF  }
0xc3: {  	_ =	strace $0x90000054  }
0xc4: {  	_ =	sfence  }
0xc5: {  	s30 =	sld [smem:$0x0];
	_ =	sdelay $0x2  }
0xc6: {  	s31 =	sshll.u32 s1, $0xD;
	s1 =	sshrl.u32 s1, $0x2  }
0xc7: {  	s4 =	sand.u32 $0x4000, s31;
	s1 =	sadd.s32 s1, s30  }
0xc8: {  	s0 =	sor.u32 s4, s0;
	s1 =	sshll.u32 s1, $0x11  }
0xc9: {  	s0 =	sor.u32 s1, s0  }
0xca: {  	s0 =	sadd.s32 $0x8F2B, s0  }
0xcb: {  	[sflag:s0] =	ssyncadd.remote.s32 $0x1  }
0xcc: {  	_ =	sfence.sel $0xFFFF  }
0xcd: {  	[dreg:$0x0] =	wrdreg $0xFFFFFFFF;
	(pc) =	sbr.abs _section_cstart, $3  }
0xce: {  	[dreg:$0x1] =	wrdreg $0xFFFFFFFF  }
0xcf: {  	_ =	task.clear_ibuf [dreg:s22], $0x2FFFF;
	_ =	strace $0x9FFFFFFF  }
0xd0: {  	(tm) =	ssettm $0x7FFFFFFF  }
0xd1: {  	_ =	shalt  }
tec
execute0_lowered:
.L_overlay_start_1:
0x0: {  	(tag) =	ssettag $0x1  }
0x1: {  	s0 =	srdreg.scid  }
0x2: {  	s1 =	sshll.u32 s0, $0x4  }
0x3: {  	s0 =	stileid.u32;
	s1 =	sand.u32 $0x10, s1  }
0x4: {  	s1 =	sor.u32 s0, s1  }
0x5: {  	s2 =	smin.u32 s1, $0xC  }
0x6: {  	s2 =	sadd.s32 s1, s2  }
0x7: {  	p0 =	slt.u32 s1, $0xC;
	s1 =	simm.s32 $0x240;
	s2 =	smul.u32 $0x120, s2  }
0x8: {  	s1 =	simm.s32 @!p0 $0x120  }
0x9: {  	s1 =	sadd.s32 s1, s2  }
0xa: {  	s3 =	smin.u32 s1, $0x3180  }
0xb: {  	s7 =	ssub.s32 s3, s2  }
0xc: {  	p0 =	sgt.s32 s7, $0x0  }
0xd: {  	s7 =	simm.s32 @!p0 $0x0  }
0xe: {  	s31 =	smul.u32 $0xE38F, s7  }
0xf: {  	s9 =	rddreg [dreg:$0x0];
	s6 =	simm.s32 $0x1;
	s11 =	simm.s32 $0x3  }
0x10: {  	s13 =	simm.s32 $0x0;
	s12 =	simm.s32 $0x0;
	s8 =	sshrl.u32 s31, $0x18  }
0x11: {  	s4 =	sadd.s32 $0x77400, s9;
	s5 =	sadd.s32 $0x11000, s9;
	s10 =	smul.u32 $0x120, s8  }
.Ltmp0:
0x12: {  	s9 =	sadd.s32 $0x9E600, s9;
	s1 =	rddreg [dreg:$0x1];
	(pc) =	sbr.rel .LBB2_1-.Ltmp0, $4  }
0x13: {  	_ =	strace $0x80000053;
	p0 =	sne.s32 s7, s10;
	s10 =	simm.s32 $0x1  }
0x14: {  	[sflag:s6] =	ssyncpa.u1 $0x0;
	s7 =	simm.s32 $0x2;
	s10 =	simm.s32 @!p0 $0x0  }
0x15: {  	[sflag:s7] =	ssyncpa.u1 $0x0;
	p0 =	por $0x0, $0x0;
	s8 =	sadd.s32 s8, s10  }
0x16: {  	vm0 =	vmmov $0xff;
	vm1 =	vcmask $0x3F20;
	[sflag:s11] =	ssyncpa.u1 $0x0;
	s11 =	smov.u32 s2;
	s10 =	sadd.s32 $0x1, s8  }
.LBB2_6:
0x17: {  	[hbm:s17] =	stream.linear.scatter [tilespmem:s14], [sflag:$0x3], $0x400, $0x38;
	[tilespmem:$0x12240] =	vst v63  }
.LBB2_7:
0x18: {  	s13 =	sadd.s32 $0x120, s11  }
0x19: {  	s15 =	smov.u32 s2;
	p2 =	slt.s32 s13, s3  }
0x1a: {  	s15 =	smov.u32 @p2 s13;
	p2 =	sne.s32 s12, s10  }
.Ltmp1:
0x1b: {  	p1 =	slt.u32 s12, $0x2;
	(pc) =	sbr.rel @!p2 .LBB2_8-.Ltmp1, $4  }
0x1c: {  	s14 =	simm.s32 @!p1 $0x3  }
0x1d: {  	s16 =	sadd.s32 $0x1, s12;
	_ =	swait.ge @!p1 [sflag:s14], $0x9000  }
0x1e: {  	p0 =	por !p0, !p0;
	s13 =	smov.u32 s11;
	[sflag:s14] =	ssyncset.done @!p1 $0x0  }
0x1f: {  	s12 =	smov.u32 s16;
	s11 =	smov.u32 s15;
	[sflag:s14] =	ssyncadd.s32 @!p1 $0xFFFF7000  }
.LBB2_1:
0x20: {  	p1 =	sge.u32 s12, s8  }
0x21: {  	s14 =	sxor.u32 @!p1 $0xFFFFFFFF, s12  }
0x22: {  	s14 =	sand.u32 @!p1 $0x1, s14  }
0x23: {  	s14 =	smul.u32 @!p1 $0x480, s14  }
0x24: {  	s31 =	sadd.s32 $0xFFFFFFFF, s12;
	s15 =	sshrl.u32 @!p1 s11, $0x3  }
0x25: {  	s16 =	sand.u32 @!p1 $0x7, s11;
	s15 =	sadd.s32 @!p1 s5, s15;
	s14 =	sshrl.u32 @!p1 s14, $0x2  }
0x26: {  	[tilespmem:s14], [sflag:$0x2] =	stream.linear.gather @!p1 [hbm4b:s15+s16], $0x120, $0x38;
	[tilespmem:$0x12240] =	vst v63  }
0x27: {  	p1 =	sge.u32 s31, s8  }
.Ltmp2:
0x28: {  	_ = 	snop;
	(pc) =	sbr.rel @p1 .LBB2_7-.Ltmp2, $1  }
0x29: {  	_ =	sdelay $0x3  }
0x2a: {  	s14 =	simm.s32 $0x1  }
0x2b: {  	s14 =	simm.s32 @!p0 $0x0  }
0x2c: {  	s15 =	smul.u32 $0x480, s14  }
0x2d: {  	_ =	swait.ge [sflag:s7], $0x120  }
0x2e: {  	[sflag:s7] =	ssyncset.done $0x0;
	s16 =	sshrl.u32 s15, $0x2  }
0x2f: {  	[sflag:s7] =	ssyncadd.s32 $0xFFFFFEE0;
	s15 =	sadd.s32 $0x0, s16  }
0x30: {  	v0 =	vld.msk [tilespmem:s15+$0x0 ss:$0x1], $0xffff;
	_ =	sdelay $0x4  }
0x31: {  	vm2 =	vgt.s32 v0, $0x0  }
0x32: {  	v0 =	vnsel vm2, $0x0, v0  }
0x33: {  	v0 =	vmin.u32 v0, $0x2710  }
0x34: {  	v0 =	vshll.u32 v0, $0x4  }
0x35: {  	s14 =	smul.u32 $0x24000, s14;
	_ =	sdelay $0x1  }
0x36: {  	s14 =	sshrl.u32 s14, $0x2  }
0x37: {  	s14 =	sor.u32 $0x240, s14  }
0x38: {  	[tilespmem:s14], [sflag:$0x1] =	stream.indirect_vreg.gather [hbm:s4], $0x80, v0, vm0, $0x38;
	[tilespmem:$0x12240] =	vst v63  }
0x39: {  	s17 =	sadd.s32 $0x10, s16;
	s15 =	sadd.s32 $0x400, s14  }
0x3a: {  	[tilespmem:s15], [sflag:$0x1] =	stream.indirect_vreg.gather [hbm:s4], $0x80, v0, vm1, $0x38;
	[tilespmem:$0x12240] =	vst v63  }
0x3b: {  	s18 =	simm.s32 $0x80;
	v0 =	vld.msk [tilespmem:s17+$0x0 ss:$0x1], $0xffff;
	s17 =	smov.u32 s14  }
.LBB2_3:
0x3c: {  	p1 =	sne.s32 s18, $0x440;
	_ =	sdelay $0x4  }
0x3d: {  	vm2 =	vgt.s32 v0, $0x0  }
0x3e: {  	v0 =	vnsel vm2, $0x0, v0  }
0x3f: {  	v0 =	vmin.u32 v0, $0x2710  }
0x40: {  	v0 =	vshll.u32 v0, $0x4;
	_ =	sdelay $0x3  }
.Ltmp3:
0x41: {  	s19 =	sshra.s32 s18, $0x2;
	s17 =	sadd.s32 $0x800, s17;
	(pc) =	sbr.rel @p1 .LBB2_3-.Ltmp3, $4  }
0x42: {  	[tilespmem:s17], [sflag:$0x1] =	stream.indirect_vreg.gather [hbm:s4], $0x80, v0, vm0, $0x38;
	[tilespmem:$0x12240] =	vst v63  }
0x43: {  	s19 =	sadd.s32 s19, s16;
	s20 =	sadd.s32 $0x400, s17  }
0x44: {  	[tilespmem:s20], [sflag:$0x1] =	stream.indirect_vreg.gather [hbm:s4], $0x80, v0, vm1, $0x38;
	[tilespmem:$0x12240] =	vst v63  }
0x45: {  	s18 =	sadd.s32 $0x40, s18;
	v0 =	vld.msk [tilespmem:s19+$0x0 ss:$0x1], $0xffff  }
0x46: {  	_ =	sdelay $0x3  }
0x47: {  	vm2 =	vgt.s32 v0, $0x0  }
0x48: {  	v0 =	vnsel vm2, $0x0, v0  }
0x49: {  	v0 =	vmin.u32 v0, $0x2710  }
0x4a: {  	v0 =	vshll.u32 v0, $0x4;
	_ =	sdelay $0x3  }
0x4b: {  	s16 =	sadd.s32 $0x800, s17  }
0x4c: {  	[tilespmem:s16], [sflag:$0x1] =	stream.indirect_vreg.gather [hbm:s4], $0x80, v0, vm0, $0x38;
	[tilespmem:$0x12240] =	vst v63  }
0x4d: {  	s16 =	sadd.s32 $0x400, s16  }
0x4e: {  	[tilespmem:s16], [sflag:$0x1] =	stream.indirect_vreg.gather [hbm:s4], $0x80, v0, vm1, $0x38;
	[tilespmem:$0x12240] =	vst v63  }
0x4f: {  	s13 =	sshll.u32 s13, $0x4;
	_ =	swait.ge [sflag:s6], $0x9000  }
0x50: {  	s13 =	sadd.s32 s13, s9;
	[sflag:s6] =	ssyncset.done $0x0  }
0x51: {  	s17 =	sadd.s32 $0x0, s13;
	s16 =	simm.s32 $0x80;
	[sflag:s6] =	ssyncadd.s32 $0xFFFF7000  }
.LBB2_5:
0x52: {  	[hbm:s17] =	stream.linear.scatter [tilespmem:s14], [sflag:$0x3], $0x400, $0x38;
	[tilespmem:$0x12240] =	vst v63  }
0x53: {  	s17 =	smov.u32 s16;
	s14 =	smov.u32 s15;
	p1 =	sne.s32 s16, $0x1180  }
.Ltmp4:
0x54: {  	s16 =	sadd.s32 $0x80, s16;
	(pc) =	sbr.rel @p1 .LBB2_5-.Ltmp4, $2  }
0x55: {  	_ =	sdelay $0x2  }
0x56: {  	s15 =	sadd.s32 $0x400, s15;
	s17 =	sadd.s32 s17, s13  }
.Ltmp5:
0x57: {  	_ = 	snop;
	(pc) =	sbr.rel .LBB2_6-.Ltmp5, $1  }
0x58: {  	_ =	sdelay $0x3  }
.LBB2_8:
0x59: {  	_ =	sfence.sel $0x180000  }
0x5a: {  	s2 =	simm.s32 $0x2;
	[bflag:$0x0] =	sbarrier.arrive $0xFFFF  }
0x5b: {  	s30 =	simm.s32 $0x3;
	[sflag:s2] =	ssyncpa.u1 $0x1  }
0x5c: {  	s31 =	simm.s32 $0x1;
	[sflag:s30] =	ssyncpa.u1 $0x1  }
0x5d: {  	[sflag:s31] =	ssyncpa.u1 $0x1  }
0x5e: {  	p0 =	sne.s32 s0, $0x0;
	_ =	strace $0x90000053  }
0x5f: {  	s0 =	sadd.s32 @!p0 $0x100000, s1;
	[bflag:$0x2] =	sbarrier.arrive $0xFFFF  }
0x60: {  	[sflag:s0] =	ssyncadd.tile.s32 @!p0 $0x1;
	_ =	shalt  }
.Lfunc_end2:
_tile_overlayer_lowered:
.L_overlay_start_2:
0x61: {  	(tag) =	ssettag $0x2  }
0x62: {  	s0 =	rddreg [dreg:$0x0];
	s2 =	stileid.u32  }
0x63: {  	s1 =	rddreg [dreg:$0x1];
	p0 =	sne.s32 s2, $0x0  }
0x64: {  	s3 =	rddreg [dreg:$0x2];
	[bflag:$0x3] =	sbarrier.arrive $0xFFFF;
	s2 =	simm.s32 @!p0 $0x1C01  }
0x65: {  	[timem:s3], [sflag:s2] =	dma.local @!p0 [hbm:s0], s1  }
0x66: {  	s0 =	simm.s32 @!p0 $0x1  }
0x67: {  	_ =	swait.ge @!p0 [sflag:s0], s1  }
0x68: {  	s1 =	ssub.s32 @!p0 $0x0, s1;
	[sflag:s0] =	ssyncset.done @!p0 $0x0  }
0x69: {  	[sflag:s0] =	ssyncadd.s32 @!p0 s1  }
0x6a: {  	[bflag:$0x3] =	sbarrier.arrive $0xFFFF  }
0x6b: {  	_ =	shalt  }

// kernel: gather_offload_async_start.2
scs
__scs_entry_jumppad:
0x0: {  	(pc) =	sbr.rel $0x88, $3  }
0x1: {  	(tag) =	ssettag $0x0;
	lr =	simm.s32 $0x1  }
0x2: {  	[smem:$0x3F59] =	sst lr;
	_ =	strace $0xD0000000  }
0x3: {  	_ = 	snop  }
0x4: {  	_ = 	snop  }
0x5: {  	_ = 	snop  }
0x6: {  	_ = 	snop  }
0x7: {  	_ = 	snop  }
__scs_overlays_trampoline_lowered:
0x8: {  	[smem:$0x3F68] =	sst s0  }
0x9: {  	[smem:$0x3F69] =	sst s1  }
0xa: {  	[smem:$0x3F6A] =	sst s2  }
0xb: {  	[smem:$0x3F6B] =	sst s3  }
0xc: {  	[smem:$0x3F6C] =	sst s4  }
0xd: {  	[smem:$0x3F6D] =	sst s5  }
0xe: {  	[smem:$0x3F6E] =	sst s6  }
0xf: {  	[smem:$0x3F6F] =	sst s7  }
0x10: {  	[smem:$0x3F70] =	sst s8  }
0x11: {  	[smem:$0x3F71] =	sst s9;
	s0 =	simm.s32 @!p0 $0x0  }
0x12: {  	s1 =	sld [smem:$0x3F57];
	s0 =	simm.s32 @p0 $0x1  }
0x13: {  	[smem:$0x3F72] =	sst s0;
	s0 =	simm.s32 @!p1 $0x0  }
0x14: {  	s2 =	sld [smem:$0x3F56];
	s0 =	simm.s32 @p1 $0x1  }
0x15: {  	[smem:$0x3F73] =	sst s0;
	s0 =	simm.s32 @!p2 $0x0  }
0x16: {  	s3 =	sld [smem:$0x3FDB];
	s0 =	simm.s32 @p2 $0x1  }
0x17: {  	s4 =	simm.s32 $0x1BF5;
	[smem:$0x3F75] =	sst s0  }
0x18: {  	s0 =	sld [smem:$0x3F58];
	_ =	swait.ge [sflag:s4], $0x0  }
0x19: {  	s7 =	sld [smem:$0x3F59]  }
0x1a: {  	s8 =	sadd.s32 $0xFFFFE003, lr  }
0x1b: {  	s9 =	sadd.s32 $0xFFFFFEF7, lr;
	s5 =	simm.s32 $0xFFFFFFFF;
	p2 =	slt.u32 s8, $0xFFFFF086  }
0x1c: {  	p1 =	slt.u32 s9, $0xF7A;
	s5 =	simm.s32 @!p2 $0x0  }
0x1d: {  	s5 =	simm.s32 @p1 $0x1;
	p0 =	seq.s32 s7, s2  }
0x1e: {  	s7 =	smul.u32 @!p0 $0xF7A, s2;
	p2 =	seq.s32 @!p0 s5, $0x0  }
0x1f: {  	s9 =	smul.u32 $0xF7A, s1;
	s8 =	simm.s32 @!p0 $0x1BF5;
	p2 =	por !p2, p0  }
0x20: {  	[sflag:s8] =	ssyncset.s32 @!p0 $0xFFFFF086;
	s6 =	sadd.s32 @!p0 s3, s7;
	s7 =	simm.s32 @!p0 $0x108  }
0x21: {  	s3 =	sadd.s32 s3, s9;
	s6 =	sadd.s32 @!p0 $0x88, s6;
	s7 =	simm.s32 @p2 $0x1082  }
0x22: {  	[simem:s7], [sflag:s8] =	dma.local @!p0 [hbm:s6], $0xF7A  }
0x23: {  	s9 =	sor.u32 $0xD0000000, s2;
	s6 =	simm.s32 $0x108;
	_ =	swait.ge @!p0 [sflag:s8], $0x0  }
0x24: {  	s3 =	sadd.s32 $0x88, s3;
	s6 =	simm.s32 @!p1 $0x1082;
	[sflag:s4] =	ssyncset.s32 $0xFFFFF086  }
0x25: {  	[simem:s6], [sflag:s4] =	dma.local [hbm:s3], $0xF7A  }
0x26: {  	[smem:$0x3F59] =	sst s1;
	(tag) =	ssettag s2;
	_ =	strace s9  }
0x27: {  	s1 =	sld [smem:$0x3F69]  }
0x28: {  	s2 =	sld [smem:$0x3F6A]  }
0x29: {  	s4 =	sld [smem:$0x3F6C]  }
0x2a: {  	p0 =	seq.s32 s5, $0x0;
	s5 =	sld [smem:$0x3F6D]  }
0x2b: {  	s6 =	sld [smem:$0x3F6E]  }
0x2c: {  	s7 =	sld [smem:$0x3F6F]  }
0x2d: {  	s3 =	simm.s32 $0x108;
	s8 =	sld [smem:$0x3F70]  }
0x2e: {  	s3 =	simm.s32 @!p0 $0x1082;
	s9 =	sld [smem:$0x3F71]  }
0x2f: {  	lr =	sadd.s32 s0, s3;
	s0 =	sld [smem:$0x3F68]  }
0x30: {  	s3 =	sld [smem:$0x3F6B]  }
0x31: {  	[smem:$0x3F74] =	sst s10  }
0x32: {  	s10 =	sld [smem:$0x3F72];
	_ =	sdelay $0x3  }
0x33: {  	p0 =	seq.s32 s10, $0x1;
	s10 =	sld [smem:$0x3F74];
	_ =	sdelay $0x3  }
0x34: {  	[smem:$0x3F74] =	sst s10  }
0x35: {  	s10 =	sld [smem:$0x3F73];
	_ =	sdelay $0x3  }
0x36: {  	p1 =	seq.s32 s10, $0x1;
	s10 =	sld [smem:$0x3F74];
	_ =	sdelay $0x3  }
0x37: {  	[smem:$0x3F74] =	sst s10  }
0x38: {  	s10 =	sld [smem:$0x3F75]  }
0x39: {  	_ = 	snop;
	(pc) =	sbr.ind lr, $3  }
0x3a: {  	_ = 	snop  }
0x3b: {  	_ = 	snop  }
0x3c: {  	p2 =	seq.s32 s10, $0x1;
	s10 =	sld [smem:$0x3F74]  }
0x3d: {  	_ =	shalt  }
0x3e: {  	_ =	shalt  }
0x3f: {  	_ =	shalt  }
0x40: {  	_ =	shalt  }
0x41: {  	_ =	shalt  }
0x42: {  	_ =	shalt  }
0x43: {  	_ =	shalt  }
0x44: {  	_ =	shalt  }
0x45: {  	_ =	shalt  }
0x46: {  	_ =	shalt  }
0x47: {  	_ =	shalt  }
0x48: {  	_ =	shalt  }
0x49: {  	_ =	shalt  }
0x4a: {  	_ =	shalt  }
0x4b: {  	_ =	shalt  }
0x4c: {  	_ =	shalt  }
0x4d: {  	_ =	shalt  }
0x4e: {  	_ =	shalt  }
0x4f: {  	_ =	shalt  }
0x50: {  	_ =	shalt  }
0x51: {  	_ =	shalt  }
0x52: {  	_ =	shalt  }
0x53: {  	_ =	shalt  }
0x54: {  	_ =	shalt  }
0x55: {  	_ =	shalt  }
0x56: {  	_ =	shalt  }
0x57: {  	_ =	shalt  }
0x58: {  	_ =	shalt  }
0x59: {  	_ =	shalt  }
0x5a: {  	_ =	shalt  }
0x5b: {  	_ =	shalt  }
0x5c: {  	_ =	shalt  }
0x5d: {  	_ =	shalt  }
0x5e: {  	_ =	shalt  }
0x5f: {  	_ =	shalt  }
0x60: {  	_ =	shalt  }
0x61: {  	_ =	shalt  }
0x62: {  	_ =	shalt  }
0x63: {  	_ =	shalt  }
0x64: {  	_ =	shalt  }
0x65: {  	_ =	shalt  }
0x66: {  	_ =	shalt  }
0x67: {  	_ =	shalt  }
0x68: {  	_ =	shalt  }
0x69: {  	_ =	shalt  }
0x6a: {  	_ =	shalt  }
0x6b: {  	_ =	shalt  }
0x6c: {  	_ =	shalt  }
0x6d: {  	_ =	shalt  }
0x6e: {  	_ =	shalt  }
0x6f: {  	_ =	shalt  }
0x70: {  	_ =	shalt  }
0x71: {  	_ =	shalt  }
0x72: {  	_ =	shalt  }
0x73: {  	_ =	shalt  }
0x74: {  	_ =	shalt  }
0x75: {  	_ =	shalt  }
0x76: {  	_ =	shalt  }
0x77: {  	_ =	shalt  }
0x78: {  	_ =	shalt  }
0x79: {  	_ =	shalt  }
0x7a: {  	_ =	shalt  }
0x7b: {  	_ =	shalt  }
0x7c: {  	_ =	shalt  }
0x7d: {  	_ =	shalt  }
0x7e: {  	_ =	shalt  }
0x7f: {  	_ =	shalt  }
0x80: {  	_ =	shalt  }
0x81: {  	_ =	shalt  }
0x82: {  	_ =	shalt  }
0x83: {  	_ =	shalt  }
0x84: {  	_ =	shalt  }
0x85: {  	_ =	shalt  }
0x86: {  	_ =	shalt  }
0x87: {  	_ =	shalt  }
.Lfunc_end0:
.L_simem_size_0:
called_computation.2_lowered:
.L_overlay_start_0:
0x88: {  	s2 =	sld [smem:$0x3FD9]  }
0x89: {  	s3 =	sld [smem:$0x3FFE];
	_ =	sdelay $0x1  }
0x8a: {  	s1 =	srdreg.scid  }
0x8b: {  	s0 =	sand.u32 $0x1, s1  }
0x8c: {  	s17 =	sshll.u32 s0, $0xA;
	s2 =	sadd.s32 s3, s2  }
0x8d: {  	s2 =	sadd.s32 s2, s17  }
0x8e: {  	[smem:$0x3F80] =	sst s2  }
0x8f: {  	_ = 	snop  }
0x90: {  	(tm) =	ssettm $0x1  }
0x91: {  	s18 =	sld [smem:$0x3FFB];
	_ =	sdelay $0x3  }
0x92: {  	_ =	strace s18  }
0x93: {  	s2 =	sld [smem:$0x3FFC];
	_ =	sdelay $0x3  }
0x94: {  	_ =	strace s2  }
0x95: {  	s2 =	sld [smem:$0x3FFD];
	_ =	sdelay $0x3  }
0x96: {  	_ =	strace s2  }
0x97: {  	_ =	strace $0x8FFFFFFF  }
0x98: {  	s19 =	sld [smem:$0x3FDB];
	_ =	sdelay $0x1  }
0x99: {  	s20 =	simm.s32 $_scs_section_size  }
0x9a: {  	s4 =	simm.s32 $_size__tile_overlayer_lowered;
	s5 =	simm.s32 $_tile_overlayer_lowered  }
0x9b: {  	s6 =	simm.s32 $0x1BFF;
	s21 =	sshll.u32 s5, $0x1;
	s3 =	sadd.s32 s20, s19  }
0x9c: {  	s22 =	simm.s32 $0x0;
	s4 =	sshll.u32 s4, $0x1;
	s5 =	sadd.s32 s21, s3  }
0x9d: {  	[timem:s22], [sflag:s6] =	dma.local [hbm:s5], s4  }
0x9e: {  	_ =	swait.ge [sflag:s6], s4  }
0x9f: {  	s4 =	ssub.s32 $0x0, s4;
	[sflag:s6] =	ssyncset.done $0x0  }
0xa0: {  	[sflag:s6] =	ssyncadd.s32 s4;
	_ =	sdelay $0x1  }
0xa1: {  	s23 =	simm.s32 $0x1B8B  }
0xa2: {  	_ =	swait.ge [sflag:s23], $0x1  }
0xa3: {  	[sflag:s23] =	ssyncset.done $0x0  }
0xa4: {  	[sflag:s23] =	ssyncadd.s32 $0xFFFFFFFF  }
0xa5: {  	s4 =	sld [smem:$0x0]  }
0xa6: {  	s5 =	sand.u32 $0xFFFFFFFE, s1  }
0xa7: {  	p0 =	sne.s32 s1, s5  }
0xa8: {  	s5 =	sshll.u32 @p0 s5, $0xE  }
0xa9: {  	s5 =	sadd.s32 @p0 $0x11B8D, s5;
	s6 =	sshll.u32 @p0 s4, $0x11  }
0xaa: {  	s5 =	sor.u32 @p0 s6, s5  }
0xab: {  	[sflag:s5] =	ssyncadd.remote.s32 @p0 $0x1;
	_ =	sdelay $0x1  }
0xac: {  	s5 =	simm.s32 @p0 $0x1B8D  }
0xad: {  	_ =	swait.eq @p0 [sflag:s5], $0x1  }
0xae: {  	[sflag:s5] =	ssyncadd.s32 @p0 $0xFFFFFFFF  }
0xaf: {  	s6 =	sshll.u32 @!p0 s1, $0xE  }
0xb0: {  	s6 =	sor.u32 @!p0 $0x4000, s6;
	s5 =	simm.s32 @!p0 $0x1B8D  }
0xb1: {  	s4 =	sshll.u32 @!p0 s4, $0x11;
	s6 =	sadd.s32 @!p0 $0x11B8D, s6;
	_ =	swait.eq @!p0 [sflag:s5], $0x1  }
0xb2: {  	s4 =	sor.u32 @!p0 s4, s6;
	[sflag:s5] =	ssyncadd.s32 @!p0 $0xFFFFFFFF  }
0xb3: {  	s25 =	simm.s32 $0x1B8E;
	s24 =	sld [smem:$0x3FFE];
	[sflag:s4] =	ssyncadd.remote.s32 @!p0 $0x1  }
0xb4: {  	s26 =	simm.s32 $execute0_lowered;
	[smem:$0x3FD2] =	sst s25  }
0xb5: {  	s5 =	sshll.u32 s26, $0x1;
	_ =	strace $0x80000049;
	[dreg:$0x1] =	wrdreg $0xFFFFFFFF  }
0xb6: {  	s28 =	simm.s32 $_size_execute0_lowered;
	s3 =	sadd.s32 s3, s5;
	[dreg:$0x0] =	wrdreg $0x0  }
0xb7: {  	s5 =	sshll.u32 s28, $0x1;
	[dreg:$0x2] =	wrdreg s3  }
0xb8: {  	[dreg:$0x3] =	wrdreg s5  }
0xb9: {  	[dreg:$0x4] =	wrdreg $0xC0  }
0xba: {  	_ =	task [dreg:s22], $0x5FFFF  }
0xbb: {  	[dreg:$0x1] =	wrdreg $0xFFFFFFFF  }
0xbc: {  	[dreg:$0x0] =	wrdreg $0x60  }
0xbd: {  	[dreg:$0x2] =	wrdreg s24  }
0xbe: {  	[dreg:$0x3] =	wrdreg $0xB  }
0xbf: {  	_ =	task.clear_ibuf [dreg:s22], $0x4FFFF;
	_ =	strace $0x90000049  }
0xc0: {  	s29 =	simm.s32 $0xB;
	_ =	strace $0x8000004B  }
0xc1: {  	_ =	swait.ge [sflag:s29], $0x1  }
0xc2: {  	[sflag:s29] =	ssyncadd.s32 $0xFFFFFFFF  }
0xc3: {  	_ =	strace $0x9000004B  }
0xc4: {  	_ =	sfence  }
0xc5: {  	s30 =	sld [smem:$0x0];
	_ =	sdelay $0x2  }
0xc6: {  	s31 =	sshll.u32 s1, $0xD;
	s1 =	sshrl.u32 s1, $0x2  }
0xc7: {  	s4 =	sand.u32 $0x4000, s31;
	s1 =	sadd.s32 s1, s30  }
0xc8: {  	s0 =	sor.u32 s4, s0;
	s1 =	sshll.u32 s1, $0x11  }
0xc9: {  	s0 =	sor.u32 s1, s0  }
0xca: {  	s0 =	sadd.s32 $0x8F2B, s0  }
0xcb: {  	[sflag:s0] =	ssyncadd.remote.s32 $0x1  }
0xcc: {  	_ =	sfence.sel $0xFFFF  }
0xcd: {  	[dreg:$0x0] =	wrdreg $0xFFFFFFFF;
	(pc) =	sbr.abs _section_cstart, $3  }
0xce: {  	[dreg:$0x1] =	wrdreg $0xFFFFFFFF  }
0xcf: {  	_ =	task.clear_ibuf [dreg:s22], $0x2FFFF;
	_ =	strace $0x9FFFFFFF  }
0xd0: {  	(tm) =	ssettm $0x7FFFFFFF  }
0xd1: {  	_ =	shalt  }
tec
execute0_lowered:
.L_overlay_start_1:
0x0: {  	(tag) =	ssettag $0x1  }
0x1: {  	s8 =	rddreg [dreg:$0x0];
	s1 =	stileid.u32  }
0x2: {  	s2 =	srdreg.scid;
	s0 =	rddreg [dreg:$0x1]  }
0x3: {  	_ =	strace $0x8000004A;
	s5 =	simm.s32 $0x1;
	s9 =	simm.s32 $0x1  }
0x4: {  	s10 =	simm.s32 $0x3;
	s2 =	sand.u32 $0x1, s2;
	s3 =	sshll.u32 s1, $0x1  }
0x5: {  	s13 =	simm.s32 $0x0;
	s12 =	simm.s32 $0x0;
	s6 =	sor.u32 s3, s2  }
0x6: {  	[sflag:s5] =	ssyncpa.u1 $0x0;
	s2 =	sadd.s32 $0x17C00, s8;
	s4 =	smul.u32 $0x160, s6  }
0x7: {  	s3 =	sadd.s32 $0x11000, s8;
	p0 =	slt.u32 s6, $0x5;
	s6 =	simm.s32 $0x2C00  }
.Ltmp0:
0x8: {  	s6 =	simm.s32 @!p0 $0x0;
	s7 =	ssub.s32 $0x3180, s4;
	(pc) =	sbr.rel .LBB2_1-.Ltmp0, $4  }
0x9: {  	s9 =	simm.s32 @!p0 $0x0;
	p0 =	sne.s32 s7, s6;
	s7 =	simm.s32 $0x1  }
0xa: {  	s8 =	sadd.s32 $0x44C00, s8;
	s6 =	simm.s32 $0x2;
	s7 =	simm.s32 @!p0 $0x0  }
0xb: {  	s11 =	smov.u32 s4;
	[sflag:s6] =	ssyncpa.u1 $0x0;
	s7 =	sadd.s32 s9, s7  }
0xc: {  	vm0 =	vmmov $0xffff;
	[sflag:s10] =	ssyncpa.u1 $0x0;
	s10 =	simm.s32 $0x0;
	s9 =	sadd.s32 $0x1, s7  }
.LBB2_4:
0xd: {  	v2 =	vnsel vm1, $0x0, v2  }
0xe: {  	vm1 =	vgt.s32 v0, $0x0;
	v2 =	vmin.u32 v2, $0x2710  }
0xf: {  	v0 =	vnsel vm1, $0x0, v0  }
0x10: {  	v0 =	vmin.u32 v0, $0x2710  }
0x11: {  	[tilespmem:s18], [sflag:$0x1] =	stream.indirect_vreg.gather [hbm4b:s2+s10], $0x1, v1, vm0, $0x4038;
	[tilespmem:$0x580] =	vst v63  }
0x12: {  	(ifvalue) =	ssetifvalue $0x7FFFFFFF  }
0x13: {  	[tilespmem:s15], [sflag:$0x1] =	stream.indirect_vreg.gather [hbm4b:s2+s10], $0x1, v2, vm0, $0x4038;
	[tilespmem:$0x580] =	vst v63  }
0x14: {  	s29 =	sadd.s32 $0x10, s15;
	(ifvalue) =	ssetifvalue $0x7FFFFFFF  }
0x15: {  	[tilespmem:s29], [sflag:$0x1] =	stream.indirect_vreg.gather [hbm4b:s2+s10], $0x1, v0, vm0, $0x4038;
	[tilespmem:$0x580] =	vst v63  }
0x16: {  	_ =	swait.ge [sflag:s5], $0x160  }
0x17: {  	s30 =	sshrl.u32 s13, $0x3;
	[sflag:s5] =	ssyncset.done $0x0  }
0x18: {  	s31 =	sand.u32 $0x7, s13;
	s15 =	sadd.s32 s8, s30;
	[sflag:s5] =	ssyncadd.s32 $0xFFFFFEA0  }
0x19: {  	[hbm4b:s15+s31] =	stream.linear.scatter [tilespmem:s14], [sflag:$0x3], $0x160, $0x38;
	[tilespmem:$0x580] =	vst v63  }
.LBB2_5:
0x1a: {  	s15 =	sadd.s32 $0x2C00, s11  }
0x1b: {  	p1 =	sgt.s32 s15, $0x317F  }
0x1c: {  	s15 =	smov.u32 @p1 s4;
	p1 =	sne.s32 s12, s9  }
.Ltmp1:
0x1d: {  	p0 =	slt.u32 s12, $0x2;
	(pc) =	sbr.rel @!p1 .LBB2_6-.Ltmp1, $4  }
0x1e: {  	s14 =	simm.s32 @!p0 $0x3  }
0x1f: {  	_ =	swait.ge @!p0 [sflag:s14], $0x160  }
0x20: {  	s16 =	sadd.s32 $0x1, s12;
	s13 =	smov.u32 s11;
	[sflag:s14] =	ssyncset.done @!p0 $0x0  }
0x21: {  	s12 =	smov.u32 s16;
	s11 =	smov.u32 s15;
	[sflag:s14] =	ssyncadd.s32 @!p0 $0xFFFFFEA0  }
.LBB2_1:
0x22: {  	p0 =	sge.u32 s12, s7  }
0x23: {  	s14 =	sxor.u32 @!p0 $0x1, s12  }
0x24: {  	s14 =	smul.u32 @!p0 $0x580, s14  }
0x25: {  	s31 =	sadd.s32 $0xFFFFFFFF, s12;
	s15 =	sshrl.u32 @!p0 s11, $0x3  }
0x26: {  	s16 =	sand.u32 @!p0 $0x7, s11;
	s15 =	sadd.s32 @!p0 s3, s15;
	s14 =	sshra.s32 @!p0 s14, $0x2  }
0x27: {  	[tilespmem:s14], [sflag:$0x2] =	stream.linear.gather @!p0 [hbm4b:s15+s16], $0x160, $0x38;
	[tilespmem:$0x580] =	vst v63  }
0x28: {  	p0 =	sge.u32 s31, s7  }
.Ltmp2:
0x29: {  	_ = 	snop;
	(pc) =	sbr.rel @p0 .LBB2_5-.Ltmp2, $1  }
0x2a: {  	_ =	sdelay $0x3  }
0x2b: {  	s14 =	sand.u32 $0x1, s12  }
0x2c: {  	_ =	swait.ge [sflag:s6], $0x160;
	p0 =	seq.s32 s14, $0x1;
	s14 =	simm.s32 $0x160  }
0x2d: {  	[sflag:s6] =	ssyncset.done $0x0;
	s14 =	simm.s32 @!p0 $0x0  }
0x2e: {  	[sflag:s6] =	ssyncadd.s32 $0xFFFFFEA0;
	(ifvalue) =	ssetifvalue $0x7FFFFFFF;
	v0 =	vld.msk [tilespmem:s14+$0x0 ss:$0x1], $0xffff;
	_ =	sdelay $0x4  }
0x2f: {  	s15 =	sadd.s32 $0x10, s14;
	vm1 =	vgt.s32 v0, $0x0  }
0x30: {  	v2 =	vld.msk [tilespmem:s15+$0x0 ss:$0x1], $0xffff;
	v1 =	vnsel vm1, $0x0, v0  }
0x31: {  	v1 =	vmin.u32 v1, $0x2710;
	_ =	sdelay $0x2  }
0x32: {  	s17 =	simm.s32 $0x20;
	s14 =	sadd.s32 $0x2C0, s14;
	s16 =	sadd.s32 $0x10, s15  }
0x33: {  	s15 =	sadd.s32 $0x10, s14;
	s18 =	smov.u32 s14;
	v0 =	vld.msk [tilespmem:s16+$0x0 ss:$0x1], $0xffff;
	vm1 =	vgt.s32 v2, $0x0;
	(ifvalue) =	ssetifvalue $0x7FFFFFFF  }
.LBB2_3:
0x34: {  	[tilespmem:s18], [sflag:$0x1] =	stream.indirect_vreg.gather [hbm4b:s2+s10], $0x1, v1, vm0, $0x4038;
	[tilespmem:$0x580] =	vst v63  }
0x35: {  	s17 =	sadd.s32 $0x10, s17  }
0x36: {  	v2 =	vnsel vm1, $0x0, v2;
	p0 =	slt.u32 s17, $0x150  }
.Ltmp3:
0x37: {  	s18 =	smov.u32 s15;
	v1 =	vmin.u32 v2, $0x2710;
	(pc) =	sbr.rel @p0 .LBB2_3-.Ltmp3, $3  }
0x38: {  	_ =	sdelay $0x1  }
0x39: {  	s16 =	sadd.s32 $0x10, s16  }
0x3a: {  	vm1 =	vgt.s32 v0, $0x0;
	s15 =	sadd.s32 $0x10, s15;
	v2 =	vmov v0;
	(ifvalue) =	ssetifvalue $0x7FFFFFFF;
	v0 =	vld.msk [tilespmem:s16+$0x0 ss:$0x1], $0xffff  }
.Ltmp4:
0x3b: {  	_ = 	snop;
	(pc) =	sbr.rel .LBB2_4-.Ltmp4, $1  }
0x3c: {  	_ =	sdelay $0x3  }
.LBB2_6:
0x3d: {  	_ =	sfence.sel $0x180000  }
0x3e: {  	s2 =	simm.s32 $0x2;
	[bflag:$0x0] =	sbarrier.arrive $0xFFFF  }
0x3f: {  	s30 =	simm.s32 $0x3;
	[sflag:s2] =	ssyncpa.u1 $0x1  }
0x40: {  	s31 =	simm.s32 $0x1;
	[sflag:s30] =	ssyncpa.u1 $0x1  }
0x41: {  	[sflag:s31] =	ssyncpa.u1 $0x1  }
0x42: {  	p0 =	sne.s32 s1, $0x0;
	_ =	strace $0x9000004A  }
0x43: {  	s0 =	sadd.s32 @!p0 $0x100000, s0;
	[bflag:$0x2] =	sbarrier.arrive $0xFFFF  }
0x44: {  	[sflag:s0] =	ssyncadd.tile.s32 @!p0 $0x1;
	_ =	shalt  }
.Lfunc_end2:
_tile_overlayer_lowered:
.L_overlay_start_2:
0x45: {  	(tag) =	ssettag $0x2  }
0x46: {  	s0 =	rddreg [dreg:$0x0];
	s2 =	stileid.u32  }
0x47: {  	s1 =	rddreg [dreg:$0x1];
	p0 =	sne.s32 s2, $0x0  }
0x48: {  	s3 =	rddreg [dreg:$0x2];
	[bflag:$0x3] =	sbarrier.arrive $0xFFFF;
	s2 =	simm.s32 @!p0 $0x1C01  }
0x49: {  	[timem:s3], [sflag:s2] =	dma.local @!p0 [hbm:s0], s1  }
0x4a: {  	s0 =	simm.s32 @!p0 $0x1  }
0x4b: {  	_ =	swait.ge @!p0 [sflag:s0], s1  }
0x4c: {  	s1 =	ssub.s32 @!p0 $0x0, s1;
	[sflag:s0] =	ssyncset.done @!p0 $0x0  }
0x4d: {  	[sflag:s0] =	ssyncadd.s32 @!p0 s1  }
0x4e: {  	[bflag:$0x3] =	sbarrier.arrive $0xFFFF  }
0x4f: {  	_ =	shalt  }

// kernel: gather_offload_async_start.3
scs
__scs_entry_jumppad:
0x0: {  	(pc) =	sbr.rel $0x88, $3  }
0x1: {  	(tag) =	ssettag $0x0;
	lr =	simm.s32 $0x1  }
0x2: {  	[smem:$0x3F59] =	sst lr;
	_ =	strace $0xD0000000  }
0x3: {  	_ = 	snop  }
0x4: {  	_ = 	snop  }
0x5: {  	_ = 	snop  }
0x6: {  	_ = 	snop  }
0x7: {  	_ = 	snop  }
__scs_overlays_trampoline_lowered:
0x8: {  	[smem:$0x3F68] =	sst s0  }
0x9: {  	[smem:$0x3F69] =	sst s1  }
0xa: {  	[smem:$0x3F6A] =	sst s2  }
0xb: {  	[smem:$0x3F6B] =	sst s3  }
0xc: {  	[smem:$0x3F6C] =	sst s4  }
0xd: {  	[smem:$0x3F6D] =	sst s5  }
0xe: {  	[smem:$0x3F6E] =	sst s6  }
0xf: {  	[smem:$0x3F6F] =	sst s7  }
0x10: {  	[smem:$0x3F70] =	sst s8  }
0x11: {  	[smem:$0x3F71] =	sst s9;
	s0 =	simm.s32 @!p0 $0x0  }
0x12: {  	s1 =	sld [smem:$0x3F57];
	s0 =	simm.s32 @p0 $0x1  }
0x13: {  	[smem:$0x3F72] =	sst s0;
	s0 =	simm.s32 @!p1 $0x0  }
0x14: {  	s2 =	sld [smem:$0x3F56];
	s0 =	simm.s32 @p1 $0x1  }
0x15: {  	[smem:$0x3F73] =	sst s0;
	s0 =	simm.s32 @!p2 $0x0  }
0x16: {  	s3 =	sld [smem:$0x3FDB];
	s0 =	simm.s32 @p2 $0x1  }
0x17: {  	s4 =	simm.s32 $0x1BF5;
	[smem:$0x3F75] =	sst s0  }
0x18: {  	s0 =	sld [smem:$0x3F58];
	_ =	swait.ge [sflag:s4], $0x0  }
0x19: {  	s7 =	sld [smem:$0x3F59]  }
0x1a: {  	s8 =	sadd.s32 $0xFFFFE003, lr  }
0x1b: {  	s9 =	sadd.s32 $0xFFFFFEF7, lr;
	s5 =	simm.s32 $0xFFFFFFFF;
	p2 =	slt.u32 s8, $0xFFFFF086  }
0x1c: {  	p1 =	slt.u32 s9, $0xF7A;
	s5 =	simm.s32 @!p2 $0x0  }
0x1d: {  	s5 =	simm.s32 @p1 $0x1;
	p0 =	seq.s32 s7, s2  }
0x1e: {  	s7 =	smul.u32 @!p0 $0xF7A, s2;
	p2 =	seq.s32 @!p0 s5, $0x0  }
0x1f: {  	s9 =	smul.u32 $0xF7A, s1;
	s8 =	simm.s32 @!p0 $0x1BF5;
	p2 =	por !p2, p0  }
0x20: {  	[sflag:s8] =	ssyncset.s32 @!p0 $0xFFFFF086;
	s6 =	sadd.s32 @!p0 s3, s7;
	s7 =	simm.s32 @!p0 $0x108  }
0x21: {  	s3 =	sadd.s32 s3, s9;
	s6 =	sadd.s32 @!p0 $0x88, s6;
	s7 =	simm.s32 @p2 $0x1082  }
0x22: {  	[simem:s7], [sflag:s8] =	dma.local @!p0 [hbm:s6], $0xF7A  }
0x23: {  	s9 =	sor.u32 $0xD0000000, s2;
	s6 =	simm.s32 $0x108;
	_ =	swait.ge @!p0 [sflag:s8], $0x0  }
0x24: {  	s3 =	sadd.s32 $0x88, s3;
	s6 =	simm.s32 @!p1 $0x1082;
	[sflag:s4] =	ssyncset.s32 $0xFFFFF086  }
0x25: {  	[simem:s6], [sflag:s4] =	dma.local [hbm:s3], $0xF7A  }
0x26: {  	[smem:$0x3F59] =	sst s1;
	(tag) =	ssettag s2;
	_ =	strace s9  }
0x27: {  	s1 =	sld [smem:$0x3F69]  }
0x28: {  	s2 =	sld [smem:$0x3F6A]  }
0x29: {  	s4 =	sld [smem:$0x3F6C]  }
0x2a: {  	p0 =	seq.s32 s5, $0x0;
	s5 =	sld [smem:$0x3F6D]  }
0x2b: {  	s6 =	sld [smem:$0x3F6E]  }
0x2c: {  	s7 =	sld [smem:$0x3F6F]  }
0x2d: {  	s3 =	simm.s32 $0x108;
	s8 =	sld [smem:$0x3F70]  }
0x2e: {  	s3 =	simm.s32 @!p0 $0x1082;
	s9 =	sld [smem:$0x3F71]  }
0x2f: {  	lr =	sadd.s32 s0, s3;
	s0 =	sld [smem:$0x3F68]  }
0x30: {  	s3 =	sld [smem:$0x3F6B]  }
0x31: {  	[smem:$0x3F74] =	sst s10  }
0x32: {  	s10 =	sld [smem:$0x3F72];
	_ =	sdelay $0x3  }
0x33: {  	p0 =	seq.s32 s10, $0x1;
	s10 =	sld [smem:$0x3F74];
	_ =	sdelay $0x3  }
0x34: {  	[smem:$0x3F74] =	sst s10  }
0x35: {  	s10 =	sld [smem:$0x3F73];
	_ =	sdelay $0x3  }
0x36: {  	p1 =	seq.s32 s10, $0x1;
	s10 =	sld [smem:$0x3F74];
	_ =	sdelay $0x3  }
0x37: {  	[smem:$0x3F74] =	sst s10  }
0x38: {  	s10 =	sld [smem:$0x3F75]  }
0x39: {  	_ = 	snop;
	(pc) =	sbr.ind lr, $3  }
0x3a: {  	_ = 	snop  }
0x3b: {  	_ = 	snop  }
0x3c: {  	p2 =	seq.s32 s10, $0x1;
	s10 =	sld [smem:$0x3F74]  }
0x3d: {  	_ =	shalt  }
0x3e: {  	_ =	shalt  }
0x3f: {  	_ =	shalt  }
0x40: {  	_ =	shalt  }
0x41: {  	_ =	shalt  }
0x42: {  	_ =	shalt  }
0x43: {  	_ =	shalt  }
0x44: {  	_ =	shalt  }
0x45: {  	_ =	shalt  }
0x46: {  	_ =	shalt  }
0x47: {  	_ =	shalt  }
0x48: {  	_ =	shalt  }
0x49: {  	_ =	shalt  }
0x4a: {  	_ =	shalt  }
0x4b: {  	_ =	shalt  }
0x4c: {  	_ =	shalt  }
0x4d: {  	_ =	shalt  }
0x4e: {  	_ =	shalt  }
0x4f: {  	_ =	shalt  }
0x50: {  	_ =	shalt  }
0x51: {  	_ =	shalt  }
0x52: {  	_ =	shalt  }
0x53: {  	_ =	shalt  }
0x54: {  	_ =	shalt  }
0x55: {  	_ =	shalt  }
0x56: {  	_ =	shalt  }
0x57: {  	_ =	shalt  }
0x58: {  	_ =	shalt  }
0x59: {  	_ =	shalt  }
0x5a: {  	_ =	shalt  }
0x5b: {  	_ =	shalt  }
0x5c: {  	_ =	shalt  }
0x5d: {  	_ =	shalt  }
0x5e: {  	_ =	shalt  }
0x5f: {  	_ =	shalt  }
0x60: {  	_ =	shalt  }
0x61: {  	_ =	shalt  }
0x62: {  	_ =	shalt  }
0x63: {  	_ =	shalt  }
0x64: {  	_ =	shalt  }
0x65: {  	_ =	shalt  }
0x66: {  	_ =	shalt  }
0x67: {  	_ =	shalt  }
0x68: {  	_ =	shalt  }
0x69: {  	_ =	shalt  }
0x6a: {  	_ =	shalt  }
0x6b: {  	_ =	shalt  }
0x6c: {  	_ =	shalt  }
0x6d: {  	_ =	shalt  }
0x6e: {  	_ =	shalt  }
0x6f: {  	_ =	shalt  }
0x70: {  	_ =	shalt  }
0x71: {  	_ =	shalt  }
0x72: {  	_ =	shalt  }
0x73: {  	_ =	shalt  }
0x74: {  	_ =	shalt  }
0x75: {  	_ =	shalt  }
0x76: {  	_ =	shalt  }
0x77: {  	_ =	shalt  }
0x78: {  	_ =	shalt  }
0x79: {  	_ =	shalt  }
0x7a: {  	_ =	shalt  }
0x7b: {  	_ =	shalt  }
0x7c: {  	_ =	shalt  }
0x7d: {  	_ =	shalt  }
0x7e: {  	_ =	shalt  }
0x7f: {  	_ =	shalt  }
0x80: {  	_ =	shalt  }
0x81: {  	_ =	shalt  }
0x82: {  	_ =	shalt  }
0x83: {  	_ =	shalt  }
0x84: {  	_ =	shalt  }
0x85: {  	_ =	shalt  }
0x86: {  	_ =	shalt  }
0x87: {  	_ =	shalt  }
.Lfunc_end0:
.L_simem_size_0:
called_computation.3_lowered:
.L_overlay_start_0:
0x88: {  	s2 =	sld [smem:$0x3FD9]  }
0x89: {  	s3 =	sld [smem:$0x3FFE];
	_ =	sdelay $0x1  }
0x8a: {  	s1 =	srdreg.scid  }
0x8b: {  	s0 =	sand.u32 $0x1, s1  }
0x8c: {  	s17 =	sshll.u32 s0, $0xA;
	s2 =	sadd.s32 s3, s2  }
0x8d: {  	s2 =	sadd.s32 s2, s17  }
0x8e: {  	[smem:$0x3F80] =	sst s2  }
0x8f: {  	_ = 	snop  }
0x90: {  	(tm) =	ssettm $0x1  }
0x91: {  	s18 =	sld [smem:$0x3FFB];
	_ =	sdelay $0x3  }
0x92: {  	_ =	strace s18  }
0x93: {  	s2 =	sld [smem:$0x3FFC];
	_ =	sdelay $0x3  }
0x94: {  	_ =	strace s2  }
0x95: {  	s2 =	sld [smem:$0x3FFD];
	_ =	sdelay $0x3  }
0x96: {  	_ =	strace s2  }
0x97: {  	_ =	strace $0x8FFFFFFF  }
0x98: {  	s19 =	sld [smem:$0x3FDB];
	_ =	sdelay $0x1  }
0x99: {  	s20 =	simm.s32 $_scs_section_size  }
0x9a: {  	s4 =	simm.s32 $_size__tile_overlayer_lowered;
	s5 =	simm.s32 $_tile_overlayer_lowered  }
0x9b: {  	s6 =	simm.s32 $0x1BFF;
	s21 =	sshll.u32 s5, $0x1;
	s3 =	sadd.s32 s20, s19  }
0x9c: {  	s22 =	simm.s32 $0x0;
	s4 =	sshll.u32 s4, $0x1;
	s5 =	sadd.s32 s21, s3  }
0x9d: {  	[timem:s22], [sflag:s6] =	dma.local [hbm:s5], s4  }
0x9e: {  	_ =	swait.ge [sflag:s6], s4  }
0x9f: {  	s4 =	ssub.s32 $0x0, s4;
	[sflag:s6] =	ssyncset.done $0x0  }
0xa0: {  	[sflag:s6] =	ssyncadd.s32 s4;
	_ =	sdelay $0x1  }
0xa1: {  	s23 =	simm.s32 $0x1B8B  }
0xa2: {  	_ =	swait.ge [sflag:s23], $0x1  }
0xa3: {  	[sflag:s23] =	ssyncset.done $0x0  }
0xa4: {  	[sflag:s23] =	ssyncadd.s32 $0xFFFFFFFF  }
0xa5: {  	s4 =	sld [smem:$0x0]  }
0xa6: {  	s5 =	sand.u32 $0xFFFFFFFE, s1  }
0xa7: {  	p0 =	sne.s32 s1, s5  }
0xa8: {  	s5 =	sshll.u32 @p0 s5, $0xE  }
0xa9: {  	s5 =	sadd.s32 @p0 $0x11B8D, s5;
	s6 =	sshll.u32 @p0 s4, $0x11  }
0xaa: {  	s5 =	sor.u32 @p0 s6, s5  }
0xab: {  	[sflag:s5] =	ssyncadd.remote.s32 @p0 $0x1;
	_ =	sdelay $0x1  }
0xac: {  	s5 =	simm.s32 @p0 $0x1B8D  }
0xad: {  	_ =	swait.eq @p0 [sflag:s5], $0x1  }
0xae: {  	[sflag:s5] =	ssyncadd.s32 @p0 $0xFFFFFFFF  }
0xaf: {  	s6 =	sshll.u32 @!p0 s1, $0xE  }
0xb0: {  	s6 =	sor.u32 @!p0 $0x4000, s6;
	s5 =	simm.s32 @!p0 $0x1B8D  }
0xb1: {  	s4 =	sshll.u32 @!p0 s4, $0x11;
	s6 =	sadd.s32 @!p0 $0x11B8D, s6;
	_ =	swait.eq @!p0 [sflag:s5], $0x1  }
0xb2: {  	s4 =	sor.u32 @!p0 s4, s6;
	[sflag:s5] =	ssyncadd.s32 @!p0 $0xFFFFFFFF  }
0xb3: {  	s25 =	simm.s32 $0x1B8E;
	s24 =	sld [smem:$0x3FFE];
	[sflag:s4] =	ssyncadd.remote.s32 @!p0 $0x1  }
0xb4: {  	s26 =	simm.s32 $execute0_lowered;
	[smem:$0x3FD2] =	sst s25  }
0xb5: {  	s5 =	sshll.u32 s26, $0x1;
	_ =	strace $0x8000004C;
	[dreg:$0x1] =	wrdreg $0xFFFFFFFF  }
0xb6: {  	s28 =	simm.s32 $_size_execute0_lowered;
	s3 =	sadd.s32 s3, s5;
	[dreg:$0x0] =	wrdreg $0x0  }
0xb7: {  	s5 =	sshll.u32 s28, $0x1;
	[dreg:$0x2] =	wrdreg s3  }
0xb8: {  	[dreg:$0x3] =	wrdreg s5  }
0xb9: {  	[dreg:$0x4] =	wrdreg $0xC0  }
0xba: {  	_ =	task [dreg:s22], $0x5FFFF  }
0xbb: {  	[dreg:$0x1] =	wrdreg $0xFFFFFFFF  }
0xbc: {  	[dreg:$0x0] =	wrdreg $0x60  }
0xbd: {  	[dreg:$0x2] =	wrdreg s24  }
0xbe: {  	[dreg:$0x3] =	wrdreg $0xC  }
0xbf: {  	_ =	task.clear_ibuf [dreg:s22], $0x4FFFF;
	_ =	strace $0x9000004C  }
0xc0: {  	s29 =	simm.s32 $0xC;
	_ =	strace $0x8000004E  }
0xc1: {  	_ =	swait.ge [sflag:s29], $0x1  }
0xc2: {  	[sflag:s29] =	ssyncadd.s32 $0xFFFFFFFF  }
0xc3: {  	_ =	strace $0x9000004E  }
0xc4: {  	_ =	sfence  }
0xc5: {  	s30 =	sld [smem:$0x0];
	_ =	sdelay $0x2  }
0xc6: {  	s31 =	sshll.u32 s1, $0xD;
	s1 =	sshrl.u32 s1, $0x2  }
0xc7: {  	s4 =	sand.u32 $0x4000, s31;
	s1 =	sadd.s32 s1, s30  }
0xc8: {  	s0 =	sor.u32 s4, s0;
	s1 =	sshll.u32 s1, $0x11  }
0xc9: {  	s0 =	sor.u32 s1, s0  }
0xca: {  	s0 =	sadd.s32 $0x8F2B, s0  }
0xcb: {  	[sflag:s0] =	ssyncadd.remote.s32 $0x1  }
0xcc: {  	_ =	sfence.sel $0xFFFF  }
0xcd: {  	[dreg:$0x0] =	wrdreg $0xFFFFFFFF;
	(pc) =	sbr.abs _section_cstart, $3  }
0xce: {  	[dreg:$0x1] =	wrdreg $0xFFFFFFFF  }
0xcf: {  	_ =	task.clear_ibuf [dreg:s22], $0x2FFFF;
	_ =	strace $0x9FFFFFFF  }
0xd0: {  	(tm) =	ssettm $0x7FFFFFFF  }
0xd1: {  	_ =	shalt  }
tec
execute0_lowered:
.L_overlay_start_1:
0x0: {  	(tag) =	ssettag $0x1  }
0x1: {  	s8 =	rddreg [dreg:$0x0];
	s1 =	stileid.u32  }
0x2: {  	s2 =	srdreg.scid;
	s0 =	rddreg [dreg:$0x1]  }
0x3: {  	_ =	strace $0x8000004D;
	s5 =	simm.s32 $0x1;
	s9 =	simm.s32 $0x1  }
0x4: {  	s10 =	simm.s32 $0x3;
	s2 =	sand.u32 $0x1, s2;
	s3 =	sshll.u32 s1, $0x1  }
0x5: {  	s13 =	simm.s32 $0x0;
	s12 =	simm.s32 $0x0;
	s6 =	sor.u32 s3, s2  }
0x6: {  	[sflag:s5] =	ssyncpa.u1 $0x0;
	s2 =	sadd.s32 $0x19C00, s8;
	s4 =	smul.u32 $0x160, s6  }
0x7: {  	s3 =	sadd.s32 $0x11000, s8;
	p0 =	slt.u32 s6, $0x5;
	s6 =	simm.s32 $0x2C00  }
.Ltmp0:
0x8: {  	s6 =	simm.s32 @!p0 $0x0;
	s7 =	ssub.s32 $0x3180, s4;
	(pc) =	sbr.rel .LBB2_1-.Ltmp0, $4  }
0x9: {  	s9 =	simm.s32 @!p0 $0x0;
	p0 =	sne.s32 s7, s6;
	s7 =	simm.s32 $0x1  }
0xa: {  	s8 =	sadd.s32 $0x45400, s8;
	s6 =	simm.s32 $0x2;
	s7 =	simm.s32 @!p0 $0x0  }
0xb: {  	s11 =	smov.u32 s4;
	[sflag:s6] =	ssyncpa.u1 $0x0;
	s7 =	sadd.s32 s9, s7  }
0xc: {  	vm0 =	vmmov $0xffff;
	[sflag:s10] =	ssyncpa.u1 $0x0;
	s10 =	simm.s32 $0x0;
	s9 =	sadd.s32 $0x1, s7  }
.LBB2_4:
0xd: {  	v2 =	vnsel vm1, $0x0, v2  }
0xe: {  	vm1 =	vgt.s32 v0, $0x0;
	v2 =	vmin.u32 v2, $0x2710  }
0xf: {  	v0 =	vnsel vm1, $0x0, v0  }
0x10: {  	v0 =	vmin.u32 v0, $0x2710  }
0x11: {  	[tilespmem:s18], [sflag:$0x1] =	stream.indirect_vreg.gather [hbm4b:s2+s10], $0x1, v1, vm0, $0x4038;
	[tilespmem:$0x580] =	vst v63  }
0x12: {  	(ifvalue) =	ssetifvalue $0x7FFFFFFF  }
0x13: {  	[tilespmem:s15], [sflag:$0x1] =	stream.indirect_vreg.gather [hbm4b:s2+s10], $0x1, v2, vm0, $0x4038;
	[tilespmem:$0x580] =	vst v63  }
0x14: {  	s29 =	sadd.s32 $0x10, s15;
	(ifvalue) =	ssetifvalue $0x7FFFFFFF  }
0x15: {  	[tilespmem:s29], [sflag:$0x1] =	stream.indirect_vreg.gather [hbm4b:s2+s10], $0x1, v0, vm0, $0x4038;
	[tilespmem:$0x580] =	vst v63  }
0x16: {  	_ =	swait.ge [sflag:s5], $0x160  }
0x17: {  	s30 =	sshrl.u32 s13, $0x3;
	[sflag:s5] =	ssyncset.done $0x0  }
0x18: {  	s31 =	sand.u32 $0x7, s13;
	s15 =	sadd.s32 s8, s30;
	[sflag:s5] =	ssyncadd.s32 $0xFFFFFEA0  }
0x19: {  	[hbm4b:s15+s31] =	stream.linear.scatter [tilespmem:s14], [sflag:$0x3], $0x160, $0x38;
	[tilespmem:$0x580] =	vst v63  }
.LBB2_5:
0x1a: {  	s15 =	sadd.s32 $0x2C00, s11  }
0x1b: {  	p1 =	sgt.s32 s15, $0x317F  }
0x1c: {  	s15 =	smov.u32 @p1 s4;
	p1 =	sne.s32 s12, s9  }
.Ltmp1:
0x1d: {  	p0 =	slt.u32 s12, $0x2;
	(pc) =	sbr.rel @!p1 .LBB2_6-.Ltmp1, $4  }
0x1e: {  	s14 =	simm.s32 @!p0 $0x3  }
0x1f: {  	_ =	swait.ge @!p0 [sflag:s14], $0x160  }
0x20: {  	s16 =	sadd.s32 $0x1, s12;
	s13 =	smov.u32 s11;
	[sflag:s14] =	ssyncset.done @!p0 $0x0  }
0x21: {  	s12 =	smov.u32 s16;
	s11 =	smov.u32 s15;
	[sflag:s14] =	ssyncadd.s32 @!p0 $0xFFFFFEA0  }
.LBB2_1:
0x22: {  	p0 =	sge.u32 s12, s7  }
0x23: {  	s14 =	sxor.u32 @!p0 $0x1, s12  }
0x24: {  	s14 =	smul.u32 @!p0 $0x580, s14  }
0x25: {  	s31 =	sadd.s32 $0xFFFFFFFF, s12;
	s15 =	sshrl.u32 @!p0 s11, $0x3  }
0x26: {  	s16 =	sand.u32 @!p0 $0x7, s11;
	s15 =	sadd.s32 @!p0 s3, s15;
	s14 =	sshra.s32 @!p0 s14, $0x2  }
0x27: {  	[tilespmem:s14], [sflag:$0x2] =	stream.linear.gather @!p0 [hbm4b:s15+s16], $0x160, $0x38;
	[tilespmem:$0x580] =	vst v63  }
0x28: {  	p0 =	sge.u32 s31, s7  }
.Ltmp2:
0x29: {  	_ = 	snop;
	(pc) =	sbr.rel @p0 .LBB2_5-.Ltmp2, $1  }
0x2a: {  	_ =	sdelay $0x3  }
0x2b: {  	s14 =	sand.u32 $0x1, s12  }
0x2c: {  	_ =	swait.ge [sflag:s6], $0x160;
	p0 =	seq.s32 s14, $0x1;
	s14 =	simm.s32 $0x160  }
0x2d: {  	[sflag:s6] =	ssyncset.done $0x0;
	s14 =	simm.s32 @!p0 $0x0  }
0x2e: {  	[sflag:s6] =	ssyncadd.s32 $0xFFFFFEA0;
	(ifvalue) =	ssetifvalue $0x7FFFFFFF;
	v0 =	vld.msk [tilespmem:s14+$0x0 ss:$0x1], $0xffff;
	_ =	sdelay $0x4  }
0x2f: {  	s15 =	sadd.s32 $0x10, s14;
	vm1 =	vgt.s32 v0, $0x0  }
0x30: {  	v2 =	vld.msk [tilespmem:s15+$0x0 ss:$0x1], $0xffff;
	v1 =	vnsel vm1, $0x0, v0  }
0x31: {  	v1 =	vmin.u32 v1, $0x2710;
	_ =	sdelay $0x2  }
0x32: {  	s17 =	simm.s32 $0x20;
	s14 =	sadd.s32 $0x2C0, s14;
	s16 =	sadd.s32 $0x10, s15  }
0x33: {  	s15 =	sadd.s32 $0x10, s14;
	s18 =	smov.u32 s14;
	v0 =	vld.msk [tilespmem:s16+$0x0 ss:$0x1], $0xffff;
	vm1 =	vgt.s32 v2, $0x0;
	(ifvalue) =	ssetifvalue $0x7FFFFFFF  }
.LBB2_3:
0x34: {  	[tilespmem:s18], [sflag:$0x1] =	stream.indirect_vreg.gather [hbm4b:s2+s10], $0x1, v1, vm0, $0x4038;
	[tilespmem:$0x580] =	vst v63  }
0x35: {  	s17 =	sadd.s32 $0x10, s17  }
0x36: {  	v2 =	vnsel vm1, $0x0, v2;
	p0 =	slt.u32 s17, $0x150  }
.Ltmp3:
0x37: {  	s18 =	smov.u32 s15;
	v1 =	vmin.u32 v2, $0x2710;
	(pc) =	sbr.rel @p0 .LBB2_3-.Ltmp3, $3  }
0x38: {  	_ =	sdelay $0x1  }
0x39: {  	s16 =	sadd.s32 $0x10, s16  }
0x3a: {  	vm1 =	vgt.s32 v0, $0x0;
	s15 =	sadd.s32 $0x10, s15;
	v2 =	vmov v0;
	(ifvalue) =	ssetifvalue $0x7FFFFFFF;
	v0 =	vld.msk [tilespmem:s16+$0x0 ss:$0x1], $0xffff  }
.Ltmp4:
0x3b: {  	_ = 	snop;
	(pc) =	sbr.rel .LBB2_4-.Ltmp4, $1  }
0x3c: {  	_ =	sdelay $0x3  }
.LBB2_6:
0x3d: {  	_ =	sfence.sel $0x180000  }
0x3e: {  	s2 =	simm.s32 $0x2;
	[bflag:$0x0] =	sbarrier.arrive $0xFFFF  }
0x3f: {  	s30 =	simm.s32 $0x3;
	[sflag:s2] =	ssyncpa.u1 $0x1  }
0x40: {  	s31 =	simm.s32 $0x1;
	[sflag:s30] =	ssyncpa.u1 $0x1  }
0x41: {  	[sflag:s31] =	ssyncpa.u1 $0x1  }
0x42: {  	p0 =	sne.s32 s1, $0x0;
	_ =	strace $0x9000004D  }
0x43: {  	s0 =	sadd.s32 @!p0 $0x100000, s0;
	[bflag:$0x2] =	sbarrier.arrive $0xFFFF  }
0x44: {  	[sflag:s0] =	ssyncadd.tile.s32 @!p0 $0x1;
	_ =	shalt  }
.Lfunc_end2:
_tile_overlayer_lowered:
.L_overlay_start_2:
0x45: {  	(tag) =	ssettag $0x2  }
0x46: {  	s0 =	rddreg [dreg:$0x0];
	s2 =	stileid.u32  }
0x47: {  	s1 =	rddreg [dreg:$0x1];
	p0 =	sne.s32 s2, $0x0  }
0x48: {  	s3 =	rddreg [dreg:$0x2];
	[bflag:$0x3] =	sbarrier.arrive $0xFFFF;
	s2 =	simm.s32 @!p0 $0x1C01  }
0x49: {  	[timem:s3], [sflag:s2] =	dma.local @!p0 [hbm:s0], s1  }
0x4a: {  	s0 =	simm.s32 @!p0 $0x1  }
0x4b: {  	_ =	swait.ge @!p0 [sflag:s0], s1  }
0x4c: {  	s1 =	ssub.s32 @!p0 $0x0, s1;
	[sflag:s0] =	ssyncset.done @!p0 $0x0  }
0x4d: {  	[sflag:s0] =	ssyncadd.s32 @!p0 s1  }
0x4e: {  	[bflag:$0x3] =	sbarrier.arrive $0xFFFF  }
0x4f: {  	_ =	shalt  }

// kernel: gather_offload_async_start.4
scs
__scs_entry_jumppad:
0x0: {  	(pc) =	sbr.rel $0x88, $3  }
0x1: {  	(tag) =	ssettag $0x0;
	lr =	simm.s32 $0x1  }
0x2: {  	[smem:$0x3F59] =	sst lr;
	_ =	strace $0xD0000000  }
0x3: {  	_ = 	snop  }
0x4: {  	_ = 	snop  }
0x5: {  	_ = 	snop  }
0x6: {  	_ = 	snop  }
0x7: {  	_ = 	snop  }
__scs_overlays_trampoline_lowered:
0x8: {  	[smem:$0x3F68] =	sst s0  }
0x9: {  	[smem:$0x3F69] =	sst s1  }
0xa: {  	[smem:$0x3F6A] =	sst s2  }
0xb: {  	[smem:$0x3F6B] =	sst s3  }
0xc: {  	[smem:$0x3F6C] =	sst s4  }
0xd: {  	[smem:$0x3F6D] =	sst s5  }
0xe: {  	[smem:$0x3F6E] =	sst s6  }
0xf: {  	[smem:$0x3F6F] =	sst s7  }
0x10: {  	[smem:$0x3F70] =	sst s8  }
0x11: {  	[smem:$0x3F71] =	sst s9;
	s0 =	simm.s32 @!p0 $0x0  }
0x12: {  	s1 =	sld [smem:$0x3F57];
	s0 =	simm.s32 @p0 $0x1  }
0x13: {  	[smem:$0x3F72] =	sst s0;
	s0 =	simm.s32 @!p1 $0x0  }
0x14: {  	s2 =	sld [smem:$0x3F56];
	s0 =	simm.s32 @p1 $0x1  }
0x15: {  	[smem:$0x3F73] =	sst s0;
	s0 =	simm.s32 @!p2 $0x0  }
0x16: {  	s3 =	sld [smem:$0x3FDB];
	s0 =	simm.s32 @p2 $0x1  }
0x17: {  	s4 =	simm.s32 $0x1BF5;
	[smem:$0x3F75] =	sst s0  }
0x18: {  	s0 =	sld [smem:$0x3F58];
	_ =	swait.ge [sflag:s4], $0x0  }
0x19: {  	s7 =	sld [smem:$0x3F59]  }
0x1a: {  	s8 =	sadd.s32 $0xFFFFE003, lr  }
0x1b: {  	s9 =	sadd.s32 $0xFFFFFEF7, lr;
	s5 =	simm.s32 $0xFFFFFFFF;
	p2 =	slt.u32 s8, $0xFFFFF086  }
0x1c: {  	p1 =	slt.u32 s9, $0xF7A;
	s5 =	simm.s32 @!p2 $0x0  }
0x1d: {  	s5 =	simm.s32 @p1 $0x1;
	p0 =	seq.s32 s7, s2  }
0x1e: {  	s7 =	smul.u32 @!p0 $0xF7A, s2;
	p2 =	seq.s32 @!p0 s5, $0x0  }
0x1f: {  	s9 =	smul.u32 $0xF7A, s1;
	s8 =	simm.s32 @!p0 $0x1BF5;
	p2 =	por !p2, p0  }
0x20: {  	[sflag:s8] =	ssyncset.s32 @!p0 $0xFFFFF086;
	s6 =	sadd.s32 @!p0 s3, s7;
	s7 =	simm.s32 @!p0 $0x108  }
0x21: {  	s3 =	sadd.s32 s3, s9;
	s6 =	sadd.s32 @!p0 $0x88, s6;
	s7 =	simm.s32 @p2 $0x1082  }
0x22: {  	[simem:s7], [sflag:s8] =	dma.local @!p0 [hbm:s6], $0xF7A  }
0x23: {  	s9 =	sor.u32 $0xD0000000, s2;
	s6 =	simm.s32 $0x108;
	_ =	swait.ge @!p0 [sflag:s8], $0x0  }
0x24: {  	s3 =	sadd.s32 $0x88, s3;
	s6 =	simm.s32 @!p1 $0x1082;
	[sflag:s4] =	ssyncset.s32 $0xFFFFF086  }
0x25: {  	[simem:s6], [sflag:s4] =	dma.local [hbm:s3], $0xF7A  }
0x26: {  	[smem:$0x3F59] =	sst s1;
	(tag) =	ssettag s2;
	_ =	strace s9  }
0x27: {  	s1 =	sld [smem:$0x3F69]  }
0x28: {  	s2 =	sld [smem:$0x3F6A]  }
0x29: {  	s4 =	sld [smem:$0x3F6C]  }
0x2a: {  	p0 =	seq.s32 s5, $0x0;
	s5 =	sld [smem:$0x3F6D]  }
0x2b: {  	s6 =	sld [smem:$0x3F6E]  }
0x2c: {  	s7 =	sld [smem:$0x3F6F]  }
0x2d: {  	s3 =	simm.s32 $0x108;
	s8 =	sld [smem:$0x3F70]  }
0x2e: {  	s3 =	simm.s32 @!p0 $0x1082;
	s9 =	sld [smem:$0x3F71]  }
0x2f: {  	lr =	sadd.s32 s0, s3;
	s0 =	sld [smem:$0x3F68]  }
0x30: {  	s3 =	sld [smem:$0x3F6B]  }
0x31: {  	[smem:$0x3F74] =	sst s10  }
0x32: {  	s10 =	sld [smem:$0x3F72];
	_ =	sdelay $0x3  }
0x33: {  	p0 =	seq.s32 s10, $0x1;
	s10 =	sld [smem:$0x3F74];
	_ =	sdelay $0x3  }
0x34: {  	[smem:$0x3F74] =	sst s10  }
0x35: {  	s10 =	sld [smem:$0x3F73];
	_ =	sdelay $0x3  }
0x36: {  	p1 =	seq.s32 s10, $0x1;
	s10 =	sld [smem:$0x3F74];
	_ =	sdelay $0x3  }
0x37: {  	[smem:$0x3F74] =	sst s10  }
0x38: {  	s10 =	sld [smem:$0x3F75]  }
0x39: {  	_ = 	snop;
	(pc) =	sbr.ind lr, $3  }
0x3a: {  	_ = 	snop  }
0x3b: {  	_ = 	snop  }
0x3c: {  	p2 =	seq.s32 s10, $0x1;
	s10 =	sld [smem:$0x3F74]  }
0x3d: {  	_ =	shalt  }
0x3e: {  	_ =	shalt  }
0x3f: {  	_ =	shalt  }
0x40: {  	_ =	shalt  }
0x41: {  	_ =	shalt  }
0x42: {  	_ =	shalt  }
0x43: {  	_ =	shalt  }
0x44: {  	_ =	shalt  }
0x45: {  	_ =	shalt  }
0x46: {  	_ =	shalt  }
0x47: {  	_ =	shalt  }
0x48: {  	_ =	shalt  }
0x49: {  	_ =	shalt  }
0x4a: {  	_ =	shalt  }
0x4b: {  	_ =	shalt  }
0x4c: {  	_ =	shalt  }
0x4d: {  	_ =	shalt  }
0x4e: {  	_ =	shalt  }
0x4f: {  	_ =	shalt  }
0x50: {  	_ =	shalt  }
0x51: {  	_ =	shalt  }
0x52: {  	_ =	shalt  }
0x53: {  	_ =	shalt  }
0x54: {  	_ =	shalt  }
0x55: {  	_ =	shalt  }
0x56: {  	_ =	shalt  }
0x57: {  	_ =	shalt  }
0x58: {  	_ =	shalt  }
0x59: {  	_ =	shalt  }
0x5a: {  	_ =	shalt  }
0x5b: {  	_ =	shalt  }
0x5c: {  	_ =	shalt  }
0x5d: {  	_ =	shalt  }
0x5e: {  	_ =	shalt  }
0x5f: {  	_ =	shalt  }
0x60: {  	_ =	shalt  }
0x61: {  	_ =	shalt  }
0x62: {  	_ =	shalt  }
0x63: {  	_ =	shalt  }
0x64: {  	_ =	shalt  }
0x65: {  	_ =	shalt  }
0x66: {  	_ =	shalt  }
0x67: {  	_ =	shalt  }
0x68: {  	_ =	shalt  }
0x69: {  	_ =	shalt  }
0x6a: {  	_ =	shalt  }
0x6b: {  	_ =	shalt  }
0x6c: {  	_ =	shalt  }
0x6d: {  	_ =	shalt  }
0x6e: {  	_ =	shalt  }
0x6f: {  	_ =	shalt  }
0x70: {  	_ =	shalt  }
0x71: {  	_ =	shalt  }
0x72: {  	_ =	shalt  }
0x73: {  	_ =	shalt  }
0x74: {  	_ =	shalt  }
0x75: {  	_ =	shalt  }
0x76: {  	_ =	shalt  }
0x77: {  	_ =	shalt  }
0x78: {  	_ =	shalt  }
0x79: {  	_ =	shalt  }
0x7a: {  	_ =	shalt  }
0x7b: {  	_ =	shalt  }
0x7c: {  	_ =	shalt  }
0x7d: {  	_ =	shalt  }
0x7e: {  	_ =	shalt  }
0x7f: {  	_ =	shalt  }
0x80: {  	_ =	shalt  }
0x81: {  	_ =	shalt  }
0x82: {  	_ =	shalt  }
0x83: {  	_ =	shalt  }
0x84: {  	_ =	shalt  }
0x85: {  	_ =	shalt  }
0x86: {  	_ =	shalt  }
0x87: {  	_ =	shalt  }
.Lfunc_end0:
.L_simem_size_0:
called_computation.4_lowered:
.L_overlay_start_0:
0x88: {  	s2 =	sld [smem:$0x3FD9]  }
0x89: {  	s3 =	sld [smem:$0x3FFE];
	_ =	sdelay $0x1  }
0x8a: {  	s1 =	srdreg.scid  }
0x8b: {  	s0 =	sand.u32 $0x1, s1  }
0x8c: {  	s16 =	sshll.u32 s0, $0xA;
	s2 =	sadd.s32 s3, s2  }
0x8d: {  	s2 =	sadd.s32 s2, s16  }
0x8e: {  	[smem:$0x3F80] =	sst s2  }
0x8f: {  	_ = 	snop  }
0x90: {  	(tm) =	ssettm $0x1  }
0x91: {  	s17 =	sld [smem:$0x3FFB];
	_ =	sdelay $0x3  }
0x92: {  	_ =	strace s17  }
0x93: {  	s2 =	sld [smem:$0x3FFC];
	_ =	sdelay $0x3  }
0x94: {  	_ =	strace s2  }
0x95: {  	s2 =	sld [smem:$0x3FFD];
	_ =	sdelay $0x3  }
0x96: {  	_ =	strace s2  }
0x97: {  	_ =	strace $0x8FFFFFFF  }
0x98: {  	s18 =	sld [smem:$0x3FDB];
	_ =	sdelay $0x1  }
0x99: {  	s19 =	simm.s32 $_scs_section_size  }
0x9a: {  	s4 =	simm.s32 $_size__tile_overlayer_lowered;
	s5 =	simm.s32 $_tile_overlayer_lowered  }
0x9b: {  	s22 =	simm.s32 $0x1BFF;
	s21 =	sshll.u32 s5, $0x1;
	s2 =	sadd.s32 s19, s18  }
0x9c: {  	s6 =	simm.s32 $0x0;
	s20 =	sshll.u32 s4, $0x1;
	s4 =	sadd.s32 s21, s2  }
0x9d: {  	[timem:s6], [sflag:s22] =	dma.local [hbm:s4], s20  }
0x9e: {  	_ =	swait.ge [sflag:s22], s20  }
0x9f: {  	s3 =	ssub.s32 $0x0, s20;
	[sflag:s22] =	ssyncset.done $0x0  }
0xa0: {  	[sflag:s22] =	ssyncadd.s32 s3;
	_ =	sdelay $0x1  }
0xa1: {  	s23 =	simm.s32 $0x1B8B  }
0xa2: {  	_ =	swait.ge [sflag:s23], $0x1  }
0xa3: {  	[sflag:s23] =	ssyncset.done $0x0  }
0xa4: {  	s25 =	simm.s32 $0x1B8E;
	s24 =	sld [smem:$0x3FFE];
	[sflag:s23] =	ssyncadd.s32 $0xFFFFFFFF  }
0xa5: {  	s26 =	simm.s32 $execute0_lowered;
	[smem:$0x3FD2] =	sst s25  }
0xa6: {  	s4 =	sshll.u32 s26, $0x1;
	_ =	strace $0x80000046;
	[dreg:$0x1] =	wrdreg $0xFFFFFFFF  }
0xa7: {  	s28 =	simm.s32 $_size_execute0_lowered;
	s2 =	sadd.s32 s2, s4;
	[dreg:$0x0] =	wrdreg $0x0  }
0xa8: {  	s4 =	sshll.u32 s28, $0x1;
	[dreg:$0x2] =	wrdreg s2  }
0xa9: {  	[dreg:$0x3] =	wrdreg s4  }
0xaa: {  	[dreg:$0x4] =	wrdreg $0xC0  }
0xab: {  	_ =	task [dreg:s6], $0x5FFFF  }
0xac: {  	[dreg:$0x1] =	wrdreg $0xFFFFFFFF  }
0xad: {  	[dreg:$0x0] =	wrdreg $0x60  }
0xae: {  	[dreg:$0x2] =	wrdreg s24  }
0xaf: {  	[dreg:$0x3] =	wrdreg $0xD  }
0xb0: {  	_ =	task.clear_ibuf [dreg:s6], $0x4FFFF;
	_ =	strace $0x90000046  }
0xb1: {  	s29 =	simm.s32 $0xD;
	_ =	strace $0x80000048  }
0xb2: {  	_ =	swait.ge [sflag:s29], $0x1  }
0xb3: {  	[sflag:s29] =	ssyncadd.s32 $0xFFFFFFFF  }
0xb4: {  	_ =	strace $0x90000048  }
0xb5: {  	_ =	sfence  }
0xb6: {  	s30 =	sld [smem:$0x0];
	_ =	sdelay $0x2  }
0xb7: {  	s31 =	sshll.u32 s1, $0xD;
	s1 =	sshrl.u32 s1, $0x2  }
0xb8: {  	s3 =	sand.u32 $0x4000, s31;
	s1 =	sadd.s32 s1, s30  }
0xb9: {  	s0 =	sor.u32 s3, s0;
	s1 =	sshll.u32 s1, $0x11  }
0xba: {  	s0 =	sor.u32 s1, s0  }
0xbb: {  	s0 =	sadd.s32 $0x8F2B, s0  }
0xbc: {  	[sflag:s0] =	ssyncadd.remote.s32 $0x1  }
0xbd: {  	_ =	sfence.sel $0xFFFF  }
0xbe: {  	[dreg:$0x0] =	wrdreg $0xFFFFFFFF;
	(pc) =	sbr.abs _section_cstart, $3  }
0xbf: {  	[dreg:$0x1] =	wrdreg $0xFFFFFFFF  }
0xc0: {  	_ =	task.clear_ibuf [dreg:s6], $0x2FFFF;
	_ =	strace $0x9FFFFFFF  }
0xc1: {  	(tm) =	ssettm $0x7FFFFFFF  }
tec
execute0_lowered:
.L_overlay_start_1:
0x0: {  	(tag) =	ssettag $0x1  }
0x1: {  	s8 =	rddreg [dreg:$0x0];
	s1 =	stileid.u32  }
0x2: {  	s2 =	srdreg.scid;
	s0 =	rddreg [dreg:$0x1]  }
0x3: {  	_ =	strace $0x80000047;
	s5 =	simm.s32 $0x1;
	s9 =	simm.s32 $0x1  }
0x4: {  	s10 =	simm.s32 $0x3;
	s2 =	sand.u32 $0x1, s2;
	s3 =	sshll.u32 s1, $0x1  }
0x5: {  	s13 =	simm.s32 $0x0;
	s12 =	simm.s32 $0x0;
	s6 =	sor.u32 s3, s2  }
0x6: {  	[sflag:s5] =	ssyncpa.u1 $0x0;
	s2 =	sadd.s32 $0x19600, s8;
	s4 =	smul.u32 $0x160, s6  }
0x7: {  	s3 =	sadd.s32 $0x11000, s8;
	p0 =	slt.u32 s6, $0x5;
	s6 =	simm.s32 $0x2C00  }
.Ltmp0:
0x8: {  	s6 =	simm.s32 @!p0 $0x0;
	s7 =	ssub.s32 $0x3180, s4;
	(pc) =	sbr.rel .LBB2_1-.Ltmp0, $4  }
0x9: {  	s9 =	simm.s32 @!p0 $0x0;
	p0 =	sne.s32 s7, s6;
	s7 =	simm.s32 $0x1  }
0xa: {  	s8 =	sadd.s32 $0x43C00, s8;
	s6 =	simm.s32 $0x2;
	s7 =	simm.s32 @!p0 $0x0  }
0xb: {  	s11 =	smov.u32 s4;
	[sflag:s6] =	ssyncpa.u1 $0x0;
	s7 =	sadd.s32 s9, s7  }
0xc: {  	vm0 =	vmmov $0xffff;
	[sflag:s10] =	ssyncpa.u1 $0x0;
	s10 =	simm.s32 $0x0;
	s9 =	sadd.s32 $0x1, s7  }
.LBB2_4:
0xd: {  	v2 =	vnsel vm1, $0x0, v2  }
0xe: {  	vm1 =	vgt.s32 v0, $0x0;
	v2 =	vmin.u32 v2, $0x2710  }
0xf: {  	v0 =	vnsel vm1, $0x0, v0  }
0x10: {  	v0 =	vmin.u32 v0, $0x2710  }
0x11: {  	[tilespmem:s18], [sflag:$0x1] =	stream.indirect_vreg.gather [hbm4b:s2+s10], $0x1, v1, vm0, $0x4038;
	[tilespmem:$0x580] =	vst v63  }
0x12: {  	(ifvalue) =	ssetifvalue $0x7FFFFFFF  }
0x13: {  	[tilespmem:s15], [sflag:$0x1] =	stream.indirect_vreg.gather [hbm4b:s2+s10], $0x1, v2, vm0, $0x4038;
	[tilespmem:$0x580] =	vst v63  }
0x14: {  	s29 =	sadd.s32 $0x10, s15;
	(ifvalue) =	ssetifvalue $0x7FFFFFFF  }
0x15: {  	[tilespmem:s29], [sflag:$0x1] =	stream.indirect_vreg.gather [hbm4b:s2+s10], $0x1, v0, vm0, $0x4038;
	[tilespmem:$0x580] =	vst v63  }
0x16: {  	_ =	swait.ge [sflag:s5], $0x160  }
0x17: {  	s30 =	sshrl.u32 s13, $0x3;
	[sflag:s5] =	ssyncset.done $0x0  }
0x18: {  	s31 =	sand.u32 $0x7, s13;
	s15 =	sadd.s32 s8, s30;
	[sflag:s5] =	ssyncadd.s32 $0xFFFFFEA0  }
0x19: {  	[hbm4b:s15+s31] =	stream.linear.scatter [tilespmem:s14], [sflag:$0x3], $0x160, $0x38;
	[tilespmem:$0x580] =	vst v63  }
.LBB2_5:
0x1a: {  	s15 =	sadd.s32 $0x2C00, s11  }
0x1b: {  	p1 =	sgt.s32 s15, $0x317F  }
0x1c: {  	s15 =	smov.u32 @p1 s4;
	p1 =	sne.s32 s12, s9  }
.Ltmp1:
0x1d: {  	p0 =	slt.u32 s12, $0x2;
	(pc) =	sbr.rel @!p1 .LBB2_6-.Ltmp1, $4  }
0x1e: {  	s14 =	simm.s32 @!p0 $0x3  }
0x1f: {  	_ =	swait.ge @!p0 [sflag:s14], $0x160  }
0x20: {  	s16 =	sadd.s32 $0x1, s12;
	s13 =	smov.u32 s11;
	[sflag:s14] =	ssyncset.done @!p0 $0x0  }
0x21: {  	s12 =	smov.u32 s16;
	s11 =	smov.u32 s15;
	[sflag:s14] =	ssyncadd.s32 @!p0 $0xFFFFFEA0  }
.LBB2_1:
0x22: {  	p0 =	sge.u32 s12, s7  }
0x23: {  	s14 =	sxor.u32 @!p0 $0x1, s12  }
0x24: {  	s14 =	smul.u32 @!p0 $0x580, s14  }
0x25: {  	s31 =	sadd.s32 $0xFFFFFFFF, s12;
	s15 =	sshrl.u32 @!p0 s11, $0x3  }
0x26: {  	s16 =	sand.u32 @!p0 $0x7, s11;
	s15 =	sadd.s32 @!p0 s3, s15;
	s14 =	sshra.s32 @!p0 s14, $0x2  }
0x27: {  	[tilespmem:s14], [sflag:$0x2] =	stream.linear.gather @!p0 [hbm4b:s15+s16], $0x160, $0x38;
	[tilespmem:$0x580] =	vst v63  }
0x28: {  	p0 =	sge.u32 s31, s7  }
.Ltmp2:
0x29: {  	_ = 	snop;
	(pc) =	sbr.rel @p0 .LBB2_5-.Ltmp2, $1  }
0x2a: {  	_ =	sdelay $0x3  }
0x2b: {  	s14 =	sand.u32 $0x1, s12  }
0x2c: {  	_ =	swait.ge [sflag:s6], $0x160;
	p0 =	seq.s32 s14, $0x1;
	s14 =	simm.s32 $0x160  }
0x2d: {  	[sflag:s6] =	ssyncset.done $0x0;
	s14 =	simm.s32 @!p0 $0x0  }
0x2e: {  	[sflag:s6] =	ssyncadd.s32 $0xFFFFFEA0;
	(ifvalue) =	ssetifvalue $0x7FFFFFFF;
	v0 =	vld.msk [tilespmem:s14+$0x0 ss:$0x1], $0xffff;
	_ =	sdelay $0x4  }
0x2f: {  	s15 =	sadd.s32 $0x10, s14;
	vm1 =	vgt.s32 v0, $0x0  }
0x30: {  	v2 =	vld.msk [tilespmem:s15+$0x0 ss:$0x1], $0xffff;
	v1 =	vnsel vm1, $0x0, v0  }
0x31: {  	v1 =	vmin.u32 v1, $0x2710;
	_ =	sdelay $0x2  }
0x32: {  	s17 =	simm.s32 $0x20;
	s14 =	sadd.s32 $0x2C0, s14;
	s16 =	sadd.s32 $0x10, s15  }
0x33: {  	s15 =	sadd.s32 $0x10, s14;
	s18 =	smov.u32 s14;
	v0 =	vld.msk [tilespmem:s16+$0x0 ss:$0x1], $0xffff;
	vm1 =	vgt.s32 v2, $0x0;
	(ifvalue) =	ssetifvalue $0x7FFFFFFF  }
.LBB2_3:
0x34: {  	[tilespmem:s18], [sflag:$0x1] =	stream.indirect_vreg.gather [hbm4b:s2+s10], $0x1, v1, vm0, $0x4038;
	[tilespmem:$0x580] =	vst v63  }
0x35: {  	s17 =	sadd.s32 $0x10, s17  }
0x36: {  	v2 =	vnsel vm1, $0x0, v2;
	p0 =	slt.u32 s17, $0x150  }
.Ltmp3:
0x37: {  	s18 =	smov.u32 s15;
	v1 =	vmin.u32 v2, $0x2710;
	(pc) =	sbr.rel @p0 .LBB2_3-.Ltmp3, $3  }
0x38: {  	_ =	sdelay $0x1  }
0x39: {  	s16 =	sadd.s32 $0x10, s16  }
0x3a: {  	vm1 =	vgt.s32 v0, $0x0;
	s15 =	sadd.s32 $0x10, s15;
	v2 =	vmov v0;
	(ifvalue) =	ssetifvalue $0x7FFFFFFF;
	v0 =	vld.msk [tilespmem:s16+$0x0 ss:$0x1], $0xffff  }
.Ltmp4:
0x3b: {  	_ = 	snop;
	(pc) =	sbr.rel .LBB2_4-.Ltmp4, $1  }
0x3c: {  	_ =	sdelay $0x3  }
.LBB2_6:
0x3d: {  	_ =	sfence.sel $0x180000  }
0x3e: {  	s2 =	simm.s32 $0x2;
	[bflag:$0x0] =	sbarrier.arrive $0xFFFF  }
0x3f: {  	s30 =	simm.s32 $0x3;
	[sflag:s2] =	ssyncpa.u1 $0x1  }
0x40: {  	s31 =	simm.s32 $0x1;
	[sflag:s30] =	ssyncpa.u1 $0x1  }
0x41: {  	[sflag:s31] =	ssyncpa.u1 $0x1  }
0x42: {  	p0 =	sne.s32 s1, $0x0;
	_ =	strace $0x90000047  }
0x43: {  	s0 =	sadd.s32 @!p0 $0x100000, s0;
	[bflag:$0x2] =	sbarrier.arrive $0xFFFF  }
0x44: {  	[sflag:s0] =	ssyncadd.tile.s32 @!p0 $0x1;
	_ =	shalt  }
.Lfunc_end2:
_tile_overlayer_lowered:
.L_overlay_start_2:
0x45: {  	(tag) =	ssettag $0x2  }
0x46: {  	s0 =	rddreg [dreg:$0x0];
	s2 =	stileid.u32  }
0x47: {  	s1 =	rddreg [dreg:$0x1];
	p0 =	sne.s32 s2, $0x0  }
0x48: {  	s3 =	rddreg [dreg:$0x2];
	[bflag:$0x3] =	sbarrier.arrive $0xFFFF;
	s2 =	simm.s32 @!p0 $0x1C01  }
0x49: {  	[timem:s3], [sflag:s2] =	dma.local @!p0 [hbm:s0], s1  }
0x4a: {  	s0 =	simm.s32 @!p0 $0x1  }
0x4b: {  	_ =	swait.ge @!p0 [sflag:s0], s1  }
0x4c: {  	s1 =	ssub.s32 @!p0 $0x0, s1;
	[sflag:s0] =	ssyncset.done @!p0 $0x0  }
0x4d: {  	[sflag:s0] =	ssyncadd.s32 @!p0 s1  }
0x4e: {  	[bflag:$0x3] =	sbarrier.arrive $0xFFFF  }
0x4f: {  	_ =	shalt  }

// kernel: gather_offload_async_start.5
scs
__scs_entry_jumppad:
0x0: {  	(pc) =	sbr.rel $0x88, $3  }
0x1: {  	(tag) =	ssettag $0x0;
	lr =	simm.s32 $0x1  }
0x2: {  	[smem:$0x3F59] =	sst lr;
	_ =	strace $0xD0000000  }
0x3: {  	_ = 	snop  }
0x4: {  	_ = 	snop  }
0x5: {  	_ = 	snop  }
0x6: {  	_ = 	snop  }
0x7: {  	_ = 	snop  }
__scs_overlays_trampoline_lowered:
0x8: {  	[smem:$0x3F68] =	sst s0  }
0x9: {  	[smem:$0x3F69] =	sst s1  }
0xa: {  	[smem:$0x3F6A] =	sst s2  }
0xb: {  	[smem:$0x3F6B] =	sst s3  }
0xc: {  	[smem:$0x3F6C] =	sst s4  }
0xd: {  	[smem:$0x3F6D] =	sst s5  }
0xe: {  	[smem:$0x3F6E] =	sst s6  }
0xf: {  	[smem:$0x3F6F] =	sst s7  }
0x10: {  	[smem:$0x3F70] =	sst s8  }
0x11: {  	[smem:$0x3F71] =	sst s9;
	s0 =	simm.s32 @!p0 $0x0  }
0x12: {  	s1 =	sld [smem:$0x3F57];
	s0 =	simm.s32 @p0 $0x1  }
0x13: {  	[smem:$0x3F72] =	sst s0;
	s0 =	simm.s32 @!p1 $0x0  }
0x14: {  	s2 =	sld [smem:$0x3F56];
	s0 =	simm.s32 @p1 $0x1  }
0x15: {  	[smem:$0x3F73] =	sst s0;
	s0 =	simm.s32 @!p2 $0x0  }
0x16: {  	s3 =	sld [smem:$0x3FDB];
	s0 =	simm.s32 @p2 $0x1  }
0x17: {  	s4 =	simm.s32 $0x1BF5;
	[smem:$0x3F75] =	sst s0  }
0x18: {  	s0 =	sld [smem:$0x3F58];
	_ =	swait.ge [sflag:s4], $0x0  }
0x19: {  	s7 =	sld [smem:$0x3F59]  }
0x1a: {  	s8 =	sadd.s32 $0xFFFFE003, lr  }
0x1b: {  	s9 =	sadd.s32 $0xFFFFFEF7, lr;
	s5 =	simm.s32 $0xFFFFFFFF;
	p2 =	slt.u32 s8, $0xFFFFF086  }
0x1c: {  	p1 =	slt.u32 s9, $0xF7A;
	s5 =	simm.s32 @!p2 $0x0  }
0x1d: {  	s5 =	simm.s32 @p1 $0x1;
	p0 =	seq.s32 s7, s2  }
0x1e: {  	s7 =	smul.u32 @!p0 $0xF7A, s2;
	p2 =	seq.s32 @!p0 s5, $0x0  }
0x1f: {  	s9 =	smul.u32 $0xF7A, s1;
	s8 =	simm.s32 @!p0 $0x1BF5;
	p2 =	por !p2, p0  }
0x20: {  	[sflag:s8] =	ssyncset.s32 @!p0 $0xFFFFF086;
	s6 =	sadd.s32 @!p0 s3, s7;
	s7 =	simm.s32 @!p0 $0x108  }
0x21: {  	s3 =	sadd.s32 s3, s9;
	s6 =	sadd.s32 @!p0 $0x88, s6;
	s7 =	simm.s32 @p2 $0x1082  }
0x22: {  	[simem:s7], [sflag:s8] =	dma.local @!p0 [hbm:s6], $0xF7A  }
0x23: {  	s9 =	sor.u32 $0xD0000000, s2;
	s6 =	simm.s32 $0x108;
	_ =	swait.ge @!p0 [sflag:s8], $0x0  }
0x24: {  	s3 =	sadd.s32 $0x88, s3;
	s6 =	simm.s32 @!p1 $0x1082;
	[sflag:s4] =	ssyncset.s32 $0xFFFFF086  }
0x25: {  	[simem:s6], [sflag:s4] =	dma.local [hbm:s3], $0xF7A  }
0x26: {  	[smem:$0x3F59] =	sst s1;
	(tag) =	ssettag s2;
	_ =	strace s9  }
0x27: {  	s1 =	sld [smem:$0x3F69]  }
0x28: {  	s2 =	sld [smem:$0x3F6A]  }
0x29: {  	s4 =	sld [smem:$0x3F6C]  }
0x2a: {  	p0 =	seq.s32 s5, $0x0;
	s5 =	sld [smem:$0x3F6D]  }
0x2b: {  	s6 =	sld [smem:$0x3F6E]  }
0x2c: {  	s7 =	sld [smem:$0x3F6F]  }
0x2d: {  	s3 =	simm.s32 $0x108;
	s8 =	sld [smem:$0x3F70]  }
0x2e: {  	s3 =	simm.s32 @!p0 $0x1082;
	s9 =	sld [smem:$0x3F71]  }
0x2f: {  	lr =	sadd.s32 s0, s3;
	s0 =	sld [smem:$0x3F68]  }
0x30: {  	s3 =	sld [smem:$0x3F6B]  }
0x31: {  	[smem:$0x3F74] =	sst s10  }
0x32: {  	s10 =	sld [smem:$0x3F72];
	_ =	sdelay $0x3  }
0x33: {  	p0 =	seq.s32 s10, $0x1;
	s10 =	sld [smem:$0x3F74];
	_ =	sdelay $0x3  }
0x34: {  	[smem:$0x3F74] =	sst s10  }
0x35: {  	s10 =	sld [smem:$0x3F73];
	_ =	sdelay $0x3  }
0x36: {  	p1 =	seq.s32 s10, $0x1;
	s10 =	sld [smem:$0x3F74];
	_ =	sdelay $0x3  }
0x37: {  	[smem:$0x3F74] =	sst s10  }
0x38: {  	s10 =	sld [smem:$0x3F75]  }
0x39: {  	_ = 	snop;
	(pc) =	sbr.ind lr, $3  }
0x3a: {  	_ = 	snop  }
0x3b: {  	_ = 	snop  }
0x3c: {  	p2 =	seq.s32 s10, $0x1;
	s10 =	sld [smem:$0x3F74]  }
0x3d: {  	_ =	shalt  }
0x3e: {  	_ =	shalt  }
0x3f: {  	_ =	shalt  }
0x40: {  	_ =	shalt  }
0x41: {  	_ =	shalt  }
0x42: {  	_ =	shalt  }
0x43: {  	_ =	shalt  }
0x44: {  	_ =	shalt  }
0x45: {  	_ =	shalt  }
0x46: {  	_ =	shalt  }
0x47: {  	_ =	shalt  }
0x48: {  	_ =	shalt  }
0x49: {  	_ =	shalt  }
0x4a: {  	_ =	shalt  }
0x4b: {  	_ =	shalt  }
0x4c: {  	_ =	shalt  }
0x4d: {  	_ =	shalt  }
0x4e: {  	_ =	shalt  }
0x4f: {  	_ =	shalt  }
0x50: {  	_ =	shalt  }
0x51: {  	_ =	shalt  }
0x52: {  	_ =	shalt  }
0x53: {  	_ =	shalt  }
0x54: {  	_ =	shalt  }
0x55: {  	_ =	shalt  }
0x56: {  	_ =	shalt  }
0x57: {  	_ =	shalt  }
0x58: {  	_ =	shalt  }
0x59: {  	_ =	shalt  }
0x5a: {  	_ =	shalt  }
0x5b: {  	_ =	shalt  }
0x5c: {  	_ =	shalt  }
0x5d: {  	_ =	shalt  }
0x5e: {  	_ =	shalt  }
0x5f: {  	_ =	shalt  }
0x60: {  	_ =	shalt  }
0x61: {  	_ =	shalt  }
0x62: {  	_ =	shalt  }
0x63: {  	_ =	shalt  }
0x64: {  	_ =	shalt  }
0x65: {  	_ =	shalt  }
0x66: {  	_ =	shalt  }
0x67: {  	_ =	shalt  }
0x68: {  	_ =	shalt  }
0x69: {  	_ =	shalt  }
0x6a: {  	_ =	shalt  }
0x6b: {  	_ =	shalt  }
0x6c: {  	_ =	shalt  }
0x6d: {  	_ =	shalt  }
0x6e: {  	_ =	shalt  }
0x6f: {  	_ =	shalt  }
0x70: {  	_ =	shalt  }
0x71: {  	_ =	shalt  }
0x72: {  	_ =	shalt  }
0x73: {  	_ =	shalt  }
0x74: {  	_ =	shalt  }
0x75: {  	_ =	shalt  }
0x76: {  	_ =	shalt  }
0x77: {  	_ =	shalt  }
0x78: {  	_ =	shalt  }
0x79: {  	_ =	shalt  }
0x7a: {  	_ =	shalt  }
0x7b: {  	_ =	shalt  }
0x7c: {  	_ =	shalt  }
0x7d: {  	_ =	shalt  }
0x7e: {  	_ =	shalt  }
0x7f: {  	_ =	shalt  }
0x80: {  	_ =	shalt  }
0x81: {  	_ =	shalt  }
0x82: {  	_ =	shalt  }
0x83: {  	_ =	shalt  }
0x84: {  	_ =	shalt  }
0x85: {  	_ =	shalt  }
0x86: {  	_ =	shalt  }
0x87: {  	_ =	shalt  }
.Lfunc_end0:
.L_simem_size_0:
called_computation.5_lowered:
.L_overlay_start_0:
0x88: {  	s0 =	sld [smem:$0x3FD9]  }
0x89: {  	s1 =	sld [smem:$0x3FFE];
	_ =	sdelay $0x3  }
0x8a: {  	s0 =	sadd.s32 s1, s0  }
0x8b: {  	[smem:$0x3F80] =	sst s0  }
0x8c: {  	_ = 	snop  }
0x8d: {  	s0 =	sld [smem:$0x3FD0];
	_ =	sdelay $0x2  }
0x8e: {  	s13 =	simm.s32 $0xE;
	s2 =	simm.s32 $0x10  }
0x8f: {  	[smem:s2], [sflag:s13] =	dma.local [hbm:s0], $0x1  }
0x90: {  	_ =	swait.eq [sflag:s13], $0x1  }
0x91: {  	[sflag:s13] =	ssyncset.done $0x0  }
0x92: {  	[sflag:s13] =	ssyncadd.s32 $0xFFFFFFFF  }
0x93: {  	s14 =	sld [smem:$0x10];
	(tm) =	ssettm $0x1  }
0x94: {  	s15 =	sld [smem:$0x3FFB];
	_ =	sdelay $0x3  }
0x95: {  	_ =	strace s15  }
0x96: {  	s1 =	sld [smem:$0x3FFC];
	_ =	sdelay $0x3  }
0x97: {  	_ =	strace s1  }
0x98: {  	s1 =	sld [smem:$0x3FFD];
	_ =	sdelay $0x3  }
0x99: {  	_ =	strace s1  }
0x9a: {  	_ =	strace $0x8FFFFFFF  }
0x9b: {  	s16 =	sld [smem:$0x3FDB];
	_ =	sdelay $0x1  }
0x9c: {  	s17 =	simm.s32 $_scs_section_size  }
0x9d: {  	s3 =	simm.s32 $_size__tile_overlayer_lowered;
	s4 =	simm.s32 $_tile_overlayer_lowered  }
0x9e: {  	s20 =	simm.s32 $0x1BFF;
	s19 =	sshll.u32 s4, $0x1;
	s1 =	sadd.s32 s17, s16  }
0x9f: {  	s5 =	simm.s32 $0x0;
	s18 =	sshll.u32 s3, $0x1;
	s3 =	sadd.s32 s19, s1  }
0xa0: {  	[timem:s5], [sflag:s20] =	dma.local [hbm:s3], s18  }
0xa1: {  	_ =	swait.ge [sflag:s20], s18  }
0xa2: {  	s2 =	ssub.s32 $0x0, s18;
	[sflag:s20] =	ssyncset.done $0x0  }
0xa3: {  	[sflag:s20] =	ssyncadd.s32 s2;
	_ =	sdelay $0x1  }
0xa4: {  	s21 =	simm.s32 $0x1B8B  }
0xa5: {  	_ =	swait.ge [sflag:s21], $0x1  }
0xa6: {  	[sflag:s21] =	ssyncset.done $0x0  }
0xa7: {  	s23 =	simm.s32 $0x1B8E;
	s22 =	sld [smem:$0x3FFE];
	[sflag:s21] =	ssyncadd.s32 $0xFFFFFFFF  }
0xa8: {  	s24 =	simm.s32 $execute0_lowered;
	[smem:$0x3FD2] =	sst s23  }
0xa9: {  	s3 =	sshll.u32 s24, $0x1;
	_ =	strace $0x80000055;
	[dreg:$0x1] =	wrdreg $0xFFFFFFFF  }
0xaa: {  	s25 =	simm.s32 $_size_execute0_lowered;
	s1 =	sadd.s32 s1, s3;
	[dreg:$0x0] =	wrdreg $0x0  }
0xab: {  	s3 =	sshll.u32 s25, $0x1;
	[dreg:$0x2] =	wrdreg s1  }
0xac: {  	[dreg:$0x3] =	wrdreg s3  }
0xad: {  	[dreg:$0x4] =	wrdreg $0xC0  }
0xae: {  	_ =	task [dreg:s5], $0x5FFFF  }
0xaf: {  	[dreg:$0x1] =	wrdreg $0xFFFFFFFF  }
0xb0: {  	[dreg:$0x0] =	wrdreg $0x60  }
0xb1: {  	[dreg:$0x2] =	wrdreg s22  }
0xb2: {  	[dreg:$0x3] =	wrdreg s14  }
0xb3: {  	[dreg:$0x4] =	wrdreg $0xA  }
0xb4: {  	_ =	task.clear_ibuf [dreg:s5], $0x5FFFF;
	_ =	strace $0x90000055  }
0xb5: {  	s26 =	simm.s32 $0xA;
	_ =	strace $0x80000057  }
0xb6: {  	_ =	swait.ge [sflag:s26], $0x1  }
0xb7: {  	[sflag:s26] =	ssyncadd.s32 $0xFFFFFFFF  }
0xb8: {  	_ =	strace $0x90000057  }
0xb9: {  	_ =	sfence  }
0xba: {  	s28 =	sld [smem:$0x0];
	_ =	sdelay $0x1  }
0xbb: {  	s29 =	srdreg.scid  }
0xbc: {  	s30 =	sshll.u32 s29, $0xD;
	s31 =	sshrl.u32 s29, $0x2  }
0xbd: {  	s2 =	sand.u32 $0x4000, s30;
	s1 =	sand.u32 $0x1, s29;
	s0 =	sadd.s32 s31, s28  }
0xbe: {  	s1 =	sor.u32 s2, s1;
	s0 =	sshll.u32 s0, $0x11  }
0xbf: {  	s0 =	sor.u32 s0, s1  }
0xc0: {  	s0 =	sadd.s32 $0x8F2B, s0  }
0xc1: {  	[sflag:s0] =	ssyncadd.remote.s32 $0x1  }
0xc2: {  	_ =	sfence.sel $0xFFFF  }
0xc3: {  	[dreg:$0x0] =	wrdreg $0xFFFFFFFF;
	(pc) =	sbr.abs _section_cstart, $3  }
0xc4: {  	[dreg:$0x1] =	wrdreg $0xFFFFFFFF  }
0xc5: {  	_ =	task.clear_ibuf [dreg:s5], $0x2FFFF;
	_ =	strace $0x9FFFFFFF  }
0xc6: {  	(tm) =	ssettm $0x7FFFFFFF  }
0xc7: {  	_ =	shalt  }
tec
execute0_lowered:
.L_overlay_start_1:
0x0: {  	(tag) =	ssettag $0x1  }
0x1: {  	s8 =	rddreg [dreg:$0x0]  }
0x2: {  	s2 =	rddreg [dreg:$0x1]  }
0x3: {  	s0 =	rddreg [dreg:$0x2]  }
0x4: {  	_ =	strace $0x80000056;
	s4 =	simm.s32 $0x1;
	s1 =	stileid.u32  }
0x5: {  	s7 =	simm.s32 $0x1;
	s9 =	simm.s32 $0x1;
	s6 =	simm.s32 $0x2  }
0x6: {  	s10 =	simm.s32 $0x3;
	s13 =	simm.s32 $0x0;
	s12 =	simm.s32 $0x0  }
.Ltmp0:
0x7: {  	s3 =	sadd.s32 $0x18C00, s8;
	p0 =	slt.u32 s1, $0xA;
	(pc) =	sbr.rel .LBB2_1-.Ltmp0, $4  }
0x8: {  	[sflag:s4] =	ssyncpa.u1 $0x0;
	s7 =	simm.s32 @!p0 $0x0;
	p0 =	sne.s32 s1, $0x9  }
0x9: {  	s5 =	smul.u32 $0x190, s1;
	[sflag:s6] =	ssyncpa.u1 $0x0;
	s9 =	simm.s32 @!p0 $0x0  }
0xa: {  	s8 =	sadd.s32 $0x17000, s8;
	[sflag:s10] =	ssyncpa.u1 $0x0;
	s7 =	sadd.s32 s9, s7  }
0xb: {  	vm0 =	vmmov $0xffff;
	s10 =	simm.s32 $0x0;
	s11 =	smov.u32 s5;
	s9 =	sadd.s32 $0x1, s7  }
.LBB2_4:
0xc: {  	v5 =	vshrl.u32 v1, $0xE;
	v6 =	vshll.u32 v1, $0x7  }
0xd: {  	vm1 =	veq.s32 v1, $0x80000000;
	v58 =	vand.u32 $0xF, v5;
	v59 =	vand.u32 $0x1FFF80, v6  }
0xe: {  	v1 =	vsel vm1, $0xFFFFFFFF, v58;
	v5 =	vsel vm1, $0xFFFFFF80, v59  }
0xf: {  	v3 =	vor.u32 v4, v3;
	v60 =	vand.u32 $0xFFFFFC00, v5;
	v61 =	vand.u32 $0xFFFFFC00, v1  }
0x10: {  	v2 =	vor.u32 v2, v3;
	v63 =	vand.u32 $0x380, v5;
	v62 =	vadd.s32 v61, v60  }
0x11: {  	v1 =	vand.u32 $0x7F, v1;
	v3 =	vor.u32 v63, v62  }
0x12: {  	v1 =	vor.u32 v1, v3  }
0x13: {  	[tilespmem:s17], [sflag:$0x1] =	stream.indirect_vreg.gather [hbm4b:s3+s10], $0x1, v0, vm0, $0x4038;
	[tilespmem:$0x640] =	vst v63  }
0x14: {  	(ifvalue) =	ssetifvalue $0x7FFFFFFF  }
0x15: {  	[tilespmem:s15], [sflag:$0x1] =	stream.indirect_vreg.gather [hbm4b:s3+s10], $0x1, v2, vm0, $0x4038;
	[tilespmem:$0x640] =	vst v63  }
0x16: {  	s29 =	sadd.s32 $0x10, s15;
	(ifvalue) =	ssetifvalue $0x7FFFFFFF  }
0x17: {  	[tilespmem:s29], [sflag:$0x1] =	stream.indirect_vreg.gather [hbm4b:s3+s10], $0x1, v1, vm0, $0x4038;
	[tilespmem:$0x640] =	vst v63  }
0x18: {  	_ =	swait.ge [sflag:s4], $0x190  }
0x19: {  	s30 =	sshrl.u32 s13, $0x3;
	[sflag:s4] =	ssyncset.done $0x0  }
0x1a: {  	s31 =	sand.u32 $0x7, s13;
	s15 =	sadd.s32 s2, s30;
	[sflag:s4] =	ssyncadd.s32 $0xFFFFFE70  }
0x1b: {  	[hbm4b:s15+s31] =	stream.linear.scatter [tilespmem:s14], [sflag:$0x3], $0x190, $0x38;
	[tilespmem:$0x640] =	vst v63  }
.LBB2_5:
0x1c: {  	s15 =	sadd.s32 $0x1900, s11  }
0x1d: {  	p1 =	sgt.s32 s15, $0x270F  }
0x1e: {  	s15 =	smov.u32 @p1 s5;
	p1 =	sne.s32 s12, s9  }
.Ltmp1:
0x1f: {  	p0 =	slt.u32 s12, $0x2;
	(pc) =	sbr.rel @!p1 .LBB2_6-.Ltmp1, $4  }
0x20: {  	s14 =	simm.s32 @!p0 $0x3  }
0x21: {  	_ =	swait.ge @!p0 [sflag:s14], $0x190  }
0x22: {  	s16 =	sadd.s32 $0x1, s12;
	s13 =	smov.u32 s11;
	[sflag:s14] =	ssyncset.done @!p0 $0x0  }
0x23: {  	s12 =	smov.u32 s16;
	s11 =	smov.u32 s15;
	[sflag:s14] =	ssyncadd.s32 @!p0 $0xFFFFFE70  }
.LBB2_1:
0x24: {  	p0 =	sge.u32 s12, s7  }
0x25: {  	s14 =	sxor.u32 @!p0 $0x1, s12  }
0x26: {  	s14 =	smul.u32 @!p0 $0x640, s14  }
0x27: {  	s31 =	sadd.s32 $0xFFFFFFFF, s12;
	s15 =	sshrl.u32 @!p0 s11, $0x3  }
0x28: {  	s16 =	sand.u32 @!p0 $0x7, s11;
	s15 =	sadd.s32 @!p0 s8, s15;
	s14 =	sshra.s32 @!p0 s14, $0x2  }
0x29: {  	[tilespmem:s14], [sflag:$0x2] =	stream.linear.gather @!p0 [hbm4b:s15+s16], $0x190, $0x38;
	[tilespmem:$0x640] =	vst v63  }
0x2a: {  	p0 =	sge.u32 s31, s7  }
.Ltmp2:
0x2b: {  	_ = 	snop;
	(pc) =	sbr.rel @p0 .LBB2_5-.Ltmp2, $1  }
0x2c: {  	_ =	sdelay $0x3  }
0x2d: {  	s14 =	sand.u32 $0x1, s12  }
0x2e: {  	_ =	swait.ge [sflag:s6], $0x190;
	p0 =	seq.s32 s14, $0x1;
	s14 =	simm.s32 $0x190  }
0x2f: {  	[sflag:s6] =	ssyncset.done $0x0;
	s14 =	simm.s32 @!p0 $0x0  }
0x30: {  	[sflag:s6] =	ssyncadd.s32 $0xFFFFFE70;
	(ifvalue) =	ssetifvalue $0x7FFFFFFF;
	v0 =	vld.msk [tilespmem:s14+$0x0 ss:$0x1], $0xffff;
	_ =	sdelay $0x4  }
0x31: {  	s15 =	sadd.s32 $0x10, s14;
	v2 =	vshrl.u32 v0, $0xE;
	v3 =	vshll.u32 v0, $0x7  }
0x32: {  	v1 =	vld.msk [tilespmem:s15+$0x0 ss:$0x1], $0xffff;
	vm1 =	veq.s32 v0, $0x80000000;
	v0 =	vand.u32 $0xF, v2;
	v2 =	vand.u32 $0x1FFF80, v3  }
0x33: {  	v0 =	vsel vm1, $0xFFFFFFFF, v0;
	v2 =	vsel vm1, $0xFFFFFF80, v2  }
0x34: {  	v3 =	vand.u32 $0xFFFFFC00, v2;
	v4 =	vand.u32 $0xFFFFFC00, v0  }
0x35: {  	v2 =	vand.u32 $0x380, v2;
	v3 =	vadd.s32 v4, v3  }
0x36: {  	v0 =	vand.u32 $0x7F, v0;
	v2 =	vor.u32 v2, v3  }
0x37: {  	v5 =	vshll.u32 v1, $0x7;
	v4 =	vshrl.u32 v1, $0xE;
	v0 =	vor.u32 v0, v2  }
0x38: {  	vm1 =	veq.s32 v1, $0x80000000;
	v1 =	vand.u32 $0xF, v4;
	v4 =	vand.u32 $0x1FFF80, v5  }
0x39: {  	s14 =	sadd.s32 $0x320, s14;
	s15 =	sadd.s32 $0x10, s15;
	v3 =	vsel vm1, $0xFFFFFFFF, v1;
	v4 =	vsel vm1, $0xFFFFFF80, v4  }
0x3a: {  	s16 =	simm.s32 $0x20;
	s17 =	smov.u32 s14;
	v1 =	vld.msk [tilespmem:s15+$0x0 ss:$0x1], $0xffff;
	v5 =	vand.u32 $0xFFFFFC00, v4;
	v6 =	vand.u32 $0xFFFFFC00, v3  }
0x3b: {  	s18 =	sadd.s32 $0x10, s15;
	(ifvalue) =	ssetifvalue $0x7FFFFFFF;
	s15 =	sadd.s32 $0x10, s14;
	v2 =	vand.u32 $0x7F, v3;
	v4 =	vand.u32 $0x380, v4;
	v3 =	vadd.s32 v6, v5  }
.LBB2_3:
0x3c: {  	[tilespmem:s17], [sflag:$0x1] =	stream.indirect_vreg.gather [hbm4b:s3+s10], $0x1, v0, vm0, $0x4038;
	[tilespmem:$0x640] =	vst v63  }
0x3d: {  	s16 =	sadd.s32 $0x10, s16  }
0x3e: {  	v3 =	vor.u32 v4, v3;
	p0 =	slt.u32 s16, $0x180  }
.Ltmp3:
0x3f: {  	v4 =	vshrl.u32 v1, $0xE;
	v5 =	vshll.u32 v1, $0x7;
	s17 =	smov.u32 s15;
	v0 =	vor.u32 v2, v3;
	v2 =	vmovc v1;
	v1 =	vld.msk [tilespmem:s18+$0x0 ss:$0x1], $0xffff;
	(pc) =	sbr.rel @p0 .LBB2_3-.Ltmp3, $4  }
0x40: {  	v3 =	vand.u32 $0x1FFF80, v5;
	vm1 =	veq.s32 v2, $0x80000000;
	v2 =	vand.u32 $0xF, v4  }
0x41: {  	v4 =	vsel vm1, $0xFFFFFFFF, v2;
	v5 =	vsel vm1, $0xFFFFFF80, v3  }
0x42: {  	v2 =	vand.u32 $0x7F, v4;
	v3 =	vand.u32 $0xFFFFFC00, v5;
	v4 =	vand.u32 $0xFFFFFC00, v4  }
0x43: {  	s15 =	sadd.s32 $0x10, s15;
	s18 =	sadd.s32 $0x10, s18;
	v3 =	vadd.s32 v4, v3;
	v4 =	vand.u32 $0x380, v5;
	(ifvalue) =	ssetifvalue $0x7FFFFFFF  }
.Ltmp4:
0x44: {  	_ = 	snop;
	(pc) =	sbr.rel .LBB2_4-.Ltmp4, $1  }
0x45: {  	_ =	sdelay $0x3  }
.LBB2_6:
0x46: {  	_ =	sfence.sel $0x180000  }
0x47: {  	s2 =	simm.s32 $0x2;
	[bflag:$0x0] =	sbarrier.arrive $0xFFFF  }
0x48: {  	s30 =	simm.s32 $0x3;
	[sflag:s2] =	ssyncpa.u1 $0x1  }
0x49: {  	s31 =	simm.s32 $0x1;
	[sflag:s30] =	ssyncpa.u1 $0x1  }
0x4a: {  	[sflag:s31] =	ssyncpa.u1 $0x1  }
0x4b: {  	p0 =	sne.s32 s1, $0x0;
	_ =	strace $0x90000056  }
0x4c: {  	s0 =	sadd.s32 @!p0 $0x100000, s0;
	[bflag:$0x2] =	sbarrier.arrive $0xFFFF  }
0x4d: {  	[sflag:s0] =	ssyncadd.tile.s32 @!p0 $0x1;
	_ =	shalt  }
.Lfunc_end2:
_tile_overlayer_lowered:
.L_overlay_start_2:
0x4e: {  	(tag) =	ssettag $0x2  }
0x4f: {  	s0 =	rddreg [dreg:$0x0];
	s2 =	stileid.u32  }
0x50: {  	s1 =	rddreg [dreg:$0x1];
	p0 =	sne.s32 s2, $0x0  }
0x51: {  	s3 =	rddreg [dreg:$0x2];
	[bflag:$0x3] =	sbarrier.arrive $0xFFFF;
	s2 =	simm.s32 @!p0 $0x1C01  }
0x52: {  	[timem:s3], [sflag:s2] =	dma.local @!p0 [hbm:s0], s1  }
0x53: {  	s0 =	simm.s32 @!p0 $0x1  }
0x54: {  	_ =	swait.ge @!p0 [sflag:s0], s1  }
0x55: {  	s1 =	ssub.s32 @!p0 $0x0, s1;
	[sflag:s0] =	ssyncset.done @!p0 $0x0  }
0x56: {  	[sflag:s0] =	ssyncadd.s32 @!p0 s1  }
0x57: {  	[bflag:$0x3] =	sbarrier.arrive $0xFFFF  }
0x58: {  	_ =	shalt  }

// kernel: gather_offload_async_start.6
scs
__scs_entry_jumppad:
0x0: {  	(pc) =	sbr.rel $0x88, $3  }
0x1: {  	(tag) =	ssettag $0x0;
	lr =	simm.s32 $0x1  }
0x2: {  	[smem:$0x3F59] =	sst lr;
	_ =	strace $0xD0000000  }
0x3: {  	_ = 	snop  }
0x4: {  	_ = 	snop  }
0x5: {  	_ = 	snop  }
0x6: {  	_ = 	snop  }
0x7: {  	_ = 	snop  }
__scs_overlays_trampoline_lowered:
0x8: {  	[smem:$0x3F68] =	sst s0  }
0x9: {  	[smem:$0x3F69] =	sst s1  }
0xa: {  	[smem:$0x3F6A] =	sst s2  }
0xb: {  	[smem:$0x3F6B] =	sst s3  }
0xc: {  	[smem:$0x3F6C] =	sst s4  }
0xd: {  	[smem:$0x3F6D] =	sst s5  }
0xe: {  	[smem:$0x3F6E] =	sst s6  }
0xf: {  	[smem:$0x3F6F] =	sst s7  }
0x10: {  	[smem:$0x3F70] =	sst s8  }
0x11: {  	[smem:$0x3F71] =	sst s9;
	s0 =	simm.s32 @!p0 $0x0  }
0x12: {  	s1 =	sld [smem:$0x3F57];
	s0 =	simm.s32 @p0 $0x1  }
0x13: {  	[smem:$0x3F72] =	sst s0;
	s0 =	simm.s32 @!p1 $0x0  }
0x14: {  	s2 =	sld [smem:$0x3F56];
	s0 =	simm.s32 @p1 $0x1  }
0x15: {  	[smem:$0x3F73] =	sst s0;
	s0 =	simm.s32 @!p2 $0x0  }
0x16: {  	s3 =	sld [smem:$0x3FDB];
	s0 =	simm.s32 @p2 $0x1  }
0x17: {  	s4 =	simm.s32 $0x1BF5;
	[smem:$0x3F75] =	sst s0  }
0x18: {  	s0 =	sld [smem:$0x3F58];
	_ =	swait.ge [sflag:s4], $0x0  }
0x19: {  	s7 =	sld [smem:$0x3F59]  }
0x1a: {  	s8 =	sadd.s32 $0xFFFFE003, lr  }
0x1b: {  	s9 =	sadd.s32 $0xFFFFFEF7, lr;
	s5 =	simm.s32 $0xFFFFFFFF;
	p2 =	slt.u32 s8, $0xFFFFF086  }
0x1c: {  	p1 =	slt.u32 s9, $0xF7A;
	s5 =	simm.s32 @!p2 $0x0  }
0x1d: {  	s5 =	simm.s32 @p1 $0x1;
	p0 =	seq.s32 s7, s2  }
0x1e: {  	s7 =	smul.u32 @!p0 $0xF7A, s2;
	p2 =	seq.s32 @!p0 s5, $0x0  }
0x1f: {  	s9 =	smul.u32 $0xF7A, s1;
	s8 =	simm.s32 @!p0 $0x1BF5;
	p2 =	por !p2, p0  }
0x20: {  	[sflag:s8] =	ssyncset.s32 @!p0 $0xFFFFF086;
	s6 =	sadd.s32 @!p0 s3, s7;
	s7 =	simm.s32 @!p0 $0x108  }
0x21: {  	s3 =	sadd.s32 s3, s9;
	s6 =	sadd.s32 @!p0 $0x88, s6;
	s7 =	simm.s32 @p2 $0x1082  }
0x22: {  	[simem:s7], [sflag:s8] =	dma.local @!p0 [hbm:s6], $0xF7A  }
0x23: {  	s9 =	sor.u32 $0xD0000000, s2;
	s6 =	simm.s32 $0x108;
	_ =	swait.ge @!p0 [sflag:s8], $0x0  }
0x24: {  	s3 =	sadd.s32 $0x88, s3;
	s6 =	simm.s32 @!p1 $0x1082;
	[sflag:s4] =	ssyncset.s32 $0xFFFFF086  }
0x25: {  	[simem:s6], [sflag:s4] =	dma.local [hbm:s3], $0xF7A  }
0x26: {  	[smem:$0x3F59] =	sst s1;
	(tag) =	ssettag s2;
	_ =	strace s9  }
0x27: {  	s1 =	sld [smem:$0x3F69]  }
0x28: {  	s2 =	sld [smem:$0x3F6A]  }
0x29: {  	s4 =	sld [smem:$0x3F6C]  }
0x2a: {  	p0 =	seq.s32 s5, $0x0;
	s5 =	sld [smem:$0x3F6D]  }
0x2b: {  	s6 =	sld [smem:$0x3F6E]  }
0x2c: {  	s7 =	sld [smem:$0x3F6F]  }
0x2d: {  	s3 =	simm.s32 $0x108;
	s8 =	sld [smem:$0x3F70]  }
0x2e: {  	s3 =	simm.s32 @!p0 $0x1082;
	s9 =	sld [smem:$0x3F71]  }
0x2f: {  	lr =	sadd.s32 s0, s3;
	s0 =	sld [smem:$0x3F68]  }
0x30: {  	s3 =	sld [smem:$0x3F6B]  }
0x31: {  	[smem:$0x3F74] =	sst s10  }
0x32: {  	s10 =	sld [smem:$0x3F72];
	_ =	sdelay $0x3  }
0x33: {  	p0 =	seq.s32 s10, $0x1;
	s10 =	sld [smem:$0x3F74];
	_ =	sdelay $0x3  }
0x34: {  	[smem:$0x3F74] =	sst s10  }
0x35: {  	s10 =	sld [smem:$0x3F73];
	_ =	sdelay $0x3  }
0x36: {  	p1 =	seq.s32 s10, $0x1;
	s10 =	sld [smem:$0x3F74];
	_ =	sdelay $0x3  }
0x37: {  	[smem:$0x3F74] =	sst s10  }
0x38: {  	s10 =	sld [smem:$0x3F75]  }
0x39: {  	_ = 	snop;
	(pc) =	sbr.ind lr, $3  }
0x3a: {  	_ = 	snop  }
0x3b: {  	_ = 	snop  }
0x3c: {  	p2 =	seq.s32 s10, $0x1;
	s10 =	sld [smem:$0x3F74]  }
0x3d: {  	_ =	shalt  }
0x3e: {  	_ =	shalt  }
0x3f: {  	_ =	shalt  }
0x40: {  	_ =	shalt  }
0x41: {  	_ =	shalt  }
0x42: {  	_ =	shalt  }
0x43: {  	_ =	shalt  }
0x44: {  	_ =	shalt  }
0x45: {  	_ =	shalt  }
0x46: {  	_ =	shalt  }
0x47: {  	_ =	shalt  }
0x48: {  	_ =	shalt  }
0x49: {  	_ =	shalt  }
0x4a: {  	_ =	shalt  }
0x4b: {  	_ =	shalt  }
0x4c: {  	_ =	shalt  }
0x4d: {  	_ =	shalt  }
0x4e: {  	_ =	shalt  }
0x4f: {  	_ =	shalt  }
0x50: {  	_ =	shalt  }
0x51: {  	_ =	shalt  }
0x52: {  	_ =	shalt  }
0x53: {  	_ =	shalt  }
0x54: {  	_ =	shalt  }
0x55: {  	_ =	shalt  }
0x56: {  	_ =	shalt  }
0x57: {  	_ =	shalt  }
0x58: {  	_ =	shalt  }
0x59: {  	_ =	shalt  }
0x5a: {  	_ =	shalt  }
0x5b: {  	_ =	shalt  }
0x5c: {  	_ =	shalt  }
0x5d: {  	_ =	shalt  }
0x5e: {  	_ =	shalt  }
0x5f: {  	_ =	shalt  }
0x60: {  	_ =	shalt  }
0x61: {  	_ =	shalt  }
0x62: {  	_ =	shalt  }
0x63: {  	_ =	shalt  }
0x64: {  	_ =	shalt  }
0x65: {  	_ =	shalt  }
0x66: {  	_ =	shalt  }
0x67: {  	_ =	shalt  }
0x68: {  	_ =	shalt  }
0x69: {  	_ =	shalt  }
0x6a: {  	_ =	shalt  }
0x6b: {  	_ =	shalt  }
0x6c: {  	_ =	shalt  }
0x6d: {  	_ =	shalt  }
0x6e: {  	_ =	shalt  }
0x6f: {  	_ =	shalt  }
0x70: {  	_ =	shalt  }
0x71: {  	_ =	shalt  }
0x72: {  	_ =	shalt  }
0x73: {  	_ =	shalt  }
0x74: {  	_ =	shalt  }
0x75: {  	_ =	shalt  }
0x76: {  	_ =	shalt  }
0x77: {  	_ =	shalt  }
0x78: {  	_ =	shalt  }
0x79: {  	_ =	shalt  }
0x7a: {  	_ =	shalt  }
0x7b: {  	_ =	shalt  }
0x7c: {  	_ =	shalt  }
0x7d: {  	_ =	shalt  }
0x7e: {  	_ =	shalt  }
0x7f: {  	_ =	shalt  }
0x80: {  	_ =	shalt  }
0x81: {  	_ =	shalt  }
0x82: {  	_ =	shalt  }
0x83: {  	_ =	shalt  }
0x84: {  	_ =	shalt  }
0x85: {  	_ =	shalt  }
0x86: {  	_ =	shalt  }
0x87: {  	_ =	shalt  }
.Lfunc_end0:
.L_simem_size_0:
called_computation.6_lowered:
.L_overlay_start_0:
0x88: {  	s0 =	sld [smem:$0x3FD9]  }
0x89: {  	s1 =	sld [smem:$0x3FFE];
	_ =	sdelay $0x3  }
0x8a: {  	s0 =	sadd.s32 s1, s0  }
0x8b: {  	[smem:$0x3F80] =	sst s0  }
0x8c: {  	_ = 	snop  }
0x8d: {  	(tm) =	ssettm $0x1  }
0x8e: {  	s15 =	sld [smem:$0x3FFB];
	_ =	sdelay $0x3  }
0x8f: {  	_ =	strace s15  }
0x90: {  	s0 =	sld [smem:$0x3FFC];
	_ =	sdelay $0x3  }
0x91: {  	_ =	strace s0  }
0x92: {  	s0 =	sld [smem:$0x3FFD];
	_ =	sdelay $0x3  }
0x93: {  	_ =	strace s0  }
0x94: {  	_ =	strace $0x8FFFFFFF  }
0x95: {  	s16 =	sld [smem:$0x3FDB];
	_ =	sdelay $0x1  }
0x96: {  	s17 =	simm.s32 $_scs_section_size  }
0x97: {  	s2 =	simm.s32 $_size__tile_overlayer_lowered;
	s3 =	simm.s32 $_tile_overlayer_lowered  }
0x98: {  	s20 =	simm.s32 $0x1BFF;
	s19 =	sshll.u32 s3, $0x1;
	s0 =	sadd.s32 s17, s16  }
0x99: {  	s4 =	simm.s32 $0x0;
	s18 =	sshll.u32 s2, $0x1;
	s2 =	sadd.s32 s19, s0  }
0x9a: {  	[timem:s4], [sflag:s20] =	dma.local [hbm:s2], s18  }
0x9b: {  	_ =	swait.ge [sflag:s20], s18  }
0x9c: {  	s1 =	ssub.s32 $0x0, s18;
	[sflag:s20] =	ssyncset.done $0x0  }
0x9d: {  	[sflag:s20] =	ssyncadd.s32 s1;
	_ =	sdelay $0x1  }
0x9e: {  	s21 =	simm.s32 $0x1B8B  }
0x9f: {  	_ =	swait.ge [sflag:s21], $0x1  }
0xa0: {  	[sflag:s21] =	ssyncset.done $0x0  }
0xa1: {  	s23 =	simm.s32 $0x1B8E;
	s22 =	sld [smem:$0x3FFE];
	[sflag:s21] =	ssyncadd.s32 $0xFFFFFFFF  }
0xa2: {  	s24 =	simm.s32 $execute0_lowered;
	[smem:$0x3FD2] =	sst s23  }
0xa3: {  	s2 =	sshll.u32 s24, $0x1;
	_ =	strace $0x80000058;
	[dreg:$0x1] =	wrdreg $0xFFFFFFFF  }
0xa4: {  	s25 =	simm.s32 $_size_execute0_lowered;
	s0 =	sadd.s32 s0, s2;
	[dreg:$0x0] =	wrdreg $0x0  }
0xa5: {  	s2 =	sshll.u32 s25, $0x1;
	[dreg:$0x2] =	wrdreg s0  }
0xa6: {  	[dreg:$0x3] =	wrdreg s2  }
0xa7: {  	[dreg:$0x4] =	wrdreg $0xC0  }
0xa8: {  	_ =	task [dreg:s4], $0x5FFFF  }
0xa9: {  	[dreg:$0x1] =	wrdreg $0xFFFFFFFF  }
0xaa: {  	[dreg:$0x0] =	wrdreg $0x60  }
0xab: {  	[dreg:$0x2] =	wrdreg s22  }
0xac: {  	[dreg:$0x3] =	wrdreg $0x9  }
0xad: {  	_ =	task.clear_ibuf [dreg:s4], $0x4FFFF;
	_ =	strace $0x90000058  }
0xae: {  	s26 =	simm.s32 $0x9;
	_ =	strace $0x8000005A  }
0xaf: {  	_ =	swait.ge [sflag:s26], $0x1  }
0xb0: {  	[sflag:s26] =	ssyncadd.s32 $0xFFFFFFFF  }
0xb1: {  	_ =	strace $0x9000005A  }
0xb2: {  	_ =	sfence  }
0xb3: {  	s28 =	sld [smem:$0x0];
	_ =	sdelay $0x1  }
0xb4: {  	s29 =	srdreg.scid  }
0xb5: {  	s30 =	sshll.u32 s29, $0xD;
	s31 =	sshrl.u32 s29, $0x2  }
0xb6: {  	s1 =	sand.u32 $0x1, s29;
	s2 =	sand.u32 $0x4000, s30;
	s0 =	sadd.s32 s31, s28  }
0xb7: {  	s1 =	sor.u32 s2, s1;
	s0 =	sshll.u32 s0, $0x11  }
0xb8: {  	s0 =	sor.u32 s0, s1  }
0xb9: {  	s0 =	sadd.s32 $0x8F2B, s0  }
0xba: {  	[sflag:s0] =	ssyncadd.remote.s32 $0x1  }
0xbb: {  	_ =	sfence.sel $0xFFFF  }
0xbc: {  	[dreg:$0x0] =	wrdreg $0xFFFFFFFF;
	(pc) =	sbr.abs _section_cstart, $3  }
0xbd: {  	[dreg:$0x1] =	wrdreg $0xFFFFFFFF  }
0xbe: {  	_ =	task.clear_ibuf [dreg:s4], $0x2FFFF;
	_ =	strace $0x9FFFFFFF  }
0xbf: {  	(tm) =	ssettm $0x7FFFFFFF  }
tec
execute0_lowered:
.L_overlay_start_1:
0x0: {  	(tag) =	ssettag $0x1  }
0x1: {  	s8 =	rddreg [dreg:$0x0]  }
0x2: {  	s0 =	rddreg [dreg:$0x1];
	_ =	strace $0x80000059  }
0x3: {  	s4 =	simm.s32 $0x1;
	s1 =	stileid.u32;
	s7 =	simm.s32 $0x1  }
0x4: {  	s9 =	simm.s32 $0x1;
	s6 =	simm.s32 $0x2;
	s10 =	simm.s32 $0x3  }
0x5: {  	s13 =	simm.s32 $0x0;
	s12 =	simm.s32 $0x0;
	s2 =	sadd.s32 $0x18C00, s8  }
.Ltmp0:
0x6: {  	s3 =	sadd.s32 $0x17600, s8;
	p0 =	slt.u32 s1, $0xA;
	(pc) =	sbr.rel .LBB2_1-.Ltmp0, $4  }
0x7: {  	[sflag:s4] =	ssyncpa.u1 $0x0;
	s7 =	simm.s32 @!p0 $0x0;
	p0 =	sne.s32 s1, $0x9  }
0x8: {  	s5 =	smul.u32 $0x190, s1;
	[sflag:s6] =	ssyncpa.u1 $0x0;
	s9 =	simm.s32 @!p0 $0x0  }
0x9: {  	s8 =	sadd.s32 $0x17C00, s8;
	[sflag:s10] =	ssyncpa.u1 $0x0;
	s7 =	sadd.s32 s9, s7  }
0xa: {  	vm0 =	vmmov $0xffff;
	s10 =	simm.s32 $0x0;
	s11 =	smov.u32 s5;
	s9 =	sadd.s32 $0x1, s7  }
.LBB2_4:
0xb: {  	v5 =	vshrl.u32 v1, $0xE;
	v6 =	vshll.u32 v1, $0x7  }
0xc: {  	vm1 =	veq.s32 v1, $0x80000000;
	v58 =	vand.u32 $0xF, v5;
	v59 =	vand.u32 $0x1FFF80, v6  }
0xd: {  	v1 =	vsel vm1, $0xFFFFFFFF, v58;
	v5 =	vsel vm1, $0xFFFFFF80, v59  }
0xe: {  	v3 =	vor.u32 v4, v3;
	v60 =	vand.u32 $0xFFFFFC00, v5;
	v61 =	vand.u32 $0xFFFFFC00, v1  }
0xf: {  	v2 =	vor.u32 v2, v3;
	v63 =	vand.u32 $0x380, v5;
	v62 =	vadd.s32 v61, v60  }
0x10: {  	v1 =	vand.u32 $0x7F, v1;
	v3 =	vor.u32 v63, v62  }
0x11: {  	v1 =	vor.u32 v1, v3  }
0x12: {  	[tilespmem:s17], [sflag:$0x1] =	stream.indirect_vreg.gather [hbm4b:s2+s10], $0x1, v0, vm0, $0x4038;
	[tilespmem:$0x640] =	vst v63  }
0x13: {  	(ifvalue) =	ssetifvalue $0x7FFFFFFF  }
0x14: {  	[tilespmem:s15], [sflag:$0x1] =	stream.indirect_vreg.gather [hbm4b:s2+s10], $0x1, v2, vm0, $0x4038;
	[tilespmem:$0x640] =	vst v63  }
0x15: {  	s29 =	sadd.s32 $0x10, s15;
	(ifvalue) =	ssetifvalue $0x7FFFFFFF  }
0x16: {  	[tilespmem:s29], [sflag:$0x1] =	stream.indirect_vreg.gather [hbm4b:s2+s10], $0x1, v1, vm0, $0x4038;
	[tilespmem:$0x640] =	vst v63  }
0x17: {  	_ =	swait.ge [sflag:s4], $0x190  }
0x18: {  	s30 =	sshrl.u32 s13, $0x3;
	[sflag:s4] =	ssyncset.done $0x0  }
0x19: {  	s31 =	sand.u32 $0x7, s13;
	s15 =	sadd.s32 s8, s30;
	[sflag:s4] =	ssyncadd.s32 $0xFFFFFE70  }
0x1a: {  	[hbm4b:s15+s31] =	stream.linear.scatter [tilespmem:s14], [sflag:$0x3], $0x190, $0x38;
	[tilespmem:$0x640] =	vst v63  }
.LBB2_5:
0x1b: {  	s15 =	sadd.s32 $0x1900, s11  }
0x1c: {  	p1 =	sgt.s32 s15, $0x270F  }
0x1d: {  	s15 =	smov.u32 @p1 s5;
	p1 =	sne.s32 s12, s9  }
.Ltmp1:
0x1e: {  	p0 =	slt.u32 s12, $0x2;
	(pc) =	sbr.rel @!p1 .LBB2_6-.Ltmp1, $4  }
0x1f: {  	s14 =	simm.s32 @!p0 $0x3  }
0x20: {  	_ =	swait.ge @!p0 [sflag:s14], $0x190  }
0x21: {  	s16 =	sadd.s32 $0x1, s12;
	s13 =	smov.u32 s11;
	[sflag:s14] =	ssyncset.done @!p0 $0x0  }
0x22: {  	s12 =	smov.u32 s16;
	s11 =	smov.u32 s15;
	[sflag:s14] =	ssyncadd.s32 @!p0 $0xFFFFFE70  }
.LBB2_1:
0x23: {  	p0 =	sge.u32 s12, s7  }
0x24: {  	s14 =	sxor.u32 @!p0 $0x1, s12  }
0x25: {  	s14 =	smul.u32 @!p0 $0x640, s14  }
0x26: {  	s31 =	sadd.s32 $0xFFFFFFFF, s12;
	s15 =	sshrl.u32 @!p0 s11, $0x3  }
0x27: {  	s16 =	sand.u32 @!p0 $0x7, s11;
	s15 =	sadd.s32 @!p0 s3, s15;
	s14 =	sshra.s32 @!p0 s14, $0x2  }
0x28: {  	[tilespmem:s14], [sflag:$0x2] =	stream.linear.gather @!p0 [hbm4b:s15+s16], $0x190, $0x38;
	[tilespmem:$0x640] =	vst v63  }
0x29: {  	p0 =	sge.u32 s31, s7  }
.Ltmp2:
0x2a: {  	_ = 	snop;
	(pc) =	sbr.rel @p0 .LBB2_5-.Ltmp2, $1  }
0x2b: {  	_ =	sdelay $0x3  }
0x2c: {  	s14 =	sand.u32 $0x1, s12  }
0x2d: {  	_ =	swait.ge [sflag:s6], $0x190;
	p0 =	seq.s32 s14, $0x1;
	s14 =	simm.s32 $0x190  }
0x2e: {  	[sflag:s6] =	ssyncset.done $0x0;
	s14 =	simm.s32 @!p0 $0x0  }
0x2f: {  	[sflag:s6] =	ssyncadd.s32 $0xFFFFFE70;
	(ifvalue) =	ssetifvalue $0x7FFFFFFF;
	v0 =	vld.msk [tilespmem:s14+$0x0 ss:$0x1], $0xffff;
	_ =	sdelay $0x4  }
0x30: {  	s15 =	sadd.s32 $0x10, s14;
	v2 =	vshrl.u32 v0, $0xE;
	v3 =	vshll.u32 v0, $0x7  }
0x31: {  	v1 =	vld.msk [tilespmem:s15+$0x0 ss:$0x1], $0xffff;
	vm1 =	veq.s32 v0, $0x80000000;
	v0 =	vand.u32 $0xF, v2;
	v2 =	vand.u32 $0x1FFF80, v3  }
0x32: {  	v0 =	vsel vm1, $0xFFFFFFFF, v0;
	v2 =	vsel vm1, $0xFFFFFF80, v2  }
0x33: {  	v3 =	vand.u32 $0xFFFFFC00, v2;
	v4 =	vand.u32 $0xFFFFFC00, v0  }
0x34: {  	v2 =	vand.u32 $0x380, v2;
	v3 =	vadd.s32 v4, v3  }
0x35: {  	v0 =	vand.u32 $0x7F, v0;
	v2 =	vor.u32 v2, v3  }
0x36: {  	v5 =	vshll.u32 v1, $0x7;
	v4 =	vshrl.u32 v1, $0xE;
	v0 =	vor.u32 v0, v2  }
0x37: {  	vm1 =	veq.s32 v1, $0x80000000;
	v1 =	vand.u32 $0xF, v4;
	v4 =	vand.u32 $0x1FFF80, v5  }
0x38: {  	s14 =	sadd.s32 $0x320, s14;
	s15 =	sadd.s32 $0x10, s15;
	v3 =	vsel vm1, $0xFFFFFFFF, v1;
	v4 =	vsel vm1, $0xFFFFFF80, v4  }
0x39: {  	s16 =	simm.s32 $0x20;
	s17 =	smov.u32 s14;
	v1 =	vld.msk [tilespmem:s15+$0x0 ss:$0x1], $0xffff;
	v5 =	vand.u32 $0xFFFFFC00, v4;
	v6 =	vand.u32 $0xFFFFFC00, v3  }
0x3a: {  	s18 =	sadd.s32 $0x10, s15;
	(ifvalue) =	ssetifvalue $0x7FFFFFFF;
	s15 =	sadd.s32 $0x10, s14;
	v2 =	vand.u32 $0x7F, v3;
	v4 =	vand.u32 $0x380, v4;
	v3 =	vadd.s32 v6, v5  }
.LBB2_3:
0x3b: {  	[tilespmem:s17], [sflag:$0x1] =	stream.indirect_vreg.gather [hbm4b:s2+s10], $0x1, v0, vm0, $0x4038;
	[tilespmem:$0x640] =	vst v63  }
0x3c: {  	s16 =	sadd.s32 $0x10, s16  }
0x3d: {  	v3 =	vor.u32 v4, v3;
	p0 =	slt.u32 s16, $0x180  }
.Ltmp3:
0x3e: {  	v4 =	vshrl.u32 v1, $0xE;
	v5 =	vshll.u32 v1, $0x7;
	s17 =	smov.u32 s15;
	v0 =	vor.u32 v2, v3;
	v2 =	vmovc v1;
	v1 =	vld.msk [tilespmem:s18+$0x0 ss:$0x1], $0xffff;
	(pc) =	sbr.rel @p0 .LBB2_3-.Ltmp3, $4  }
0x3f: {  	v3 =	vand.u32 $0x1FFF80, v5;
	vm1 =	veq.s32 v2, $0x80000000;
	v2 =	vand.u32 $0xF, v4  }
0x40: {  	v4 =	vsel vm1, $0xFFFFFFFF, v2;
	v5 =	vsel vm1, $0xFFFFFF80, v3  }
0x41: {  	v2 =	vand.u32 $0x7F, v4;
	v3 =	vand.u32 $0xFFFFFC00, v5;
	v4 =	vand.u32 $0xFFFFFC00, v4  }
0x42: {  	s15 =	sadd.s32 $0x10, s15;
	s18 =	sadd.s32 $0x10, s18;
	v3 =	vadd.s32 v4, v3;
	v4 =	vand.u32 $0x380, v5;
	(ifvalue) =	ssetifvalue $0x7FFFFFFF  }
.Ltmp4:
0x43: {  	_ = 	snop;
	(pc) =	sbr.rel .LBB2_4-.Ltmp4, $1  }
0x44: {  	_ =	sdelay $0x3  }
.LBB2_6:
0x45: {  	_ =	sfence.sel $0x180000  }
0x46: {  	s2 =	simm.s32 $0x2;
	[bflag:$0x0] =	sbarrier.arrive $0xFFFF  }
0x47: {  	s30 =	simm.s32 $0x3;
	[sflag:s2] =	ssyncpa.u1 $0x1  }
0x48: {  	s31 =	simm.s32 $0x1;
	[sflag:s30] =	ssyncpa.u1 $0x1  }
0x49: {  	[sflag:s31] =	ssyncpa.u1 $0x1  }
0x4a: {  	p0 =	sne.s32 s1, $0x0;
	_ =	strace $0x90000059  }
0x4b: {  	s0 =	sadd.s32 @!p0 $0x100000, s0;
	[bflag:$0x2] =	sbarrier.arrive $0xFFFF  }
0x4c: {  	[sflag:s0] =	ssyncadd.tile.s32 @!p0 $0x1;
	_ =	shalt  }
.Lfunc_end2:
_tile_overlayer_lowered:
.L_overlay_start_2:
0x4d: {  	(tag) =	ssettag $0x2  }
0x4e: {  	s0 =	rddreg [dreg:$0x0];
	s2 =	stileid.u32  }
0x4f: {  	s1 =	rddreg [dreg:$0x1];
	p0 =	sne.s32 s2, $0x0  }
0x50: {  	s3 =	rddreg [dreg:$0x2];
	[bflag:$0x3] =	sbarrier.arrive $0xFFFF;
	s2 =	simm.s32 @!p0 $0x1C01  }
0x51: {  	[timem:s3], [sflag:s2] =	dma.local @!p0 [hbm:s0], s1  }
0x52: {  	s0 =	simm.s32 @!p0 $0x1  }
0x53: {  	_ =	swait.ge @!p0 [sflag:s0], s1  }
0x54: {  	s1 =	ssub.s32 @!p0 $0x0, s1;
	[sflag:s0] =	ssyncset.done @!p0 $0x0  }
0x55: {  	[sflag:s0] =	ssyncadd.s32 @!p0 s1  }
0x56: {  	[bflag:$0x3] =	sbarrier.arrive $0xFFFF  }
0x57: {  	_ =	shalt  }

// kernel: gather_offload_async_start.7
scs
__scs_entry_jumppad:
0x0: {  	(pc) =	sbr.rel $0x88, $3  }
0x1: {  	(tag) =	ssettag $0x0;
	lr =	simm.s32 $0x1  }
0x2: {  	[smem:$0x3F59] =	sst lr;
	_ =	strace $0xD0000000  }
0x3: {  	_ = 	snop  }
0x4: {  	_ = 	snop  }
0x5: {  	_ = 	snop  }
0x6: {  	_ = 	snop  }
0x7: {  	_ = 	snop  }
__scs_overlays_trampoline_lowered:
0x8: {  	[smem:$0x3F68] =	sst s0  }
0x9: {  	[smem:$0x3F69] =	sst s1  }
0xa: {  	[smem:$0x3F6A] =	sst s2  }
0xb: {  	[smem:$0x3F6B] =	sst s3  }
0xc: {  	[smem:$0x3F6C] =	sst s4  }
0xd: {  	[smem:$0x3F6D] =	sst s5  }
0xe: {  	[smem:$0x3F6E] =	sst s6  }
0xf: {  	[smem:$0x3F6F] =	sst s7  }
0x10: {  	[smem:$0x3F70] =	sst s8  }
0x11: {  	[smem:$0x3F71] =	sst s9;
	s0 =	simm.s32 @!p0 $0x0  }
0x12: {  	s1 =	sld [smem:$0x3F57];
	s0 =	simm.s32 @p0 $0x1  }
0x13: {  	[smem:$0x3F72] =	sst s0;
	s0 =	simm.s32 @!p1 $0x0  }
0x14: {  	s2 =	sld [smem:$0x3F56];
	s0 =	simm.s32 @p1 $0x1  }
0x15: {  	[smem:$0x3F73] =	sst s0;
	s0 =	simm.s32 @!p2 $0x0  }
0x16: {  	s3 =	sld [smem:$0x3FDB];
	s0 =	simm.s32 @p2 $0x1  }
0x17: {  	s4 =	simm.s32 $0x1BF5;
	[smem:$0x3F75] =	sst s0  }
0x18: {  	s0 =	sld [smem:$0x3F58];
	_ =	swait.ge [sflag:s4], $0x0  }
0x19: {  	s7 =	sld [smem:$0x3F59]  }
0x1a: {  	s8 =	sadd.s32 $0xFFFFE003, lr  }
0x1b: {  	s9 =	sadd.s32 $0xFFFFFEF7, lr;
	s5 =	simm.s32 $0xFFFFFFFF;
	p2 =	slt.u32 s8, $0xFFFFF086  }
0x1c: {  	p1 =	slt.u32 s9, $0xF7A;
	s5 =	simm.s32 @!p2 $0x0  }
0x1d: {  	s5 =	simm.s32 @p1 $0x1;
	p0 =	seq.s32 s7, s2  }
0x1e: {  	s7 =	smul.u32 @!p0 $0xF7A, s2;
	p2 =	seq.s32 @!p0 s5, $0x0  }
0x1f: {  	s9 =	smul.u32 $0xF7A, s1;
	s8 =	simm.s32 @!p0 $0x1BF5;
	p2 =	por !p2, p0  }
0x20: {  	[sflag:s8] =	ssyncset.s32 @!p0 $0xFFFFF086;
	s6 =	sadd.s32 @!p0 s3, s7;
	s7 =	simm.s32 @!p0 $0x108  }
0x21: {  	s3 =	sadd.s32 s3, s9;
	s6 =	sadd.s32 @!p0 $0x88, s6;
	s7 =	simm.s32 @p2 $0x1082  }
0x22: {  	[simem:s7], [sflag:s8] =	dma.local @!p0 [hbm:s6], $0xF7A  }
0x23: {  	s9 =	sor.u32 $0xD0000000, s2;
	s6 =	simm.s32 $0x108;
	_ =	swait.ge @!p0 [sflag:s8], $0x0  }
0x24: {  	s3 =	sadd.s32 $0x88, s3;
	s6 =	simm.s32 @!p1 $0x1082;
	[sflag:s4] =	ssyncset.s32 $0xFFFFF086  }
0x25: {  	[simem:s6], [sflag:s4] =	dma.local [hbm:s3], $0xF7A  }
0x26: {  	[smem:$0x3F59] =	sst s1;
	(tag) =	ssettag s2;
	_ =	strace s9  }
0x27: {  	s1 =	sld [smem:$0x3F69]  }
0x28: {  	s2 =	sld [smem:$0x3F6A]  }
0x29: {  	s4 =	sld [smem:$0x3F6C]  }
0x2a: {  	p0 =	seq.s32 s5, $0x0;
	s5 =	sld [smem:$0x3F6D]  }
0x2b: {  	s6 =	sld [smem:$0x3F6E]  }
0x2c: {  	s7 =	sld [smem:$0x3F6F]  }
0x2d: {  	s3 =	simm.s32 $0x108;
	s8 =	sld [smem:$0x3F70]  }
0x2e: {  	s3 =	simm.s32 @!p0 $0x1082;
	s9 =	sld [smem:$0x3F71]  }
0x2f: {  	lr =	sadd.s32 s0, s3;
	s0 =	sld [smem:$0x3F68]  }
0x30: {  	s3 =	sld [smem:$0x3F6B]  }
0x31: {  	[smem:$0x3F74] =	sst s10  }
0x32: {  	s10 =	sld [smem:$0x3F72];
	_ =	sdelay $0x3  }
0x33: {  	p0 =	seq.s32 s10, $0x1;
	s10 =	sld [smem:$0x3F74];
	_ =	sdelay $0x3  }
0x34: {  	[smem:$0x3F74] =	sst s10  }
0x35: {  	s10 =	sld [smem:$0x3F73];
	_ =	sdelay $0x3  }
0x36: {  	p1 =	seq.s32 s10, $0x1;
	s10 =	sld [smem:$0x3F74];
	_ =	sdelay $0x3  }
0x37: {  	[smem:$0x3F74] =	sst s10  }
0x38: {  	s10 =	sld [smem:$0x3F75]  }
0x39: {  	_ = 	snop;
	(pc) =	sbr.ind lr, $3  }
0x3a: {  	_ = 	snop  }
0x3b: {  	_ = 	snop  }
0x3c: {  	p2 =	seq.s32 s10, $0x1;
	s10 =	sld [smem:$0x3F74]  }
0x3d: {  	_ =	shalt  }
0x3e: {  	_ =	shalt  }
0x3f: {  	_ =	shalt  }
0x40: {  	_ =	shalt  }
0x41: {  	_ =	shalt  }
0x42: {  	_ =	shalt  }
0x43: {  	_ =	shalt  }
0x44: {  	_ =	shalt  }
0x45: {  	_ =	shalt  }
0x46: {  	_ =	shalt  }
0x47: {  	_ =	shalt  }
0x48: {  	_ =	shalt  }
0x49: {  	_ =	shalt  }
0x4a: {  	_ =	shalt  }
0x4b: {  	_ =	shalt  }
0x4c: {  	_ =	shalt  }
0x4d: {  	_ =	shalt  }
0x4e: {  	_ =	shalt  }
0x4f: {  	_ =	shalt  }
0x50: {  	_ =	shalt  }
0x51: {  	_ =	shalt  }
0x52: {  	_ =	shalt  }
0x53: {  	_ =	shalt  }
0x54: {  	_ =	shalt  }
0x55: {  	_ =	shalt  }
0x56: {  	_ =	shalt  }
0x57: {  	_ =	shalt  }
0x58: {  	_ =	shalt  }
0x59: {  	_ =	shalt  }
0x5a: {  	_ =	shalt  }
0x5b: {  	_ =	shalt  }
0x5c: {  	_ =	shalt  }
0x5d: {  	_ =	shalt  }
0x5e: {  	_ =	shalt  }
0x5f: {  	_ =	shalt  }
0x60: {  	_ =	shalt  }
0x61: {  	_ =	shalt  }
0x62: {  	_ =	shalt  }
0x63: {  	_ =	shalt  }
0x64: {  	_ =	shalt  }
0x65: {  	_ =	shalt  }
0x66: {  	_ =	shalt  }
0x67: {  	_ =	shalt  }
0x68: {  	_ =	shalt  }
0x69: {  	_ =	shalt  }
0x6a: {  	_ =	shalt  }
0x6b: {  	_ =	shalt  }
0x6c: {  	_ =	shalt  }
0x6d: {  	_ =	shalt  }
0x6e: {  	_ =	shalt  }
0x6f: {  	_ =	shalt  }
0x70: {  	_ =	shalt  }
0x71: {  	_ =	shalt  }
0x72: {  	_ =	shalt  }
0x73: {  	_ =	shalt  }
0x74: {  	_ =	shalt  }
0x75: {  	_ =	shalt  }
0x76: {  	_ =	shalt  }
0x77: {  	_ =	shalt  }
0x78: {  	_ =	shalt  }
0x79: {  	_ =	shalt  }
0x7a: {  	_ =	shalt  }
0x7b: {  	_ =	shalt  }
0x7c: {  	_ =	shalt  }
0x7d: {  	_ =	shalt  }
0x7e: {  	_ =	shalt  }
0x7f: {  	_ =	shalt  }
0x80: {  	_ =	shalt  }
0x81: {  	_ =	shalt  }
0x82: {  	_ =	shalt  }
0x83: {  	_ =	shalt  }
0x84: {  	_ =	shalt  }
0x85: {  	_ =	shalt  }
0x86: {  	_ =	shalt  }
0x87: {  	_ =	shalt  }
.Lfunc_end0:
.L_simem_size_0:
called_computation.7_lowered:
.L_overlay_start_0:
0x88: {  	s0 =	sld [smem:$0x3FD9]  }
0x89: {  	s1 =	sld [smem:$0x3FFE];
	_ =	sdelay $0x3  }
0x8a: {  	s0 =	sadd.s32 s1, s0  }
0x8b: {  	[smem:$0x3F80] =	sst s0  }
0x8c: {  	_ = 	snop  }
0x8d: {  	s0 =	sld [smem:$0x3FD0];
	_ =	sdelay $0x2  }
0x8e: {  	s13 =	simm.s32 $0xE;
	s2 =	simm.s32 $0x10  }
0x8f: {  	[smem:s2], [sflag:s13] =	dma.local [hbm:s0], $0x1  }
0x90: {  	_ =	swait.eq [sflag:s13], $0x1  }
0x91: {  	[sflag:s13] =	ssyncset.done $0x0  }
0x92: {  	[sflag:s13] =	ssyncadd.s32 $0xFFFFFFFF  }
0x93: {  	s14 =	sld [smem:$0x10];
	(tm) =	ssettm $0x1  }
0x94: {  	s15 =	sld [smem:$0x3FFB];
	_ =	sdelay $0x3  }
0x95: {  	_ =	strace s15  }
0x96: {  	s1 =	sld [smem:$0x3FFC];
	_ =	sdelay $0x3  }
0x97: {  	_ =	strace s1  }
0x98: {  	s1 =	sld [smem:$0x3FFD];
	_ =	sdelay $0x3  }
0x99: {  	_ =	strace s1  }
0x9a: {  	_ =	strace $0x8FFFFFFF  }
0x9b: {  	s16 =	sld [smem:$0x3FDB];
	_ =	sdelay $0x1  }
0x9c: {  	s17 =	simm.s32 $_scs_section_size  }
0x9d: {  	s3 =	simm.s32 $_size__tile_overlayer_lowered;
	s4 =	simm.s32 $_tile_overlayer_lowered  }
0x9e: {  	s20 =	simm.s32 $0x1BFF;
	s19 =	sshll.u32 s4, $0x1;
	s1 =	sadd.s32 s17, s16  }
0x9f: {  	s5 =	simm.s32 $0x0;
	s18 =	sshll.u32 s3, $0x1;
	s3 =	sadd.s32 s19, s1  }
0xa0: {  	[timem:s5], [sflag:s20] =	dma.local [hbm:s3], s18  }
0xa1: {  	_ =	swait.ge [sflag:s20], s18  }
0xa2: {  	s2 =	ssub.s32 $0x0, s18;
	[sflag:s20] =	ssyncset.done $0x0  }
0xa3: {  	[sflag:s20] =	ssyncadd.s32 s2;
	_ =	sdelay $0x1  }
0xa4: {  	s21 =	simm.s32 $0x1B8B  }
0xa5: {  	_ =	swait.ge [sflag:s21], $0x1  }
0xa6: {  	[sflag:s21] =	ssyncset.done $0x0  }
0xa7: {  	s23 =	simm.s32 $0x1B8E;
	s22 =	sld [smem:$0x3FFE];
	[sflag:s21] =	ssyncadd.s32 $0xFFFFFFFF  }
0xa8: {  	s24 =	simm.s32 $execute0_lowered;
	[smem:$0x3FD2] =	sst s23  }
0xa9: {  	s3 =	sshll.u32 s24, $0x1;
	_ =	strace $0x8000005B;
	[dreg:$0x1] =	wrdreg $0xFFFFFFFF  }
0xaa: {  	s25 =	simm.s32 $_size_execute0_lowered;
	s1 =	sadd.s32 s1, s3;
	[dreg:$0x0] =	wrdreg $0x0  }
0xab: {  	s3 =	sshll.u32 s25, $0x1;
	[dreg:$0x2] =	wrdreg s1  }
0xac: {  	[dreg:$0x3] =	wrdreg s3  }
0xad: {  	[dreg:$0x4] =	wrdreg $0xC0  }
0xae: {  	_ =	task [dreg:s5], $0x5FFFF  }
0xaf: {  	[dreg:$0x1] =	wrdreg $0xFFFFFFFF  }
0xb0: {  	[dreg:$0x0] =	wrdreg $0x60  }
0xb1: {  	[dreg:$0x2] =	wrdreg s22  }
0xb2: {  	[dreg:$0x3] =	wrdreg s14  }
0xb3: {  	[dreg:$0x4] =	wrdreg $0xA  }
0xb4: {  	_ =	task.clear_ibuf [dreg:s5], $0x5FFFF;
	_ =	strace $0x9000005B  }
0xb5: {  	s26 =	simm.s32 $0xA;
	_ =	strace $0x8000005D  }
0xb6: {  	_ =	swait.ge [sflag:s26], $0x1  }
0xb7: {  	[sflag:s26] =	ssyncadd.s32 $0xFFFFFFFF  }
0xb8: {  	_ =	strace $0x9000005D  }
0xb9: {  	_ =	sfence  }
0xba: {  	s28 =	sld [smem:$0x0];
	_ =	sdelay $0x1  }
0xbb: {  	s29 =	srdreg.scid  }
0xbc: {  	s30 =	sshll.u32 s29, $0xD;
	s31 =	sshrl.u32 s29, $0x2  }
0xbd: {  	s2 =	sand.u32 $0x4000, s30;
	s1 =	sand.u32 $0x1, s29;
	s0 =	sadd.s32 s31, s28  }
0xbe: {  	s1 =	sor.u32 s2, s1;
	s0 =	sshll.u32 s0, $0x11  }
0xbf: {  	s0 =	sor.u32 s0, s1  }
0xc0: {  	s0 =	sadd.s32 $0x8F2B, s0  }
0xc1: {  	[sflag:s0] =	ssyncadd.remote.s32 $0x1  }
0xc2: {  	_ =	sfence.sel $0xFFFF  }
0xc3: {  	[dreg:$0x0] =	wrdreg $0xFFFFFFFF;
	(pc) =	sbr.abs _section_cstart, $3  }
0xc4: {  	[dreg:$0x1] =	wrdreg $0xFFFFFFFF  }
0xc5: {  	_ =	task.clear_ibuf [dreg:s5], $0x2FFFF;
	_ =	strace $0x9FFFFFFF  }
0xc6: {  	(tm) =	ssettm $0x7FFFFFFF  }
0xc7: {  	_ =	shalt  }
tec
execute0_lowered:
.L_overlay_start_1:
0x0: {  	(tag) =	ssettag $0x1  }
0x1: {  	s8 =	rddreg [dreg:$0x0]  }
0x2: {  	s2 =	rddreg [dreg:$0x1]  }
0x3: {  	s0 =	rddreg [dreg:$0x2]  }
0x4: {  	_ =	strace $0x8000005C;
	s4 =	simm.s32 $0x1;
	s1 =	stileid.u32  }
0x5: {  	s7 =	simm.s32 $0x1;
	s9 =	simm.s32 $0x1;
	s6 =	simm.s32 $0x2  }
0x6: {  	s10 =	simm.s32 $0x3;
	s13 =	simm.s32 $0x0;
	s12 =	simm.s32 $0x0  }
.Ltmp0:
0x7: {  	s3 =	sadd.s32 $0x18C00, s8;
	p0 =	slt.u32 s1, $0xA;
	(pc) =	sbr.rel .LBB2_1-.Ltmp0, $4  }
0x8: {  	[sflag:s4] =	ssyncpa.u1 $0x0;
	s7 =	simm.s32 @!p0 $0x0;
	p0 =	sne.s32 s1, $0x9  }
0x9: {  	s5 =	smul.u32 $0x190, s1;
	[sflag:s6] =	ssyncpa.u1 $0x0;
	s9 =	simm.s32 @!p0 $0x0  }
0xa: {  	s8 =	sadd.s32 $0x18600, s8;
	[sflag:s10] =	ssyncpa.u1 $0x0;
	s7 =	sadd.s32 s9, s7  }
0xb: {  	vm0 =	vmmov $0xffff;
	s10 =	simm.s32 $0x0;
	s11 =	smov.u32 s5;
	s9 =	sadd.s32 $0x1, s7  }
.LBB2_4:
0xc: {  	v5 =	vshrl.u32 v1, $0xE;
	v6 =	vshll.u32 v1, $0x7  }
0xd: {  	vm1 =	veq.s32 v1, $0x80000000;
	v58 =	vand.u32 $0xF, v5;
	v59 =	vand.u32 $0x1FFF80, v6  }
0xe: {  	v1 =	vsel vm1, $0xFFFFFFFF, v58;
	v5 =	vsel vm1, $0xFFFFFF80, v59  }
0xf: {  	v3 =	vor.u32 v4, v3;
	v60 =	vand.u32 $0xFFFFFC00, v5;
	v61 =	vand.u32 $0xFFFFFC00, v1  }
0x10: {  	v2 =	vor.u32 v2, v3;
	v63 =	vand.u32 $0x380, v5;
	v62 =	vadd.s32 v61, v60  }
0x11: {  	v1 =	vand.u32 $0x7F, v1;
	v3 =	vor.u32 v63, v62  }
0x12: {  	v1 =	vor.u32 v1, v3  }
0x13: {  	[tilespmem:s17], [sflag:$0x1] =	stream.indirect_vreg.gather [hbm4b:s3+s10], $0x1, v0, vm0, $0x4038;
	[tilespmem:$0x640] =	vst v63  }
0x14: {  	(ifvalue) =	ssetifvalue $0x7FFFFFFF  }
0x15: {  	[tilespmem:s15], [sflag:$0x1] =	stream.indirect_vreg.gather [hbm4b:s3+s10], $0x1, v2, vm0, $0x4038;
	[tilespmem:$0x640] =	vst v63  }
0x16: {  	s29 =	sadd.s32 $0x10, s15;
	(ifvalue) =	ssetifvalue $0x7FFFFFFF  }
0x17: {  	[tilespmem:s29], [sflag:$0x1] =	stream.indirect_vreg.gather [hbm4b:s3+s10], $0x1, v1, vm0, $0x4038;
	[tilespmem:$0x640] =	vst v63  }
0x18: {  	_ =	swait.ge [sflag:s4], $0x190  }
0x19: {  	s30 =	sshrl.u32 s13, $0x3;
	[sflag:s4] =	ssyncset.done $0x0  }
0x1a: {  	s31 =	sand.u32 $0x7, s13;
	s15 =	sadd.s32 s2, s30;
	[sflag:s4] =	ssyncadd.s32 $0xFFFFFE70  }
0x1b: {  	[hbm4b:s15+s31] =	stream.linear.scatter [tilespmem:s14], [sflag:$0x3], $0x190, $0x38;
	[tilespmem:$0x640] =	vst v63  }
.LBB2_5:
0x1c: {  	s15 =	sadd.s32 $0x1900, s11  }
0x1d: {  	p1 =	sgt.s32 s15, $0x270F  }
0x1e: {  	s15 =	smov.u32 @p1 s5;
	p1 =	sne.s32 s12, s9  }
.Ltmp1:
0x1f: {  	p0 =	slt.u32 s12, $0x2;
	(pc) =	sbr.rel @!p1 .LBB2_6-.Ltmp1, $4  }
0x20: {  	s14 =	simm.s32 @!p0 $0x3  }
0x21: {  	_ =	swait.ge @!p0 [sflag:s14], $0x190  }
0x22: {  	s16 =	sadd.s32 $0x1, s12;
	s13 =	smov.u32 s11;
	[sflag:s14] =	ssyncset.done @!p0 $0x0  }
0x23: {  	s12 =	smov.u32 s16;
	s11 =	smov.u32 s15;
	[sflag:s14] =	ssyncadd.s32 @!p0 $0xFFFFFE70  }
.LBB2_1:
0x24: {  	p0 =	sge.u32 s12, s7  }
0x25: {  	s14 =	sxor.u32 @!p0 $0x1, s12  }
0x26: {  	s14 =	smul.u32 @!p0 $0x640, s14  }
0x27: {  	s31 =	sadd.s32 $0xFFFFFFFF, s12;
	s15 =	sshrl.u32 @!p0 s11, $0x3  }
0x28: {  	s16 =	sand.u32 @!p0 $0x7, s11;
	s15 =	sadd.s32 @!p0 s8, s15;
	s14 =	sshra.s32 @!p0 s14, $0x2  }
0x29: {  	[tilespmem:s14], [sflag:$0x2] =	stream.linear.gather @!p0 [hbm4b:s15+s16], $0x190, $0x38;
	[tilespmem:$0x640] =	vst v63  }
0x2a: {  	p0 =	sge.u32 s31, s7  }
.Ltmp2:
0x2b: {  	_ = 	snop;
	(pc) =	sbr.rel @p0 .LBB2_5-.Ltmp2, $1  }
0x2c: {  	_ =	sdelay $0x3  }
0x2d: {  	s14 =	sand.u32 $0x1, s12  }
0x2e: {  	_ =	swait.ge [sflag:s6], $0x190;
	p0 =	seq.s32 s14, $0x1;
	s14 =	simm.s32 $0x190  }
0x2f: {  	[sflag:s6] =	ssyncset.done $0x0;
	s14 =	simm.s32 @!p0 $0x0  }
0x30: {  	[sflag:s6] =	ssyncadd.s32 $0xFFFFFE70;
	(ifvalue) =	ssetifvalue $0x7FFFFFFF;
	v0 =	vld.msk [tilespmem:s14+$0x0 ss:$0x1], $0xffff;
	_ =	sdelay $0x4  }
0x31: {  	s15 =	sadd.s32 $0x10, s14;
	v2 =	vshrl.u32 v0, $0xE;
	v3 =	vshll.u32 v0, $0x7  }
0x32: {  	v1 =	vld.msk [tilespmem:s15+$0x0 ss:$0x1], $0xffff;
	vm1 =	veq.s32 v0, $0x80000000;
	v0 =	vand.u32 $0xF, v2;
	v2 =	vand.u32 $0x1FFF80, v3  }
0x33: {  	v0 =	vsel vm1, $0xFFFFFFFF, v0;
	v2 =	vsel vm1, $0xFFFFFF80, v2  }
0x34: {  	v3 =	vand.u32 $0xFFFFFC00, v2;
	v4 =	vand.u32 $0xFFFFFC00, v0  }
0x35: {  	v2 =	vand.u32 $0x380, v2;
	v3 =	vadd.s32 v4, v3  }
0x36: {  	v0 =	vand.u32 $0x7F, v0;
	v2 =	vor.u32 v2, v3  }
0x37: {  	v5 =	vshll.u32 v1, $0x7;
	v4 =	vshrl.u32 v1, $0xE;
	v0 =	vor.u32 v0, v2  }
0x38: {  	vm1 =	veq.s32 v1, $0x80000000;
	v1 =	vand.u32 $0xF, v4;
	v4 =	vand.u32 $0x1FFF80, v5  }
0x39: {  	s14 =	sadd.s32 $0x320, s14;
	s15 =	sadd.s32 $0x10, s15;
	v3 =	vsel vm1, $0xFFFFFFFF, v1;
	v4 =	vsel vm1, $0xFFFFFF80, v4  }
0x3a: {  	s16 =	simm.s32 $0x20;
	s17 =	smov.u32 s14;
	v1 =	vld.msk [tilespmem:s15+$0x0 ss:$0x1], $0xffff;
	v5 =	vand.u32 $0xFFFFFC00, v4;
	v6 =	vand.u32 $0xFFFFFC00, v3  }
0x3b: {  	s18 =	sadd.s32 $0x10, s15;
	(ifvalue) =	ssetifvalue $0x7FFFFFFF;
	s15 =	sadd.s32 $0x10, s14;
	v2 =	vand.u32 $0x7F, v3;
	v4 =	vand.u32 $0x380, v4;
	v3 =	vadd.s32 v6, v5  }
.LBB2_3:
0x3c: {  	[tilespmem:s17], [sflag:$0x1] =	stream.indirect_vreg.gather [hbm4b:s3+s10], $0x1, v0, vm0, $0x4038;
	[tilespmem:$0x640] =	vst v63  }
0x3d: {  	s16 =	sadd.s32 $0x10, s16  }
0x3e: {  	v3 =	vor.u32 v4, v3;
	p0 =	slt.u32 s16, $0x180  }
.Ltmp3:
0x3f: {  	v4 =	vshrl.u32 v1, $0xE;
	v5 =	vshll.u32 v1, $0x7;
	s17 =	smov.u32 s15;
	v0 =	vor.u32 v2, v3;
	v2 =	vmovc v1;
	v1 =	vld.msk [tilespmem:s18+$0x0 ss:$0x1], $0xffff;
	(pc) =	sbr.rel @p0 .LBB2_3-.Ltmp3, $4  }
0x40: {  	v3 =	vand.u32 $0x1FFF80, v5;
	vm1 =	veq.s32 v2, $0x80000000;
	v2 =	vand.u32 $0xF, v4  }
0x41: {  	v4 =	vsel vm1, $0xFFFFFFFF, v2;
	v5 =	vsel vm1, $0xFFFFFF80, v3  }
0x42: {  	v2 =	vand.u32 $0x7F, v4;
	v3 =	vand.u32 $0xFFFFFC00, v5;
	v4 =	vand.u32 $0xFFFFFC00, v4  }
0x43: {  	s15 =	sadd.s32 $0x10, s15;
	s18 =	sadd.s32 $0x10, s18;
	v3 =	vadd.s32 v4, v3;
	v4 =	vand.u32 $0x380, v5;
	(ifvalue) =	ssetifvalue $0x7FFFFFFF  }
.Ltmp4:
0x44: {  	_ = 	snop;
	(pc) =	sbr.rel .LBB2_4-.Ltmp4, $1  }
0x45: {  	_ =	sdelay $0x3  }
.LBB2_6:
0x46: {  	_ =	sfence.sel $0x180000  }
0x47: {  	s2 =	simm.s32 $0x2;
	[bflag:$0x0] =	sbarrier.arrive $0xFFFF  }
0x48: {  	s30 =	simm.s32 $0x3;
	[sflag:s2] =	ssyncpa.u1 $0x1  }
0x49: {  	s31 =	simm.s32 $0x1;
	[sflag:s30] =	ssyncpa.u1 $0x1  }
0x4a: {  	[sflag:s31] =	ssyncpa.u1 $0x1  }
0x4b: {  	p0 =	sne.s32 s1, $0x0;
	_ =	strace $0x9000005C  }
0x4c: {  	s0 =	sadd.s32 @!p0 $0x100000, s0;
	[bflag:$0x2] =	sbarrier.arrive $0xFFFF  }
0x4d: {  	[sflag:s0] =	ssyncadd.tile.s32 @!p0 $0x1;
	_ =	shalt  }
.Lfunc_end2:
_tile_overlayer_lowered:
.L_overlay_start_2:
0x4e: {  	(tag) =	ssettag $0x2  }
0x4f: {  	s0 =	rddreg [dreg:$0x0];
	s2 =	stileid.u32  }
0x50: {  	s1 =	rddreg [dreg:$0x1];
	p0 =	sne.s32 s2, $0x0  }
0x51: {  	s3 =	rddreg [dreg:$0x2];
	[bflag:$0x3] =	sbarrier.arrive $0xFFFF;
	s2 =	simm.s32 @!p0 $0x1C01  }
0x52: {  	[timem:s3], [sflag:s2] =	dma.local @!p0 [hbm:s0], s1  }
0x53: {  	s0 =	simm.s32 @!p0 $0x1  }
0x54: {  	_ =	swait.ge @!p0 [sflag:s0], s1  }
0x55: {  	s1 =	ssub.s32 @!p0 $0x0, s1;
	[sflag:s0] =	ssyncset.done @!p0 $0x0  }
0x56: {  	[sflag:s0] =	ssyncadd.s32 @!p0 s1  }
0x57: {  	[bflag:$0x3] =	sbarrier.arrive $0xFFFF  }
0x58: {  	_ =	shalt  }

// kernel: gather_offload_async_start.8
scs
__scs_entry_jumppad:
0x0: {  	(pc) =	sbr.rel $0x88, $3  }
0x1: {  	(tag) =	ssettag $0x0;
	lr =	simm.s32 $0x1  }
0x2: {  	[smem:$0x3F59] =	sst lr;
	_ =	strace $0xD0000000  }
0x3: {  	_ = 	snop  }
0x4: {  	_ = 	snop  }
0x5: {  	_ = 	snop  }
0x6: {  	_ = 	snop  }
0x7: {  	_ = 	snop  }
__scs_overlays_trampoline_lowered:
0x8: {  	[smem:$0x3F68] =	sst s0  }
0x9: {  	[smem:$0x3F69] =	sst s1  }
0xa: {  	[smem:$0x3F6A] =	sst s2  }
0xb: {  	[smem:$0x3F6B] =	sst s3  }
0xc: {  	[smem:$0x3F6C] =	sst s4  }
0xd: {  	[smem:$0x3F6D] =	sst s5  }
0xe: {  	[smem:$0x3F6E] =	sst s6  }
0xf: {  	[smem:$0x3F6F] =	sst s7  }
0x10: {  	[smem:$0x3F70] =	sst s8  }
0x11: {  	[smem:$0x3F71] =	sst s9;
	s0 =	simm.s32 @!p0 $0x0  }
0x12: {  	s1 =	sld [smem:$0x3F57];
	s0 =	simm.s32 @p0 $0x1  }
0x13: {  	[smem:$0x3F72] =	sst s0;
	s0 =	simm.s32 @!p1 $0x0  }
0x14: {  	s2 =	sld [smem:$0x3F56];
	s0 =	simm.s32 @p1 $0x1  }
0x15: {  	[smem:$0x3F73] =	sst s0;
	s0 =	simm.s32 @!p2 $0x0  }
0x16: {  	s3 =	sld [smem:$0x3FDB];
	s0 =	simm.s32 @p2 $0x1  }
0x17: {  	s4 =	simm.s32 $0x1BF5;
	[smem:$0x3F75] =	sst s0  }
0x18: {  	s0 =	sld [smem:$0x3F58];
	_ =	swait.ge [sflag:s4], $0x0  }
0x19: {  	s7 =	sld [smem:$0x3F59]  }
0x1a: {  	s8 =	sadd.s32 $0xFFFFE003, lr  }
0x1b: {  	s9 =	sadd.s32 $0xFFFFFEF7, lr;
	s5 =	simm.s32 $0xFFFFFFFF;
	p2 =	slt.u32 s8, $0xFFFFF086  }
0x1c: {  	p1 =	slt.u32 s9, $0xF7A;
	s5 =	simm.s32 @!p2 $0x0  }
0x1d: {  	s5 =	simm.s32 @p1 $0x1;
	p0 =	seq.s32 s7, s2  }
0x1e: {  	s7 =	smul.u32 @!p0 $0xF7A, s2;
	p2 =	seq.s32 @!p0 s5, $0x0  }
0x1f: {  	s9 =	smul.u32 $0xF7A, s1;
	s8 =	simm.s32 @!p0 $0x1BF5;
	p2 =	por !p2, p0  }
0x20: {  	[sflag:s8] =	ssyncset.s32 @!p0 $0xFFFFF086;
	s6 =	sadd.s32 @!p0 s3, s7;
	s7 =	simm.s32 @!p0 $0x108  }
0x21: {  	s3 =	sadd.s32 s3, s9;
	s6 =	sadd.s32 @!p0 $0x88, s6;
	s7 =	simm.s32 @p2 $0x1082  }
0x22: {  	[simem:s7], [sflag:s8] =	dma.local @!p0 [hbm:s6], $0xF7A  }
0x23: {  	s9 =	sor.u32 $0xD0000000, s2;
	s6 =	simm.s32 $0x108;
	_ =	swait.ge @!p0 [sflag:s8], $0x0  }
0x24: {  	s3 =	sadd.s32 $0x88, s3;
	s6 =	simm.s32 @!p1 $0x1082;
	[sflag:s4] =	ssyncset.s32 $0xFFFFF086  }
0x25: {  	[simem:s6], [sflag:s4] =	dma.local [hbm:s3], $0xF7A  }
0x26: {  	[smem:$0x3F59] =	sst s1;
	(tag) =	ssettag s2;
	_ =	strace s9  }
0x27: {  	s1 =	sld [smem:$0x3F69]  }
0x28: {  	s2 =	sld [smem:$0x3F6A]  }
0x29: {  	s4 =	sld [smem:$0x3F6C]  }
0x2a: {  	p0 =	seq.s32 s5, $0x0;
	s5 =	sld [smem:$0x3F6D]  }
0x2b: {  	s6 =	sld [smem:$0x3F6E]  }
0x2c: {  	s7 =	sld [smem:$0x3F6F]  }
0x2d: {  	s3 =	simm.s32 $0x108;
	s8 =	sld [smem:$0x3F70]  }
0x2e: {  	s3 =	simm.s32 @!p0 $0x1082;
	s9 =	sld [smem:$0x3F71]  }
0x2f: {  	lr =	sadd.s32 s0, s3;
	s0 =	sld [smem:$0x3F68]  }
0x30: {  	s3 =	sld [smem:$0x3F6B]  }
0x31: {  	[smem:$0x3F74] =	sst s10  }
0x32: {  	s10 =	sld [smem:$0x3F72];
	_ =	sdelay $0x3  }
0x33: {  	p0 =	seq.s32 s10, $0x1;
	s10 =	sld [smem:$0x3F74];
	_ =	sdelay $0x3  }
0x34: {  	[smem:$0x3F74] =	sst s10  }
0x35: {  	s10 =	sld [smem:$0x3F73];
	_ =	sdelay $0x3  }
0x36: {  	p1 =	seq.s32 s10, $0x1;
	s10 =	sld [smem:$0x3F74];
	_ =	sdelay $0x3  }
0x37: {  	[smem:$0x3F74] =	sst s10  }
0x38: {  	s10 =	sld [smem:$0x3F75]  }
0x39: {  	_ = 	snop;
	(pc) =	sbr.ind lr, $3  }
0x3a: {  	_ = 	snop  }
0x3b: {  	_ = 	snop  }
0x3c: {  	p2 =	seq.s32 s10, $0x1;
	s10 =	sld [smem:$0x3F74]  }
0x3d: {  	_ =	shalt  }
0x3e: {  	_ =	shalt  }
0x3f: {  	_ =	shalt  }
0x40: {  	_ =	shalt  }
0x41: {  	_ =	shalt  }
0x42: {  	_ =	shalt  }
0x43: {  	_ =	shalt  }
0x44: {  	_ =	shalt  }
0x45: {  	_ =	shalt  }
0x46: {  	_ =	shalt  }
0x47: {  	_ =	shalt  }
0x48: {  	_ =	shalt  }
0x49: {  	_ =	shalt  }
0x4a: {  	_ =	shalt  }
0x4b: {  	_ =	shalt  }
0x4c: {  	_ =	shalt  }
0x4d: {  	_ =	shalt  }
0x4e: {  	_ =	shalt  }
0x4f: {  	_ =	shalt  }
0x50: {  	_ =	shalt  }
0x51: {  	_ =	shalt  }
0x52: {  	_ =	shalt  }
0x53: {  	_ =	shalt  }
0x54: {  	_ =	shalt  }
0x55: {  	_ =	shalt  }
0x56: {  	_ =	shalt  }
0x57: {  	_ =	shalt  }
0x58: {  	_ =	shalt  }
0x59: {  	_ =	shalt  }
0x5a: {  	_ =	shalt  }
0x5b: {  	_ =	shalt  }
0x5c: {  	_ =	shalt  }
0x5d: {  	_ =	shalt  }
0x5e: {  	_ =	shalt  }
0x5f: {  	_ =	shalt  }
0x60: {  	_ =	shalt  }
0x61: {  	_ =	shalt  }
0x62: {  	_ =	shalt  }
0x63: {  	_ =	shalt  }
0x64: {  	_ =	shalt  }
0x65: {  	_ =	shalt  }
0x66: {  	_ =	shalt  }
0x67: {  	_ =	shalt  }
0x68: {  	_ =	shalt  }
0x69: {  	_ =	shalt  }
0x6a: {  	_ =	shalt  }
0x6b: {  	_ =	shalt  }
0x6c: {  	_ =	shalt  }
0x6d: {  	_ =	shalt  }
0x6e: {  	_ =	shalt  }
0x6f: {  	_ =	shalt  }
0x70: {  	_ =	shalt  }
0x71: {  	_ =	shalt  }
0x72: {  	_ =	shalt  }
0x73: {  	_ =	shalt  }
0x74: {  	_ =	shalt  }
0x75: {  	_ =	shalt  }
0x76: {  	_ =	shalt  }
0x77: {  	_ =	shalt  }
0x78: {  	_ =	shalt  }
0x79: {  	_ =	shalt  }
0x7a: {  	_ =	shalt  }
0x7b: {  	_ =	shalt  }
0x7c: {  	_ =	shalt  }
0x7d: {  	_ =	shalt  }
0x7e: {  	_ =	shalt  }
0x7f: {  	_ =	shalt  }
0x80: {  	_ =	shalt  }
0x81: {  	_ =	shalt  }
0x82: {  	_ =	shalt  }
0x83: {  	_ =	shalt  }
0x84: {  	_ =	shalt  }
0x85: {  	_ =	shalt  }
0x86: {  	_ =	shalt  }
0x87: {  	_ =	shalt  }
.Lfunc_end0:
.L_simem_size_0:
called_computation.8_lowered:
.L_overlay_start_0:
0x88: {  	s0 =	sld [smem:$0x3FD9]  }
0x89: {  	s1 =	sld [smem:$0x3FFE];
	_ =	sdelay $0x3  }
0x8a: {  	s0 =	sadd.s32 s1, s0  }
0x8b: {  	[smem:$0x3F80] =	sst s0  }
0x8c: {  	_ = 	snop  }
0x8d: {  	s0 =	sld [smem:$0x3FD0];
	_ =	sdelay $0x2  }
0x8e: {  	s13 =	simm.s32 $0xE;
	s2 =	simm.s32 $0x10  }
0x8f: {  	[smem:s2], [sflag:s13] =	dma.local [hbm:s0], $0x1  }
0x90: {  	_ =	swait.eq [sflag:s13], $0x1  }
0x91: {  	[sflag:s13] =	ssyncset.done $0x0  }
0x92: {  	[sflag:s13] =	ssyncadd.s32 $0xFFFFFFFF  }
0x93: {  	s14 =	sld [smem:$0x11];
	(tm) =	ssettm $0x1  }
0x94: {  	s15 =	sld [smem:$0x3FFB];
	_ =	sdelay $0x3  }
0x95: {  	_ =	strace s15  }
0x96: {  	s1 =	sld [smem:$0x3FFC];
	_ =	sdelay $0x3  }
0x97: {  	_ =	strace s1  }
0x98: {  	s1 =	sld [smem:$0x3FFD];
	_ =	sdelay $0x3  }
0x99: {  	_ =	strace s1  }
0x9a: {  	_ =	strace $0x8FFFFFFF  }
0x9b: {  	s16 =	sld [smem:$0x3FDB];
	_ =	sdelay $0x1  }
0x9c: {  	s17 =	simm.s32 $_scs_section_size  }
0x9d: {  	s3 =	simm.s32 $_size__tile_overlayer_lowered;
	s4 =	simm.s32 $_tile_overlayer_lowered  }
0x9e: {  	s20 =	simm.s32 $0x1BFF;
	s19 =	sshll.u32 s4, $0x1;
	s1 =	sadd.s32 s17, s16  }
0x9f: {  	s5 =	simm.s32 $0x0;
	s18 =	sshll.u32 s3, $0x1;
	s3 =	sadd.s32 s19, s1  }
0xa0: {  	[timem:s5], [sflag:s20] =	dma.local [hbm:s3], s18  }
0xa1: {  	_ =	swait.ge [sflag:s20], s18  }
0xa2: {  	s2 =	ssub.s32 $0x0, s18;
	[sflag:s20] =	ssyncset.done $0x0  }
0xa3: {  	[sflag:s20] =	ssyncadd.s32 s2;
	_ =	sdelay $0x1  }
0xa4: {  	s21 =	simm.s32 $0x1B8B  }
0xa5: {  	_ =	swait.ge [sflag:s21], $0x1  }
0xa6: {  	[sflag:s21] =	ssyncset.done $0x0  }
0xa7: {  	s23 =	simm.s32 $0x1B8E;
	s22 =	sld [smem:$0x3FFE];
	[sflag:s21] =	ssyncadd.s32 $0xFFFFFFFF  }
0xa8: {  	s24 =	simm.s32 $execute0_lowered;
	[smem:$0x3FD2] =	sst s23  }
0xa9: {  	s3 =	sshll.u32 s24, $0x1;
	_ =	strace $0x8000005E;
	[dreg:$0x1] =	wrdreg $0xFFFFFFFF  }
0xaa: {  	s25 =	simm.s32 $_size_execute0_lowered;
	s1 =	sadd.s32 s1, s3;
	[dreg:$0x0] =	wrdreg $0x0  }
0xab: {  	s3 =	sshll.u32 s25, $0x1;
	[dreg:$0x2] =	wrdreg s1  }
0xac: {  	[dreg:$0x3] =	wrdreg s3  }
0xad: {  	[dreg:$0x4] =	wrdreg $0xC0  }
0xae: {  	_ =	task [dreg:s5], $0x5FFFF  }
0xaf: {  	[dreg:$0x1] =	wrdreg $0xFFFFFFFF  }
0xb0: {  	[dreg:$0x0] =	wrdreg $0x60  }
0xb1: {  	[dreg:$0x2] =	wrdreg s22  }
0xb2: {  	[dreg:$0x3] =	wrdreg s14  }
0xb3: {  	[dreg:$0x4] =	wrdreg $0xA  }
0xb4: {  	_ =	task.clear_ibuf [dreg:s5], $0x5FFFF;
	_ =	strace $0x9000005E  }
0xb5: {  	s26 =	simm.s32 $0xA;
	_ =	strace $0x80000060  }
0xb6: {  	_ =	swait.ge [sflag:s26], $0x1  }
0xb7: {  	[sflag:s26] =	ssyncadd.s32 $0xFFFFFFFF  }
0xb8: {  	_ =	strace $0x90000060  }
0xb9: {  	_ =	sfence  }
0xba: {  	s28 =	sld [smem:$0x0];
	_ =	sdelay $0x1  }
0xbb: {  	s29 =	srdreg.scid  }
0xbc: {  	s30 =	sshll.u32 s29, $0xD;
	s31 =	sshrl.u32 s29, $0x2  }
0xbd: {  	s2 =	sand.u32 $0x4000, s30;
	s1 =	sand.u32 $0x1, s29;
	s0 =	sadd.s32 s31, s28  }
0xbe: {  	s1 =	sor.u32 s2, s1;
	s0 =	sshll.u32 s0, $0x11  }
0xbf: {  	s0 =	sor.u32 s0, s1  }
0xc0: {  	s0 =	sadd.s32 $0x8F2B, s0  }
0xc1: {  	[sflag:s0] =	ssyncadd.remote.s32 $0x1  }
0xc2: {  	_ =	sfence.sel $0xFFFF  }
0xc3: {  	[dreg:$0x0] =	wrdreg $0xFFFFFFFF;
	(pc) =	sbr.abs _section_cstart, $3  }
0xc4: {  	[dreg:$0x1] =	wrdreg $0xFFFFFFFF  }
0xc5: {  	_ =	task.clear_ibuf [dreg:s5], $0x2FFFF;
	_ =	strace $0x9FFFFFFF  }
0xc6: {  	(tm) =	ssettm $0x7FFFFFFF  }
0xc7: {  	_ =	shalt  }
tec
execute0_lowered:
.L_overlay_start_1:
0x0: {  	(tag) =	ssettag $0x1  }
0x1: {  	s8 =	rddreg [dreg:$0x0]  }
0x2: {  	s2 =	rddreg [dreg:$0x1]  }
0x3: {  	s0 =	rddreg [dreg:$0x2]  }
0x4: {  	_ =	strace $0x8000005F;
	s4 =	simm.s32 $0x1;
	s1 =	stileid.u32  }
0x5: {  	s7 =	simm.s32 $0x1;
	s9 =	simm.s32 $0x1;
	s6 =	simm.s32 $0x2  }
0x6: {  	s10 =	simm.s32 $0x3;
	s13 =	simm.s32 $0x0;
	s12 =	simm.s32 $0x0  }
.Ltmp0:
0x7: {  	s3 =	sadd.s32 $0x18C00, s8;
	p0 =	slt.u32 s1, $0xA;
	(pc) =	sbr.rel .LBB2_1-.Ltmp0, $4  }
0x8: {  	[sflag:s4] =	ssyncpa.u1 $0x0;
	s7 =	simm.s32 @!p0 $0x0;
	p0 =	sne.s32 s1, $0x9  }
0x9: {  	s5 =	smul.u32 $0x190, s1;
	[sflag:s6] =	ssyncpa.u1 $0x0;
	s9 =	simm.s32 @!p0 $0x0  }
0xa: {  	s8 =	sadd.s32 $0x15E00, s8;
	[sflag:s10] =	ssyncpa.u1 $0x0;
	s7 =	sadd.s32 s9, s7  }
0xb: {  	vm0 =	vmmov $0xffff;
	s10 =	simm.s32 $0x0;
	s11 =	smov.u32 s5;
	s9 =	sadd.s32 $0x1, s7  }
.LBB2_4:
0xc: {  	v5 =	vshrl.u32 v1, $0xE;
	v6 =	vshll.u32 v1, $0x7  }
0xd: {  	vm1 =	veq.s32 v1, $0x80000000;
	v58 =	vand.u32 $0xF, v5;
	v59 =	vand.u32 $0x1FFF80, v6  }
0xe: {  	v1 =	vsel vm1, $0xFFFFFFFF, v58;
	v5 =	vsel vm1, $0xFFFFFF80, v59  }
0xf: {  	v3 =	vor.u32 v4, v3;
	v60 =	vand.u32 $0xFFFFFC00, v5;
	v61 =	vand.u32 $0xFFFFFC00, v1  }
0x10: {  	v2 =	vor.u32 v2, v3;
	v63 =	vand.u32 $0x380, v5;
	v62 =	vadd.s32 v61, v60  }
0x11: {  	v1 =	vand.u32 $0x7F, v1;
	v3 =	vor.u32 v63, v62  }
0x12: {  	v1 =	vor.u32 v1, v3  }
0x13: {  	[tilespmem:s17], [sflag:$0x1] =	stream.indirect_vreg.gather [hbm4b:s3+s10], $0x1, v0, vm0, $0x4038;
	[tilespmem:$0x640] =	vst v63  }
0x14: {  	(ifvalue) =	ssetifvalue $0x7FFFFFFF  }
0x15: {  	[tilespmem:s15], [sflag:$0x1] =	stream.indirect_vreg.gather [hbm4b:s3+s10], $0x1, v2, vm0, $0x4038;
	[tilespmem:$0x640] =	vst v63  }
0x16: {  	s29 =	sadd.s32 $0x10, s15;
	(ifvalue) =	ssetifvalue $0x7FFFFFFF  }
0x17: {  	[tilespmem:s29], [sflag:$0x1] =	stream.indirect_vreg.gather [hbm4b:s3+s10], $0x1, v1, vm0, $0x4038;
	[tilespmem:$0x640] =	vst v63  }
0x18: {  	_ =	swait.ge [sflag:s4], $0x190  }
0x19: {  	s30 =	sshrl.u32 s13, $0x3;
	[sflag:s4] =	ssyncset.done $0x0  }
0x1a: {  	s31 =	sand.u32 $0x7, s13;
	s15 =	sadd.s32 s2, s30;
	[sflag:s4] =	ssyncadd.s32 $0xFFFFFE70  }
0x1b: {  	[hbm4b:s15+s31] =	stream.linear.scatter [tilespmem:s14], [sflag:$0x3], $0x190, $0x38;
	[tilespmem:$0x640] =	vst v63  }
.LBB2_5:
0x1c: {  	s15 =	sadd.s32 $0x1900, s11  }
0x1d: {  	p1 =	sgt.s32 s15, $0x270F  }
0x1e: {  	s15 =	smov.u32 @p1 s5;
	p1 =	sne.s32 s12, s9  }
.Ltmp1:
0x1f: {  	p0 =	slt.u32 s12, $0x2;
	(pc) =	sbr.rel @!p1 .LBB2_6-.Ltmp1, $4  }
0x20: {  	s14 =	simm.s32 @!p0 $0x3  }
0x21: {  	_ =	swait.ge @!p0 [sflag:s14], $0x190  }
0x22: {  	s16 =	sadd.s32 $0x1, s12;
	s13 =	smov.u32 s11;
	[sflag:s14] =	ssyncset.done @!p0 $0x0  }
0x23: {  	s12 =	smov.u32 s16;
	s11 =	smov.u32 s15;
	[sflag:s14] =	ssyncadd.s32 @!p0 $0xFFFFFE70  }
.LBB2_1:
0x24: {  	p0 =	sge.u32 s12, s7  }
0x25: {  	s14 =	sxor.u32 @!p0 $0x1, s12  }
0x26: {  	s14 =	smul.u32 @!p0 $0x640, s14  }
0x27: {  	s31 =	sadd.s32 $0xFFFFFFFF, s12;
	s15 =	sshrl.u32 @!p0 s11, $0x3  }
0x28: {  	s16 =	sand.u32 @!p0 $0x7, s11;
	s15 =	sadd.s32 @!p0 s8, s15;
	s14 =	sshra.s32 @!p0 s14, $0x2  }
0x29: {  	[tilespmem:s14], [sflag:$0x2] =	stream.linear.gather @!p0 [hbm4b:s15+s16], $0x190, $0x38;
	[tilespmem:$0x640] =	vst v63  }
0x2a: {  	p0 =	sge.u32 s31, s7  }
.Ltmp2:
0x2b: {  	_ = 	snop;
	(pc) =	sbr.rel @p0 .LBB2_5-.Ltmp2, $1  }
0x2c: {  	_ =	sdelay $0x3  }
0x2d: {  	s14 =	sand.u32 $0x1, s12  }
0x2e: {  	_ =	swait.ge [sflag:s6], $0x190;
	p0 =	seq.s32 s14, $0x1;
	s14 =	simm.s32 $0x190  }
0x2f: {  	[sflag:s6] =	ssyncset.done $0x0;
	s14 =	simm.s32 @!p0 $0x0  }
0x30: {  	[sflag:s6] =	ssyncadd.s32 $0xFFFFFE70;
	(ifvalue) =	ssetifvalue $0x7FFFFFFF;
	v0 =	vld.msk [tilespmem:s14+$0x0 ss:$0x1], $0xffff;
	_ =	sdelay $0x4  }
0x31: {  	s15 =	sadd.s32 $0x10, s14;
	v2 =	vshrl.u32 v0, $0xE;
	v3 =	vshll.u32 v0, $0x7  }
0x32: {  	v1 =	vld.msk [tilespmem:s15+$0x0 ss:$0x1], $0xffff;
	vm1 =	veq.s32 v0, $0x80000000;
	v0 =	vand.u32 $0xF, v2;
	v2 =	vand.u32 $0x1FFF80, v3  }
0x33: {  	v0 =	vsel vm1, $0xFFFFFFFF, v0;
	v2 =	vsel vm1, $0xFFFFFF80, v2  }
0x34: {  	v3 =	vand.u32 $0xFFFFFC00, v2;
	v4 =	vand.u32 $0xFFFFFC00, v0  }
0x35: {  	v2 =	vand.u32 $0x380, v2;
	v3 =	vadd.s32 v4, v3  }
0x36: {  	v0 =	vand.u32 $0x7F, v0;
	v2 =	vor.u32 v2, v3  }
0x37: {  	v5 =	vshll.u32 v1, $0x7;
	v4 =	vshrl.u32 v1, $0xE;
	v0 =	vor.u32 v0, v2  }
0x38: {  	vm1 =	veq.s32 v1, $0x80000000;
	v1 =	vand.u32 $0xF, v4;
	v4 =	vand.u32 $0x1FFF80, v5  }
0x39: {  	s14 =	sadd.s32 $0x320, s14;
	s15 =	sadd.s32 $0x10, s15;
	v3 =	vsel vm1, $0xFFFFFFFF, v1;
	v4 =	vsel vm1, $0xFFFFFF80, v4  }
0x3a: {  	s16 =	simm.s32 $0x20;
	s17 =	smov.u32 s14;
	v1 =	vld.msk [tilespmem:s15+$0x0 ss:$0x1], $0xffff;
	v5 =	vand.u32 $0xFFFFFC00, v4;
	v6 =	vand.u32 $0xFFFFFC00, v3  }
0x3b: {  	s18 =	sadd.s32 $0x10, s15;
	(ifvalue) =	ssetifvalue $0x7FFFFFFF;
	s15 =	sadd.s32 $0x10, s14;
	v2 =	vand.u32 $0x7F, v3;
	v4 =	vand.u32 $0x380, v4;
	v3 =	vadd.s32 v6, v5  }
.LBB2_3:
0x3c: {  	[tilespmem:s17], [sflag:$0x1] =	stream.indirect_vreg.gather [hbm4b:s3+s10], $0x1, v0, vm0, $0x4038;
	[tilespmem:$0x640] =	vst v63  }
0x3d: {  	s16 =	sadd.s32 $0x10, s16  }
0x3e: {  	v3 =	vor.u32 v4, v3;
	p0 =	slt.u32 s16, $0x180  }
.Ltmp3:
0x3f: {  	v4 =	vshrl.u32 v1, $0xE;
	v5 =	vshll.u32 v1, $0x7;
	s17 =	smov.u32 s15;
	v0 =	vor.u32 v2, v3;
	v2 =	vmovc v1;
	v1 =	vld.msk [tilespmem:s18+$0x0 ss:$0x1], $0xffff;
	(pc) =	sbr.rel @p0 .LBB2_3-.Ltmp3, $4  }
0x40: {  	v3 =	vand.u32 $0x1FFF80, v5;
	vm1 =	veq.s32 v2, $0x80000000;
	v2 =	vand.u32 $0xF, v4  }
0x41: {  	v4 =	vsel vm1, $0xFFFFFFFF, v2;
	v5 =	vsel vm1, $0xFFFFFF80, v3  }
0x42: {  	v2 =	vand.u32 $0x7F, v4;
	v3 =	vand.u32 $0xFFFFFC00, v5;
	v4 =	vand.u32 $0xFFFFFC00, v4  }
0x43: {  	s15 =	sadd.s32 $0x10, s15;
	s18 =	sadd.s32 $0x10, s18;
	v3 =	vadd.s32 v4, v3;
	v4 =	vand.u32 $0x380, v5;
	(ifvalue) =	ssetifvalue $0x7FFFFFFF  }
.Ltmp4:
0x44: {  	_ = 	snop;
	(pc) =	sbr.rel .LBB2_4-.Ltmp4, $1  }
0x45: {  	_ =	sdelay $0x3  }
.LBB2_6:
0x46: {  	_ =	sfence.sel $0x180000  }
0x47: {  	s2 =	simm.s32 $0x2;
	[bflag:$0x0] =	sbarrier.arrive $0xFFFF  }
0x48: {  	s30 =	simm.s32 $0x3;
	[sflag:s2] =	ssyncpa.u1 $0x1  }
0x49: {  	s31 =	simm.s32 $0x1;
	[sflag:s30] =	ssyncpa.u1 $0x1  }
0x4a: {  	[sflag:s31] =	ssyncpa.u1 $0x1  }
0x4b: {  	p0 =	sne.s32 s1, $0x0;
	_ =	strace $0x9000005F  }
0x4c: {  	s0 =	sadd.s32 @!p0 $0x100000, s0;
	[bflag:$0x2] =	sbarrier.arrive $0xFFFF  }
0x4d: {  	[sflag:s0] =	ssyncadd.tile.s32 @!p0 $0x1;
	_ =	shalt  }
.Lfunc_end2:
_tile_overlayer_lowered:
.L_overlay_start_2:
0x4e: {  	(tag) =	ssettag $0x2  }
0x4f: {  	s0 =	rddreg [dreg:$0x0];
	s2 =	stileid.u32  }
0x50: {  	s1 =	rddreg [dreg:$0x1];
	p0 =	sne.s32 s2, $0x0  }
0x51: {  	s3 =	rddreg [dreg:$0x2];
	[bflag:$0x3] =	sbarrier.arrive $0xFFFF;
	s2 =	simm.s32 @!p0 $0x1C01  }
0x52: {  	[timem:s3], [sflag:s2] =	dma.local @!p0 [hbm:s0], s1  }
0x53: {  	s0 =	simm.s32 @!p0 $0x1  }
0x54: {  	_ =	swait.ge @!p0 [sflag:s0], s1  }
0x55: {  	s1 =	ssub.s32 @!p0 $0x0, s1;
	[sflag:s0] =	ssyncset.done @!p0 $0x0  }
0x56: {  	[sflag:s0] =	ssyncadd.s32 @!p0 s1  }
0x57: {  	[bflag:$0x3] =	sbarrier.arrive $0xFFFF  }
0x58: {  	_ =	shalt  }

// kernel: gather_offload_async_start.9
scs
__scs_entry_jumppad:
0x0: {  	(pc) =	sbr.rel $0x88, $3  }
0x1: {  	(tag) =	ssettag $0x0;
	lr =	simm.s32 $0x1  }
0x2: {  	[smem:$0x3F59] =	sst lr;
	_ =	strace $0xD0000000  }
0x3: {  	_ = 	snop  }
0x4: {  	_ = 	snop  }
0x5: {  	_ = 	snop  }
0x6: {  	_ = 	snop  }
0x7: {  	_ = 	snop  }
__scs_overlays_trampoline_lowered:
0x8: {  	[smem:$0x3F68] =	sst s0  }
0x9: {  	[smem:$0x3F69] =	sst s1  }
0xa: {  	[smem:$0x3F6A] =	sst s2  }
0xb: {  	[smem:$0x3F6B] =	sst s3  }
0xc: {  	[smem:$0x3F6C] =	sst s4  }
0xd: {  	[smem:$0x3F6D] =	sst s5  }
0xe: {  	[smem:$0x3F6E] =	sst s6  }
0xf: {  	[smem:$0x3F6F] =	sst s7  }
0x10: {  	[smem:$0x3F70] =	sst s8  }
0x11: {  	[smem:$0x3F71] =	sst s9;
	s0 =	simm.s32 @!p0 $0x0  }
0x12: {  	s1 =	sld [smem:$0x3F57];
	s0 =	simm.s32 @p0 $0x1  }
0x13: {  	[smem:$0x3F72] =	sst s0;
	s0 =	simm.s32 @!p1 $0x0  }
0x14: {  	s2 =	sld [smem:$0x3F56];
	s0 =	simm.s32 @p1 $0x1  }
0x15: {  	[smem:$0x3F73] =	sst s0;
	s0 =	simm.s32 @!p2 $0x0  }
0x16: {  	s3 =	sld [smem:$0x3FDB];
	s0 =	simm.s32 @p2 $0x1  }
0x17: {  	s4 =	simm.s32 $0x1BF5;
	[smem:$0x3F75] =	sst s0  }
0x18: {  	s0 =	sld [smem:$0x3F58];
	_ =	swait.ge [sflag:s4], $0x0  }
0x19: {  	s7 =	sld [smem:$0x3F59]  }
0x1a: {  	s8 =	sadd.s32 $0xFFFFE003, lr  }
0x1b: {  	s9 =	sadd.s32 $0xFFFFFEF7, lr;
	s5 =	simm.s32 $0xFFFFFFFF;
	p2 =	slt.u32 s8, $0xFFFFF086  }
0x1c: {  	p1 =	slt.u32 s9, $0xF7A;
	s5 =	simm.s32 @!p2 $0x0  }
0x1d: {  	s5 =	simm.s32 @p1 $0x1;
	p0 =	seq.s32 s7, s2  }
0x1e: {  	s7 =	smul.u32 @!p0 $0xF7A, s2;
	p2 =	seq.s32 @!p0 s5, $0x0  }
0x1f: {  	s9 =	smul.u32 $0xF7A, s1;
	s8 =	simm.s32 @!p0 $0x1BF5;
	p2 =	por !p2, p0  }
0x20: {  	[sflag:s8] =	ssyncset.s32 @!p0 $0xFFFFF086;
	s6 =	sadd.s32 @!p0 s3, s7;
	s7 =	simm.s32 @!p0 $0x108  }
0x21: {  	s3 =	sadd.s32 s3, s9;
	s6 =	sadd.s32 @!p0 $0x88, s6;
	s7 =	simm.s32 @p2 $0x1082  }
0x22: {  	[simem:s7], [sflag:s8] =	dma.local @!p0 [hbm:s6], $0xF7A  }
0x23: {  	s9 =	sor.u32 $0xD0000000, s2;
	s6 =	simm.s32 $0x108;
	_ =	swait.ge @!p0 [sflag:s8], $0x0  }
0x24: {  	s3 =	sadd.s32 $0x88, s3;
	s6 =	simm.s32 @!p1 $0x1082;
	[sflag:s4] =	ssyncset.s32 $0xFFFFF086  }
0x25: {  	[simem:s6], [sflag:s4] =	dma.local [hbm:s3], $0xF7A  }
0x26: {  	[smem:$0x3F59] =	sst s1;
	(tag) =	ssettag s2;
	_ =	strace s9  }
0x27: {  	s1 =	sld [smem:$0x3F69]  }
0x28: {  	s2 =	sld [smem:$0x3F6A]  }
0x29: {  	s4 =	sld [smem:$0x3F6C]  }
0x2a: {  	p0 =	seq.s32 s5, $0x0;
	s5 =	sld [smem:$0x3F6D]  }
0x2b: {  	s6 =	sld [smem:$0x3F6E]  }
0x2c: {  	s7 =	sld [smem:$0x3F6F]  }
0x2d: {  	s3 =	simm.s32 $0x108;
	s8 =	sld [smem:$0x3F70]  }
0x2e: {  	s3 =	simm.s32 @!p0 $0x1082;
	s9 =	sld [smem:$0x3F71]  }
0x2f: {  	lr =	sadd.s32 s0, s3;
	s0 =	sld [smem:$0x3F68]  }
0x30: {  	s3 =	sld [smem:$0x3F6B]  }
0x31: {  	[smem:$0x3F74] =	sst s10  }
0x32: {  	s10 =	sld [smem:$0x3F72];
	_ =	sdelay $0x3  }
0x33: {  	p0 =	seq.s32 s10, $0x1;
	s10 =	sld [smem:$0x3F74];
	_ =	sdelay $0x3  }
0x34: {  	[smem:$0x3F74] =	sst s10  }
0x35: {  	s10 =	sld [smem:$0x3F73];
	_ =	sdelay $0x3  }
0x36: {  	p1 =	seq.s32 s10, $0x1;
	s10 =	sld [smem:$0x3F74];
	_ =	sdelay $0x3  }
0x37: {  	[smem:$0x3F74] =	sst s10  }
0x38: {  	s10 =	sld [smem:$0x3F75]  }
0x39: {  	_ = 	snop;
	(pc) =	sbr.ind lr, $3  }
0x3a: {  	_ = 	snop  }
0x3b: {  	_ = 	snop  }
0x3c: {  	p2 =	seq.s32 s10, $0x1;
	s10 =	sld [smem:$0x3F74]  }
0x3d: {  	_ =	shalt  }
0x3e: {  	_ =	shalt  }
0x3f: {  	_ =	shalt  }
0x40: {  	_ =	shalt  }
0x41: {  	_ =	shalt  }
0x42: {  	_ =	shalt  }
0x43: {  	_ =	shalt  }
0x44: {  	_ =	shalt  }
0x45: {  	_ =	shalt  }
0x46: {  	_ =	shalt  }
0x47: {  	_ =	shalt  }
0x48: {  	_ =	shalt  }
0x49: {  	_ =	shalt  }
0x4a: {  	_ =	shalt  }
0x4b: {  	_ =	shalt  }
0x4c: {  	_ =	shalt  }
0x4d: {  	_ =	shalt  }
0x4e: {  	_ =	shalt  }
0x4f: {  	_ =	shalt  }
0x50: {  	_ =	shalt  }
0x51: {  	_ =	shalt  }
0x52: {  	_ =	shalt  }
0x53: {  	_ =	shalt  }
0x54: {  	_ =	shalt  }
0x55: {  	_ =	shalt  }
0x56: {  	_ =	shalt  }
0x57: {  	_ =	shalt  }
0x58: {  	_ =	shalt  }
0x59: {  	_ =	shalt  }
0x5a: {  	_ =	shalt  }
0x5b: {  	_ =	shalt  }
0x5c: {  	_ =	shalt  }
0x5d: {  	_ =	shalt  }
0x5e: {  	_ =	shalt  }
0x5f: {  	_ =	shalt  }
0x60: {  	_ =	shalt  }
0x61: {  	_ =	shalt  }
0x62: {  	_ =	shalt  }
0x63: {  	_ =	shalt  }
0x64: {  	_ =	shalt  }
0x65: {  	_ =	shalt  }
0x66: {  	_ =	shalt  }
0x67: {  	_ =	shalt  }
0x68: {  	_ =	shalt  }
0x69: {  	_ =	shalt  }
0x6a: {  	_ =	shalt  }
0x6b: {  	_ =	shalt  }
0x6c: {  	_ =	shalt  }
0x6d: {  	_ =	shalt  }
0x6e: {  	_ =	shalt  }
0x6f: {  	_ =	shalt  }
0x70: {  	_ =	shalt  }
0x71: {  	_ =	shalt  }
0x72: {  	_ =	shalt  }
0x73: {  	_ =	shalt  }
0x74: {  	_ =	shalt  }
0x75: {  	_ =	shalt  }
0x76: {  	_ =	shalt  }
0x77: {  	_ =	shalt  }
0x78: {  	_ =	shalt  }
0x79: {  	_ =	shalt  }
0x7a: {  	_ =	shalt  }
0x7b: {  	_ =	shalt  }
0x7c: {  	_ =	shalt  }
0x7d: {  	_ =	shalt  }
0x7e: {  	_ =	shalt  }
0x7f: {  	_ =	shalt  }
0x80: {  	_ =	shalt  }
0x81: {  	_ =	shalt  }
0x82: {  	_ =	shalt  }
0x83: {  	_ =	shalt  }
0x84: {  	_ =	shalt  }
0x85: {  	_ =	shalt  }
0x86: {  	_ =	shalt  }
0x87: {  	_ =	shalt  }
.Lfunc_end0:
.L_simem_size_0:
called_computation.9_lowered:
.L_overlay_start_0:
0x88: {  	s0 =	sld [smem:$0x3FD9]  }
0x89: {  	s1 =	sld [smem:$0x3FFE];
	_ =	sdelay $0x3  }
0x8a: {  	s0 =	sadd.s32 s1, s0  }
0x8b: {  	[smem:$0x3F80] =	sst s0  }
0x8c: {  	_ = 	snop  }
0x8d: {  	s0 =	sld [smem:$0x3FD0];
	_ =	sdelay $0x2  }
0x8e: {  	s13 =	simm.s32 $0xE;
	s2 =	simm.s32 $0x10  }
0x8f: {  	[smem:s2], [sflag:s13] =	dma.local [hbm:s0], $0x1  }
0x90: {  	_ =	swait.eq [sflag:s13], $0x1  }
0x91: {  	[sflag:s13] =	ssyncset.done $0x0  }
0x92: {  	[sflag:s13] =	ssyncadd.s32 $0xFFFFFFFF  }
0x93: {  	s14 =	sld [smem:$0x10];
	(tm) =	ssettm $0x1  }
0x94: {  	s15 =	sld [smem:$0x3FFB];
	_ =	sdelay $0x3  }
0x95: {  	_ =	strace s15  }
0x96: {  	s1 =	sld [smem:$0x3FFC];
	_ =	sdelay $0x3  }
0x97: {  	_ =	strace s1  }
0x98: {  	s1 =	sld [smem:$0x3FFD];
	_ =	sdelay $0x3  }
0x99: {  	_ =	strace s1  }
0x9a: {  	_ =	strace $0x8FFFFFFF  }
0x9b: {  	s16 =	sld [smem:$0x3FDB];
	_ =	sdelay $0x1  }
0x9c: {  	s17 =	simm.s32 $_scs_section_size  }
0x9d: {  	s3 =	simm.s32 $_size__tile_overlayer_lowered;
	s4 =	simm.s32 $_tile_overlayer_lowered  }
0x9e: {  	s20 =	simm.s32 $0x1BFF;
	s19 =	sshll.u32 s4, $0x1;
	s1 =	sadd.s32 s17, s16  }
0x9f: {  	s5 =	simm.s32 $0x0;
	s18 =	sshll.u32 s3, $0x1;
	s3 =	sadd.s32 s19, s1  }
0xa0: {  	[timem:s5], [sflag:s20] =	dma.local [hbm:s3], s18  }
0xa1: {  	_ =	swait.ge [sflag:s20], s18  }
0xa2: {  	s2 =	ssub.s32 $0x0, s18;
	[sflag:s20] =	ssyncset.done $0x0  }
0xa3: {  	[sflag:s20] =	ssyncadd.s32 s2;
	_ =	sdelay $0x1  }
0xa4: {  	s21 =	simm.s32 $0x1B8B  }
0xa5: {  	_ =	swait.ge [sflag:s21], $0x1  }
0xa6: {  	[sflag:s21] =	ssyncset.done $0x0  }
0xa7: {  	s23 =	simm.s32 $0x1B8E;
	s22 =	sld [smem:$0x3FFE];
	[sflag:s21] =	ssyncadd.s32 $0xFFFFFFFF  }
0xa8: {  	s24 =	simm.s32 $execute0_lowered;
	[smem:$0x3FD2] =	sst s23  }
0xa9: {  	s3 =	sshll.u32 s24, $0x1;
	_ =	strace $0x80000061;
	[dreg:$0x1] =	wrdreg $0xFFFFFFFF  }
0xaa: {  	s25 =	simm.s32 $_size_execute0_lowered;
	s1 =	sadd.s32 s1, s3;
	[dreg:$0x0] =	wrdreg $0x0  }
0xab: {  	s3 =	sshll.u32 s25, $0x1;
	[dreg:$0x2] =	wrdreg s1  }
0xac: {  	[dreg:$0x3] =	wrdreg s3  }
0xad: {  	[dreg:$0x4] =	wrdreg $0xC0  }
0xae: {  	_ =	task [dreg:s5], $0x5FFFF  }
0xaf: {  	[dreg:$0x1] =	wrdreg $0xFFFFFFFF  }
0xb0: {  	[dreg:$0x0] =	wrdreg $0x60  }
0xb1: {  	[dreg:$0x2] =	wrdreg s22  }
0xb2: {  	[dreg:$0x3] =	wrdreg s14  }
0xb3: {  	[dreg:$0x4] =	wrdreg $0x9  }
0xb4: {  	_ =	task.clear_ibuf [dreg:s5], $0x5FFFF;
	_ =	strace $0x90000061  }
0xb5: {  	s26 =	simm.s32 $0x9;
	_ =	strace $0x80000063  }
0xb6: {  	_ =	swait.ge [sflag:s26], $0x1  }
0xb7: {  	[sflag:s26] =	ssyncadd.s32 $0xFFFFFFFF  }
0xb8: {  	_ =	strace $0x90000063  }
0xb9: {  	_ =	sfence  }
0xba: {  	s28 =	sld [smem:$0x0];
	_ =	sdelay $0x1  }
0xbb: {  	s29 =	srdreg.scid  }
0xbc: {  	s30 =	sshll.u32 s29, $0xD;
	s31 =	sshrl.u32 s29, $0x2  }
0xbd: {  	s2 =	sand.u32 $0x4000, s30;
	s1 =	sand.u32 $0x1, s29;
	s0 =	sadd.s32 s31, s28  }
0xbe: {  	s1 =	sor.u32 s2, s1;
	s0 =	sshll.u32 s0, $0x11  }
0xbf: {  	s0 =	sor.u32 s0, s1  }
0xc0: {  	s0 =	sadd.s32 $0x8F2B, s0  }
0xc1: {  	[sflag:s0] =	ssyncadd.remote.s32 $0x1  }
0xc2: {  	_ =	sfence.sel $0xFFFF  }
0xc3: {  	[dreg:$0x0] =	wrdreg $0xFFFFFFFF;
	(pc) =	sbr.abs _section_cstart, $3  }
0xc4: {  	[dreg:$0x1] =	wrdreg $0xFFFFFFFF  }
0xc5: {  	_ =	task.clear_ibuf [dreg:s5], $0x2FFFF;
	_ =	strace $0x9FFFFFFF  }
0xc6: {  	(tm) =	ssettm $0x7FFFFFFF  }
0xc7: {  	_ =	shalt  }
tec
execute0_lowered:
.L_overlay_start_1:
0x0: {  	(tag) =	ssettag $0x1  }
0x1: {  	s8 =	rddreg [dreg:$0x0]  }
0x2: {  	s2 =	rddreg [dreg:$0x1]  }
0x3: {  	s0 =	rddreg [dreg:$0x2]  }
0x4: {  	_ =	strace $0x80000062;
	s4 =	simm.s32 $0x1;
	s1 =	stileid.u32  }
0x5: {  	s7 =	simm.s32 $0x1;
	s9 =	simm.s32 $0x1;
	s6 =	simm.s32 $0x2  }
0x6: {  	s10 =	simm.s32 $0x3;
	s13 =	simm.s32 $0x0;
	s12 =	simm.s32 $0x0  }
.Ltmp0:
0x7: {  	s3 =	sadd.s32 $0x18C00, s8;
	p0 =	slt.u32 s1, $0xA;
	(pc) =	sbr.rel .LBB2_1-.Ltmp0, $4  }
0x8: {  	[sflag:s4] =	ssyncpa.u1 $0x0;
	s7 =	simm.s32 @!p0 $0x0;
	p0 =	sne.s32 s1, $0x9  }
0x9: {  	s5 =	smul.u32 $0x190, s1;
	[sflag:s6] =	ssyncpa.u1 $0x0;
	s9 =	simm.s32 @!p0 $0x0  }
0xa: {  	s8 =	sadd.s32 $0x16400, s8;
	[sflag:s10] =	ssyncpa.u1 $0x0;
	s7 =	sadd.s32 s9, s7  }
0xb: {  	vm0 =	vmmov $0xffff;
	s10 =	simm.s32 $0x0;
	s11 =	smov.u32 s5;
	s9 =	sadd.s32 $0x1, s7  }
.LBB2_4:
0xc: {  	v5 =	vshrl.u32 v1, $0xE;
	v6 =	vshll.u32 v1, $0x7  }
0xd: {  	vm1 =	veq.s32 v1, $0x80000000;
	v58 =	vand.u32 $0xF, v5;
	v59 =	vand.u32 $0x1FFF80, v6  }
0xe: {  	v1 =	vsel vm1, $0xFFFFFFFF, v58;
	v5 =	vsel vm1, $0xFFFFFF80, v59  }
0xf: {  	v3 =	vor.u32 v4, v3;
	v60 =	vand.u32 $0xFFFFFC00, v5;
	v61 =	vand.u32 $0xFFFFFC00, v1  }
0x10: {  	v2 =	vor.u32 v2, v3;
	v63 =	vand.u32 $0x380, v5;
	v62 =	vadd.s32 v61, v60  }
0x11: {  	v1 =	vand.u32 $0x7F, v1;
	v3 =	vor.u32 v63, v62  }
0x12: {  	v1 =	vor.u32 v1, v3  }
0x13: {  	[tilespmem:s17], [sflag:$0x1] =	stream.indirect_vreg.gather [hbm4b:s3+s10], $0x1, v0, vm0, $0x4038;
	[tilespmem:$0x640] =	vst v63  }
0x14: {  	(ifvalue) =	ssetifvalue $0x7FFFFFFF  }
0x15: {  	[tilespmem:s15], [sflag:$0x1] =	stream.indirect_vreg.gather [hbm4b:s3+s10], $0x1, v2, vm0, $0x4038;
	[tilespmem:$0x640] =	vst v63  }
0x16: {  	s29 =	sadd.s32 $0x10, s15;
	(ifvalue) =	ssetifvalue $0x7FFFFFFF  }
0x17: {  	[tilespmem:s29], [sflag:$0x1] =	stream.indirect_vreg.gather [hbm4b:s3+s10], $0x1, v1, vm0, $0x4038;
	[tilespmem:$0x640] =	vst v63  }
0x18: {  	_ =	swait.ge [sflag:s4], $0x190  }
0x19: {  	s30 =	sshrl.u32 s13, $0x3;
	[sflag:s4] =	ssyncset.done $0x0  }
0x1a: {  	s31 =	sand.u32 $0x7, s13;
	s15 =	sadd.s32 s2, s30;
	[sflag:s4] =	ssyncadd.s32 $0xFFFFFE70  }
0x1b: {  	[hbm4b:s15+s31] =	stream.linear.scatter [tilespmem:s14], [sflag:$0x3], $0x190, $0x38;
	[tilespmem:$0x640] =	vst v63  }
.LBB2_5:
0x1c: {  	s15 =	sadd.s32 $0x1900, s11  }
0x1d: {  	p1 =	sgt.s32 s15, $0x270F  }
0x1e: {  	s15 =	smov.u32 @p1 s5;
	p1 =	sne.s32 s12, s9  }
.Ltmp1:
0x1f: {  	p0 =	slt.u32 s12, $0x2;
	(pc) =	sbr.rel @!p1 .LBB2_6-.Ltmp1, $4  }
0x20: {  	s14 =	simm.s32 @!p0 $0x3  }
0x21: {  	_ =	swait.ge @!p0 [sflag:s14], $0x190  }
0x22: {  	s16 =	sadd.s32 $0x1, s12;
	s13 =	smov.u32 s11;
	[sflag:s14] =	ssyncset.done @!p0 $0x0  }
0x23: {  	s12 =	smov.u32 s16;
	s11 =	smov.u32 s15;
	[sflag:s14] =	ssyncadd.s32 @!p0 $0xFFFFFE70  }
.LBB2_1:
0x24: {  	p0 =	sge.u32 s12, s7  }
0x25: {  	s14 =	sxor.u32 @!p0 $0x1, s12  }
0x26: {  	s14 =	smul.u32 @!p0 $0x640, s14  }
0x27: {  	s31 =	sadd.s32 $0xFFFFFFFF, s12;
	s15 =	sshrl.u32 @!p0 s11, $0x3  }
0x28: {  	s16 =	sand.u32 @!p0 $0x7, s11;
	s15 =	sadd.s32 @!p0 s8, s15;
	s14 =	sshra.s32 @!p0 s14, $0x2  }
0x29: {  	[tilespmem:s14], [sflag:$0x2] =	stream.linear.gather @!p0 [hbm4b:s15+s16], $0x190, $0x38;
	[tilespmem:$0x640] =	vst v63  }
0x2a: {  	p0 =	sge.u32 s31, s7  }
.Ltmp2:
0x2b: {  	_ = 	snop;
	(pc) =	sbr.rel @p0 .LBB2_5-.Ltmp2, $1  }
0x2c: {  	_ =	sdelay $0x3  }
0x2d: {  	s14 =	sand.u32 $0x1, s12  }
0x2e: {  	_ =	swait.ge [sflag:s6], $0x190;
	p0 =	seq.s32 s14, $0x1;
	s14 =	simm.s32 $0x190  }
0x2f: {  	[sflag:s6] =	ssyncset.done $0x0;
	s14 =	simm.s32 @!p0 $0x0  }
0x30: {  	[sflag:s6] =	ssyncadd.s32 $0xFFFFFE70;
	(ifvalue) =	ssetifvalue $0x7FFFFFFF;
	v0 =	vld.msk [tilespmem:s14+$0x0 ss:$0x1], $0xffff;
	_ =	sdelay $0x4  }
0x31: {  	s15 =	sadd.s32 $0x10, s14;
	v2 =	vshrl.u32 v0, $0xE;
	v3 =	vshll.u32 v0, $0x7  }
0x32: {  	v1 =	vld.msk [tilespmem:s15+$0x0 ss:$0x1], $0xffff;
	vm1 =	veq.s32 v0, $0x80000000;
	v0 =	vand.u32 $0xF, v2;
	v2 =	vand.u32 $0x1FFF80, v3  }
0x33: {  	v0 =	vsel vm1, $0xFFFFFFFF, v0;
	v2 =	vsel vm1, $0xFFFFFF80, v2  }
0x34: {  	v3 =	vand.u32 $0xFFFFFC00, v2;
	v4 =	vand.u32 $0xFFFFFC00, v0  }
0x35: {  	v2 =	vand.u32 $0x380, v2;
	v3 =	vadd.s32 v4, v3  }
0x36: {  	v0 =	vand.u32 $0x7F, v0;
	v2 =	vor.u32 v2, v3  }
0x37: {  	v5 =	vshll.u32 v1, $0x7;
	v4 =	vshrl.u32 v1, $0xE;
	v0 =	vor.u32 v0, v2  }
0x38: {  	vm1 =	veq.s32 v1, $0x80000000;
	v1 =	vand.u32 $0xF, v4;
	v4 =	vand.u32 $0x1FFF80, v5  }
0x39: {  	s14 =	sadd.s32 $0x320, s14;
	s15 =	sadd.s32 $0x10, s15;
	v3 =	vsel vm1, $0xFFFFFFFF, v1;
	v4 =	vsel vm1, $0xFFFFFF80, v4  }
0x3a: {  	s16 =	simm.s32 $0x20;
	s17 =	smov.u32 s14;
	v1 =	vld.msk [tilespmem:s15+$0x0 ss:$0x1], $0xffff;
	v5 =	vand.u32 $0xFFFFFC00, v4;
	v6 =	vand.u32 $0xFFFFFC00, v3  }
0x3b: {  	s18 =	sadd.s32 $0x10, s15;
	(ifvalue) =	ssetifvalue $0x7FFFFFFF;
	s15 =	sadd.s32 $0x10, s14;
	v2 =	vand.u32 $0x7F, v3;
	v4 =	vand.u32 $0x380, v4;
	v3 =	vadd.s32 v6, v5  }
.LBB2_3:
0x3c: {  	[tilespmem:s17], [sflag:$0x1] =	stream.indirect_vreg.gather [hbm4b:s3+s10], $0x1, v0, vm0, $0x4038;
	[tilespmem:$0x640] =	vst v63  }
0x3d: {  	s16 =	sadd.s32 $0x10, s16  }
0x3e: {  	v3 =	vor.u32 v4, v3;
	p0 =	slt.u32 s16, $0x180  }
.Ltmp3:
0x3f: {  	v4 =	vshrl.u32 v1, $0xE;
	v5 =	vshll.u32 v1, $0x7;
	s17 =	smov.u32 s15;
	v0 =	vor.u32 v2, v3;
	v2 =	vmovc v1;
	v1 =	vld.msk [tilespmem:s18+$0x0 ss:$0x1], $0xffff;
	(pc) =	sbr.rel @p0 .LBB2_3-.Ltmp3, $4  }
0x40: {  	v3 =	vand.u32 $0x1FFF80, v5;
	vm1 =	veq.s32 v2, $0x80000000;
	v2 =	vand.u32 $0xF, v4  }
0x41: {  	v4 =	vsel vm1, $0xFFFFFFFF, v2;
	v5 =	vsel vm1, $0xFFFFFF80, v3  }
0x42: {  	v2 =	vand.u32 $0x7F, v4;
	v3 =	vand.u32 $0xFFFFFC00, v5;
	v4 =	vand.u32 $0xFFFFFC00, v4  }
0x43: {  	s15 =	sadd.s32 $0x10, s15;
	s18 =	sadd.s32 $0x10, s18;
	v3 =	vadd.s32 v4, v3;
	v4 =	vand.u32 $0x380, v5;
	(ifvalue) =	ssetifvalue $0x7FFFFFFF  }
.Ltmp4:
0x44: {  	_ = 	snop;
	(pc) =	sbr.rel .LBB2_4-.Ltmp4, $1  }
0x45: {  	_ =	sdelay $0x3  }
.LBB2_6:
0x46: {  	_ =	sfence.sel $0x180000  }
0x47: {  	s2 =	simm.s32 $0x2;
	[bflag:$0x0] =	sbarrier.arrive $0xFFFF  }
0x48: {  	s30 =	simm.s32 $0x3;
	[sflag:s2] =	ssyncpa.u1 $0x1  }
0x49: {  	s31 =	simm.s32 $0x1;
	[sflag:s30] =	ssyncpa.u1 $0x1  }
0x4a: {  	[sflag:s31] =	ssyncpa.u1 $0x1  }
0x4b: {  	p0 =	sne.s32 s1, $0x0;
	_ =	strace $0x90000062  }
0x4c: {  	s0 =	sadd.s32 @!p0 $0x100000, s0;
	[bflag:$0x2] =	sbarrier.arrive $0xFFFF  }
0x4d: {  	[sflag:s0] =	ssyncadd.tile.s32 @!p0 $0x1;
	_ =	shalt  }
.Lfunc_end2:
_tile_overlayer_lowered:
.L_overlay_start_2:
0x4e: {  	(tag) =	ssettag $0x2  }
0x4f: {  	s0 =	rddreg [dreg:$0x0];
	s2 =	stileid.u32  }
0x50: {  	s1 =	rddreg [dreg:$0x1];
	p0 =	sne.s32 s2, $0x0  }
0x51: {  	s3 =	rddreg [dreg:$0x2];
	[bflag:$0x3] =	sbarrier.arrive $0xFFFF;
	s2 =	simm.s32 @!p0 $0x1C01  }
0x52: {  	[timem:s3], [sflag:s2] =	dma.local @!p0 [hbm:s0], s1  }
0x53: {  	s0 =	simm.s32 @!p0 $0x1  }
0x54: {  	_ =	swait.ge @!p0 [sflag:s0], s1  }
0x55: {  	s1 =	ssub.s32 @!p0 $0x0, s1;
	[sflag:s0] =	ssyncset.done @!p0 $0x0  }
0x56: {  	[sflag:s0] =	ssyncadd.s32 @!p0 s1  }
0x57: {  	[bflag:$0x3] =	sbarrier.arrive $0xFFFF  }
0x58: {  	_ =	shalt  }

// kernel: gather_offload_async_start
scs
__scs_entry_jumppad:
0x0: {  	(pc) =	sbr.rel $0x88, $3  }
0x1: {  	(tag) =	ssettag $0x0;
	lr =	simm.s32 $0x1  }
0x2: {  	[smem:$0x3F59] =	sst lr;
	_ =	strace $0xD0000000  }
0x3: {  	_ = 	snop  }
0x4: {  	_ = 	snop  }
0x5: {  	_ = 	snop  }
0x6: {  	_ = 	snop  }
0x7: {  	_ = 	snop  }
__scs_overlays_trampoline_lowered:
0x8: {  	[smem:$0x3F68] =	sst s0  }
0x9: {  	[smem:$0x3F69] =	sst s1  }
0xa: {  	[smem:$0x3F6A] =	sst s2  }
0xb: {  	[smem:$0x3F6B] =	sst s3  }
0xc: {  	[smem:$0x3F6C] =	sst s4  }
0xd: {  	[smem:$0x3F6D] =	sst s5  }
0xe: {  	[smem:$0x3F6E] =	sst s6  }
0xf: {  	[smem:$0x3F6F] =	sst s7  }
0x10: {  	[smem:$0x3F70] =	sst s8  }
0x11: {  	[smem:$0x3F71] =	sst s9;
	s0 =	simm.s32 @!p0 $0x0  }
0x12: {  	s1 =	sld [smem:$0x3F57];
	s0 =	simm.s32 @p0 $0x1  }
0x13: {  	[smem:$0x3F72] =	sst s0;
	s0 =	simm.s32 @!p1 $0x0  }
0x14: {  	s2 =	sld [smem:$0x3F56];
	s0 =	simm.s32 @p1 $0x1  }
0x15: {  	[smem:$0x3F73] =	sst s0;
	s0 =	simm.s32 @!p2 $0x0  }
0x16: {  	s3 =	sld [smem:$0x3FDB];
	s0 =	simm.s32 @p2 $0x1  }
0x17: {  	s4 =	simm.s32 $0x1BF5;
	[smem:$0x3F75] =	sst s0  }
0x18: {  	s0 =	sld [smem:$0x3F58];
	_ =	swait.ge [sflag:s4], $0x0  }
0x19: {  	s7 =	sld [smem:$0x3F59]  }
0x1a: {  	s8 =	sadd.s32 $0xFFFFE003, lr  }
0x1b: {  	s9 =	sadd.s32 $0xFFFFFEF7, lr;
	s5 =	simm.s32 $0xFFFFFFFF;
	p2 =	slt.u32 s8, $0xFFFFF086  }
0x1c: {  	p1 =	slt.u32 s9, $0xF7A;
	s5 =	simm.s32 @!p2 $0x0  }
0x1d: {  	s5 =	simm.s32 @p1 $0x1;
	p0 =	seq.s32 s7, s2  }
0x1e: {  	s7 =	smul.u32 @!p0 $0xF7A, s2;
	p2 =	seq.s32 @!p0 s5, $0x0  }
0x1f: {  	s9 =	smul.u32 $0xF7A, s1;
	s8 =	simm.s32 @!p0 $0x1BF5;
	p2 =	por !p2, p0  }
0x20: {  	[sflag:s8] =	ssyncset.s32 @!p0 $0xFFFFF086;
	s6 =	sadd.s32 @!p0 s3, s7;
	s7 =	simm.s32 @!p0 $0x108  }
0x21: {  	s3 =	sadd.s32 s3, s9;
	s6 =	sadd.s32 @!p0 $0x88, s6;
	s7 =	simm.s32 @p2 $0x1082  }
0x22: {  	[simem:s7], [sflag:s8] =	dma.local @!p0 [hbm:s6], $0xF7A  }
0x23: {  	s9 =	sor.u32 $0xD0000000, s2;
	s6 =	simm.s32 $0x108;
	_ =	swait.ge @!p0 [sflag:s8], $0x0  }
0x24: {  	s3 =	sadd.s32 $0x88, s3;
	s6 =	simm.s32 @!p1 $0x1082;
	[sflag:s4] =	ssyncset.s32 $0xFFFFF086  }
0x25: {  	[simem:s6], [sflag:s4] =	dma.local [hbm:s3], $0xF7A  }
0x26: {  	[smem:$0x3F59] =	sst s1;
	(tag) =	ssettag s2;
	_ =	strace s9  }
0x27: {  	s1 =	sld [smem:$0x3F69]  }
0x28: {  	s2 =	sld [smem:$0x3F6A]  }
0x29: {  	s4 =	sld [smem:$0x3F6C]  }
0x2a: {  	p0 =	seq.s32 s5, $0x0;
	s5 =	sld [smem:$0x3F6D]  }
0x2b: {  	s6 =	sld [smem:$0x3F6E]  }
0x2c: {  	s7 =	sld [smem:$0x3F6F]  }
0x2d: {  	s3 =	simm.s32 $0x108;
	s8 =	sld [smem:$0x3F70]  }
0x2e: {  	s3 =	simm.s32 @!p0 $0x1082;
	s9 =	sld [smem:$0x3F71]  }
0x2f: {  	lr =	sadd.s32 s0, s3;
	s0 =	sld [smem:$0x3F68]  }
0x30: {  	s3 =	sld [smem:$0x3F6B]  }
0x31: {  	[smem:$0x3F74] =	sst s10  }
0x32: {  	s10 =	sld [smem:$0x3F72];
	_ =	sdelay $0x3  }
0x33: {  	p0 =	seq.s32 s10, $0x1;
	s10 =	sld [smem:$0x3F74];
	_ =	sdelay $0x3  }
0x34: {  	[smem:$0x3F74] =	sst s10  }
0x35: {  	s10 =	sld [smem:$0x3F73];
	_ =	sdelay $0x3  }
0x36: {  	p1 =	seq.s32 s10, $0x1;
	s10 =	sld [smem:$0x3F74];
	_ =	sdelay $0x3  }
0x37: {  	[smem:$0x3F74] =	sst s10  }
0x38: {  	s10 =	sld [smem:$0x3F75]  }
0x39: {  	_ = 	snop;
	(pc) =	sbr.ind lr, $3  }
0x3a: {  	_ = 	snop  }
0x3b: {  	_ = 	snop  }
0x3c: {  	p2 =	seq.s32 s10, $0x1;
	s10 =	sld [smem:$0x3F74]  }
0x3d: {  	_ =	shalt  }
0x3e: {  	_ =	shalt  }
0x3f: {  	_ =	shalt  }
0x40: {  	_ =	shalt  }
0x41: {  	_ =	shalt  }
0x42: {  	_ =	shalt  }
0x43: {  	_ =	shalt  }
0x44: {  	_ =	shalt  }
0x45: {  	_ =	shalt  }
0x46: {  	_ =	shalt  }
0x47: {  	_ =	shalt  }
0x48: {  	_ =	shalt  }
0x49: {  	_ =	shalt  }
0x4a: {  	_ =	shalt  }
0x4b: {  	_ =	shalt  }
0x4c: {  	_ =	shalt  }
0x4d: {  	_ =	shalt  }
0x4e: {  	_ =	shalt  }
0x4f: {  	_ =	shalt  }
0x50: {  	_ =	shalt  }
0x51: {  	_ =	shalt  }
0x52: {  	_ =	shalt  }
0x53: {  	_ =	shalt  }
0x54: {  	_ =	shalt  }
0x55: {  	_ =	shalt  }
0x56: {  	_ =	shalt  }
0x57: {  	_ =	shalt  }
0x58: {  	_ =	shalt  }
0x59: {  	_ =	shalt  }
0x5a: {  	_ =	shalt  }
0x5b: {  	_ =	shalt  }
0x5c: {  	_ =	shalt  }
0x5d: {  	_ =	shalt  }
0x5e: {  	_ =	shalt  }
0x5f: {  	_ =	shalt  }
0x60: {  	_ =	shalt  }
0x61: {  	_ =	shalt  }
0x62: {  	_ =	shalt  }
0x63: {  	_ =	shalt  }
0x64: {  	_ =	shalt  }
0x65: {  	_ =	shalt  }
0x66: {  	_ =	shalt  }
0x67: {  	_ =	shalt  }
0x68: {  	_ =	shalt  }
0x69: {  	_ =	shalt  }
0x6a: {  	_ =	shalt  }
0x6b: {  	_ =	shalt  }
0x6c: {  	_ =	shalt  }
0x6d: {  	_ =	shalt  }
0x6e: {  	_ =	shalt  }
0x6f: {  	_ =	shalt  }
0x70: {  	_ =	shalt  }
0x71: {  	_ =	shalt  }
0x72: {  	_ =	shalt  }
0x73: {  	_ =	shalt  }
0x74: {  	_ =	shalt  }
0x75: {  	_ =	shalt  }
0x76: {  	_ =	shalt  }
0x77: {  	_ =	shalt  }
0x78: {  	_ =	shalt  }
0x79: {  	_ =	shalt  }
0x7a: {  	_ =	shalt  }
0x7b: {  	_ =	shalt  }
0x7c: {  	_ =	shalt  }
0x7d: {  	_ =	shalt  }
0x7e: {  	_ =	shalt  }
0x7f: {  	_ =	shalt  }
0x80: {  	_ =	shalt  }
0x81: {  	_ =	shalt  }
0x82: {  	_ =	shalt  }
0x83: {  	_ =	shalt  }
0x84: {  	_ =	shalt  }
0x85: {  	_ =	shalt  }
0x86: {  	_ =	shalt  }
0x87: {  	_ =	shalt  }
.Lfunc_end0:
.L_simem_size_0:
called_computation_lowered:
.L_overlay_start_0:
0x88: {  	s2 =	sld [smem:$0x3FD9]  }
0x89: {  	s3 =	sld [smem:$0x3FFE];
	_ =	sdelay $0x1  }
0x8a: {  	s1 =	srdreg.scid  }
0x8b: {  	s0 =	sand.u32 $0x1, s1  }
0x8c: {  	s17 =	sshll.u32 s0, $0xA;
	s2 =	sadd.s32 s3, s2  }
0x8d: {  	s2 =	sadd.s32 s2, s17  }
0x8e: {  	[smem:$0x3F80] =	sst s2  }
0x8f: {  	_ = 	snop  }
0x90: {  	(tm) =	ssettm $0x1  }
0x91: {  	s18 =	sld [smem:$0x3FFB];
	_ =	sdelay $0x3  }
0x92: {  	_ =	strace s18  }
0x93: {  	s2 =	sld [smem:$0x3FFC];
	_ =	sdelay $0x3  }
0x94: {  	_ =	strace s2  }
0x95: {  	s2 =	sld [smem:$0x3FFD];
	_ =	sdelay $0x3  }
0x96: {  	_ =	strace s2  }
0x97: {  	_ =	strace $0x8FFFFFFF  }
0x98: {  	s19 =	sld [smem:$0x3FDB];
	_ =	sdelay $0x1  }
0x99: {  	s20 =	simm.s32 $_scs_section_size  }
0x9a: {  	s4 =	simm.s32 $_size__tile_overlayer_lowered;
	s5 =	simm.s32 $_tile_overlayer_lowered  }
0x9b: {  	s6 =	simm.s32 $0x1BFF;
	s21 =	sshll.u32 s5, $0x1;
	s3 =	sadd.s32 s20, s19  }
0x9c: {  	s22 =	simm.s32 $0x0;
	s4 =	sshll.u32 s4, $0x1;
	s5 =	sadd.s32 s21, s3  }
0x9d: {  	[timem:s22], [sflag:s6] =	dma.local [hbm:s5], s4  }
0x9e: {  	_ =	swait.ge [sflag:s6], s4  }
0x9f: {  	s4 =	ssub.s32 $0x0, s4;
	[sflag:s6] =	ssyncset.done $0x0  }
0xa0: {  	[sflag:s6] =	ssyncadd.s32 s4;
	_ =	sdelay $0x1  }
0xa1: {  	s23 =	simm.s32 $0x1B8B  }
0xa2: {  	_ =	swait.ge [sflag:s23], $0x1  }
0xa3: {  	[sflag:s23] =	ssyncset.done $0x0  }
0xa4: {  	[sflag:s23] =	ssyncadd.s32 $0xFFFFFFFF  }
0xa5: {  	s4 =	sld [smem:$0x0]  }
0xa6: {  	s5 =	sand.u32 $0xFFFFFFFE, s1  }
0xa7: {  	p0 =	sne.s32 s1, s5  }
0xa8: {  	s5 =	sshll.u32 @p0 s5, $0xE  }
0xa9: {  	s5 =	sadd.s32 @p0 $0x11B8D, s5;
	s6 =	sshll.u32 @p0 s4, $0x11  }
0xaa: {  	s5 =	sor.u32 @p0 s6, s5  }
0xab: {  	[sflag:s5] =	ssyncadd.remote.s32 @p0 $0x1;
	_ =	sdelay $0x1  }
0xac: {  	s5 =	simm.s32 @p0 $0x1B8D  }
0xad: {  	_ =	swait.eq @p0 [sflag:s5], $0x1  }
0xae: {  	[sflag:s5] =	ssyncadd.s32 @p0 $0xFFFFFFFF  }
0xaf: {  	s6 =	sshll.u32 @!p0 s1, $0xE  }
0xb0: {  	s6 =	sor.u32 @!p0 $0x4000, s6;
	s5 =	simm.s32 @!p0 $0x1B8D  }
0xb1: {  	s4 =	sshll.u32 @!p0 s4, $0x11;
	s6 =	sadd.s32 @!p0 $0x11B8D, s6;
	_ =	swait.eq @!p0 [sflag:s5], $0x1  }
0xb2: {  	s4 =	sor.u32 @!p0 s4, s6;
	[sflag:s5] =	ssyncadd.s32 @!p0 $0xFFFFFFFF  }
0xb3: {  	s25 =	simm.s32 $0x1B8E;
	s24 =	sld [smem:$0x3FFE];
	[sflag:s4] =	ssyncadd.remote.s32 @!p0 $0x1  }
0xb4: {  	s26 =	simm.s32 $execute0_lowered;
	[smem:$0x3FD2] =	sst s25  }
0xb5: {  	s5 =	sshll.u32 s26, $0x1;
	_ =	strace $0x8000004F;
	[dreg:$0x1] =	wrdreg $0xFFFFFFFF  }
0xb6: {  	s28 =	simm.s32 $_size_execute0_lowered;
	s3 =	sadd.s32 s3, s5;
	[dreg:$0x0] =	wrdreg $0x0  }
0xb7: {  	s5 =	sshll.u32 s28, $0x1;
	[dreg:$0x2] =	wrdreg s3  }
0xb8: {  	[dreg:$0x3] =	wrdreg s5  }
0xb9: {  	[dreg:$0x4] =	wrdreg $0xC0  }
0xba: {  	_ =	task [dreg:s22], $0x5FFFF  }
0xbb: {  	[dreg:$0x1] =	wrdreg $0xFFFFFFFF  }
0xbc: {  	[dreg:$0x0] =	wrdreg $0x60  }
0xbd: {  	[dreg:$0x2] =	wrdreg s24  }
0xbe: {  	[dreg:$0x3] =	wrdreg $0x9  }
0xbf: {  	_ =	task.clear_ibuf [dreg:s22], $0x4FFFF;
	_ =	strace $0x9000004F  }
0xc0: {  	s29 =	simm.s32 $0x9;
	_ =	strace $0x80000051  }
0xc1: {  	_ =	swait.ge [sflag:s29], $0x1  }
0xc2: {  	[sflag:s29] =	ssyncadd.s32 $0xFFFFFFFF  }
0xc3: {  	_ =	strace $0x90000051  }
0xc4: {  	_ =	sfence  }
0xc5: {  	s30 =	sld [smem:$0x0];
	_ =	sdelay $0x2  }
0xc6: {  	s31 =	sshll.u32 s1, $0xD;
	s1 =	sshrl.u32 s1, $0x2  }
0xc7: {  	s4 =	sand.u32 $0x4000, s31;
	s1 =	sadd.s32 s1, s30  }
0xc8: {  	s0 =	sor.u32 s4, s0;
	s1 =	sshll.u32 s1, $0x11  }
0xc9: {  	s0 =	sor.u32 s1, s0  }
0xca: {  	s0 =	sadd.s32 $0x8F2B, s0  }
0xcb: {  	[sflag:s0] =	ssyncadd.remote.s32 $0x1  }
0xcc: {  	_ =	sfence.sel $0xFFFF  }
0xcd: {  	[dreg:$0x0] =	wrdreg $0xFFFFFFFF;
	(pc) =	sbr.abs _section_cstart, $3  }
0xce: {  	[dreg:$0x1] =	wrdreg $0xFFFFFFFF  }
0xcf: {  	_ =	task.clear_ibuf [dreg:s22], $0x2FFFF;
	_ =	strace $0x9FFFFFFF  }
0xd0: {  	(tm) =	ssettm $0x7FFFFFFF  }
0xd1: {  	_ =	shalt  }
tec
execute0_lowered:
.L_overlay_start_1:
0x0: {  	(tag) =	ssettag $0x1  }
0x1: {  	s0 =	srdreg.scid  }
0x2: {  	s1 =	sshll.u32 s0, $0x4  }
0x3: {  	s0 =	stileid.u32;
	s1 =	sand.u32 $0x10, s1  }
0x4: {  	s1 =	sor.u32 s0, s1  }
0x5: {  	s2 =	smin.u32 s1, $0xC  }
0x6: {  	s2 =	sadd.s32 s1, s2  }
0x7: {  	p0 =	slt.u32 s1, $0xC;
	s1 =	simm.s32 $0x240;
	s2 =	smul.u32 $0x120, s2  }
0x8: {  	s1 =	simm.s32 @!p0 $0x120  }
0x9: {  	s1 =	sadd.s32 s1, s2  }
0xa: {  	s3 =	smin.u32 s1, $0x3180  }
0xb: {  	s7 =	ssub.s32 s3, s2  }
0xc: {  	p0 =	sgt.s32 s7, $0x0  }
0xd: {  	s7 =	simm.s32 @!p0 $0x0  }
0xe: {  	s31 =	smul.u32 $0xE38F, s7  }
0xf: {  	s9 =	rddreg [dreg:$0x0];
	s6 =	simm.s32 $0x1;
	s11 =	simm.s32 $0x3  }
0x10: {  	s13 =	simm.s32 $0x0;
	s12 =	simm.s32 $0x0;
	s8 =	sshrl.u32 s31, $0x18  }
0x11: {  	s4 =	sadd.s32 $0x1A200, s9;
	s5 =	sadd.s32 $0x11000, s9;
	s10 =	smul.u32 $0x120, s8  }
.Ltmp0:
0x12: {  	s9 =	sadd.s32 $0x45C00, s9;
	s1 =	rddreg [dreg:$0x1];
	(pc) =	sbr.rel .LBB2_1-.Ltmp0, $4  }
0x13: {  	_ =	strace $0x80000050;
	p0 =	sne.s32 s7, s10;
	s10 =	simm.s32 $0x1  }
0x14: {  	[sflag:s6] =	ssyncpa.u1 $0x0;
	s7 =	simm.s32 $0x2;
	s10 =	simm.s32 @!p0 $0x0  }
0x15: {  	[sflag:s7] =	ssyncpa.u1 $0x0;
	p0 =	por $0x0, $0x0;
	s8 =	sadd.s32 s8, s10  }
0x16: {  	vm0 =	vmmov $0xff;
	vm1 =	vcmask $0x3F20;
	[sflag:s11] =	ssyncpa.u1 $0x0;
	s11 =	smov.u32 s2;
	s10 =	sadd.s32 $0x1, s8  }
.LBB2_6:
0x17: {  	[hbm:s17] =	stream.linear.scatter [tilespmem:s14], [sflag:$0x3], $0x400, $0x38;
	[tilespmem:$0x12240] =	vst v63  }
.LBB2_7:
0x18: {  	s13 =	sadd.s32 $0x120, s11  }
0x19: {  	s15 =	smov.u32 s2;
	p2 =	slt.s32 s13, s3  }
0x1a: {  	s15 =	smov.u32 @p2 s13;
	p2 =	sne.s32 s12, s10  }
.Ltmp1:
0x1b: {  	p1 =	slt.u32 s12, $0x2;
	(pc) =	sbr.rel @!p2 .LBB2_8-.Ltmp1, $4  }
0x1c: {  	s14 =	simm.s32 @!p1 $0x3  }
0x1d: {  	s16 =	sadd.s32 $0x1, s12;
	_ =	swait.ge @!p1 [sflag:s14], $0x9000  }
0x1e: {  	p0 =	por !p0, !p0;
	s13 =	smov.u32 s11;
	[sflag:s14] =	ssyncset.done @!p1 $0x0  }
0x1f: {  	s12 =	smov.u32 s16;
	s11 =	smov.u32 s15;
	[sflag:s14] =	ssyncadd.s32 @!p1 $0xFFFF7000  }
.LBB2_1:
0x20: {  	p1 =	sge.u32 s12, s8  }
0x21: {  	s14 =	sxor.u32 @!p1 $0xFFFFFFFF, s12  }
0x22: {  	s14 =	sand.u32 @!p1 $0x1, s14  }
0x23: {  	s14 =	smul.u32 @!p1 $0x480, s14  }
0x24: {  	s31 =	sadd.s32 $0xFFFFFFFF, s12;
	s15 =	sshrl.u32 @!p1 s11, $0x3  }
0x25: {  	s16 =	sand.u32 @!p1 $0x7, s11;
	s15 =	sadd.s32 @!p1 s5, s15;
	s14 =	sshrl.u32 @!p1 s14, $0x2  }
0x26: {  	[tilespmem:s14], [sflag:$0x2] =	stream.linear.gather @!p1 [hbm4b:s15+s16], $0x120, $0x38;
	[tilespmem:$0x12240] =	vst v63  }
0x27: {  	p1 =	sge.u32 s31, s8  }
.Ltmp2:
0x28: {  	_ = 	snop;
	(pc) =	sbr.rel @p1 .LBB2_7-.Ltmp2, $1  }
0x29: {  	_ =	sdelay $0x3  }
0x2a: {  	s14 =	simm.s32 $0x1  }
0x2b: {  	s14 =	simm.s32 @!p0 $0x0  }
0x2c: {  	s15 =	smul.u32 $0x480, s14  }
0x2d: {  	_ =	swait.ge [sflag:s7], $0x120  }
0x2e: {  	[sflag:s7] =	ssyncset.done $0x0;
	s16 =	sshrl.u32 s15, $0x2  }
0x2f: {  	[sflag:s7] =	ssyncadd.s32 $0xFFFFFEE0;
	s15 =	sadd.s32 $0x0, s16  }
0x30: {  	v0 =	vld.msk [tilespmem:s15+$0x0 ss:$0x1], $0xffff;
	_ =	sdelay $0x4  }
0x31: {  	vm2 =	vgt.s32 v0, $0x0  }
0x32: {  	v0 =	vnsel vm2, $0x0, v0  }
0x33: {  	v0 =	vmin.u32 v0, $0x2710  }
0x34: {  	v0 =	vshll.u32 v0, $0x4  }
0x35: {  	s14 =	smul.u32 $0x24000, s14;
	_ =	sdelay $0x1  }
0x36: {  	s14 =	sshrl.u32 s14, $0x2  }
0x37: {  	s14 =	sor.u32 $0x240, s14  }
0x38: {  	[tilespmem:s14], [sflag:$0x1] =	stream.indirect_vreg.gather [hbm:s4], $0x80, v0, vm0, $0x38;
	[tilespmem:$0x12240] =	vst v63  }
0x39: {  	s17 =	sadd.s32 $0x10, s16;
	s15 =	sadd.s32 $0x400, s14  }
0x3a: {  	[tilespmem:s15], [sflag:$0x1] =	stream.indirect_vreg.gather [hbm:s4], $0x80, v0, vm1, $0x38;
	[tilespmem:$0x12240] =	vst v63  }
0x3b: {  	s18 =	simm.s32 $0x80;
	v0 =	vld.msk [tilespmem:s17+$0x0 ss:$0x1], $0xffff;
	s17 =	smov.u32 s14  }
.LBB2_3:
0x3c: {  	p1 =	sne.s32 s18, $0x440;
	_ =	sdelay $0x4  }
0x3d: {  	vm2 =	vgt.s32 v0, $0x0  }
0x3e: {  	v0 =	vnsel vm2, $0x0, v0  }
0x3f: {  	v0 =	vmin.u32 v0, $0x2710  }
0x40: {  	v0 =	vshll.u32 v0, $0x4;
	_ =	sdelay $0x3  }
.Ltmp3:
0x41: {  	s19 =	sshra.s32 s18, $0x2;
	s17 =	sadd.s32 $0x800, s17;
	(pc) =	sbr.rel @p1 .LBB2_3-.Ltmp3, $4  }
0x42: {  	[tilespmem:s17], [sflag:$0x1] =	stream.indirect_vreg.gather [hbm:s4], $0x80, v0, vm0, $0x38;
	[tilespmem:$0x12240] =	vst v63  }
0x43: {  	s19 =	sadd.s32 s19, s16;
	s20 =	sadd.s32 $0x400, s17  }
0x44: {  	[tilespmem:s20], [sflag:$0x1] =	stream.indirect_vreg.gather [hbm:s4], $0x80, v0, vm1, $0x38;
	[tilespmem:$0x12240] =	vst v63  }
0x45: {  	s18 =	sadd.s32 $0x40, s18;
	v0 =	vld.msk [tilespmem:s19+$0x0 ss:$0x1], $0xffff  }
0x46: {  	_ =	sdelay $0x3  }
0x47: {  	vm2 =	vgt.s32 v0, $0x0  }
0x48: {  	v0 =	vnsel vm2, $0x0, v0  }
0x49: {  	v0 =	vmin.u32 v0, $0x2710  }
0x4a: {  	v0 =	vshll.u32 v0, $0x4;
	_ =	sdelay $0x3  }
0x4b: {  	s16 =	sadd.s32 $0x800, s17  }
0x4c: {  	[tilespmem:s16], [sflag:$0x1] =	stream.indirect_vreg.gather [hbm:s4], $0x80, v0, vm0, $0x38;
	[tilespmem:$0x12240] =	vst v63  }
0x4d: {  	s16 =	sadd.s32 $0x400, s16  }
0x4e: {  	[tilespmem:s16], [sflag:$0x1] =	stream.indirect_vreg.gather [hbm:s4], $0x80, v0, vm1, $0x38;
	[tilespmem:$0x12240] =	vst v63  }
0x4f: {  	s13 =	sshll.u32 s13, $0x4;
	_ =	swait.ge [sflag:s6], $0x9000  }
0x50: {  	s13 =	sadd.s32 s13, s9;
	[sflag:s6] =	ssyncset.done $0x0  }
0x51: {  	s17 =	sadd.s32 $0x0, s13;
	s16 =	simm.s32 $0x80;
	[sflag:s6] =	ssyncadd.s32 $0xFFFF7000  }
.LBB2_5:
0x52: {  	[hbm:s17] =	stream.linear.scatter [tilespmem:s14], [sflag:$0x3], $0x400, $0x38;
	[tilespmem:$0x12240] =	vst v63  }
0x53: {  	s17 =	smov.u32 s16;
	s14 =	smov.u32 s15;
	p1 =	sne.s32 s16, $0x1180  }
.Ltmp4:
0x54: {  	s16 =	sadd.s32 $0x80, s16;
	(pc) =	sbr.rel @p1 .LBB2_5-.Ltmp4, $2  }
0x55: {  	_ =	sdelay $0x2  }
0x56: {  	s15 =	sadd.s32 $0x400, s15;
	s17 =	sadd.s32 s17, s13  }
.Ltmp5:
0x57: {  	_ = 	snop;
	(pc) =	sbr.rel .LBB2_6-.Ltmp5, $1  }
0x58: {  	_ =	sdelay $0x3  }
.LBB2_8:
0x59: {  	_ =	sfence.sel $0x180000  }
0x5a: {  	s2 =	simm.s32 $0x2;
	[bflag:$0x0] =	sbarrier.arrive $0xFFFF  }
0x5b: {  	s30 =	simm.s32 $0x3;
	[sflag:s2] =	ssyncpa.u1 $0x1  }
0x5c: {  	s31 =	simm.s32 $0x1;
	[sflag:s30] =	ssyncpa.u1 $0x1  }
0x5d: {  	[sflag:s31] =	ssyncpa.u1 $0x1  }
0x5e: {  	p0 =	sne.s32 s0, $0x0;
	_ =	strace $0x90000050  }
0x5f: {  	s0 =	sadd.s32 @!p0 $0x100000, s1;
	[bflag:$0x2] =	sbarrier.arrive $0xFFFF  }
0x60: {  	[sflag:s0] =	ssyncadd.tile.s32 @!p0 $0x1;
	_ =	shalt  }
.Lfunc_end2:
_tile_overlayer_lowered:
.L_overlay_start_2:
0x61: {  	(tag) =	ssettag $0x2  }
0x62: {  	s0 =	rddreg [dreg:$0x0];
	s2 =	stileid.u32  }
0x63: {  	s1 =	rddreg [dreg:$0x1];
	p0 =	sne.s32 s2, $0x0  }
0x64: {  	s3 =	rddreg [dreg:$0x2];
	[bflag:$0x3] =	sbarrier.arrive $0xFFFF;
	s2 =	simm.s32 @!p0 $0x1C01  }
0x65: {  	[timem:s3], [sflag:s2] =	dma.local @!p0 [hbm:s0], s1  }
0x66: {  	s0 =	simm.s32 @!p0 $0x1  }
0x67: {  	_ =	swait.ge @!p0 [sflag:s0], s1  }
0x68: {  	s1 =	ssub.s32 @!p0 $0x0, s1;
	[sflag:s0] =	ssyncset.done @!p0 $0x0  }
0x69: {  	[sflag:s0] =	ssyncadd.s32 @!p0 s1  }
0x6a: {  	[bflag:$0x3] =	sbarrier.arrive $0xFFFF  }
0x6b: {  	_ =	shalt  }

</sc_bundles>
